<compile_context>
chip_gen: v7x
topology: tpu7x:2x2x1
jax: 0.10.2.dev20260603
libtpu: 0.0.44.dev20260713+nightly
codegen_flags: <defaults>
</compile_context>

<pallas_src>
import functools

import jax
import jax.numpy as jnp
from jax import lax
from jax.experimental import pallas as pl
from jax.experimental.pallas import tpu as pltpu
from jax.experimental.pallas import tpu_sc as plsc

NC = 2
NS = 16
NW = NC * NS
LANES = 16
BLK = 2 * LANES
CHUNK = 128
NBUF = 4


def _tc_pre_body(x_ref, we_ref, y_ref, *, n, n_pad, d_hid):
    y = jnp.dot(x_ref[...], we_ref[...].T, preferred_element_type=jnp.float32)
    y_ref[:n, :] = y
    y_ref[n:, :] = jnp.zeros((n_pad - n, d_hid), jnp.float32)


def _tc_post_body(x_ref, p_ref, wn_ref, b2_ref, wm_ref, bm_ref, o_ref, *, n):
    m = (
        jnp.dot(x_ref[...], wn_ref[...].T, preferred_element_type=jnp.float32)
        + b2_ref[...]
        + p_ref[0, :n, :]
        + p_ref[1, :n, :]
    )
    o_ref[...] = jnp.dot(m, wm_ref[...].T, preferred_element_type=jnp.float32) + bm_ref[...]


def _sc_segment_sum(y_hbm, src_hbm, dst_hbm, w_hbm, out_hbm,
                    srcv, dstv, wv, gbufs, sbufs, accsp, gsems,
                    *, nch, n_pad, d_hid, rows_per_sub):
    cid = lax.axis_index("c")
    sid = lax.axis_index("s")
    wid = cid * NS + sid
    base = sid * rows_per_sub

    @pl.loop(0, CHUNK)
    def _(i):
        for t in range(d_hid // LANES):
            sbufs[0][i, pl.ds(t * LANES, LANES)] = jnp.zeros((LANES,), jnp.float32)

    @pl.loop(0, rows_per_sub // CHUNK)
    def _(k):
        pltpu.sync_copy(sbufs[0], accsp.at[pl.ds(base + k * CHUNK, CHUNK)])

    pltpu.sync_copy(src_hbm.at[wid], srcv)
    pltpu.sync_copy(dst_hbm.at[wid], dstv)
    pltpu.sync_copy(w_hbm.at[wid], wv)

    plsc.subcore_barrier()

    def gather(j, buf, sem):
        pltpu.async_copy(y_hbm.at[srcv.at[j]], buf, sem)

    def gather_wait(j, buf, sem):
        pltpu.make_async_copy(y_hbm.at[srcv.at[j]], buf, sem).wait()

    def mul(j, gbuf, sbuf):
        @pl.loop(0, CHUNK // LANES)
        def _(g):
            wvec = wv[j, pl.ds(g * LANES, LANES)]
            for q in range(LANES):
                w16 = jnp.full((LANES,), wvec[q], jnp.float32)
                e = g * LANES + q
                for t in range(d_hid // BLK):
                    row = gbuf[e, pl.ds(t * BLK, BLK)]
                    lo, hi = plsc.unpack(row, format=plsc.PackFormat.INTERLEAVED,
                                         preferred_element_type=jnp.float32)
                    sbuf[e, pl.ds(t * BLK, LANES)] = lo * w16
                    sbuf[e, pl.ds(t * BLK + LANES, LANES)] = hi * w16

    for b in range(NBUF):
        gather(b, gbufs[b], gsems[b])

    @pl.loop(0, nch // NBUF)
    def _(k):
        for b in range(NBUF):
            j = k * NBUF + b
            bprev = (b - 2) % NBUF

            @pl.when(jnp.logical_and(j >= 2, j + 2 < nch))
            def _():
                gather(j + 2, gbufs[bprev], gsems[bprev])

            gather_wait(j, gbufs[b], gsems[b])
            mul(j, gbufs[b], sbufs[b])
            pltpu.sync_copy(sbufs[b], accsp.at[dstv.at[j]], add=True)

    plsc.subcore_barrier()

    pltpu.sync_copy(accsp.at[pl.ds(base, rows_per_sub)],
                    out_hbm.at[pl.ds(cid * n_pad + base, rows_per_sub)])


def kernel(x, edge_index, edge_weight, W_node, b_node, W_edge, b_edge, W_mlp, b_mlp):
    n, d_in = x.shape
    e = edge_weight.shape[0]
    d_hid = W_node.shape[0]
    d_out = W_mlp.shape[0]

    epw = -(-e // NW)
    nch = -(-epw // CHUNK)
    nch = -(-nch // NBUF) * NBUF
    e_pad = NW * nch * CHUNK
    n_pad = -(-n // (NS * 8)) * (NS * 8)
    rows_per_sub = n_pad // NS

    src = jnp.pad(edge_index[0], (0, e_pad - e)).reshape(NW, nch, CHUNK)
    dst = jnp.pad(edge_index[1], (0, e_pad - e)).reshape(NW, nch, CHUNK)
    w = jnp.pad(edge_weight, (0, e_pad - e)).reshape(NW, nch, CHUNK)

    perm = [blk * BLK + (i % 2) * LANES + i // 2
            for blk in range(d_hid // BLK) for i in range(BLK)]
    y = pl.pallas_call(
        functools.partial(_tc_pre_body, n=n, n_pad=n_pad, d_hid=d_hid),
        out_shape=jax.ShapeDtypeStruct((n_pad, d_hid), jnp.float32),
    )(x, W_edge[jnp.array(perm), :]).astype(jnp.bfloat16)

    sc = functools.partial(
        pl.kernel,
        out_type=jax.ShapeDtypeStruct((NC * n_pad, d_hid), jnp.float32),
        mesh=plsc.VectorSubcoreMesh(core_axis_name="c", subcore_axis_name="s"),
        scratch_types=[
            pltpu.VMEM((nch, CHUNK), jnp.int32),
            pltpu.VMEM((nch, CHUNK), jnp.int32),
            pltpu.VMEM((nch, CHUNK), jnp.float32),
            [pltpu.VMEM((CHUNK, d_hid), jnp.bfloat16) for _ in range(NBUF)],
            [pltpu.VMEM((CHUNK, d_hid), jnp.float32) for _ in range(NBUF)],
            pltpu.VMEM_SHARED((n_pad, d_hid), jnp.float32),
            [pltpu.SemaphoreType.DMA for _ in range(NBUF)],
        ],
        compiler_params=pltpu.CompilerParams(use_tc_tiling_on_sc=False,
                                             needs_layout_passes=False),
    )(functools.partial(_sc_segment_sum, nch=nch, n_pad=n_pad, d_hid=d_hid,
                        rows_per_sub=rows_per_sub))
    partials = sc(y, src, dst, w).reshape(NC, n_pad, d_hid)

    b2 = (b_node + b_edge).reshape(1, d_hid)
    out = pl.pallas_call(
        functools.partial(_tc_post_body, n=n),
        out_shape=jax.ShapeDtypeStruct((n, d_out), jnp.float32),
    )(x, partials, W_node, b2, W_mlp, b_mlp.reshape(1, d_out))
    return out

# --- scband reference (transcript-rebuilt; emitter-appended) ---
"""Pipeline reference for scband-smooth-gcn-43602507989840 (READ-ONLY COPY).

The authoritative reference and input builder live on the scoring server;
editing this copy changes nothing except your own understanding.
"""

import jax, jax.numpy as jnp
import numpy as np

N = 10000
E = 320000
D_IN = 128
D_HID = 64  # in_feat // 2
D_OUT = 128


def setup_inputs(seed: int = 0) -> dict:
    key = jax.random.key(seed)
    ks = jax.random.split(key, 9)
    x = jax.random.normal(ks[0], (N, D_IN), dtype=jnp.float32)
    edge_index = jax.random.randint(ks[1], (2, E), 0, N, dtype=jnp.int32)
    edge_weight = jax.random.uniform(ks[2], (E,), dtype=jnp.float32)
    # node_linear: Linear(in_feat=128 -> in_feat//2=64)
    W_node = jax.random.normal(ks[3], (D_HID, D_IN), dtype=jnp.float32) * (1.0 / np.sqrt(D_IN))
    b_node = jnp.zeros((D_HID,), dtype=jnp.float32)
    # edge_linear: Linear(in_feat=128 -> 64)
    W_edge = jax.random.normal(ks[4], (D_HID, D_IN), dtype=jnp.float32) * (1.0 / np.sqrt(D_IN))
    b_edge = jnp.zeros((D_HID,), dtype=jnp.float32)
    # mlp: [LeakyReLU(negative_slope=True->1.0), Linear(64 -> 128)] (act_first=True)
    W_mlp = jax.random.normal(ks[5], (D_OUT, D_HID), dtype=jnp.float32) * (1.0 / np.sqrt(D_HID))
    b_mlp = jnp.zeros((D_OUT,), dtype=jnp.float32)
    return {
        "x": x,
        "edge_index": edge_index,
        "edge_weight": edge_weight,
        "W_node": W_node,
        "b_node": b_node,
        "W_edge": W_edge,
        "b_edge": b_edge,
        "W_mlp": W_mlp,
        "b_mlp": b_mlp,
    }


def reference(x, edge_index, edge_weight, W_node, b_node, W_edge, b_edge, W_mlp, b_mlp):
    src = edge_index[0]
    dst = edge_index[1]
    # DGL update_all(src_mul_edge('h','w','m'), sum('m','h')):
    # message m_e = h_src[e] * w_e, aggregated by sum into dst nodes
    m = x[src] * edge_weight[:, None]
    message = jax.ops.segment_sum(m, dst, num_segments=x.shape[0])
    h = x @ W_node.T + b_node + (message @ W_edge.T + b_edge)
    # nn.LeakyReLU(True): negative_slope=True is numerically 1.0 -> identity; kept explicit for faithfulness
    h = jnp.where(h >= 0, h, 1.0 * h)
    out = h @ W_mlp.T + b_mlp
    return out

if __name__ == "__main__":
    import jax
    _d = setup_inputs()
    print(jax.jit(kernel)(*tuple(_d.values())))

</pallas_src>

<mosaic_0001>
#map = affine_map<(d0, d1) -> (0, 0)>
#map1 = affine_map<(d0, d1) -> (0, 0, 0)>
module attributes {stable_mosaic.version = 14 : i64} {
  func.func @_sc_segment_sum(%arg0: i32, %arg1: i32, %arg2: memref<10112x64xbf16, #tpu.memory_space<hbm>>, %arg3: memref<32x80x128xi32, #tpu.memory_space<hbm>>, %arg4: memref<32x80x128xi32, #tpu.memory_space<hbm>>, %arg5: memref<32x80x128xf32, #tpu.memory_space<hbm>>, %arg6: memref<20224x64xf32, #tpu.memory_space<hbm>>, %arg7: memref<80x128xi32, #tpu.memory_space<vmem>>, %arg8: memref<80x128xi32, #tpu.memory_space<vmem>>, %arg9: memref<80x128xf32, #tpu.memory_space<vmem>>, %arg10: memref<128x64xbf16, #tpu.memory_space<vmem>>, %arg11: memref<128x64xbf16, #tpu.memory_space<vmem>>, %arg12: memref<128x64xbf16, #tpu.memory_space<vmem>>, %arg13: memref<128x64xbf16, #tpu.memory_space<vmem>>, %arg14: memref<128x64xf32, #tpu.memory_space<vmem>>, %arg15: memref<128x64xf32, #tpu.memory_space<vmem>>, %arg16: memref<128x64xf32, #tpu.memory_space<vmem>>, %arg17: memref<128x64xf32, #tpu.memory_space<vmem>>, %arg18: memref<10112x64xf32, #tpu.memory_space<vmem_shared>>, %arg19: memref<!tpu.dma_semaphore, #tpu.memory_space<semaphore_mem>>, %arg20: memref<!tpu.dma_semaphore, #tpu.memory_space<semaphore_mem>>, %arg21: memref<!tpu.dma_semaphore, #tpu.memory_space<semaphore_mem>>, %arg22: memref<!tpu.dma_semaphore, #tpu.memory_space<semaphore_mem>>) attributes {dimension_semantics = [#tpu.dimension_semantics<core_parallel>, #tpu.dimension_semantics<subcore_parallel>], iteration_bounds = array<i64: 2, 16>, scalar_prefetch = 0 : i64, scratch_operands = 16 : i64, tpu.core_type = #tpu.core_type<sc_vector_subcore>, window_params = [{transform_indices = #map}, {transform_indices = #map1}, {transform_indices = #map1}, {transform_indices = #map1}, {transform_indices = #map}]} {
    %mul3A = arith.constant 16 : i32
    %mul3A_0 = arith.muli %arg0, %mul3A : i32
    %add3A = arith.addi %mul3A_0, %arg1 : i32
    %mul3A_1 = arith.constant 632 : i32
    %mul3A_2 = arith.muli %arg1, %mul3A_1 : i32
    %scan3A = arith.constant 0 : i32
    %scan3A_3 = arith.constant 128 : i32
    %scan3A_4 = arith.addi %scan3A, %scan3A_3 : i32
    %scan3A_5 = arith.constant 1 : i32
    scf.for %scan3A_48 = %scan3A to %scan3A_4 step %scan3A_5  : i32 {
      %mul3A_49 = arith.constant 1 : i32
      %mul3A_50 = arith.muli %scan3A_48, %mul3A_49 : i32
      %add3A_51 = arith.constant 0 : i32
      %add3A_52 = arith.addi %add3A_51, %mul3A_50 : i32
      %broadcast_in_dim3A = arith.constant 0.000000e+00 : f32
      %broadcast_in_dim3A_53 = vector.broadcast %broadcast_in_dim3A : f32 to vector<16xf32>
      %swap3A = arith.index_cast %add3A_52 : i32 to index
      %swap3A_54 = arith.constant 0 : index
      %swap3A_55 = tpu.vector_load %arg14[%swap3A, %swap3A_54] {strides = array<i32>} : memref<128x64xf32, #tpu.memory_space<vmem>>, vector<16xf32>,
      tpu.vector_store %arg14[%swap3A, %swap3A_54], %broadcast_in_dim3A_53 {strides = array<i32>} : memref<128x64xf32, #tpu.memory_space<vmem>>, vector<16xf32>,
      %broadcast_in_dim3A_56 = arith.constant 0.000000e+00 : f32
      %broadcast_in_dim3A_57 = vector.broadcast %broadcast_in_dim3A_56 : f32 to vector<16xf32>
      %swap3A_58 = arith.index_cast %add3A_52 : i32 to index
      %swap3A_59 = arith.constant 16 : index
      %swap3A_60 = tpu.vector_load %arg14[%swap3A_58, %swap3A_59] {strides = array<i32>} : memref<128x64xf32, #tpu.memory_space<vmem>>, vector<16xf32>,
      tpu.vector_store %arg14[%swap3A_58, %swap3A_59], %broadcast_in_dim3A_57 {strides = array<i32>} : memref<128x64xf32, #tpu.memory_space<vmem>>, vector<16xf32>,
      %broadcast_in_dim3A_61 = arith.constant 0.000000e+00 : f32
      %broadcast_in_dim3A_62 = vector.broadcast %broadcast_in_dim3A_61 : f32 to vector<16xf32>
      %swap3A_63 = arith.index_cast %add3A_52 : i32 to index
      %swap3A_64 = arith.constant 32 : index
      %swap3A_65 = tpu.vector_load %arg14[%swap3A_63, %swap3A_64] {strides = array<i32>} : memref<128x64xf32, #tpu.memory_space<vmem>>, vector<16xf32>,
      tpu.vector_store %arg14[%swap3A_63, %swap3A_64], %broadcast_in_dim3A_62 {strides = array<i32>} : memref<128x64xf32, #tpu.memory_space<vmem>>, vector<16xf32>,
      %broadcast_in_dim3A_66 = arith.constant 0.000000e+00 : f32
      %broadcast_in_dim3A_67 = vector.broadcast %broadcast_in_dim3A_66 : f32 to vector<16xf32>
      %swap3A_68 = arith.index_cast %add3A_52 : i32 to index
      %swap3A_69 = arith.constant 48 : index
      %swap3A_70 = tpu.vector_load %arg14[%swap3A_68, %swap3A_69] {strides = array<i32>} : memref<128x64xf32, #tpu.memory_space<vmem>>, vector<16xf32>,
      tpu.vector_store %arg14[%swap3A_68, %swap3A_69], %broadcast_in_dim3A_67 {strides = array<i32>} : memref<128x64xf32, #tpu.memory_space<vmem>>, vector<16xf32>,
    }
    %scan3A_6 = arith.constant 128 : i32
    %scan3A_7 = arith.constant 0 : i32
    %scan3A_8 = arith.constant 4 : i32
    %scan3A_9 = arith.addi %scan3A_7, %scan3A_8 : i32
    %scan3A_10 = arith.constant 1 : i32
    scf.for %scan3A_48 = %scan3A_7 to %scan3A_9 step %scan3A_10  : i32 {
      %mul3A_49 = arith.constant 1 : i32
      %mul3A_50 = arith.muli %scan3A_48, %mul3A_49 : i32
      %add3A_51 = arith.constant 0 : i32
      %add3A_52 = arith.addi %add3A_51, %mul3A_50 : i32
      %mul3A_53 = arith.constant 128 : i32
      %mul3A_54 = arith.muli %add3A_52, %mul3A_53 : i32
      %add3A_55 = arith.addi %mul3A_2, %mul3A_54 : i32
      "tpu.region"() ({
        %run_scoped3A = tpu.sem_alloc : memref<!tpu.dma_semaphore, #tpu.memory_space<semaphore_mem>>
        %dma_start3A_56 = arith.constant 0 : i32
        %dma_start3A_57 = tpu.memref_slice %arg18[%add3A_55, %dma_start3A_56] : memref<10112x64xf32, #tpu.memory_space<vmem_shared>> -> memref<128x64xf32, #tpu.memory_space<vmem_shared>>
        %dma_start3A_58 = arith.constant 0 : i32
        %dma_start3A_59 = tpu.memref_slice %arg18[%add3A_55, %dma_start3A_58] : memref<10112x64xf32, #tpu.memory_space<vmem_shared>> -> memref<128x64xf32, #tpu.memory_space<vmem_shared>>
        tpu.enqueue_dma source(%arg14 : memref<128x64xf32, #tpu.memory_space<vmem>>) target(%dma_start3A_59 : memref<128x64xf32, #tpu.memory_space<vmem_shared>>) target_semaphore(%run_scoped3A : memref<!tpu.dma_semaphore, #tpu.memory_space<semaphore_mem>>)
        %dma_wait3A = arith.constant 0 : i32
        %dma_wait3A_60 = tpu.memref_slice %arg18[%add3A_55, %dma_wait3A] : memref<10112x64xf32, #tpu.memory_space<vmem_shared>> -> memref<128x64xf32, #tpu.memory_space<vmem_shared>>
        %dma_wait3A_61 = arith.constant 0 : i32
        %dma_wait3A_62 = tpu.memref_slice %arg18[%add3A_55, %dma_wait3A_61] : memref<10112x64xf32, #tpu.memory_space<vmem_shared>> -> memref<128x64xf32, #tpu.memory_space<vmem_shared>>
        tpu.wait_dma2 semaphore(%run_scoped3A : memref<!tpu.dma_semaphore, #tpu.memory_space<semaphore_mem>>) src(%arg14 : memref<128x64xf32, #tpu.memory_space<vmem>>) dst(%dma_wait3A_62 : memref<128x64xf32, #tpu.memory_space<vmem_shared>>)
        tpu.yield
      }) : () -> ()
    }
    %scan3A_11 = arith.constant 4 : i32
    "tpu.region"() ({
      %run_scoped3A = tpu.sem_alloc : memref<!tpu.dma_semaphore, #tpu.memory_space<semaphore_mem>>
      %dma_start3A_48 = arith.constant 0 : i32
      %dma_start3A_49 = arith.constant 0 : i32
      %dma_start3A_50 = tpu.memref_slice %arg3[%add3A, %dma_start3A_48, %dma_start3A_49] : memref<32x80x128xi32, #tpu.memory_space<hbm>> -> memref<1x80x128xi32, #tpu.memory_space<hbm>>
      %dma_start3A_51 = tpu.memref_squeeze %dma_start3A_50 : memref<1x80x128xi32, #tpu.memory_space<hbm>> -> memref<80x128xi32, #tpu.memory_space<hbm>>
      %dma_start3A_52 = arith.constant 0 : i32
      %dma_start3A_53 = arith.constant 0 : i32
      %dma_start3A_54 = tpu.memref_slice %arg3[%add3A, %dma_start3A_52, %dma_start3A_53] : memref<32x80x128xi32, #tpu.memory_space<hbm>> -> memref<1x80x128xi32, #tpu.memory_space<hbm>>
      %dma_start3A_55 = tpu.memref_squeeze %dma_start3A_54 : memref<1x80x128xi32, #tpu.memory_space<hbm>> -> memref<80x128xi32, #tpu.memory_space<hbm>>
      tpu.enqueue_dma source(%dma_start3A_55 : memref<80x128xi32, #tpu.memory_space<hbm>>) target(%arg7 : memref<80x128xi32, #tpu.memory_space<vmem>>) target_semaphore(%run_scoped3A : memref<!tpu.dma_semaphore, #tpu.memory_space<semaphore_mem>>)
      %dma_wait3A = arith.constant 0 : i32
      %dma_wait3A_56 = arith.constant 0 : i32
      %dma_wait3A_57 = tpu.memref_slice %arg3[%add3A, %dma_wait3A, %dma_wait3A_56] : memref<32x80x128xi32, #tpu.memory_space<hbm>> -> memref<1x80x128xi32, #tpu.memory_space<hbm>>
      %dma_wait3A_58 = tpu.memref_squeeze %dma_wait3A_57 : memref<1x80x128xi32, #tpu.memory_space<hbm>> -> memref<80x128xi32, #tpu.memory_space<hbm>>
      %dma_wait3A_59 = arith.constant 0 : i32
      %dma_wait3A_60 = arith.constant 0 : i32
      %dma_wait3A_61 = tpu.memref_slice %arg3[%add3A, %dma_wait3A_59, %dma_wait3A_60] : memref<32x80x128xi32, #tpu.memory_space<hbm>> -> memref<1x80x128xi32, #tpu.memory_space<hbm>>
      %dma_wait3A_62 = tpu.memref_squeeze %dma_wait3A_61 : memref<1x80x128xi32, #tpu.memory_space<hbm>> -> memref<80x128xi32, #tpu.memory_space<hbm>>
      tpu.wait_dma2 semaphore(%run_scoped3A : memref<!tpu.dma_semaphore, #tpu.memory_space<semaphore_mem>>) src(%dma_wait3A_62 : memref<80x128xi32, #tpu.memory_space<hbm>>) dst(%arg7 : memref<80x128xi32, #tpu.memory_space<vmem>>)
      tpu.yield
    }) : () -> ()
    "tpu.region"() ({
      %run_scoped3A = tpu.sem_alloc : memref<!tpu.dma_semaphore, #tpu.memory_space<semaphore_mem>>
      %dma_start3A_48 = arith.constant 0 : i32
      %dma_start3A_49 = arith.constant 0 : i32
      %dma_start3A_50 = tpu.memref_slice %arg4[%add3A, %dma_start3A_48, %dma_start3A_49] : memref<32x80x128xi32, #tpu.memory_space<hbm>> -> memref<1x80x128xi32, #tpu.memory_space<hbm>>
      %dma_start3A_51 = tpu.memref_squeeze %dma_start3A_50 : memref<1x80x128xi32, #tpu.memory_space<hbm>> -> memref<80x128xi32, #tpu.memory_space<hbm>>
      %dma_start3A_52 = arith.constant 0 : i32
      %dma_start3A_53 = arith.constant 0 : i32
      %dma_start3A_54 = tpu.memref_slice %arg4[%add3A, %dma_start3A_52, %dma_start3A_53] : memref<32x80x128xi32, #tpu.memory_space<hbm>> -> memref<1x80x128xi32, #tpu.memory_space<hbm>>
      %dma_start3A_55 = tpu.memref_squeeze %dma_start3A_54 : memref<1x80x128xi32, #tpu.memory_space<hbm>> -> memref<80x128xi32, #tpu.memory_space<hbm>>
      tpu.enqueue_dma source(%dma_start3A_55 : memref<80x128xi32, #tpu.memory_space<hbm>>) target(%arg8 : memref<80x128xi32, #tpu.memory_space<vmem>>) target_semaphore(%run_scoped3A : memref<!tpu.dma_semaphore, #tpu.memory_space<semaphore_mem>>)
      %dma_wait3A = arith.constant 0 : i32
      %dma_wait3A_56 = arith.constant 0 : i32
      %dma_wait3A_57 = tpu.memref_slice %arg4[%add3A, %dma_wait3A, %dma_wait3A_56] : memref<32x80x128xi32, #tpu.memory_space<hbm>> -> memref<1x80x128xi32, #tpu.memory_space<hbm>>
      %dma_wait3A_58 = tpu.memref_squeeze %dma_wait3A_57 : memref<1x80x128xi32, #tpu.memory_space<hbm>> -> memref<80x128xi32, #tpu.memory_space<hbm>>
      %dma_wait3A_59 = arith.constant 0 : i32
      %dma_wait3A_60 = arith.constant 0 : i32
      %dma_wait3A_61 = tpu.memref_slice %arg4[%add3A, %dma_wait3A_59, %dma_wait3A_60] : memref<32x80x128xi32, #tpu.memory_space<hbm>> -> memref<1x80x128xi32, #tpu.memory_space<hbm>>
      %dma_wait3A_62 = tpu.memref_squeeze %dma_wait3A_61 : memref<1x80x128xi32, #tpu.memory_space<hbm>> -> memref<80x128xi32, #tpu.memory_space<hbm>>
      tpu.wait_dma2 semaphore(%run_scoped3A : memref<!tpu.dma_semaphore, #tpu.memory_space<semaphore_mem>>) src(%dma_wait3A_62 : memref<80x128xi32, #tpu.memory_space<hbm>>) dst(%arg8 : memref<80x128xi32, #tpu.memory_space<vmem>>)
      tpu.yield
    }) : () -> ()
    "tpu.region"() ({
      %run_scoped3A = tpu.sem_alloc : memref<!tpu.dma_semaphore, #tpu.memory_space<semaphore_mem>>
      %dma_start3A_48 = arith.constant 0 : i32
      %dma_start3A_49 = arith.constant 0 : i32
      %dma_start3A_50 = tpu.memref_slice %arg5[%add3A, %dma_start3A_48, %dma_start3A_49] : memref<32x80x128xf32, #tpu.memory_space<hbm>> -> memref<1x80x128xf32, #tpu.memory_space<hbm>>
      %dma_start3A_51 = tpu.memref_squeeze %dma_start3A_50 : memref<1x80x128xf32, #tpu.memory_space<hbm>> -> memref<80x128xf32, #tpu.memory_space<hbm>>
      %dma_start3A_52 = arith.constant 0 : i32
      %dma_start3A_53 = arith.constant 0 : i32
      %dma_start3A_54 = tpu.memref_slice %arg5[%add3A, %dma_start3A_52, %dma_start3A_53] : memref<32x80x128xf32, #tpu.memory_space<hbm>> -> memref<1x80x128xf32, #tpu.memory_space<hbm>>
      %dma_start3A_55 = tpu.memref_squeeze %dma_start3A_54 : memref<1x80x128xf32, #tpu.memory_space<hbm>> -> memref<80x128xf32, #tpu.memory_space<hbm>>
      tpu.enqueue_dma source(%dma_start3A_55 : memref<80x128xf32, #tpu.memory_space<hbm>>) target(%arg9 : memref<80x128xf32, #tpu.memory_space<vmem>>) target_semaphore(%run_scoped3A : memref<!tpu.dma_semaphore, #tpu.memory_space<semaphore_mem>>)
      %dma_wait3A = arith.constant 0 : i32
      %dma_wait3A_56 = arith.constant 0 : i32
      %dma_wait3A_57 = tpu.memref_slice %arg5[%add3A, %dma_wait3A, %dma_wait3A_56] : memref<32x80x128xf32, #tpu.memory_space<hbm>> -> memref<1x80x128xf32, #tpu.memory_space<hbm>>
      %dma_wait3A_58 = tpu.memref_squeeze %dma_wait3A_57 : memref<1x80x128xf32, #tpu.memory_space<hbm>> -> memref<80x128xf32, #tpu.memory_space<hbm>>
      %dma_wait3A_59 = arith.constant 0 : i32
      %dma_wait3A_60 = arith.constant 0 : i32
      %dma_wait3A_61 = tpu.memref_slice %arg5[%add3A, %dma_wait3A_59, %dma_wait3A_60] : memref<32x80x128xf32, #tpu.memory_space<hbm>> -> memref<1x80x128xf32, #tpu.memory_space<hbm>>
      %dma_wait3A_62 = tpu.memref_squeeze %dma_wait3A_61 : memref<1x80x128xf32, #tpu.memory_space<hbm>> -> memref<80x128xf32, #tpu.memory_space<hbm>>
      tpu.wait_dma2 semaphore(%run_scoped3A : memref<!tpu.dma_semaphore, #tpu.memory_space<semaphore_mem>>) src(%dma_wait3A_62 : memref<80x128xf32, #tpu.memory_space<hbm>>) dst(%arg9 : memref<80x128xf32, #tpu.memory_space<vmem>>)
      tpu.yield
    }) : () -> ()
    %barrier3A = arith.constant 0 : index
    tpu.barrier barrier_id(%barrier3A)
    %dma_start3A = arith.constant 0 : i32
    %dma_start3A_12 = arith.constant 0 : i32
    %dma_start3A_13 = tpu.memref_slice %arg7[%dma_start3A, %dma_start3A_12] : memref<80x128xi32, #tpu.memory_space<vmem>> -> memref<1x128xi32, #tpu.memory_space<vmem>>
    %dma_start3A_14 = tpu.memref_squeeze %dma_start3A_13 : memref<1x128xi32, #tpu.memory_space<vmem>> -> memref<128xi32, #tpu.memory_space<vmem>>
    %dma_start3A_15 = arith.constant 0 : i32
    %dma_start3A_16 = arith.constant 0 : i32
    %dma_start3A_17 = tpu.memref_slice %arg2[%dma_start3A_15, %dma_start3A_16] : memref<10112x64xbf16, #tpu.memory_space<hbm>> -> memref<10112x64xbf16, #tpu.memory_space<hbm>>
    tpu.enqueue_indirect_dma source(%dma_start3A_17 : memref<10112x64xbf16, #tpu.memory_space<hbm>>) target(%arg10 : memref<128x64xbf16, #tpu.memory_space<vmem>>) offsets(%dma_start3A_14 : memref<128xi32, #tpu.memory_space<vmem>>) semaphore(%arg19 : memref<!tpu.dma_semaphore, #tpu.memory_space<semaphore_mem>>)
    %dma_start3A_18 = arith.constant 1 : i32
    %dma_start3A_19 = arith.constant 0 : i32
    %dma_start3A_20 = tpu.memref_slice %arg7[%dma_start3A_18, %dma_start3A_19] : memref<80x128xi32, #tpu.memory_space<vmem>> -> memref<1x128xi32, #tpu.memory_space<vmem>>
    %dma_start3A_21 = tpu.memref_squeeze %dma_start3A_20 : memref<1x128xi32, #tpu.memory_space<vmem>> -> memref<128xi32, #tpu.memory_space<vmem>>
    %dma_start3A_22 = arith.constant 0 : i32
    %dma_start3A_23 = arith.constant 0 : i32
    %dma_start3A_24 = tpu.memref_slice %arg2[%dma_start3A_22, %dma_start3A_23] : memref<10112x64xbf16, #tpu.memory_space<hbm>> -> memref<10112x64xbf16, #tpu.memory_space<hbm>>
    tpu.enqueue_indirect_dma source(%dma_start3A_24 : memref<10112x64xbf16, #tpu.memory_space<hbm>>) target(%arg11 : memref<128x64xbf16, #tpu.memory_space<vmem>>) offsets(%dma_start3A_21 : memref<128xi32, #tpu.memory_space<vmem>>) semaphore(%arg20 : memref<!tpu.dma_semaphore, #tpu.memory_space<semaphore_mem>>)
    %dma_start3A_25 = arith.constant 2 : i32
    %dma_start3A_26 = arith.constant 0 : i32
    %dma_start3A_27 = tpu.memref_slice %arg7[%dma_start3A_25, %dma_start3A_26] : memref<80x128xi32, #tpu.memory_space<vmem>> -> memref<1x128xi32, #tpu.memory_space<vmem>>
    %dma_start3A_28 = tpu.memref_squeeze %dma_start3A_27 : memref<1x128xi32, #tpu.memory_space<vmem>> -> memref<128xi32, #tpu.memory_space<vmem>>
    %dma_start3A_29 = arith.constant 0 : i32
    %dma_start3A_30 = arith.constant 0 : i32
    %dma_start3A_31 = tpu.memref_slice %arg2[%dma_start3A_29, %dma_start3A_30] : memref<10112x64xbf16, #tpu.memory_space<hbm>> -> memref<10112x64xbf16, #tpu.memory_space<hbm>>
    tpu.enqueue_indirect_dma source(%dma_start3A_31 : memref<10112x64xbf16, #tpu.memory_space<hbm>>) target(%arg12 : memref<128x64xbf16, #tpu.memory_space<vmem>>) offsets(%dma_start3A_28 : memref<128xi32, #tpu.memory_space<vmem>>) semaphore(%arg21 : memref<!tpu.dma_semaphore, #tpu.memory_space<semaphore_mem>>)
    %dma_start3A_32 = arith.constant 3 : i32
    %dma_start3A_33 = arith.constant 0 : i32
    %dma_start3A_34 = tpu.memref_slice %arg7[%dma_start3A_32, %dma_start3A_33] : memref<80x128xi32, #tpu.memory_space<vmem>> -> memref<1x128xi32, #tpu.memory_space<vmem>>
    %dma_start3A_35 = tpu.memref_squeeze %dma_start3A_34 : memref<1x128xi32, #tpu.memory_space<vmem>> -> memref<128xi32, #tpu.memory_space<vmem>>
    %dma_start3A_36 = arith.constant 0 : i32
    %dma_start3A_37 = arith.constant 0 : i32
    %dma_start3A_38 = tpu.memref_slice %arg2[%dma_start3A_36, %dma_start3A_37] : memref<10112x64xbf16, #tpu.memory_space<hbm>> -> memref<10112x64xbf16, #tpu.memory_space<hbm>>
    tpu.enqueue_indirect_dma source(%dma_start3A_38 : memref<10112x64xbf16, #tpu.memory_space<hbm>>) target(%arg13 : memref<128x64xbf16, #tpu.memory_space<vmem>>) offsets(%dma_start3A_35 : memref<128xi32, #tpu.memory_space<vmem>>) semaphore(%arg22 : memref<!tpu.dma_semaphore, #tpu.memory_space<semaphore_mem>>)
    %scan3A_39 = arith.constant 0 : i32
    %scan3A_40 = arith.constant 20 : i32
    %scan3A_41 = arith.addi %scan3A_39, %scan3A_40 : i32
    %scan3A_42 = arith.constant 1 : i32
    scf.for %scan3A_48 = %scan3A_39 to %scan3A_41 step %scan3A_42  : i32 {
      %mul3A_49 = arith.constant 1 : i32
      %mul3A_50 = arith.muli %scan3A_48, %mul3A_49 : i32
      %add3A_51 = arith.constant 0 : i32
      %add3A_52 = arith.addi %add3A_51, %mul3A_50 : i32
      %mul3A_53 = arith.constant 4 : i32
      %mul3A_54 = arith.muli %add3A_52, %mul3A_53 : i32
      %add3A_55 = arith.constant 0 : i32
      %add3A_56 = arith.addi %mul3A_54, %add3A_55 : i32
      %ge3A = arith.constant 2 : i32
      %ge3A_57 = arith.cmpi sge, %add3A_56, %ge3A : i32
      %add3A_58 = arith.constant 2 : i32
      %add3A_59 = arith.addi %add3A_56, %add3A_58 : i32
      %lt3A = arith.constant 80 : i32
      %lt3A_60 = arith.cmpi slt, %add3A_59, %lt3A : i32
      %and3A = arith.andi %ge3A_57, %lt3A_60 : i1
      %convert_element_type3A = arith.extui %and3A : i1 to i32
      %cond3A = arith.constant 0 : i32
      %cond3A_61 = arith.cmpi ne, %convert_element_type3A, %cond3A : i32
      scf.if %cond3A_61 {
        %add3A_147 = arith.constant 2 : i32
        %add3A_148 = arith.addi %add3A_56, %add3A_147 : i32
        %dma_start3A_149 = arith.constant 0 : i32
        %dma_start3A_150 = tpu.memref_slice %arg7[%add3A_148, %dma_start3A_149] : memref<80x128xi32, #tpu.memory_space<vmem>> -> memref<1x128xi32, #tpu.memory_space<vmem>>
        %dma_start3A_151 = tpu.memref_squeeze %dma_start3A_150 : memref<1x128xi32, #tpu.memory_space<vmem>> -> memref<128xi32, #tpu.memory_space<vmem>>
        %dma_start3A_152 = arith.constant 0 : i32
        %dma_start3A_153 = arith.constant 0 : i32
        %dma_start3A_154 = tpu.memref_slice %arg2[%dma_start3A_152, %dma_start3A_153] : memref<10112x64xbf16, #tpu.memory_space<hbm>> -> memref<10112x64xbf16, #tpu.memory_space<hbm>>
        tpu.enqueue_indirect_dma source(%dma_start3A_154 : memref<10112x64xbf16, #tpu.memory_space<hbm>>) target(%arg12 : memref<128x64xbf16, #tpu.memory_space<vmem>>) offsets(%dma_start3A_151 : memref<128xi32, #tpu.memory_space<vmem>>) semaphore(%arg21 : memref<!tpu.dma_semaphore, #tpu.memory_space<semaphore_mem>>)
      } else {
      }
      %dma_wait3A = arith.constant 0 : i32
      %dma_wait3A_62 = tpu.memref_slice %arg7[%add3A_56, %dma_wait3A] : memref<80x128xi32, #tpu.memory_space<vmem>> -> memref<1x128xi32, #tpu.memory_space<vmem>>
      %dma_wait3A_63 = tpu.memref_squeeze %dma_wait3A_62 : memref<1x128xi32, #tpu.memory_space<vmem>> -> memref<128xi32, #tpu.memory_space<vmem>>
      %dma_wait3A_64 = arith.constant 0 : i32
      %dma_wait3A_65 = arith.constant 0 : i32
      %dma_wait3A_66 = tpu.memref_slice %arg2[%dma_wait3A_64, %dma_wait3A_65] : memref<10112x64xbf16, #tpu.memory_space<hbm>> -> memref<10112x64xbf16, #tpu.memory_space<hbm>>
      tpu.wait_indirect_dma semaphore(%arg19 : memref<!tpu.dma_semaphore, #tpu.memory_space<semaphore_mem>>) src(%dma_wait3A_66 : memref<10112x64xbf16, #tpu.memory_space<hbm>>) dst(%arg10 : memref<128x64xbf16, #tpu.memory_space<vmem>>)
      %scan3A_67 = arith.constant 0 : i32
      %scan3A_68 = arith.constant 8 : i32
      %scan3A_69 = arith.addi %scan3A_67, %scan3A_68 : i32
      %scan3A_70 = arith.constant 1 : i32
      scf.for %scan3A_147 = %scan3A_67 to %scan3A_69 step %scan3A_70  : i32 {
        %mul3A_148 = arith.constant 1 : i32
        %mul3A_149 = arith.muli %scan3A_147, %mul3A_148 : i32
        %add3A_150 = arith.constant 0 : i32
        %add3A_151 = arith.addi %add3A_150, %mul3A_149 : i32
        %mul3A_152 = arith.constant 16 : i32
        %mul3A_153 = arith.muli %add3A_151, %mul3A_152 : i32
        %get3A = arith.index_cast %add3A_56 : i32 to index
        %get3A_154 = arith.index_cast %mul3A_153 : i32 to index
        %get3A_155 = tpu.vector_load %arg9[%get3A, %get3A_154] {strides = array<i32>} : memref<80x128xf32, #tpu.memory_space<vmem>>, vector<16xf32>,
        %slice3A = vector.extract_strided_slice %get3A_155 {offsets = [0], sizes = [1], strides = [1]} : vector<16xf32> to vector<1xf32>
        %squeeze3A = vector.extract %slice3A[0] : f32 from vector<1xf32>
        %broadcast_in_dim3A = vector.broadcast %squeeze3A : f32 to vector<16xf32>
        %mul3A_156 = arith.constant 16 : i32
        %mul3A_157 = arith.muli %add3A_151, %mul3A_156 : i32
        %add3A_158 = arith.constant 0 : i32
        %add3A_159 = arith.addi %mul3A_157, %add3A_158 : i32
        %get3A_160 = arith.index_cast %add3A_159 : i32 to index
        %get3A_161 = arith.constant 0 : index
        %get3A_162 = tpu.vector_load %arg10[%get3A_160, %get3A_161] {strides = array<i32>} : memref<128x64xbf16, #tpu.memory_space<vmem>>, vector<32xbf16>,
        %unpack3A = tpu.unpack_subelements %get3A_162, 0 {pack_format = #tpu.pack_format<interleaved>} : vector<32xbf16> -> vector<16xf32>
        %unpack3A_163 = tpu.unpack_subelements %get3A_162, 1 {pack_format = #tpu.pack_format<interleaved>} : vector<32xbf16> -> vector<16xf32>
        %mul3A_164 = arith.mulf %unpack3A, %broadcast_in_dim3A : vector<16xf32>
        %swap3A = arith.index_cast %add3A_159 : i32 to index
        %swap3A_165 = arith.constant 0 : index
        %swap3A_166 = tpu.vector_load %arg14[%swap3A, %swap3A_165] {strides = array<i32>} : memref<128x64xf32, #tpu.memory_space<vmem>>, vector<16xf32>,
        tpu.vector_store %arg14[%swap3A, %swap3A_165], %mul3A_164 {strides = array<i32>} : memref<128x64xf32, #tpu.memory_space<vmem>>, vector<16xf32>,
        %mul3A_167 = arith.mulf %unpack3A_163, %broadcast_in_dim3A : vector<16xf32>
        %swap3A_168 = arith.index_cast %add3A_159 : i32 to index
        %swap3A_169 = arith.constant 16 : index
        %swap3A_170 = tpu.vector_load %arg14[%swap3A_168, %swap3A_169] {strides = array<i32>} : memref<128x64xf32, #tpu.memory_space<vmem>>, vector<16xf32>,
        tpu.vector_store %arg14[%swap3A_168, %swap3A_169], %mul3A_167 {strides = array<i32>} : memref<128x64xf32, #tpu.memory_space<vmem>>, vector<16xf32>,
        %get3A_171 = arith.index_cast %add3A_159 : i32 to index
        %get3A_172 = arith.constant 32 : index
        %get3A_173 = tpu.vector_load %arg10[%get3A_171, %get3A_172] {strides = array<i32>} : memref<128x64xbf16, #tpu.memory_space<vmem>>, vector<32xbf16>,
        %unpack3A_174 = tpu.unpack_subelements %get3A_173, 0 {pack_format = #tpu.pack_format<interleaved>} : vector<32xbf16> -> vector<16xf32>
        %unpack3A_175 = tpu.unpack_subelements %get3A_173, 1 {pack_format = #tpu.pack_format<interleaved>} : vector<32xbf16> -> vector<16xf32>
        %mul3A_176 = arith.mulf %unpack3A_174, %broadcast_in_dim3A : vector<16xf32>
        %swap3A_177 = arith.index_cast %add3A_159 : i32 to index
        %swap3A_178 = arith.constant 32 : index
        %swap3A_179 = tpu.vector_load %arg14[%swap3A_177, %swap3A_178] {strides = array<i32>} : memref<128x64xf32, #tpu.memory_space<vmem>>, vector<16xf32>,
        tpu.vector_store %arg14[%swap3A_177, %swap3A_178], %mul3A_176 {strides = array<i32>} : memref<128x64xf32, #tpu.memory_space<vmem>>, vector<16xf32>,
        %mul3A_180 = arith.mulf %unpack3A_175, %broadcast_in_dim3A : vector<16xf32>
        %swap3A_181 = arith.index_cast %add3A_159 : i32 to index
        %swap3A_182 = arith.constant 48 : index
        %swap3A_183 = tpu.vector_load %arg14[%swap3A_181, %swap3A_182] {strides = array<i32>} : memref<128x64xf32, #tpu.memory_space<vmem>>, vector<16xf32>,
        tpu.vector_store %arg14[%swap3A_181, %swap3A_182], %mul3A_180 {strides = array<i32>} : memref<128x64xf32, #tpu.memory_space<vmem>>, vector<16xf32>,
        %slice3A_184 = vector.extract_strided_slice %get3A_155 {offsets = [1], sizes = [1], strides = [1]} : vector<16xf32> to vector<1xf32>
        %squeeze3A_185 = vector.extract %slice3A_184[0] : f32 from vector<1xf32>
        %broadcast_in_dim3A_186 = vector.broadcast %squeeze3A_185 : f32 to vector<16xf32>
        %mul3A_187 = arith.constant 16 : i32
        %mul3A_188 = arith.muli %add3A_151, %mul3A_187 : i32
        %add3A_189 = arith.constant 1 : i32
        %add3A_190 = arith.addi %mul3A_188, %add3A_189 : i32
        %get3A_191 = arith.index_cast %add3A_190 : i32 to index
        %get3A_192 = arith.constant 0 : index
        %get3A_193 = tpu.vector_load %arg10[%get3A_191, %get3A_192] {strides = array<i32>} : memref<128x64xbf16, #tpu.memory_space<vmem>>, vector<32xbf16>,
        %unpack3A_194 = tpu.unpack_subelements %get3A_193, 0 {pack_format = #tpu.pack_format<interleaved>} : vector<32xbf16> -> vector<16xf32>
        %unpack3A_195 = tpu.unpack_subelements %get3A_193, 1 {pack_format = #tpu.pack_format<interleaved>} : vector<32xbf16> -> vector<16xf32>
        %mul3A_196 = arith.mulf %unpack3A_194, %broadcast_in_dim3A_186 : vector<16xf32>
        %swap3A_197 = arith.index_cast %add3A_190 : i32 to index
        %swap3A_198 = arith.constant 0 : index
        %swap3A_199 = tpu.vector_load %arg14[%swap3A_197, %swap3A_198] {strides = array<i32>} : memref<128x64xf32, #tpu.memory_space<vmem>>, vector<16xf32>,
        tpu.vector_store %arg14[%swap3A_197, %swap3A_198], %mul3A_196 {strides = array<i32>} : memref<128x64xf32, #tpu.memory_space<vmem>>, vector<16xf32>,
        %mul3A_200 = arith.mulf %unpack3A_195, %broadcast_in_dim3A_186 : vector<16xf32>
        %swap3A_201 = arith.index_cast %add3A_190 : i32 to index
        %swap3A_202 = arith.constant 16 : index
        %swap3A_203 = tpu.vector_load %arg14[%swap3A_201, %swap3A_202] {strides = array<i32>} : memref<128x64xf32, #tpu.memory_space<vmem>>, vector<16xf32>,
        tpu.vector_store %arg14[%swap3A_201, %swap3A_202], %mul3A_200 {strides = array<i32>} : memref<128x64xf32, #tpu.memory_space<vmem>>, vector<16xf32>,
        %get3A_204 = arith.index_cast %add3A_190 : i32 to index
        %get3A_205 = arith.constant 32 : index
        %get3A_206 = tpu.vector_load %arg10[%get3A_204, %get3A_205] {strides = array<i32>} : memref<128x64xbf16, #tpu.memory_space<vmem>>, vector<32xbf16>,
        %unpack3A_207 = tpu.unpack_subelements %get3A_206, 0 {pack_format = #tpu.pack_format<interleaved>} : vector<32xbf16> -> vector<16xf32>
        %unpack3A_208 = tpu.unpack_subelements %get3A_206, 1 {pack_format = #tpu.pack_format<interleaved>} : vector<32xbf16> -> vector<16xf32>
        %mul3A_209 = arith.mulf %unpack3A_207, %broadcast_in_dim3A_186 : vector<16xf32>
        %swap3A_210 = arith.index_cast %add3A_190 : i32 to index
        %swap3A_211 = arith.constant 32 : index
        %swap3A_212 = tpu.vector_load %arg14[%swap3A_210, %swap3A_211] {strides = array<i32>} : memref<128x64xf32, #tpu.memory_space<vmem>>, vector<16xf32>,
        tpu.vector_store %arg14[%swap3A_210, %swap3A_211], %mul3A_209 {strides = array<i32>} : memref<128x64xf32, #tpu.memory_space<vmem>>, vector<16xf32>,
        %mul3A_213 = arith.mulf %unpack3A_208, %broadcast_in_dim3A_186 : vector<16xf32>
        %swap3A_214 = arith.index_cast %add3A_190 : i32 to index
        %swap3A_215 = arith.constant 48 : index
        %swap3A_216 = tpu.vector_load %arg14[%swap3A_214, %swap3A_215] {strides = array<i32>} : memref<128x64xf32, #tpu.memory_space<vmem>>, vector<16xf32>,
        tpu.vector_store %arg14[%swap3A_214, %swap3A_215], %mul3A_213 {strides = array<i32>} : memref<128x64xf32, #tpu.memory_space<vmem>>, vector<16xf32>,
        %slice3A_217 = vector.extract_strided_slice %get3A_155 {offsets = [2], sizes = [1], strides = [1]} : vector<16xf32> to vector<1xf32>
        %squeeze3A_218 = vector.extract %slice3A_217[0] : f32 from vector<1xf32>
        %broadcast_in_dim3A_219 = vector.broadcast %squeeze3A_218 : f32 to vector<16xf32>
        %mul3A_220 = arith.constant 16 : i32
        %mul3A_221 = arith.muli %add3A_151, %mul3A_220 : i32
        %add3A_222 = arith.constant 2 : i32
        %add3A_223 = arith.addi %mul3A_221, %add3A_222 : i32
        %get3A_224 = arith.index_cast %add3A_223 : i32 to index
        %get3A_225 = arith.constant 0 : index
        %get3A_226 = tpu.vector_load %arg10[%get3A_224, %get3A_225] {strides = array<i32>} : memref<128x64xbf16, #tpu.memory_space<vmem>>, vector<32xbf16>,
        %unpack3A_227 = tpu.unpack_subelements %get3A_226, 0 {pack_format = #tpu.pack_format<interleaved>} : vector<32xbf16> -> vector<16xf32>
        %unpack3A_228 = tpu.unpack_subelements %get3A_226, 1 {pack_format = #tpu.pack_format<interleaved>} : vector<32xbf16> -> vector<16xf32>
        %mul3A_229 = arith.mulf %unpack3A_227, %broadcast_in_dim3A_219 : vector<16xf32>
        %swap3A_230 = arith.index_cast %add3A_223 : i32 to index
        %swap3A_231 = arith.constant 0 : index
        %swap3A_232 = tpu.vector_load %arg14[%swap3A_230, %swap3A_231] {strides = array<i32>} : memref<128x64xf32, #tpu.memory_space<vmem>>, vector<16xf32>,
        tpu.vector_store %arg14[%swap3A_230, %swap3A_231], %mul3A_229 {strides = array<i32>} : memref<128x64xf32, #tpu.memory_space<vmem>>, vector<16xf32>,
        %mul3A_233 = arith.mulf %unpack3A_228, %broadcast_in_dim3A_219 : vector<16xf32>
        %swap3A_234 = arith.index_cast %add3A_223 : i32 to index
        %swap3A_235 = arith.constant 16 : index
        %swap3A_236 = tpu.vector_load %arg14[%swap3A_234, %swap3A_235] {strides = array<i32>} : memref<128x64xf32, #tpu.memory_space<vmem>>, vector<16xf32>,
        tpu.vector_store %arg14[%swap3A_234, %swap3A_235], %mul3A_233 {strides = array<i32>} : memref<128x64xf32, #tpu.memory_space<vmem>>, vector<16xf32>,
        %get3A_237 = arith.index_cast %add3A_223 : i32 to index
        %get3A_238 = arith.constant 32 : index
        %get3A_239 = tpu.vector_load %arg10[%get3A_237, %get3A_238] {strides = array<i32>} : memref<128x64xbf16, #tpu.memory_space<vmem>>, vector<32xbf16>,
        %unpack3A_240 = tpu.unpack_subelements %get3A_239, 0 {pack_format = #tpu.pack_format<interleaved>} : vector<32xbf16> -> vector<16xf32>
        %unpack3A_241 = tpu.unpack_subelements %get3A_239, 1 {pack_format = #tpu.pack_format<interleaved>} : vector<32xbf16> -> vector<16xf32>
        %mul3A_242 = arith.mulf %unpack3A_240, %broadcast_in_dim3A_219 : vector<16xf32>
        %swap3A_243 = arith.index_cast %add3A_223 : i32 to index
        %swap3A_244 = arith.constant 32 : index
        %swap3A_245 = tpu.vector_load %arg14[%swap3A_243, %swap3A_244] {strides = array<i32>} : memref<128x64xf32, #tpu.memory_space<vmem>>, vector<16xf32>,
        tpu.vector_store %arg14[%swap3A_243, %swap3A_244], %mul3A_242 {strides = array<i32>} : memref<128x64xf32, #tpu.memory_space<vmem>>, vector<16xf32>,
        %mul3A_246 = arith.mulf %unpack3A_241, %broadcast_in_dim3A_219 : vector<16xf32>
        %swap3A_247 = arith.index_cast %add3A_223 : i32 to index
        %swap3A_248 = arith.constant 48 : index
        %swap3A_249 = tpu.vector_load %arg14[%swap3A_247, %swap3A_248] {strides = array<i32>} : memref<128x64xf32, #tpu.memory_space<vmem>>, vector<16xf32>,
        tpu.vector_store %arg14[%swap3A_247, %swap3A_248], %mul3A_246 {strides = array<i32>} : memref<128x64xf32, #tpu.memory_space<vmem>>, vector<16xf32>,
        %slice3A_250 = vector.extract_strided_slice %get3A_155 {offsets = [3], sizes = [1], strides = [1]} : vector<16xf32> to vector<1xf32>
        %squeeze3A_251 = vector.extract %slice3A_250[0] : f32 from vector<1xf32>
        %broadcast_in_dim3A_252 = vector.broadcast %squeeze3A_251 : f32 to vector<16xf32>
        %mul3A_253 = arith.constant 16 : i32
        %mul3A_254 = arith.muli %add3A_151, %mul3A_253 : i32
        %add3A_255 = arith.constant 3 : i32
        %add3A_256 = arith.addi %mul3A_254, %add3A_255 : i32
        %get3A_257 = arith.index_cast %add3A_256 : i32 to index
        %get3A_258 = arith.constant 0 : index
        %get3A_259 = tpu.vector_load %arg10[%get3A_257, %get3A_258] {strides = array<i32>} : memref<128x64xbf16, #tpu.memory_space<vmem>>, vector<32xbf16>,
        %unpack3A_260 = tpu.unpack_subelements %get3A_259, 0 {pack_format = #tpu.pack_format<interleaved>} : vector<32xbf16> -> vector<16xf32>
        %unpack3A_261 = tpu.unpack_subelements %get3A_259, 1 {pack_format = #tpu.pack_format<interleaved>} : vector<32xbf16> -> vector<16xf32>
        %mul3A_262 = arith.mulf %unpack3A_260, %broadcast_in_dim3A_252 : vector<16xf32>
        %swap3A_263 = arith.index_cast %add3A_256 : i32 to index
        %swap3A_264 = arith.constant 0 : index
        %swap3A_265 = tpu.vector_load %arg14[%swap3A_263, %swap3A_264] {strides = array<i32>} : memref<128x64xf32, #tpu.memory_space<vmem>>, vector<16xf32>,
        tpu.vector_store %arg14[%swap3A_263, %swap3A_264], %mul3A_262 {strides = array<i32>} : memref<128x64xf32, #tpu.memory_space<vmem>>, vector<16xf32>,
        %mul3A_266 = arith.mulf %unpack3A_261, %broadcast_in_dim3A_252 : vector<16xf32>
        %swap3A_267 = arith.index_cast %add3A_256 : i32 to index
        %swap3A_268 = arith.constant 16 : index
        %swap3A_269 = tpu.vector_load %arg14[%swap3A_267, %swap3A_268] {strides = array<i32>} : memref<128x64xf32, #tpu.memory_space<vmem>>, vector<16xf32>,
        tpu.vector_store %arg14[%swap3A_267, %swap3A_268], %mul3A_266 {strides = array<i32>} : memref<128x64xf32, #tpu.memory_space<vmem>>, vector<16xf32>,
        %get3A_270 = arith.index_cast %add3A_256 : i32 to index
        %get3A_271 = arith.constant 32 : index
        %get3A_272 = tpu.vector_load %arg10[%get3A_270, %get3A_271] {strides = array<i32>} : memref<128x64xbf16, #tpu.memory_space<vmem>>, vector<32xbf16>,
        %unpack3A_273 = tpu.unpack_subelements %get3A_272, 0 {pack_format = #tpu.pack_format<interleaved>} : vector<32xbf16> -> vector<16xf32>
        %unpack3A_274 = tpu.unpack_subelements %get3A_272, 1 {pack_format = #tpu.pack_format<interleaved>} : vector<32xbf16> -> vector<16xf32>
        %mul3A_275 = arith.mulf %unpack3A_273, %broadcast_in_dim3A_252 : vector<16xf32>
        %swap3A_276 = arith.index_cast %add3A_256 : i32 to index
        %swap3A_277 = arith.constant 32 : index
        %swap3A_278 = tpu.vector_load %arg14[%swap3A_276, %swap3A_277] {strides = array<i32>} : memref<128x64xf32, #tpu.memory_space<vmem>>, vector<16xf32>,
        tpu.vector_store %arg14[%swap3A_276, %swap3A_277], %mul3A_275 {strides = array<i32>} : memref<128x64xf32, #tpu.memory_space<vmem>>, vector<16xf32>,
        %mul3A_279 = arith.mulf %unpack3A_274, %broadcast_in_dim3A_252 : vector<16xf32>
        %swap3A_280 = arith.index_cast %add3A_256 : i32 to index
        %swap3A_281 = arith.constant 48 : index
        %swap3A_282 = tpu.vector_load %arg14[%swap3A_280, %swap3A_281] {strides = array<i32>} : memref<128x64xf32, #tpu.memory_space<vmem>>, vector<16xf32>,
        tpu.vector_store %arg14[%swap3A_280, %swap3A_281], %mul3A_279 {strides = array<i32>} : memref<128x64xf32, #tpu.memory_space<vmem>>, vector<16xf32>,
        %slice3A_283 = vector.extract_strided_slice %get3A_155 {offsets = [4], sizes = [1], strides = [1]} : vector<16xf32> to vector<1xf32>
        %squeeze3A_284 = vector.extract %slice3A_283[0] : f32 from vector<1xf32>
        %broadcast_in_dim3A_285 = vector.broadcast %squeeze3A_284 : f32 to vector<16xf32>
        %mul3A_286 = arith.constant 16 : i32
        %mul3A_287 = arith.muli %add3A_151, %mul3A_286 : i32
        %add3A_288 = arith.constant 4 : i32
        %add3A_289 = arith.addi %mul3A_287, %add3A_288 : i32
        %get3A_290 = arith.index_cast %add3A_289 : i32 to index
        %get3A_291 = arith.constant 0 : index
        %get3A_292 = tpu.vector_load %arg10[%get3A_290, %get3A_291] {strides = array<i32>} : memref<128x64xbf16, #tpu.memory_space<vmem>>, vector<32xbf16>,
        %unpack3A_293 = tpu.unpack_subelements %get3A_292, 0 {pack_format = #tpu.pack_format<interleaved>} : vector<32xbf16> -> vector<16xf32>
        %unpack3A_294 = tpu.unpack_subelements %get3A_292, 1 {pack_format = #tpu.pack_format<interleaved>} : vector<32xbf16> -> vector<16xf32>
        %mul3A_295 = arith.mulf %unpack3A_293, %broadcast_in_dim3A_285 : vector<16xf32>
        %swap3A_296 = arith.index_cast %add3A_289 : i32 to index
        %swap3A_297 = arith.constant 0 : index
        %swap3A_298 = tpu.vector_load %arg14[%swap3A_296, %swap3A_297] {strides = array<i32>} : memref<128x64xf32, #tpu.memory_space<vmem>>, vector<16xf32>,
        tpu.vector_store %arg14[%swap3A_296, %swap3A_297], %mul3A_295 {strides = array<i32>} : memref<128x64xf32, #tpu.memory_space<vmem>>, vector<16xf32>,
        %mul3A_299 = arith.mulf %unpack3A_294, %broadcast_in_dim3A_285 : vector<16xf32>
        %swap3A_300 = arith.index_cast %add3A_289 : i32 to index
        %swap3A_301 = arith.constant 16 : index
        %swap3A_302 = tpu.vector_load %arg14[%swap3A_300, %swap3A_301] {strides = array<i32>} : memref<128x64xf32, #tpu.memory_space<vmem>>, vector<16xf32>,
        tpu.vector_store %arg14[%swap3A_300, %swap3A_301], %mul3A_299 {strides = array<i32>} : memref<128x64xf32, #tpu.memory_space<vmem>>, vector<16xf32>,
        %get3A_303 = arith.index_cast %add3A_289 : i32 to index
        %get3A_304 = arith.constant 32 : index
        %get3A_305 = tpu.vector_load %arg10[%get3A_303, %get3A_304] {strides = array<i32>} : memref<128x64xbf16, #tpu.memory_space<vmem>>, vector<32xbf16>,
        %unpack3A_306 = tpu.unpack_subelements %get3A_305, 0 {pack_format = #tpu.pack_format<interleaved>} : vector<32xbf16> -> vector<16xf32>
        %unpack3A_307 = tpu.unpack_subelements %get3A_305, 1 {pack_format = #tpu.pack_format<interleaved>} : vector<32xbf16> -> vector<16xf32>
        %mul3A_308 = arith.mulf %unpack3A_306, %broadcast_in_dim3A_285 : vector<16xf32>
        %swap3A_309 = arith.index_cast %add3A_289 : i32 to index
        %swap3A_310 = arith.constant 32 : index
        %swap3A_311 = tpu.vector_load %arg14[%swap3A_309, %swap3A_310] {strides = array<i32>} : memref<128x64xf32, #tpu.memory_space<vmem>>, vector<16xf32>,
        tpu.vector_store %arg14[%swap3A_309, %swap3A_310], %mul3A_308 {strides = array<i32>} : memref<128x64xf32, #tpu.memory_space<vmem>>, vector<16xf32>,
        %mul3A_312 = arith.mulf %unpack3A_307, %broadcast_in_dim3A_285 : vector<16xf32>
        %swap3A_313 = arith.index_cast %add3A_289 : i32 to index
        %swap3A_314 = arith.constant 48 : index
        %swap3A_315 = tpu.vector_load %arg14[%swap3A_313, %swap3A_314] {strides = array<i32>} : memref<128x64xf32, #tpu.memory_space<vmem>>, vector<16xf32>,
        tpu.vector_store %arg14[%swap3A_313, %swap3A_314], %mul3A_312 {strides = array<i32>} : memref<128x64xf32, #tpu.memory_space<vmem>>, vector<16xf32>,
        %slice3A_316 = vector.extract_strided_slice %get3A_155 {offsets = [5], sizes = [1], strides = [1]} : vector<16xf32> to vector<1xf32>
        %squeeze3A_317 = vector.extract %slice3A_316[0] : f32 from vector<1xf32>
        %broadcast_in_dim3A_318 = vector.broadcast %squeeze3A_317 : f32 to vector<16xf32>
        %mul3A_319 = arith.constant 16 : i32
        %mul3A_320 = arith.muli %add3A_151, %mul3A_319 : i32
        %add3A_321 = arith.constant 5 : i32
        %add3A_322 = arith.addi %mul3A_320, %add3A_321 : i32
        %get3A_323 = arith.index_cast %add3A_322 : i32 to index
        %get3A_324 = arith.constant 0 : index
        %get3A_325 = tpu.vector_load %arg10[%get3A_323, %get3A_324] {strides = array<i32>} : memref<128x64xbf16, #tpu.memory_space<vmem>>, vector<32xbf16>,
        %unpack3A_326 = tpu.unpack_subelements %get3A_325, 0 {pack_format = #tpu.pack_format<interleaved>} : vector<32xbf16> -> vector<16xf32>
        %unpack3A_327 = tpu.unpack_subelements %get3A_325, 1 {pack_format = #tpu.pack_format<interleaved>} : vector<32xbf16> -> vector<16xf32>
        %mul3A_328 = arith.mulf %unpack3A_326, %broadcast_in_dim3A_318 : vector<16xf32>
        %swap3A_329 = arith.index_cast %add3A_322 : i32 to index
        %swap3A_330 = arith.constant 0 : index
        %swap3A_331 = tpu.vector_load %arg14[%swap3A_329, %swap3A_330] {strides = array<i32>} : memref<128x64xf32, #tpu.memory_space<vmem>>, vector<16xf32>,
        tpu.vector_store %arg14[%swap3A_329, %swap3A_330], %mul3A_328 {strides = array<i32>} : memref<128x64xf32, #tpu.memory_space<vmem>>, vector<16xf32>,
        %mul3A_332 = arith.mulf %unpack3A_327, %broadcast_in_dim3A_318 : vector<16xf32>
        %swap3A_333 = arith.index_cast %add3A_322 : i32 to index
        %swap3A_334 = arith.constant 16 : index
        %swap3A_335 = tpu.vector_load %arg14[%swap3A_333, %swap3A_334] {strides = array<i32>} : memref<128x64xf32, #tpu.memory_space<vmem>>, vector<16xf32>,
        tpu.vector_store %arg14[%swap3A_333, %swap3A_334], %mul3A_332 {strides = array<i32>} : memref<128x64xf32, #tpu.memory_space<vmem>>, vector<16xf32>,
        %get3A_336 = arith.index_cast %add3A_322 : i32 to index
        %get3A_337 = arith.constant 32 : index
        %get3A_338 = tpu.vector_load %arg10[%get3A_336, %get3A_337] {strides = array<i32>} : memref<128x64xbf16, #tpu.memory_space<vmem>>, vector<32xbf16>,
        %unpack3A_339 = tpu.unpack_subelements %get3A_338, 0 {pack_format = #tpu.pack_format<interleaved>} : vector<32xbf16> -> vector<16xf32>
        %unpack3A_340 = tpu.unpack_subelements %get3A_338, 1 {pack_format = #tpu.pack_format<interleaved>} : vector<32xbf16> -> vector<16xf32>
        %mul3A_341 = arith.mulf %unpack3A_339, %broadcast_in_dim3A_318 : vector<16xf32>
        %swap3A_342 = arith.index_cast %add3A_322 : i32 to index
        %swap3A_343 = arith.constant 32 : index
        %swap3A_344 = tpu.vector_load %arg14[%swap3A_342, %swap3A_343] {strides = array<i32>} : memref<128x64xf32, #tpu.memory_space<vmem>>, vector<16xf32>,
        tpu.vector_store %arg14[%swap3A_342, %swap3A_343], %mul3A_341 {strides = array<i32>} : memref<128x64xf32, #tpu.memory_space<vmem>>, vector<16xf32>,
        %mul3A_345 = arith.mulf %unpack3A_340, %broadcast_in_dim3A_318 : vector<16xf32>
        %swap3A_346 = arith.index_cast %add3A_322 : i32 to index
        %swap3A_347 = arith.constant 48 : index
        %swap3A_348 = tpu.vector_load %arg14[%swap3A_346, %swap3A_347] {strides = array<i32>} : memref<128x64xf32, #tpu.memory_space<vmem>>, vector<16xf32>,
        tpu.vector_store %arg14[%swap3A_346, %swap3A_347], %mul3A_345 {strides = array<i32>} : memref<128x64xf32, #tpu.memory_space<vmem>>, vector<16xf32>,
        %slice3A_349 = vector.extract_strided_slice %get3A_155 {offsets = [6], sizes = [1], strides = [1]} : vector<16xf32> to vector<1xf32>
        %squeeze3A_350 = vector.extract %slice3A_349[0] : f32 from vector<1xf32>
        %broadcast_in_dim3A_351 = vector.broadcast %squeeze3A_350 : f32 to vector<16xf32>
        %mul3A_352 = arith.constant 16 : i32
        %mul3A_353 = arith.muli %add3A_151, %mul3A_352 : i32
        %add3A_354 = arith.constant 6 : i32
        %add3A_355 = arith.addi %mul3A_353, %add3A_354 : i32
        %get3A_356 = arith.index_cast %add3A_355 : i32 to index
        %get3A_357 = arith.constant 0 : index
        %get3A_358 = tpu.vector_load %arg10[%get3A_356, %get3A_357] {strides = array<i32>} : memref<128x64xbf16, #tpu.memory_space<vmem>>, vector<32xbf16>,
        %unpack3A_359 = tpu.unpack_subelements %get3A_358, 0 {pack_format = #tpu.pack_format<interleaved>} : vector<32xbf16> -> vector<16xf32>
        %unpack3A_360 = tpu.unpack_subelements %get3A_358, 1 {pack_format = #tpu.pack_format<interleaved>} : vector<32xbf16> -> vector<16xf32>
        %mul3A_361 = arith.mulf %unpack3A_359, %broadcast_in_dim3A_351 : vector<16xf32>
        %swap3A_362 = arith.index_cast %add3A_355 : i32 to index
        %swap3A_363 = arith.constant 0 : index
        %swap3A_364 = tpu.vector_load %arg14[%swap3A_362, %swap3A_363] {strides = array<i32>} : memref<128x64xf32, #tpu.memory_space<vmem>>, vector<16xf32>,
        tpu.vector_store %arg14[%swap3A_362, %swap3A_363], %mul3A_361 {strides = array<i32>} : memref<128x64xf32, #tpu.memory_space<vmem>>, vector<16xf32>,
        %mul3A_365 = arith.mulf %unpack3A_360, %broadcast_in_dim3A_351 : vector<16xf32>
        %swap3A_366 = arith.index_cast %add3A_355 : i32 to index
        %swap3A_367 = arith.constant 16 : index
        %swap3A_368 = tpu.vector_load %arg14[%swap3A_366, %swap3A_367] {strides = array<i32>} : memref<128x64xf32, #tpu.memory_space<vmem>>, vector<16xf32>,
        tpu.vector_store %arg14[%swap3A_366, %swap3A_367], %mul3A_365 {strides = array<i32>} : memref<128x64xf32, #tpu.memory_space<vmem>>, vector<16xf32>,
        %get3A_369 = arith.index_cast %add3A_355 : i32 to index
        %get3A_370 = arith.constant 32 : index
        %get3A_371 = tpu.vector_load %arg10[%get3A_369, %get3A_370] {strides = array<i32>} : memref<128x64xbf16, #tpu.memory_space<vmem>>, vector<32xbf16>,
        %unpack3A_372 = tpu.unpack_subelements %get3A_371, 0 {pack_format = #tpu.pack_format<interleaved>} : vector<32xbf16> -> vector<16xf32>
        %unpack3A_373 = tpu.unpack_subelements %get3A_371, 1 {pack_format = #tpu.pack_format<interleaved>} : vector<32xbf16> -> vector<16xf32>
        %mul3A_374 = arith.mulf %unpack3A_372, %broadcast_in_dim3A_351 : vector<16xf32>
        %swap3A_375 = arith.index_cast %add3A_355 : i32 to index
        %swap3A_376 = arith.constant 32 : index
        %swap3A_377 = tpu.vector_load %arg14[%swap3A_375, %swap3A_376] {strides = array<i32>} : memref<128x64xf32, #tpu.memory_space<vmem>>, vector<16xf32>,
        tpu.vector_store %arg14[%swap3A_375, %swap3A_376], %mul3A_374 {strides = array<i32>} : memref<128x64xf32, #tpu.memory_space<vmem>>, vector<16xf32>,
        %mul3A_378 = arith.mulf %unpack3A_373, %broadcast_in_dim3A_351 : vector<16xf32>
        %swap3A_379 = arith.index_cast %add3A_355 : i32 to index
        %swap3A_380 = arith.constant 48 : index
        %swap3A_381 = tpu.vector_load %arg14[%swap3A_379, %swap3A_380] {strides = array<i32>} : memref<128x64xf32, #tpu.memory_space<vmem>>, vector<16xf32>,
        tpu.vector_store %arg14[%swap3A_379, %swap3A_380], %mul3A_378 {strides = array<i32>} : memref<128x64xf32, #tpu.memory_space<vmem>>, vector<16xf32>,
        %slice3A_382 = vector.extract_strided_slice %get3A_155 {offsets = [7], sizes = [1], strides = [1]} : vector<16xf32> to vector<1xf32>
        %squeeze3A_383 = vector.extract %slice3A_382[0] : f32 from vector<1xf32>
        %broadcast_in_dim3A_384 = vector.broadcast %squeeze3A_383 : f32 to vector<16xf32>
        %mul3A_385 = arith.constant 16 : i32
        %mul3A_386 = arith.muli %add3A_151, %mul3A_385 : i32
        %add3A_387 = arith.constant 7 : i32
        %add3A_388 = arith.addi %mul3A_386, %add3A_387 : i32
        %get3A_389 = arith.index_cast %add3A_388 : i32 to index
        %get3A_390 = arith.constant 0 : index
        %get3A_391 = tpu.vector_load %arg10[%get3A_389, %get3A_390] {strides = array<i32>} : memref<128x64xbf16, #tpu.memory_space<vmem>>, vector<32xbf16>,
        %unpack3A_392 = tpu.unpack_subelements %get3A_391, 0 {pack_format = #tpu.pack_format<interleaved>} : vector<32xbf16> -> vector<16xf32>
        %unpack3A_393 = tpu.unpack_subelements %get3A_391, 1 {pack_format = #tpu.pack_format<interleaved>} : vector<32xbf16> -> vector<16xf32>
        %mul3A_394 = arith.mulf %unpack3A_392, %broadcast_in_dim3A_384 : vector<16xf32>
        %swap3A_395 = arith.index_cast %add3A_388 : i32 to index
        %swap3A_396 = arith.constant 0 : index
        %swap3A_397 = tpu.vector_load %arg14[%swap3A_395, %swap3A_396] {strides = array<i32>} : memref<128x64xf32, #tpu.memory_space<vmem>>, vector<16xf32>,
        tpu.vector_store %arg14[%swap3A_395, %swap3A_396], %mul3A_394 {strides = array<i32>} : memref<128x64xf32, #tpu.memory_space<vmem>>, vector<16xf32>,
        %mul3A_398 = arith.mulf %unpack3A_393, %broadcast_in_dim3A_384 : vector<16xf32>
        %swap3A_399 = arith.index_cast %add3A_388 : i32 to index
        %swap3A_400 = arith.constant 16 : index
        %swap3A_401 = tpu.vector_load %arg14[%swap3A_399, %swap3A_400] {strides = array<i32>} : memref<128x64xf32, #tpu.memory_space<vmem>>, vector<16xf32>,
        tpu.vector_store %arg14[%swap3A_399, %swap3A_400], %mul3A_398 {strides = array<i32>} : memref<128x64xf32, #tpu.memory_space<vmem>>, vector<16xf32>,
        %get3A_402 = arith.index_cast %add3A_388 : i32 to index
        %get3A_403 = arith.constant 32 : index
        %get3A_404 = tpu.vector_load %arg10[%get3A_402, %get3A_403] {strides = array<i32>} : memref<128x64xbf16, #tpu.memory_space<vmem>>, vector<32xbf16>,
        %unpack3A_405 = tpu.unpack_subelements %get3A_404, 0 {pack_format = #tpu.pack_format<interleaved>} : vector<32xbf16> -> vector<16xf32>
        %unpack3A_406 = tpu.unpack_subelements %get3A_404, 1 {pack_format = #tpu.pack_format<interleaved>} : vector<32xbf16> -> vector<16xf32>
        %mul3A_407 = arith.mulf %unpack3A_405, %broadcast_in_dim3A_384 : vector<16xf32>
        %swap3A_408 = arith.index_cast %add3A_388 : i32 to index
        %swap3A_409 = arith.constant 32 : index
        %swap3A_410 = tpu.vector_load %arg14[%swap3A_408, %swap3A_409] {strides = array<i32>} : memref<128x64xf32, #tpu.memory_space<vmem>>, vector<16xf32>,
        tpu.vector_store %arg14[%swap3A_408, %swap3A_409], %mul3A_407 {strides = array<i32>} : memref<128x64xf32, #tpu.memory_space<vmem>>, vector<16xf32>,
        %mul3A_411 = arith.mulf %unpack3A_406, %broadcast_in_dim3A_384 : vector<16xf32>
        %swap3A_412 = arith.index_cast %add3A_388 : i32 to index
        %swap3A_413 = arith.constant 48 : index
        %swap3A_414 = tpu.vector_load %arg14[%swap3A_412, %swap3A_413] {strides = array<i32>} : memref<128x64xf32, #tpu.memory_space<vmem>>, vector<16xf32>,
        tpu.vector_store %arg14[%swap3A_412, %swap3A_413], %mul3A_411 {strides = array<i32>} : memref<128x64xf32, #tpu.memory_space<vmem>>, vector<16xf32>,
        %slice3A_415 = vector.extract_strided_slice %get3A_155 {offsets = [8], sizes = [1], strides = [1]} : vector<16xf32> to vector<1xf32>
        %squeeze3A_416 = vector.extract %slice3A_415[0] : f32 from vector<1xf32>
        %broadcast_in_dim3A_417 = vector.broadcast %squeeze3A_416 : f32 to vector<16xf32>
        %mul3A_418 = arith.constant 16 : i32
        %mul3A_419 = arith.muli %add3A_151, %mul3A_418 : i32
        %add3A_420 = arith.constant 8 : i32
        %add3A_421 = arith.addi %mul3A_419, %add3A_420 : i32
        %get3A_422 = arith.index_cast %add3A_421 : i32 to index
        %get3A_423 = arith.constant 0 : index
        %get3A_424 = tpu.vector_load %arg10[%get3A_422, %get3A_423] {strides = array<i32>} : memref<128x64xbf16, #tpu.memory_space<vmem>>, vector<32xbf16>,
        %unpack3A_425 = tpu.unpack_subelements %get3A_424, 0 {pack_format = #tpu.pack_format<interleaved>} : vector<32xbf16> -> vector<16xf32>
        %unpack3A_426 = tpu.unpack_subelements %get3A_424, 1 {pack_format = #tpu.pack_format<interleaved>} : vector<32xbf16> -> vector<16xf32>
        %mul3A_427 = arith.mulf %unpack3A_425, %broadcast_in_dim3A_417 : vector<16xf32>
        %swap3A_428 = arith.index_cast %add3A_421 : i32 to index
        %swap3A_429 = arith.constant 0 : index
        %swap3A_430 = tpu.vector_load %arg14[%swap3A_428, %swap3A_429] {strides = array<i32>} : memref<128x64xf32, #tpu.memory_space<vmem>>, vector<16xf32>,
        tpu.vector_store %arg14[%swap3A_428, %swap3A_429], %mul3A_427 {strides = array<i32>} : memref<128x64xf32, #tpu.memory_space<vmem>>, vector<16xf32>,
        %mul3A_431 = arith.mulf %unpack3A_426, %broadcast_in_dim3A_417 : vector<16xf32>
        %swap3A_432 = arith.index_cast %add3A_421 : i32 to index
        %swap3A_433 = arith.constant 16 : index
        %swap3A_434 = tpu.vector_load %arg14[%swap3A_432, %swap3A_433] {strides = array<i32>} : memref<128x64xf32, #tpu.memory_space<vmem>>, vector<16xf32>,
        tpu.vector_store %arg14[%swap3A_432, %swap3A_433], %mul3A_431 {strides = array<i32>} : memref<128x64xf32, #tpu.memory_space<vmem>>, vector<16xf32>,
        %get3A_435 = arith.index_cast %add3A_421 : i32 to index
        %get3A_436 = arith.constant 32 : index
        %get3A_437 = tpu.vector_load %arg10[%get3A_435, %get3A_436] {strides = array<i32>} : memref<128x64xbf16, #tpu.memory_space<vmem>>, vector<32xbf16>,
        %unpack3A_438 = tpu.unpack_subelements %get3A_437, 0 {pack_format = #tpu.pack_format<interleaved>} : vector<32xbf16> -> vector<16xf32>
        %unpack3A_439 = tpu.unpack_subelements %get3A_437, 1 {pack_format = #tpu.pack_format<interleaved>} : vector<32xbf16> -> vector<16xf32>
        %mul3A_440 = arith.mulf %unpack3A_438, %broadcast_in_dim3A_417 : vector<16xf32>
        %swap3A_441 = arith.index_cast %add3A_421 : i32 to index
        %swap3A_442 = arith.constant 32 : index
        %swap3A_443 = tpu.vector_load %arg14[%swap3A_441, %swap3A_442] {strides = array<i32>} : memref<128x64xf32, #tpu.memory_space<vmem>>, vector<16xf32>,
        tpu.vector_store %arg14[%swap3A_441, %swap3A_442], %mul3A_440 {strides = array<i32>} : memref<128x64xf32, #tpu.memory_space<vmem>>, vector<16xf32>,
        %mul3A_444 = arith.mulf %unpack3A_439, %broadcast_in_dim3A_417 : vector<16xf32>
        %swap3A_445 = arith.index_cast %add3A_421 : i32 to index
        %swap3A_446 = arith.constant 48 : index
        %swap3A_447 = tpu.vector_load %arg14[%swap3A_445, %swap3A_446] {strides = array<i32>} : memref<128x64xf32, #tpu.memory_space<vmem>>, vector<16xf32>,
        tpu.vector_store %arg14[%swap3A_445, %swap3A_446], %mul3A_444 {strides = array<i32>} : memref<128x64xf32, #tpu.memory_space<vmem>>, vector<16xf32>,
        %slice3A_448 = vector.extract_strided_slice %get3A_155 {offsets = [9], sizes = [1], strides = [1]} : vector<16xf32> to vector<1xf32>
        %squeeze3A_449 = vector.extract %slice3A_448[0] : f32 from vector<1xf32>
        %broadcast_in_dim3A_450 = vector.broadcast %squeeze3A_449 : f32 to vector<16xf32>
        %mul3A_451 = arith.constant 16 : i32
        %mul3A_452 = arith.muli %add3A_151, %mul3A_451 : i32
        %add3A_453 = arith.constant 9 : i32
        %add3A_454 = arith.addi %mul3A_452, %add3A_453 : i32
        %get3A_455 = arith.index_cast %add3A_454 : i32 to index
        %get3A_456 = arith.constant 0 : index
        %get3A_457 = tpu.vector_load %arg10[%get3A_455, %get3A_456] {strides = array<i32>} : memref<128x64xbf16, #tpu.memory_space<vmem>>, vector<32xbf16>,
        %unpack3A_458 = tpu.unpack_subelements %get3A_457, 0 {pack_format = #tpu.pack_format<interleaved>} : vector<32xbf16> -> vector<16xf32>
        %unpack3A_459 = tpu.unpack_subelements %get3A_457, 1 {pack_format = #tpu.pack_format<interleaved>} : vector<32xbf16> -> vector<16xf32>
        %mul3A_460 = arith.mulf %unpack3A_458, %broadcast_in_dim3A_450 : vector<16xf32>
        %swap3A_461 = arith.index_cast %add3A_454 : i32 to index
        %swap3A_462 = arith.constant 0 : index
        %swap3A_463 = tpu.vector_load %arg14[%swap3A_461, %swap3A_462] {strides = array<i32>} : memref<128x64xf32, #tpu.memory_space<vmem>>, vector<16xf32>,
        tpu.vector_store %arg14[%swap3A_461, %swap3A_462], %mul3A_460 {strides = array<i32>} : memref<128x64xf32, #tpu.memory_space<vmem>>, vector<16xf32>,
        %mul3A_464 = arith.mulf %unpack3A_459, %broadcast_in_dim3A_450 : vector<16xf32>
        %swap3A_465 = arith.index_cast %add3A_454 : i32 to index
        %swap3A_466 = arith.constant 16 : index
        %swap3A_467 = tpu.vector_load %arg14[%swap3A_465, %swap3A_466] {strides = array<i32>} : memref<128x64xf32, #tpu.memory_space<vmem>>, vector<16xf32>,
        tpu.vector_store %arg14[%swap3A_465, %swap3A_466], %mul3A_464 {strides = array<i32>} : memref<128x64xf32, #tpu.memory_space<vmem>>, vector<16xf32>,
        %get3A_468 = arith.index_cast %add3A_454 : i32 to index
        %get3A_469 = arith.constant 32 : index
        %get3A_470 = tpu.vector_load %arg10[%get3A_468, %get3A_469] {strides = array<i32>} : memref<128x64xbf16, #tpu.memory_space<vmem>>, vector<32xbf16>,
        %unpack3A_471 = tpu.unpack_subelements %get3A_470, 0 {pack_format = #tpu.pack_format<interleaved>} : vector<32xbf16> -> vector<16xf32>
        %unpack3A_472 = tpu.unpack_subelements %get3A_470, 1 {pack_format = #tpu.pack_format<interleaved>} : vector<32xbf16> -> vector<16xf32>
        %mul3A_473 = arith.mulf %unpack3A_471, %broadcast_in_dim3A_450 : vector<16xf32>
        %swap3A_474 = arith.index_cast %add3A_454 : i32 to index
        %swap3A_475 = arith.constant 32 : index
        %swap3A_476 = tpu.vector_load %arg14[%swap3A_474, %swap3A_475] {strides = array<i32>} : memref<128x64xf32, #tpu.memory_space<vmem>>, vector<16xf32>,
        tpu.vector_store %arg14[%swap3A_474, %swap3A_475], %mul3A_473 {strides = array<i32>} : memref<128x64xf32, #tpu.memory_space<vmem>>, vector<16xf32>,
        %mul3A_477 = arith.mulf %unpack3A_472, %broadcast_in_dim3A_450 : vector<16xf32>
        %swap3A_478 = arith.index_cast %add3A_454 : i32 to index
        %swap3A_479 = arith.constant 48 : index
        %swap3A_480 = tpu.vector_load %arg14[%swap3A_478, %swap3A_479] {strides = array<i32>} : memref<128x64xf32, #tpu.memory_space<vmem>>, vector<16xf32>,
        tpu.vector_store %arg14[%swap3A_478, %swap3A_479], %mul3A_477 {strides = array<i32>} : memref<128x64xf32, #tpu.memory_space<vmem>>, vector<16xf32>,
        %slice3A_481 = vector.extract_strided_slice %get3A_155 {offsets = [10], sizes = [1], strides = [1]} : vector<16xf32> to vector<1xf32>
        %squeeze3A_482 = vector.extract %slice3A_481[0] : f32 from vector<1xf32>
        %broadcast_in_dim3A_483 = vector.broadcast %squeeze3A_482 : f32 to vector<16xf32>
        %mul3A_484 = arith.constant 16 : i32
        %mul3A_485 = arith.muli %add3A_151, %mul3A_484 : i32
        %add3A_486 = arith.constant 10 : i32
        %add3A_487 = arith.addi %mul3A_485, %add3A_486 : i32
        %get3A_488 = arith.index_cast %add3A_487 : i32 to index
        %get3A_489 = arith.constant 0 : index
        %get3A_490 = tpu.vector_load %arg10[%get3A_488, %get3A_489] {strides = array<i32>} : memref<128x64xbf16, #tpu.memory_space<vmem>>, vector<32xbf16>,
        %unpack3A_491 = tpu.unpack_subelements %get3A_490, 0 {pack_format = #tpu.pack_format<interleaved>} : vector<32xbf16> -> vector<16xf32>
        %unpack3A_492 = tpu.unpack_subelements %get3A_490, 1 {pack_format = #tpu.pack_format<interleaved>} : vector<32xbf16> -> vector<16xf32>
        %mul3A_493 = arith.mulf %unpack3A_491, %broadcast_in_dim3A_483 : vector<16xf32>
        %swap3A_494 = arith.index_cast %add3A_487 : i32 to index
        %swap3A_495 = arith.constant 0 : index
        %swap3A_496 = tpu.vector_load %arg14[%swap3A_494, %swap3A_495] {strides = array<i32>} : memref<128x64xf32, #tpu.memory_space<vmem>>, vector<16xf32>,
        tpu.vector_store %arg14[%swap3A_494, %swap3A_495], %mul3A_493 {strides = array<i32>} : memref<128x64xf32, #tpu.memory_space<vmem>>, vector<16xf32>,
        %mul3A_497 = arith.mulf %unpack3A_492, %broadcast_in_dim3A_483 : vector<16xf32>
        %swap3A_498 = arith.index_cast %add3A_487 : i32 to index
        %swap3A_499 = arith.constant 16 : index
        %swap3A_500 = tpu.vector_load %arg14[%swap3A_498, %swap3A_499] {strides = array<i32>} : memref<128x64xf32, #tpu.memory_space<vmem>>, vector<16xf32>,
        tpu.vector_store %arg14[%swap3A_498, %swap3A_499], %mul3A_497 {strides = array<i32>} : memref<128x64xf32, #tpu.memory_space<vmem>>, vector<16xf32>,
        %get3A_501 = arith.index_cast %add3A_487 : i32 to index
        %get3A_502 = arith.constant 32 : index
        %get3A_503 = tpu.vector_load %arg10[%get3A_501, %get3A_502] {strides = array<i32>} : memref<128x64xbf16, #tpu.memory_space<vmem>>, vector<32xbf16>,
        %unpack3A_504 = tpu.unpack_subelements %get3A_503, 0 {pack_format = #tpu.pack_format<interleaved>} : vector<32xbf16> -> vector<16xf32>
        %unpack3A_505 = tpu.unpack_subelements %get3A_503, 1 {pack_format = #tpu.pack_format<interleaved>} : vector<32xbf16> -> vector<16xf32>
        %mul3A_506 = arith.mulf %unpack3A_504, %broadcast_in_dim3A_483 : vector<16xf32>
        %swap3A_507 = arith.index_cast %add3A_487 : i32 to index
        %swap3A_508 = arith.constant 32 : index
        %swap3A_509 = tpu.vector_load %arg14[%swap3A_507, %swap3A_508] {strides = array<i32>} : memref<128x64xf32, #tpu.memory_space<vmem>>, vector<16xf32>,
        tpu.vector_store %arg14[%swap3A_507, %swap3A_508], %mul3A_506 {strides = array<i32>} : memref<128x64xf32, #tpu.memory_space<vmem>>, vector<16xf32>,
        %mul3A_510 = arith.mulf %unpack3A_505, %broadcast_in_dim3A_483 : vector<16xf32>
        %swap3A_511 = arith.index_cast %add3A_487 : i32 to index
        %swap3A_512 = arith.constant 48 : index
        %swap3A_513 = tpu.vector_load %arg14[%swap3A_511, %swap3A_512] {strides = array<i32>} : memref<128x64xf32, #tpu.memory_space<vmem>>, vector<16xf32>,
        tpu.vector_store %arg14[%swap3A_511, %swap3A_512], %mul3A_510 {strides = array<i32>} : memref<128x64xf32, #tpu.memory_space<vmem>>, vector<16xf32>,
        %slice3A_514 = vector.extract_strided_slice %get3A_155 {offsets = [11], sizes = [1], strides = [1]} : vector<16xf32> to vector<1xf32>
        %squeeze3A_515 = vector.extract %slice3A_514[0] : f32 from vector<1xf32>
        %broadcast_in_dim3A_516 = vector.broadcast %squeeze3A_515 : f32 to vector<16xf32>
        %mul3A_517 = arith.constant 16 : i32
        %mul3A_518 = arith.muli %add3A_151, %mul3A_517 : i32
        %add3A_519 = arith.constant 11 : i32
        %add3A_520 = arith.addi %mul3A_518, %add3A_519 : i32
        %get3A_521 = arith.index_cast %add3A_520 : i32 to index
        %get3A_522 = arith.constant 0 : index
        %get3A_523 = tpu.vector_load %arg10[%get3A_521, %get3A_522] {strides = array<i32>} : memref<128x64xbf16, #tpu.memory_space<vmem>>, vector<32xbf16>,
        %unpack3A_524 = tpu.unpack_subelements %get3A_523, 0 {pack_format = #tpu.pack_format<interleaved>} : vector<32xbf16> -> vector<16xf32>
        %unpack3A_525 = tpu.unpack_subelements %get3A_523, 1 {pack_format = #tpu.pack_format<interleaved>} : vector<32xbf16> -> vector<16xf32>
        %mul3A_526 = arith.mulf %unpack3A_524, %broadcast_in_dim3A_516 : vector<16xf32>
        %swap3A_527 = arith.index_cast %add3A_520 : i32 to index
        %swap3A_528 = arith.constant 0 : index
        %swap3A_529 = tpu.vector_load %arg14[%swap3A_527, %swap3A_528] {strides = array<i32>} : memref<128x64xf32, #tpu.memory_space<vmem>>, vector<16xf32>,
        tpu.vector_store %arg14[%swap3A_527, %swap3A_528], %mul3A_526 {strides = array<i32>} : memref<128x64xf32, #tpu.memory_space<vmem>>, vector<16xf32>,
        %mul3A_530 = arith.mulf %unpack3A_525, %broadcast_in_dim3A_516 : vector<16xf32>
        %swap3A_531 = arith.index_cast %add3A_520 : i32 to index
        %swap3A_532 = arith.constant 16 : index
        %swap3A_533 = tpu.vector_load %arg14[%swap3A_531, %swap3A_532] {strides = array<i32>} : memref<128x64xf32, #tpu.memory_space<vmem>>, vector<16xf32>,
        tpu.vector_store %arg14[%swap3A_531, %swap3A_532], %mul3A_530 {strides = array<i32>} : memref<128x64xf32, #tpu.memory_space<vmem>>, vector<16xf32>,
        %get3A_534 = arith.index_cast %add3A_520 : i32 to index
        %get3A_535 = arith.constant 32 : index
        %get3A_536 = tpu.vector_load %arg10[%get3A_534, %get3A_535] {strides = array<i32>} : memref<128x64xbf16, #tpu.memory_space<vmem>>, vector<32xbf16>,
        %unpack3A_537 = tpu.unpack_subelements %get3A_536, 0 {pack_format = #tpu.pack_format<interleaved>} : vector<32xbf16> -> vector<16xf32>
        %unpack3A_538 = tpu.unpack_subelements %get3A_536, 1 {pack_format = #tpu.pack_format<interleaved>} : vector<32xbf16> -> vector<16xf32>
        %mul3A_539 = arith.mulf %unpack3A_537, %broadcast_in_dim3A_516 : vector<16xf32>
        %swap3A_540 = arith.index_cast %add3A_520 : i32 to index
        %swap3A_541 = arith.constant 32 : index
        %swap3A_542 = tpu.vector_load %arg14[%swap3A_540, %swap3A_541] {strides = array<i32>} : memref<128x64xf32, #tpu.memory_space<vmem>>, vector<16xf32>,
        tpu.vector_store %arg14[%swap3A_540, %swap3A_541], %mul3A_539 {strides = array<i32>} : memref<128x64xf32, #tpu.memory_space<vmem>>, vector<16xf32>,
        %mul3A_543 = arith.mulf %unpack3A_538, %broadcast_in_dim3A_516 : vector<16xf32>
        %swap3A_544 = arith.index_cast %add3A_520 : i32 to index
        %swap3A_545 = arith.constant 48 : index
        %swap3A_546 = tpu.vector_load %arg14[%swap3A_544, %swap3A_545] {strides = array<i32>} : memref<128x64xf32, #tpu.memory_space<vmem>>, vector<16xf32>,
        tpu.vector_store %arg14[%swap3A_544, %swap3A_545], %mul3A_543 {strides = array<i32>} : memref<128x64xf32, #tpu.memory_space<vmem>>, vector<16xf32>,
        %slice3A_547 = vector.extract_strided_slice %get3A_155 {offsets = [12], sizes = [1], strides = [1]} : vector<16xf32> to vector<1xf32>
        %squeeze3A_548 = vector.extract %slice3A_547[0] : f32 from vector<1xf32>
        %broadcast_in_dim3A_549 = vector.broadcast %squeeze3A_548 : f32 to vector<16xf32>
        %mul3A_550 = arith.constant 16 : i32
        %mul3A_551 = arith.muli %add3A_151, %mul3A_550 : i32
        %add3A_552 = arith.constant 12 : i32
        %add3A_553 = arith.addi %mul3A_551, %add3A_552 : i32
        %get3A_554 = arith.index_cast %add3A_553 : i32 to index
        %get3A_555 = arith.constant 0 : index
        %get3A_556 = tpu.vector_load %arg10[%get3A_554, %get3A_555] {strides = array<i32>} : memref<128x64xbf16, #tpu.memory_space<vmem>>, vector<32xbf16>,
        %unpack3A_557 = tpu.unpack_subelements %get3A_556, 0 {pack_format = #tpu.pack_format<interleaved>} : vector<32xbf16> -> vector<16xf32>
        %unpack3A_558 = tpu.unpack_subelements %get3A_556, 1 {pack_format = #tpu.pack_format<interleaved>} : vector<32xbf16> -> vector<16xf32>
        %mul3A_559 = arith.mulf %unpack3A_557, %broadcast_in_dim3A_549 : vector<16xf32>
        %swap3A_560 = arith.index_cast %add3A_553 : i32 to index
        %swap3A_561 = arith.constant 0 : index
        %swap3A_562 = tpu.vector_load %arg14[%swap3A_560, %swap3A_561] {strides = array<i32>} : memref<128x64xf32, #tpu.memory_space<vmem>>, vector<16xf32>,
        tpu.vector_store %arg14[%swap3A_560, %swap3A_561], %mul3A_559 {strides = array<i32>} : memref<128x64xf32, #tpu.memory_space<vmem>>, vector<16xf32>,
        %mul3A_563 = arith.mulf %unpack3A_558, %broadcast_in_dim3A_549 : vector<16xf32>
        %swap3A_564 = arith.index_cast %add3A_553 : i32 to index
        %swap3A_565 = arith.constant 16 : index
        %swap3A_566 = tpu.vector_load %arg14[%swap3A_564, %swap3A_565] {strides = array<i32>} : memref<128x64xf32, #tpu.memory_space<vmem>>, vector<16xf32>,
        tpu.vector_store %arg14[%swap3A_564, %swap3A_565], %mul3A_563 {strides = array<i32>} : memref<128x64xf32, #tpu.memory_space<vmem>>, vector<16xf32>,
        %get3A_567 = arith.index_cast %add3A_553 : i32 to index
        %get3A_568 = arith.constant 32 : index
        %get3A_569 = tpu.vector_load %arg10[%get3A_567, %get3A_568] {strides = array<i32>} : memref<128x64xbf16, #tpu.memory_space<vmem>>, vector<32xbf16>,
        %unpack3A_570 = tpu.unpack_subelements %get3A_569, 0 {pack_format = #tpu.pack_format<interleaved>} : vector<32xbf16> -> vector<16xf32>
        %unpack3A_571 = tpu.unpack_subelements %get3A_569, 1 {pack_format = #tpu.pack_format<interleaved>} : vector<32xbf16> -> vector<16xf32>
        %mul3A_572 = arith.mulf %unpack3A_570, %broadcast_in_dim3A_549 : vector<16xf32>
        %swap3A_573 = arith.index_cast %add3A_553 : i32 to index
        %swap3A_574 = arith.constant 32 : index
        %swap3A_575 = tpu.vector_load %arg14[%swap3A_573, %swap3A_574] {strides = array<i32>} : memref<128x64xf32, #tpu.memory_space<vmem>>, vector<16xf32>,
        tpu.vector_store %arg14[%swap3A_573, %swap3A_574], %mul3A_572 {strides = array<i32>} : memref<128x64xf32, #tpu.memory_space<vmem>>, vector<16xf32>,
        %mul3A_576 = arith.mulf %unpack3A_571, %broadcast_in_dim3A_549 : vector<16xf32>
        %swap3A_577 = arith.index_cast %add3A_553 : i32 to index
        %swap3A_578 = arith.constant 48 : index
        %swap3A_579 = tpu.vector_load %arg14[%swap3A_577, %swap3A_578] {strides = array<i32>} : memref<128x64xf32, #tpu.memory_space<vmem>>, vector<16xf32>,
        tpu.vector_store %arg14[%swap3A_577, %swap3A_578], %mul3A_576 {strides = array<i32>} : memref<128x64xf32, #tpu.memory_space<vmem>>, vector<16xf32>,
        %slice3A_580 = vector.extract_strided_slice %get3A_155 {offsets = [13], sizes = [1], strides = [1]} : vector<16xf32> to vector<1xf32>
        %squeeze3A_581 = vector.extract %slice3A_580[0] : f32 from vector<1xf32>
        %broadcast_in_dim3A_582 = vector.broadcast %squeeze3A_581 : f32 to vector<16xf32>
        %mul3A_583 = arith.constant 16 : i32
        %mul3A_584 = arith.muli %add3A_151, %mul3A_583 : i32
        %add3A_585 = arith.constant 13 : i32
        %add3A_586 = arith.addi %mul3A_584, %add3A_585 : i32
        %get3A_587 = arith.index_cast %add3A_586 : i32 to index
        %get3A_588 = arith.constant 0 : index
        %get3A_589 = tpu.vector_load %arg10[%get3A_587, %get3A_588] {strides = array<i32>} : memref<128x64xbf16, #tpu.memory_space<vmem>>, vector<32xbf16>,
        %unpack3A_590 = tpu.unpack_subelements %get3A_589, 0 {pack_format = #tpu.pack_format<interleaved>} : vector<32xbf16> -> vector<16xf32>
        %unpack3A_591 = tpu.unpack_subelements %get3A_589, 1 {pack_format = #tpu.pack_format<interleaved>} : vector<32xbf16> -> vector<16xf32>
        %mul3A_592 = arith.mulf %unpack3A_590, %broadcast_in_dim3A_582 : vector<16xf32>
        %swap3A_593 = arith.index_cast %add3A_586 : i32 to index
        %swap3A_594 = arith.constant 0 : index
        %swap3A_595 = tpu.vector_load %arg14[%swap3A_593, %swap3A_594] {strides = array<i32>} : memref<128x64xf32, #tpu.memory_space<vmem>>, vector<16xf32>,
        tpu.vector_store %arg14[%swap3A_593, %swap3A_594], %mul3A_592 {strides = array<i32>} : memref<128x64xf32, #tpu.memory_space<vmem>>, vector<16xf32>,
        %mul3A_596 = arith.mulf %unpack3A_591, %broadcast_in_dim3A_582 : vector<16xf32>
        %swap3A_597 = arith.index_cast %add3A_586 : i32 to index
        %swap3A_598 = arith.constant 16 : index
        %swap3A_599 = tpu.vector_load %arg14[%swap3A_597, %swap3A_598] {strides = array<i32>} : memref<128x64xf32, #tpu.memory_space<vmem>>, vector<16xf32>,
        tpu.vector_store %arg14[%swap3A_597, %swap3A_598], %mul3A_596 {strides = array<i32>} : memref<128x64xf32, #tpu.memory_space<vmem>>, vector<16xf32>,
        %get3A_600 = arith.index_cast %add3A_586 : i32 to index
        %get3A_601 = arith.constant 32 : index
        %get3A_602 = tpu.vector_load %arg10[%get3A_600, %get3A_601] {strides = array<i32>} : memref<128x64xbf16, #tpu.memory_space<vmem>>, vector<32xbf16>,
        %unpack3A_603 = tpu.unpack_subelements %get3A_602, 0 {pack_format = #tpu.pack_format<interleaved>} : vector<32xbf16> -> vector<16xf32>
        %unpack3A_604 = tpu.unpack_subelements %get3A_602, 1 {pack_format = #tpu.pack_format<interleaved>} : vector<32xbf16> -> vector<16xf32>
        %mul3A_605 = arith.mulf %unpack3A_603, %broadcast_in_dim3A_582 : vector<16xf32>
        %swap3A_606 = arith.index_cast %add3A_586 : i32 to index
        %swap3A_607 = arith.constant 32 : index
        %swap3A_608 = tpu.vector_load %arg14[%swap3A_606, %swap3A_607] {strides = array<i32>} : memref<128x64xf32, #tpu.memory_space<vmem>>, vector<16xf32>,
        tpu.vector_store %arg14[%swap3A_606, %swap3A_607], %mul3A_605 {strides = array<i32>} : memref<128x64xf32, #tpu.memory_space<vmem>>, vector<16xf32>,
        %mul3A_609 = arith.mulf %unpack3A_604, %broadcast_in_dim3A_582 : vector<16xf32>
        %swap3A_610 = arith.index_cast %add3A_586 : i32 to index
        %swap3A_611 = arith.constant 48 : index
        %swap3A_612 = tpu.vector_load %arg14[%swap3A_610, %swap3A_611] {strides = array<i32>} : memref<128x64xf32, #tpu.memory_space<vmem>>, vector<16xf32>,
        tpu.vector_store %arg14[%swap3A_610, %swap3A_611], %mul3A_609 {strides = array<i32>} : memref<128x64xf32, #tpu.memory_space<vmem>>, vector<16xf32>,
        %slice3A_613 = vector.extract_strided_slice %get3A_155 {offsets = [14], sizes = [1], strides = [1]} : vector<16xf32> to vector<1xf32>
        %squeeze3A_614 = vector.extract %slice3A_613[0] : f32 from vector<1xf32>
        %broadcast_in_dim3A_615 = vector.broadcast %squeeze3A_614 : f32 to vector<16xf32>
        %mul3A_616 = arith.constant 16 : i32
        %mul3A_617 = arith.muli %add3A_151, %mul3A_616 : i32
        %add3A_618 = arith.constant 14 : i32
        %add3A_619 = arith.addi %mul3A_617, %add3A_618 : i32
        %get3A_620 = arith.index_cast %add3A_619 : i32 to index
        %get3A_621 = arith.constant 0 : index
        %get3A_622 = tpu.vector_load %arg10[%get3A_620, %get3A_621] {strides = array<i32>} : memref<128x64xbf16, #tpu.memory_space<vmem>>, vector<32xbf16>,
        %unpack3A_623 = tpu.unpack_subelements %get3A_622, 0 {pack_format = #tpu.pack_format<interleaved>} : vector<32xbf16> -> vector<16xf32>
        %unpack3A_624 = tpu.unpack_subelements %get3A_622, 1 {pack_format = #tpu.pack_format<interleaved>} : vector<32xbf16> -> vector<16xf32>
        %mul3A_625 = arith.mulf %unpack3A_623, %broadcast_in_dim3A_615 : vector<16xf32>
        %swap3A_626 = arith.index_cast %add3A_619 : i32 to index
        %swap3A_627 = arith.constant 0 : index
        %swap3A_628 = tpu.vector_load %arg14[%swap3A_626, %swap3A_627] {strides = array<i32>} : memref<128x64xf32, #tpu.memory_space<vmem>>, vector<16xf32>,
        tpu.vector_store %arg14[%swap3A_626, %swap3A_627], %mul3A_625 {strides = array<i32>} : memref<128x64xf32, #tpu.memory_space<vmem>>, vector<16xf32>,
        %mul3A_629 = arith.mulf %unpack3A_624, %broadcast_in_dim3A_615 : vector<16xf32>
        %swap3A_630 = arith.index_cast %add3A_619 : i32 to index
        %swap3A_631 = arith.constant 16 : index
        %swap3A_632 = tpu.vector_load %arg14[%swap3A_630, %swap3A_631] {strides = array<i32>} : memref<128x64xf32, #tpu.memory_space<vmem>>, vector<16xf32>,
        tpu.vector_store %arg14[%swap3A_630, %swap3A_631], %mul3A_629 {strides = array<i32>} : memref<128x64xf32, #tpu.memory_space<vmem>>, vector<16xf32>,
        %get3A_633 = arith.index_cast %add3A_619 : i32 to index
        %get3A_634 = arith.constant 32 : index
        %get3A_635 = tpu.vector_load %arg10[%get3A_633, %get3A_634] {strides = array<i32>} : memref<128x64xbf16, #tpu.memory_space<vmem>>, vector<32xbf16>,
        %unpack3A_636 = tpu.unpack_subelements %get3A_635, 0 {pack_format = #tpu.pack_format<interleaved>} : vector<32xbf16> -> vector<16xf32>
        %unpack3A_637 = tpu.unpack_subelements %get3A_635, 1 {pack_format = #tpu.pack_format<interleaved>} : vector<32xbf16> -> vector<16xf32>
        %mul3A_638 = arith.mulf %unpack3A_636, %broadcast_in_dim3A_615 : vector<16xf32>
        %swap3A_639 = arith.index_cast %add3A_619 : i32 to index
        %swap3A_640 = arith.constant 32 : index
        %swap3A_641 = tpu.vector_load %arg14[%swap3A_639, %swap3A_640] {strides = array<i32>} : memref<128x64xf32, #tpu.memory_space<vmem>>, vector<16xf32>,
        tpu.vector_store %arg14[%swap3A_639, %swap3A_640], %mul3A_638 {strides = array<i32>} : memref<128x64xf32, #tpu.memory_space<vmem>>, vector<16xf32>,
        %mul3A_642 = arith.mulf %unpack3A_637, %broadcast_in_dim3A_615 : vector<16xf32>
        %swap3A_643 = arith.index_cast %add3A_619 : i32 to index
        %swap3A_644 = arith.constant 48 : index
        %swap3A_645 = tpu.vector_load %arg14[%swap3A_643, %swap3A_644] {strides = array<i32>} : memref<128x64xf32, #tpu.memory_space<vmem>>, vector<16xf32>,
        tpu.vector_store %arg14[%swap3A_643, %swap3A_644], %mul3A_642 {strides = array<i32>} : memref<128x64xf32, #tpu.memory_space<vmem>>, vector<16xf32>,
        %slice3A_646 = vector.extract_strided_slice %get3A_155 {offsets = [15], sizes = [1], strides = [1]} : vector<16xf32> to vector<1xf32>
        %squeeze3A_647 = vector.extract %slice3A_646[0] : f32 from vector<1xf32>
        %broadcast_in_dim3A_648 = vector.broadcast %squeeze3A_647 : f32 to vector<16xf32>
        %mul3A_649 = arith.constant 16 : i32
        %mul3A_650 = arith.muli %add3A_151, %mul3A_649 : i32
        %add3A_651 = arith.constant 15 : i32
        %add3A_652 = arith.addi %mul3A_650, %add3A_651 : i32
        %get3A_653 = arith.index_cast %add3A_652 : i32 to index
        %get3A_654 = arith.constant 0 : index
        %get3A_655 = tpu.vector_load %arg10[%get3A_653, %get3A_654] {strides = array<i32>} : memref<128x64xbf16, #tpu.memory_space<vmem>>, vector<32xbf16>,
        %unpack3A_656 = tpu.unpack_subelements %get3A_655, 0 {pack_format = #tpu.pack_format<interleaved>} : vector<32xbf16> -> vector<16xf32>
        %unpack3A_657 = tpu.unpack_subelements %get3A_655, 1 {pack_format = #tpu.pack_format<interleaved>} : vector<32xbf16> -> vector<16xf32>
        %mul3A_658 = arith.mulf %unpack3A_656, %broadcast_in_dim3A_648 : vector<16xf32>
        %swap3A_659 = arith.index_cast %add3A_652 : i32 to index
        %swap3A_660 = arith.constant 0 : index
        %swap3A_661 = tpu.vector_load %arg14[%swap3A_659, %swap3A_660] {strides = array<i32>} : memref<128x64xf32, #tpu.memory_space<vmem>>, vector<16xf32>,
        tpu.vector_store %arg14[%swap3A_659, %swap3A_660], %mul3A_658 {strides = array<i32>} : memref<128x64xf32, #tpu.memory_space<vmem>>, vector<16xf32>,
        %mul3A_662 = arith.mulf %unpack3A_657, %broadcast_in_dim3A_648 : vector<16xf32>
        %swap3A_663 = arith.index_cast %add3A_652 : i32 to index
        %swap3A_664 = arith.constant 16 : index
        %swap3A_665 = tpu.vector_load %arg14[%swap3A_663, %swap3A_664] {strides = array<i32>} : memref<128x64xf32, #tpu.memory_space<vmem>>, vector<16xf32>,
        tpu.vector_store %arg14[%swap3A_663, %swap3A_664], %mul3A_662 {strides = array<i32>} : memref<128x64xf32, #tpu.memory_space<vmem>>, vector<16xf32>,
        %get3A_666 = arith.index_cast %add3A_652 : i32 to index
        %get3A_667 = arith.constant 32 : index
        %get3A_668 = tpu.vector_load %arg10[%get3A_666, %get3A_667] {strides = array<i32>} : memref<128x64xbf16, #tpu.memory_space<vmem>>, vector<32xbf16>,
        %unpack3A_669 = tpu.unpack_subelements %get3A_668, 0 {pack_format = #tpu.pack_format<interleaved>} : vector<32xbf16> -> vector<16xf32>
        %unpack3A_670 = tpu.unpack_subelements %get3A_668, 1 {pack_format = #tpu.pack_format<interleaved>} : vector<32xbf16> -> vector<16xf32>
        %mul3A_671 = arith.mulf %unpack3A_669, %broadcast_in_dim3A_648 : vector<16xf32>
        %swap3A_672 = arith.index_cast %add3A_652 : i32 to index
        %swap3A_673 = arith.constant 32 : index
        %swap3A_674 = tpu.vector_load %arg14[%swap3A_672, %swap3A_673] {strides = array<i32>} : memref<128x64xf32, #tpu.memory_space<vmem>>, vector<16xf32>,
        tpu.vector_store %arg14[%swap3A_672, %swap3A_673], %mul3A_671 {strides = array<i32>} : memref<128x64xf32, #tpu.memory_space<vmem>>, vector<16xf32>,
        %mul3A_675 = arith.mulf %unpack3A_670, %broadcast_in_dim3A_648 : vector<16xf32>
        %swap3A_676 = arith.index_cast %add3A_652 : i32 to index
        %swap3A_677 = arith.constant 48 : index
        %swap3A_678 = tpu.vector_load %arg14[%swap3A_676, %swap3A_677] {strides = array<i32>} : memref<128x64xf32, #tpu.memory_space<vmem>>, vector<16xf32>,
        tpu.vector_store %arg14[%swap3A_676, %swap3A_677], %mul3A_675 {strides = array<i32>} : memref<128x64xf32, #tpu.memory_space<vmem>>, vector<16xf32>,
      }
      %scan3A_71 = arith.constant 8 : i32
      "tpu.region"() ({
        %run_scoped3A = tpu.sem_alloc : memref<!tpu.dma_semaphore, #tpu.memory_space<semaphore_mem>>
        %dma_start3A_147 = arith.constant 0 : i32
        %dma_start3A_148 = tpu.memref_slice %arg8[%add3A_56, %dma_start3A_147] : memref<80x128xi32, #tpu.memory_space<vmem>> -> memref<1x128xi32, #tpu.memory_space<vmem>>
        %dma_start3A_149 = tpu.memref_squeeze %dma_start3A_148 : memref<1x128xi32, #tpu.memory_space<vmem>> -> memref<128xi32, #tpu.memory_space<vmem>>
        %dma_start3A_150 = arith.constant 0 : i32
        %dma_start3A_151 = arith.constant 0 : i32
        %dma_start3A_152 = tpu.memref_slice %arg18[%dma_start3A_150, %dma_start3A_151] : memref<10112x64xf32, #tpu.memory_space<vmem_shared>> -> memref<10112x64xf32, #tpu.memory_space<vmem_shared>>
        tpu.enqueue_indirect_dma source(%arg14 : memref<128x64xf32, #tpu.memory_space<vmem>>) target(%dma_start3A_152 : memref<10112x64xf32, #tpu.memory_space<vmem_shared>>) offsets(%dma_start3A_149 : memref<128xi32, #tpu.memory_space<vmem>>) semaphore(%run_scoped3A : memref<!tpu.dma_semaphore, #tpu.memory_space<semaphore_mem>>) {add = true}
        %dma_wait3A_153 = arith.constant 0 : i32
        %dma_wait3A_154 = tpu.memref_slice %arg8[%add3A_56, %dma_wait3A_153] : memref<80x128xi32, #tpu.memory_space<vmem>> -> memref<1x128xi32, #tpu.memory_space<vmem>>
        %dma_wait3A_155 = tpu.memref_squeeze %dma_wait3A_154 : memref<1x128xi32, #tpu.memory_space<vmem>> -> memref<128xi32, #tpu.memory_space<vmem>>
        %dma_wait3A_156 = arith.constant 0 : i32
        %dma_wait3A_157 = arith.constant 0 : i32
        %dma_wait3A_158 = tpu.memref_slice %arg18[%dma_wait3A_156, %dma_wait3A_157] : memref<10112x64xf32, #tpu.memory_space<vmem_shared>> -> memref<10112x64xf32, #tpu.memory_space<vmem_shared>>
        tpu.wait_indirect_dma semaphore(%run_scoped3A : memref<!tpu.dma_semaphore, #tpu.memory_space<semaphore_mem>>) src(%arg14 : memref<128x64xf32, #tpu.memory_space<vmem>>) dst(%dma_wait3A_158 : memref<10112x64xf32, #tpu.memory_space<vmem_shared>>)
        tpu.yield
      }) : () -> ()
      %mul3A_72 = arith.constant 4 : i32
      %mul3A_73 = arith.muli %add3A_52, %mul3A_72 : i32
      %add3A_74 = arith.constant 1 : i32
      %add3A_75 = arith.addi %mul3A_73, %add3A_74 : i32
      %ge3A_76 = arith.constant 2 : i32
      %ge3A_77 = arith.cmpi sge, %add3A_75, %ge3A_76 : i32
      %add3A_78 = arith.constant 2 : i32
      %add3A_79 = arith.addi %add3A_75, %add3A_78 : i32
      %lt3A_80 = arith.constant 80 : i32
      %lt3A_81 = arith.cmpi slt, %add3A_79, %lt3A_80 : i32
      %and3A_82 = arith.andi %ge3A_77, %lt3A_81 : i1
      %convert_element_type3A_83 = arith.extui %and3A_82 : i1 to i32
      %cond3A_84 = arith.constant 0 : i32
      %cond3A_85 = arith.cmpi ne, %convert_element_type3A_83, %cond3A_84 : i32
      scf.if %cond3A_85 {
        %add3A_147 = arith.constant 2 : i32
        %add3A_148 = arith.addi %add3A_75, %add3A_147 : i32
        %dma_start3A_149 = arith.constant 0 : i32
        %dma_start3A_150 = tpu.memref_slice %arg7[%add3A_148, %dma_start3A_149] : memref<80x128xi32, #tpu.memory_space<vmem>> -> memref<1x128xi32, #tpu.memory_space<vmem>>
        %dma_start3A_151 = tpu.memref_squeeze %dma_start3A_150 : memref<1x128xi32, #tpu.memory_space<vmem>> -> memref<128xi32, #tpu.memory_space<vmem>>
        %dma_start3A_152 = arith.constant 0 : i32
        %dma_start3A_153 = arith.constant 0 : i32
        %dma_start3A_154 = tpu.memref_slice %arg2[%dma_start3A_152, %dma_start3A_153] : memref<10112x64xbf16, #tpu.memory_space<hbm>> -> memref<10112x64xbf16, #tpu.memory_space<hbm>>
        tpu.enqueue_indirect_dma source(%dma_start3A_154 : memref<10112x64xbf16, #tpu.memory_space<hbm>>) target(%arg13 : memref<128x64xbf16, #tpu.memory_space<vmem>>) offsets(%dma_start3A_151 : memref<128xi32, #tpu.memory_space<vmem>>) semaphore(%arg22 : memref<!tpu.dma_semaphore, #tpu.memory_space<semaphore_mem>>)
      } else {
      }
      %dma_wait3A_86 = arith.constant 0 : i32
      %dma_wait3A_87 = tpu.memref_slice %arg7[%add3A_75, %dma_wait3A_86] : memref<80x128xi32, #tpu.memory_space<vmem>> -> memref<1x128xi32, #tpu.memory_space<vmem>>
      %dma_wait3A_88 = tpu.memref_squeeze %dma_wait3A_87 : memref<1x128xi32, #tpu.memory_space<vmem>> -> memref<128xi32, #tpu.memory_space<vmem>>
      %dma_wait3A_89 = arith.constant 0 : i32
      %dma_wait3A_90 = arith.constant 0 : i32
      %dma_wait3A_91 = tpu.memref_slice %arg2[%dma_wait3A_89, %dma_wait3A_90] : memref<10112x64xbf16, #tpu.memory_space<hbm>> -> memref<10112x64xbf16, #tpu.memory_space<hbm>>
      tpu.wait_indirect_dma semaphore(%arg20 : memref<!tpu.dma_semaphore, #tpu.memory_space<semaphore_mem>>) src(%dma_wait3A_91 : memref<10112x64xbf16, #tpu.memory_space<hbm>>) dst(%arg11 : memref<128x64xbf16, #tpu.memory_space<vmem>>)
      %scan3A_92 = arith.constant 0 : i32
      %scan3A_93 = arith.constant 8 : i32
      %scan3A_94 = arith.addi %scan3A_92, %scan3A_93 : i32
      %scan3A_95 = arith.constant 1 : i32
      scf.for %scan3A_147 = %scan3A_92 to %scan3A_94 step %scan3A_95  : i32 {
        %mul3A_148 = arith.constant 1 : i32
        %mul3A_149 = arith.muli %scan3A_147, %mul3A_148 : i32
        %add3A_150 = arith.constant 0 : i32
        %add3A_151 = arith.addi %add3A_150, %mul3A_149 : i32
        %mul3A_152 = arith.constant 16 : i32
        %mul3A_153 = arith.muli %add3A_151, %mul3A_152 : i32
        %get3A = arith.index_cast %add3A_75 : i32 to index
        %get3A_154 = arith.index_cast %mul3A_153 : i32 to index
        %get3A_155 = tpu.vector_load %arg9[%get3A, %get3A_154] {strides = array<i32>} : memref<80x128xf32, #tpu.memory_space<vmem>>, vector<16xf32>,
        %slice3A = vector.extract_strided_slice %get3A_155 {offsets = [0], sizes = [1], strides = [1]} : vector<16xf32> to vector<1xf32>
        %squeeze3A = vector.extract %slice3A[0] : f32 from vector<1xf32>
        %broadcast_in_dim3A = vector.broadcast %squeeze3A : f32 to vector<16xf32>
        %mul3A_156 = arith.constant 16 : i32
        %mul3A_157 = arith.muli %add3A_151, %mul3A_156 : i32
        %add3A_158 = arith.constant 0 : i32
        %add3A_159 = arith.addi %mul3A_157, %add3A_158 : i32
        %get3A_160 = arith.index_cast %add3A_159 : i32 to index
        %get3A_161 = arith.constant 0 : index
        %get3A_162 = tpu.vector_load %arg11[%get3A_160, %get3A_161] {strides = array<i32>} : memref<128x64xbf16, #tpu.memory_space<vmem>>, vector<32xbf16>,
        %unpack3A = tpu.unpack_subelements %get3A_162, 0 {pack_format = #tpu.pack_format<interleaved>} : vector<32xbf16> -> vector<16xf32>
        %unpack3A_163 = tpu.unpack_subelements %get3A_162, 1 {pack_format = #tpu.pack_format<interleaved>} : vector<32xbf16> -> vector<16xf32>
        %mul3A_164 = arith.mulf %unpack3A, %broadcast_in_dim3A : vector<16xf32>
        %swap3A = arith.index_cast %add3A_159 : i32 to index
        %swap3A_165 = arith.constant 0 : index
        %swap3A_166 = tpu.vector_load %arg15[%swap3A, %swap3A_165] {strides = array<i32>} : memref<128x64xf32, #tpu.memory_space<vmem>>, vector<16xf32>,
        tpu.vector_store %arg15[%swap3A, %swap3A_165], %mul3A_164 {strides = array<i32>} : memref<128x64xf32, #tpu.memory_space<vmem>>, vector<16xf32>,
        %mul3A_167 = arith.mulf %unpack3A_163, %broadcast_in_dim3A : vector<16xf32>
        %swap3A_168 = arith.index_cast %add3A_159 : i32 to index
        %swap3A_169 = arith.constant 16 : index
        %swap3A_170 = tpu.vector_load %arg15[%swap3A_168, %swap3A_169] {strides = array<i32>} : memref<128x64xf32, #tpu.memory_space<vmem>>, vector<16xf32>,
        tpu.vector_store %arg15[%swap3A_168, %swap3A_169], %mul3A_167 {strides = array<i32>} : memref<128x64xf32, #tpu.memory_space<vmem>>, vector<16xf32>,
        %get3A_171 = arith.index_cast %add3A_159 : i32 to index
        %get3A_172 = arith.constant 32 : index
        %get3A_173 = tpu.vector_load %arg11[%get3A_171, %get3A_172] {strides = array<i32>} : memref<128x64xbf16, #tpu.memory_space<vmem>>, vector<32xbf16>,
        %unpack3A_174 = tpu.unpack_subelements %get3A_173, 0 {pack_format = #tpu.pack_format<interleaved>} : vector<32xbf16> -> vector<16xf32>
        %unpack3A_175 = tpu.unpack_subelements %get3A_173, 1 {pack_format = #tpu.pack_format<interleaved>} : vector<32xbf16> -> vector<16xf32>
        %mul3A_176 = arith.mulf %unpack3A_174, %broadcast_in_dim3A : vector<16xf32>
        %swap3A_177 = arith.index_cast %add3A_159 : i32 to index
        %swap3A_178 = arith.constant 32 : index
        %swap3A_179 = tpu.vector_load %arg15[%swap3A_177, %swap3A_178] {strides = array<i32>} : memref<128x64xf32, #tpu.memory_space<vmem>>, vector<16xf32>,
        tpu.vector_store %arg15[%swap3A_177, %swap3A_178], %mul3A_176 {strides = array<i32>} : memref<128x64xf32, #tpu.memory_space<vmem>>, vector<16xf32>,
        %mul3A_180 = arith.mulf %unpack3A_175, %broadcast_in_dim3A : vector<16xf32>
        %swap3A_181 = arith.index_cast %add3A_159 : i32 to index
        %swap3A_182 = arith.constant 48 : index
        %swap3A_183 = tpu.vector_load %arg15[%swap3A_181, %swap3A_182] {strides = array<i32>} : memref<128x64xf32, #tpu.memory_space<vmem>>, vector<16xf32>,
        tpu.vector_store %arg15[%swap3A_181, %swap3A_182], %mul3A_180 {strides = array<i32>} : memref<128x64xf32, #tpu.memory_space<vmem>>, vector<16xf32>,
        %slice3A_184 = vector.extract_strided_slice %get3A_155 {offsets = [1], sizes = [1], strides = [1]} : vector<16xf32> to vector<1xf32>
        %squeeze3A_185 = vector.extract %slice3A_184[0] : f32 from vector<1xf32>
        %broadcast_in_dim3A_186 = vector.broadcast %squeeze3A_185 : f32 to vector<16xf32>
        %mul3A_187 = arith.constant 16 : i32
        %mul3A_188 = arith.muli %add3A_151, %mul3A_187 : i32
        %add3A_189 = arith.constant 1 : i32
        %add3A_190 = arith.addi %mul3A_188, %add3A_189 : i32
        %get3A_191 = arith.index_cast %add3A_190 : i32 to index
        %get3A_192 = arith.constant 0 : index
        %get3A_193 = tpu.vector_load %arg11[%get3A_191, %get3A_192] {strides = array<i32>} : memref<128x64xbf16, #tpu.memory_space<vmem>>, vector<32xbf16>,
        %unpack3A_194 = tpu.unpack_subelements %get3A_193, 0 {pack_format = #tpu.pack_format<interleaved>} : vector<32xbf16> -> vector<16xf32>
        %unpack3A_195 = tpu.unpack_subelements %get3A_193, 1 {pack_format = #tpu.pack_format<interleaved>} : vector<32xbf16> -> vector<16xf32>
        %mul3A_196 = arith.mulf %unpack3A_194, %broadcast_in_dim3A_186 : vector<16xf32>
        %swap3A_197 = arith.index_cast %add3A_190 : i32 to index
        %swap3A_198 = arith.constant 0 : index
        %swap3A_199 = tpu.vector_load %arg15[%swap3A_197, %swap3A_198] {strides = array<i32>} : memref<128x64xf32, #tpu.memory_space<vmem>>, vector<16xf32>,
        tpu.vector_store %arg15[%swap3A_197, %swap3A_198], %mul3A_196 {strides = array<i32>} : memref<128x64xf32, #tpu.memory_space<vmem>>, vector<16xf32>,
        %mul3A_200 = arith.mulf %unpack3A_195, %broadcast_in_dim3A_186 : vector<16xf32>
        %swap3A_201 = arith.index_cast %add3A_190 : i32 to index
        %swap3A_202 = arith.constant 16 : index
        %swap3A_203 = tpu.vector_load %arg15[%swap3A_201, %swap3A_202] {strides = array<i32>} : memref<128x64xf32, #tpu.memory_space<vmem>>, vector<16xf32>,
        tpu.vector_store %arg15[%swap3A_201, %swap3A_202], %mul3A_200 {strides = array<i32>} : memref<128x64xf32, #tpu.memory_space<vmem>>, vector<16xf32>,
        %get3A_204 = arith.index_cast %add3A_190 : i32 to index
        %get3A_205 = arith.constant 32 : index
        %get3A_206 = tpu.vector_load %arg11[%get3A_204, %get3A_205] {strides = array<i32>} : memref<128x64xbf16, #tpu.memory_space<vmem>>, vector<32xbf16>,
        %unpack3A_207 = tpu.unpack_subelements %get3A_206, 0 {pack_format = #tpu.pack_format<interleaved>} : vector<32xbf16> -> vector<16xf32>
        %unpack3A_208 = tpu.unpack_subelements %get3A_206, 1 {pack_format = #tpu.pack_format<interleaved>} : vector<32xbf16> -> vector<16xf32>
        %mul3A_209 = arith.mulf %unpack3A_207, %broadcast_in_dim3A_186 : vector<16xf32>
        %swap3A_210 = arith.index_cast %add3A_190 : i32 to index
        %swap3A_211 = arith.constant 32 : index
        %swap3A_212 = tpu.vector_load %arg15[%swap3A_210, %swap3A_211] {strides = array<i32>} : memref<128x64xf32, #tpu.memory_space<vmem>>, vector<16xf32>,
        tpu.vector_store %arg15[%swap3A_210, %swap3A_211], %mul3A_209 {strides = array<i32>} : memref<128x64xf32, #tpu.memory_space<vmem>>, vector<16xf32>,
        %mul3A_213 = arith.mulf %unpack3A_208, %broadcast_in_dim3A_186 : vector<16xf32>
        %swap3A_214 = arith.index_cast %add3A_190 : i32 to index
        %swap3A_215 = arith.constant 48 : index
        %swap3A_216 = tpu.vector_load %arg15[%swap3A_214, %swap3A_215] {strides = array<i32>} : memref<128x64xf32, #tpu.memory_space<vmem>>, vector<16xf32>,
        tpu.vector_store %arg15[%swap3A_214, %swap3A_215], %mul3A_213 {strides = array<i32>} : memref<128x64xf32, #tpu.memory_space<vmem>>, vector<16xf32>,
        %slice3A_217 = vector.extract_strided_slice %get3A_155 {offsets = [2], sizes = [1], strides = [1]} : vector<16xf32> to vector<1xf32>
        %squeeze3A_218 = vector.extract %slice3A_217[0] : f32 from vector<1xf32>
        %broadcast_in_dim3A_219 = vector.broadcast %squeeze3A_218 : f32 to vector<16xf32>
        %mul3A_220 = arith.constant 16 : i32
        %mul3A_221 = arith.muli %add3A_151, %mul3A_220 : i32
        %add3A_222 = arith.constant 2 : i32
        %add3A_223 = arith.addi %mul3A_221, %add3A_222 : i32
        %get3A_224 = arith.index_cast %add3A_223 : i32 to index
        %get3A_225 = arith.constant 0 : index
        %get3A_226 = tpu.vector_load %arg11[%get3A_224, %get3A_225] {strides = array<i32>} : memref<128x64xbf16, #tpu.memory_space<vmem>>, vector<32xbf16>,
        %unpack3A_227 = tpu.unpack_subelements %get3A_226, 0 {pack_format = #tpu.pack_format<interleaved>} : vector<32xbf16> -> vector<16xf32>
        %unpack3A_228 = tpu.unpack_subelements %get3A_226, 1 {pack_format = #tpu.pack_format<interleaved>} : vector<32xbf16> -> vector<16xf32>
        %mul3A_229 = arith.mulf %unpack3A_227, %broadcast_in_dim3A_219 : vector<16xf32>
        %swap3A_230 = arith.index_cast %add3A_223 : i32 to index
        %swap3A_231 = arith.constant 0 : index
        %swap3A_232 = tpu.vector_load %arg15[%swap3A_230, %swap3A_231] {strides = array<i32>} : memref<128x64xf32, #tpu.memory_space<vmem>>, vector<16xf32>,
        tpu.vector_store %arg15[%swap3A_230, %swap3A_231], %mul3A_229 {strides = array<i32>} : memref<128x64xf32, #tpu.memory_space<vmem>>, vector<16xf32>,
        %mul3A_233 = arith.mulf %unpack3A_228, %broadcast_in_dim3A_219 : vector<16xf32>
        %swap3A_234 = arith.index_cast %add3A_223 : i32 to index
        %swap3A_235 = arith.constant 16 : index
        %swap3A_236 = tpu.vector_load %arg15[%swap3A_234, %swap3A_235] {strides = array<i32>} : memref<128x64xf32, #tpu.memory_space<vmem>>, vector<16xf32>,
        tpu.vector_store %arg15[%swap3A_234, %swap3A_235], %mul3A_233 {strides = array<i32>} : memref<128x64xf32, #tpu.memory_space<vmem>>, vector<16xf32>,
        %get3A_237 = arith.index_cast %add3A_223 : i32 to index
        %get3A_238 = arith.constant 32 : index
        %get3A_239 = tpu.vector_load %arg11[%get3A_237, %get3A_238] {strides = array<i32>} : memref<128x64xbf16, #tpu.memory_space<vmem>>, vector<32xbf16>,
        %unpack3A_240 = tpu.unpack_subelements %get3A_239, 0 {pack_format = #tpu.pack_format<interleaved>} : vector<32xbf16> -> vector<16xf32>
        %unpack3A_241 = tpu.unpack_subelements %get3A_239, 1 {pack_format = #tpu.pack_format<interleaved>} : vector<32xbf16> -> vector<16xf32>
        %mul3A_242 = arith.mulf %unpack3A_240, %broadcast_in_dim3A_219 : vector<16xf32>
        %swap3A_243 = arith.index_cast %add3A_223 : i32 to index
        %swap3A_244 = arith.constant 32 : index
        %swap3A_245 = tpu.vector_load %arg15[%swap3A_243, %swap3A_244] {strides = array<i32>} : memref<128x64xf32, #tpu.memory_space<vmem>>, vector<16xf32>,
        tpu.vector_store %arg15[%swap3A_243, %swap3A_244], %mul3A_242 {strides = array<i32>} : memref<128x64xf32, #tpu.memory_space<vmem>>, vector<16xf32>,
        %mul3A_246 = arith.mulf %unpack3A_241, %broadcast_in_dim3A_219 : vector<16xf32>
        %swap3A_247 = arith.index_cast %add3A_223 : i32 to index
        %swap3A_248 = arith.constant 48 : index
        %swap3A_249 = tpu.vector_load %arg15[%swap3A_247, %swap3A_248] {strides = array<i32>} : memref<128x64xf32, #tpu.memory_space<vmem>>, vector<16xf32>,
        tpu.vector_store %arg15[%swap3A_247, %swap3A_248], %mul3A_246 {strides = array<i32>} : memref<128x64xf32, #tpu.memory_space<vmem>>, vector<16xf32>,
        %slice3A_250 = vector.extract_strided_slice %get3A_155 {offsets = [3], sizes = [1], strides = [1]} : vector<16xf32> to vector<1xf32>
        %squeeze3A_251 = vector.extract %slice3A_250[0] : f32 from vector<1xf32>
        %broadcast_in_dim3A_252 = vector.broadcast %squeeze3A_251 : f32 to vector<16xf32>
        %mul3A_253 = arith.constant 16 : i32
        %mul3A_254 = arith.muli %add3A_151, %mul3A_253 : i32
        %add3A_255 = arith.constant 3 : i32
        %add3A_256 = arith.addi %mul3A_254, %add3A_255 : i32
        %get3A_257 = arith.index_cast %add3A_256 : i32 to index
        %get3A_258 = arith.constant 0 : index
        %get3A_259 = tpu.vector_load %arg11[%get3A_257, %get3A_258] {strides = array<i32>} : memref<128x64xbf16, #tpu.memory_space<vmem>>, vector<32xbf16>,
        %unpack3A_260 = tpu.unpack_subelements %get3A_259, 0 {pack_format = #tpu.pack_format<interleaved>} : vector<32xbf16> -> vector<16xf32>
        %unpack3A_261 = tpu.unpack_subelements %get3A_259, 1 {pack_format = #tpu.pack_format<interleaved>} : vector<32xbf16> -> vector<16xf32>
        %mul3A_262 = arith.mulf %unpack3A_260, %broadcast_in_dim3A_252 : vector<16xf32>
        %swap3A_263 = arith.index_cast %add3A_256 : i32 to index
        %swap3A_264 = arith.constant 0 : index
        %swap3A_265 = tpu.vector_load %arg15[%swap3A_263, %swap3A_264] {strides = array<i32>} : memref<128x64xf32, #tpu.memory_space<vmem>>, vector<16xf32>,
        tpu.vector_store %arg15[%swap3A_263, %swap3A_264], %mul3A_262 {strides = array<i32>} : memref<128x64xf32, #tpu.memory_space<vmem>>, vector<16xf32>,
        %mul3A_266 = arith.mulf %unpack3A_261, %broadcast_in_dim3A_252 : vector<16xf32>
        %swap3A_267 = arith.index_cast %add3A_256 : i32 to index
        %swap3A_268 = arith.constant 16 : index
        %swap3A_269 = tpu.vector_load %arg15[%swap3A_267, %swap3A_268] {strides = array<i32>} : memref<128x64xf32, #tpu.memory_space<vmem>>, vector<16xf32>,
        tpu.vector_store %arg15[%swap3A_267, %swap3A_268], %mul3A_266 {strides = array<i32>} : memref<128x64xf32, #tpu.memory_space<vmem>>, vector<16xf32>,
        %get3A_270 = arith.index_cast %add3A_256 : i32 to index
        %get3A_271 = arith.constant 32 : index
        %get3A_272 = tpu.vector_load %arg11[%get3A_270, %get3A_271] {strides = array<i32>} : memref<128x64xbf16, #tpu.memory_space<vmem>>, vector<32xbf16>,
        %unpack3A_273 = tpu.unpack_subelements %get3A_272, 0 {pack_format = #tpu.pack_format<interleaved>} : vector<32xbf16> -> vector<16xf32>
        %unpack3A_274 = tpu.unpack_subelements %get3A_272, 1 {pack_format = #tpu.pack_format<interleaved>} : vector<32xbf16> -> vector<16xf32>
        %mul3A_275 = arith.mulf %unpack3A_273, %broadcast_in_dim3A_252 : vector<16xf32>
        %swap3A_276 = arith.index_cast %add3A_256 : i32 to index
        %swap3A_277 = arith.constant 32 : index
        %swap3A_278 = tpu.vector_load %arg15[%swap3A_276, %swap3A_277] {strides = array<i32>} : memref<128x64xf32, #tpu.memory_space<vmem>>, vector<16xf32>,
        tpu.vector_store %arg15[%swap3A_276, %swap3A_277], %mul3A_275 {strides = array<i32>} : memref<128x64xf32, #tpu.memory_space<vmem>>, vector<16xf32>,
        %mul3A_279 = arith.mulf %unpack3A_274, %broadcast_in_dim3A_252 : vector<16xf32>
        %swap3A_280 = arith.index_cast %add3A_256 : i32 to index
        %swap3A_281 = arith.constant 48 : index
        %swap3A_282 = tpu.vector_load %arg15[%swap3A_280, %swap3A_281] {strides = array<i32>} : memref<128x64xf32, #tpu.memory_space<vmem>>, vector<16xf32>,
        tpu.vector_store %arg15[%swap3A_280, %swap3A_281], %mul3A_279 {strides = array<i32>} : memref<128x64xf32, #tpu.memory_space<vmem>>, vector<16xf32>,
        %slice3A_283 = vector.extract_strided_slice %get3A_155 {offsets = [4], sizes = [1], strides = [1]} : vector<16xf32> to vector<1xf32>
        %squeeze3A_284 = vector.extract %slice3A_283[0] : f32 from vector<1xf32>
        %broadcast_in_dim3A_285 = vector.broadcast %squeeze3A_284 : f32 to vector<16xf32>
        %mul3A_286 = arith.constant 16 : i32
        %mul3A_287 = arith.muli %add3A_151, %mul3A_286 : i32
        %add3A_288 = arith.constant 4 : i32
        %add3A_289 = arith.addi %mul3A_287, %add3A_288 : i32
        %get3A_290 = arith.index_cast %add3A_289 : i32 to index
        %get3A_291 = arith.constant 0 : index
        %get3A_292 = tpu.vector_load %arg11[%get3A_290, %get3A_291] {strides = array<i32>} : memref<128x64xbf16, #tpu.memory_space<vmem>>, vector<32xbf16>,
        %unpack3A_293 = tpu.unpack_subelements %get3A_292, 0 {pack_format = #tpu.pack_format<interleaved>} : vector<32xbf16> -> vector<16xf32>
        %unpack3A_294 = tpu.unpack_subelements %get3A_292, 1 {pack_format = #tpu.pack_format<interleaved>} : vector<32xbf16> -> vector<16xf32>
        %mul3A_295 = arith.mulf %unpack3A_293, %broadcast_in_dim3A_285 : vector<16xf32>
        %swap3A_296 = arith.index_cast %add3A_289 : i32 to index
        %swap3A_297 = arith.constant 0 : index
        %swap3A_298 = tpu.vector_load %arg15[%swap3A_296, %swap3A_297] {strides = array<i32>} : memref<128x64xf32, #tpu.memory_space<vmem>>, vector<16xf32>,
        tpu.vector_store %arg15[%swap3A_296, %swap3A_297], %mul3A_295 {strides = array<i32>} : memref<128x64xf32, #tpu.memory_space<vmem>>, vector<16xf32>,
        %mul3A_299 = arith.mulf %unpack3A_294, %broadcast_in_dim3A_285 : vector<16xf32>
        %swap3A_300 = arith.index_cast %add3A_289 : i32 to index
        %swap3A_301 = arith.constant 16 : index
        %swap3A_302 = tpu.vector_load %arg15[%swap3A_300, %swap3A_301] {strides = array<i32>} : memref<128x64xf32, #tpu.memory_space<vmem>>, vector<16xf32>,
        tpu.vector_store %arg15[%swap3A_300, %swap3A_301], %mul3A_299 {strides = array<i32>} : memref<128x64xf32, #tpu.memory_space<vmem>>, vector<16xf32>,
        %get3A_303 = arith.index_cast %add3A_289 : i32 to index
        %get3A_304 = arith.constant 32 : index
        %get3A_305 = tpu.vector_load %arg11[%get3A_303, %get3A_304] {strides = array<i32>} : memref<128x64xbf16, #tpu.memory_space<vmem>>, vector<32xbf16>,
        %unpack3A_306 = tpu.unpack_subelements %get3A_305, 0 {pack_format = #tpu.pack_format<interleaved>} : vector<32xbf16> -> vector<16xf32>
        %unpack3A_307 = tpu.unpack_subelements %get3A_305, 1 {pack_format = #tpu.pack_format<interleaved>} : vector<32xbf16> -> vector<16xf32>
        %mul3A_308 = arith.mulf %unpack3A_306, %broadcast_in_dim3A_285 : vector<16xf32>
        %swap3A_309 = arith.index_cast %add3A_289 : i32 to index
        %swap3A_310 = arith.constant 32 : index
        %swap3A_311 = tpu.vector_load %arg15[%swap3A_309, %swap3A_310] {strides = array<i32>} : memref<128x64xf32, #tpu.memory_space<vmem>>, vector<16xf32>,
        tpu.vector_store %arg15[%swap3A_309, %swap3A_310], %mul3A_308 {strides = array<i32>} : memref<128x64xf32, #tpu.memory_space<vmem>>, vector<16xf32>,
        %mul3A_312 = arith.mulf %unpack3A_307, %broadcast_in_dim3A_285 : vector<16xf32>
        %swap3A_313 = arith.index_cast %add3A_289 : i32 to index
        %swap3A_314 = arith.constant 48 : index
        %swap3A_315 = tpu.vector_load %arg15[%swap3A_313, %swap3A_314] {strides = array<i32>} : memref<128x64xf32, #tpu.memory_space<vmem>>, vector<16xf32>,
        tpu.vector_store %arg15[%swap3A_313, %swap3A_314], %mul3A_312 {strides = array<i32>} : memref<128x64xf32, #tpu.memory_space<vmem>>, vector<16xf32>,
        %slice3A_316 = vector.extract_strided_slice %get3A_155 {offsets = [5], sizes = [1], strides = [1]} : vector<16xf32> to vector<1xf32>
        %squeeze3A_317 = vector.extract %slice3A_316[0] : f32 from vector<1xf32>
        %broadcast_in_dim3A_318 = vector.broadcast %squeeze3A_317 : f32 to vector<16xf32>
        %mul3A_319 = arith.constant 16 : i32
        %mul3A_320 = arith.muli %add3A_151, %mul3A_319 : i32
        %add3A_321 = arith.constant 5 : i32
        %add3A_322 = arith.addi %mul3A_320, %add3A_321 : i32
        %get3A_323 = arith.index_cast %add3A_322 : i32 to index
        %get3A_324 = arith.constant 0 : index
        %get3A_325 = tpu.vector_load %arg11[%get3A_323, %get3A_324] {strides = array<i32>} : memref<128x64xbf16, #tpu.memory_space<vmem>>, vector<32xbf16>,
        %unpack3A_326 = tpu.unpack_subelements %get3A_325, 0 {pack_format = #tpu.pack_format<interleaved>} : vector<32xbf16> -> vector<16xf32>
        %unpack3A_327 = tpu.unpack_subelements %get3A_325, 1 {pack_format = #tpu.pack_format<interleaved>} : vector<32xbf16> -> vector<16xf32>
        %mul3A_328 = arith.mulf %unpack3A_326, %broadcast_in_dim3A_318 : vector<16xf32>
        %swap3A_329 = arith.index_cast %add3A_322 : i32 to index
        %swap3A_330 = arith.constant 0 : index
        %swap3A_331 = tpu.vector_load %arg15[%swap3A_329, %swap3A_330] {strides = array<i32>} : memref<128x64xf32, #tpu.memory_space<vmem>>, vector<16xf32>,
        tpu.vector_store %arg15[%swap3A_329, %swap3A_330], %mul3A_328 {strides = array<i32>} : memref<128x64xf32, #tpu.memory_space<vmem>>, vector<16xf32>,
        %mul3A_332 = arith.mulf %unpack3A_327, %broadcast_in_dim3A_318 : vector<16xf32>
        %swap3A_333 = arith.index_cast %add3A_322 : i32 to index
        %swap3A_334 = arith.constant 16 : index
        %swap3A_335 = tpu.vector_load %arg15[%swap3A_333, %swap3A_334] {strides = array<i32>} : memref<128x64xf32, #tpu.memory_space<vmem>>, vector<16xf32>,
        tpu.vector_store %arg15[%swap3A_333, %swap3A_334], %mul3A_332 {strides = array<i32>} : memref<128x64xf32, #tpu.memory_space<vmem>>, vector<16xf32>,
        %get3A_336 = arith.index_cast %add3A_322 : i32 to index
        %get3A_337 = arith.constant 32 : index
        %get3A_338 = tpu.vector_load %arg11[%get3A_336, %get3A_337] {strides = array<i32>} : memref<128x64xbf16, #tpu.memory_space<vmem>>, vector<32xbf16>,
        %unpack3A_339 = tpu.unpack_subelements %get3A_338, 0 {pack_format = #tpu.pack_format<interleaved>} : vector<32xbf16> -> vector<16xf32>
        %unpack3A_340 = tpu.unpack_subelements %get3A_338, 1 {pack_format = #tpu.pack_format<interleaved>} : vector<32xbf16> -> vector<16xf32>
        %mul3A_341 = arith.mulf %unpack3A_339, %broadcast_in_dim3A_318 : vector<16xf32>
        %swap3A_342 = arith.index_cast %add3A_322 : i32 to index
        %swap3A_343 = arith.constant 32 : index
        %swap3A_344 = tpu.vector_load %arg15[%swap3A_342, %swap3A_343] {strides = array<i32>} : memref<128x64xf32, #tpu.memory_space<vmem>>, vector<16xf32>,
        tpu.vector_store %arg15[%swap3A_342, %swap3A_343], %mul3A_341 {strides = array<i32>} : memref<128x64xf32, #tpu.memory_space<vmem>>, vector<16xf32>,
        %mul3A_345 = arith.mulf %unpack3A_340, %broadcast_in_dim3A_318 : vector<16xf32>
        %swap3A_346 = arith.index_cast %add3A_322 : i32 to index
        %swap3A_347 = arith.constant 48 : index
        %swap3A_348 = tpu.vector_load %arg15[%swap3A_346, %swap3A_347] {strides = array<i32>} : memref<128x64xf32, #tpu.memory_space<vmem>>, vector<16xf32>,
        tpu.vector_store %arg15[%swap3A_346, %swap3A_347], %mul3A_345 {strides = array<i32>} : memref<128x64xf32, #tpu.memory_space<vmem>>, vector<16xf32>,
        %slice3A_349 = vector.extract_strided_slice %get3A_155 {offsets = [6], sizes = [1], strides = [1]} : vector<16xf32> to vector<1xf32>
        %squeeze3A_350 = vector.extract %slice3A_349[0] : f32 from vector<1xf32>
        %broadcast_in_dim3A_351 = vector.broadcast %squeeze3A_350 : f32 to vector<16xf32>
        %mul3A_352 = arith.constant 16 : i32
        %mul3A_353 = arith.muli %add3A_151, %mul3A_352 : i32
        %add3A_354 = arith.constant 6 : i32
        %add3A_355 = arith.addi %mul3A_353, %add3A_354 : i32
        %get3A_356 = arith.index_cast %add3A_355 : i32 to index
        %get3A_357 = arith.constant 0 : index
        %get3A_358 = tpu.vector_load %arg11[%get3A_356, %get3A_357] {strides = array<i32>} : memref<128x64xbf16, #tpu.memory_space<vmem>>, vector<32xbf16>,
        %unpack3A_359 = tpu.unpack_subelements %get3A_358, 0 {pack_format = #tpu.pack_format<interleaved>} : vector<32xbf16> -> vector<16xf32>
        %unpack3A_360 = tpu.unpack_subelements %get3A_358, 1 {pack_format = #tpu.pack_format<interleaved>} : vector<32xbf16> -> vector<16xf32>
        %mul3A_361 = arith.mulf %unpack3A_359, %broadcast_in_dim3A_351 : vector<16xf32>
        %swap3A_362 = arith.index_cast %add3A_355 : i32 to index
        %swap3A_363 = arith.constant 0 : index
        %swap3A_364 = tpu.vector_load %arg15[%swap3A_362, %swap3A_363] {strides = array<i32>} : memref<128x64xf32, #tpu.memory_space<vmem>>, vector<16xf32>,
        tpu.vector_store %arg15[%swap3A_362, %swap3A_363], %mul3A_361 {strides = array<i32>} : memref<128x64xf32, #tpu.memory_space<vmem>>, vector<16xf32>,
        %mul3A_365 = arith.mulf %unpack3A_360, %broadcast_in_dim3A_351 : vector<16xf32>
        %swap3A_366 = arith.index_cast %add3A_355 : i32 to index
        %swap3A_367 = arith.constant 16 : index
        %swap3A_368 = tpu.vector_load %arg15[%swap3A_366, %swap3A_367] {strides = array<i32>} : memref<128x64xf32, #tpu.memory_space<vmem>>, vector<16xf32>,
        tpu.vector_store %arg15[%swap3A_366, %swap3A_367], %mul3A_365 {strides = array<i32>} : memref<128x64xf32, #tpu.memory_space<vmem>>, vector<16xf32>,
        %get3A_369 = arith.index_cast %add3A_355 : i32 to index
        %get3A_370 = arith.constant 32 : index
        %get3A_371 = tpu.vector_load %arg11[%get3A_369, %get3A_370] {strides = array<i32>} : memref<128x64xbf16, #tpu.memory_space<vmem>>, vector<32xbf16>,
        %unpack3A_372 = tpu.unpack_subelements %get3A_371, 0 {pack_format = #tpu.pack_format<interleaved>} : vector<32xbf16> -> vector<16xf32>
        %unpack3A_373 = tpu.unpack_subelements %get3A_371, 1 {pack_format = #tpu.pack_format<interleaved>} : vector<32xbf16> -> vector<16xf32>
        %mul3A_374 = arith.mulf %unpack3A_372, %broadcast_in_dim3A_351 : vector<16xf32>
        %swap3A_375 = arith.index_cast %add3A_355 : i32 to index
        %swap3A_376 = arith.constant 32 : index
        %swap3A_377 = tpu.vector_load %arg15[%swap3A_375, %swap3A_376] {strides = array<i32>} : memref<128x64xf32, #tpu.memory_space<vmem>>, vector<16xf32>,
        tpu.vector_store %arg15[%swap3A_375, %swap3A_376], %mul3A_374 {strides = array<i32>} : memref<128x64xf32, #tpu.memory_space<vmem>>, vector<16xf32>,
        %mul3A_378 = arith.mulf %unpack3A_373, %broadcast_in_dim3A_351 : vector<16xf32>
        %swap3A_379 = arith.index_cast %add3A_355 : i32 to index
        %swap3A_380 = arith.constant 48 : index
        %swap3A_381 = tpu.vector_load %arg15[%swap3A_379, %swap3A_380] {strides = array<i32>} : memref<128x64xf32, #tpu.memory_space<vmem>>, vector<16xf32>,
        tpu.vector_store %arg15[%swap3A_379, %swap3A_380], %mul3A_378 {strides = array<i32>} : memref<128x64xf32, #tpu.memory_space<vmem>>, vector<16xf32>,
        %slice3A_382 = vector.extract_strided_slice %get3A_155 {offsets = [7], sizes = [1], strides = [1]} : vector<16xf32> to vector<1xf32>
        %squeeze3A_383 = vector.extract %slice3A_382[0] : f32 from vector<1xf32>
        %broadcast_in_dim3A_384 = vector.broadcast %squeeze3A_383 : f32 to vector<16xf32>
        %mul3A_385 = arith.constant 16 : i32
        %mul3A_386 = arith.muli %add3A_151, %mul3A_385 : i32
        %add3A_387 = arith.constant 7 : i32
        %add3A_388 = arith.addi %mul3A_386, %add3A_387 : i32
        %get3A_389 = arith.index_cast %add3A_388 : i32 to index
        %get3A_390 = arith.constant 0 : index
        %get3A_391 = tpu.vector_load %arg11[%get3A_389, %get3A_390] {strides = array<i32>} : memref<128x64xbf16, #tpu.memory_space<vmem>>, vector<32xbf16>,
        %unpack3A_392 = tpu.unpack_subelements %get3A_391, 0 {pack_format = #tpu.pack_format<interleaved>} : vector<32xbf16> -> vector<16xf32>
        %unpack3A_393 = tpu.unpack_subelements %get3A_391, 1 {pack_format = #tpu.pack_format<interleaved>} : vector<32xbf16> -> vector<16xf32>
        %mul3A_394 = arith.mulf %unpack3A_392, %broadcast_in_dim3A_384 : vector<16xf32>
        %swap3A_395 = arith.index_cast %add3A_388 : i32 to index
        %swap3A_396 = arith.constant 0 : index
        %swap3A_397 = tpu.vector_load %arg15[%swap3A_395, %swap3A_396] {strides = array<i32>} : memref<128x64xf32, #tpu.memory_space<vmem>>, vector<16xf32>,
        tpu.vector_store %arg15[%swap3A_395, %swap3A_396], %mul3A_394 {strides = array<i32>} : memref<128x64xf32, #tpu.memory_space<vmem>>, vector<16xf32>,
        %mul3A_398 = arith.mulf %unpack3A_393, %broadcast_in_dim3A_384 : vector<16xf32>
        %swap3A_399 = arith.index_cast %add3A_388 : i32 to index
        %swap3A_400 = arith.constant 16 : index
        %swap3A_401 = tpu.vector_load %arg15[%swap3A_399, %swap3A_400] {strides = array<i32>} : memref<128x64xf32, #tpu.memory_space<vmem>>, vector<16xf32>,
        tpu.vector_store %arg15[%swap3A_399, %swap3A_400], %mul3A_398 {strides = array<i32>} : memref<128x64xf32, #tpu.memory_space<vmem>>, vector<16xf32>,
        %get3A_402 = arith.index_cast %add3A_388 : i32 to index
        %get3A_403 = arith.constant 32 : index
        %get3A_404 = tpu.vector_load %arg11[%get3A_402, %get3A_403] {strides = array<i32>} : memref<128x64xbf16, #tpu.memory_space<vmem>>, vector<32xbf16>,
        %unpack3A_405 = tpu.unpack_subelements %get3A_404, 0 {pack_format = #tpu.pack_format<interleaved>} : vector<32xbf16> -> vector<16xf32>
        %unpack3A_406 = tpu.unpack_subelements %get3A_404, 1 {pack_format = #tpu.pack_format<interleaved>} : vector<32xbf16> -> vector<16xf32>
        %mul3A_407 = arith.mulf %unpack3A_405, %broadcast_in_dim3A_384 : vector<16xf32>
        %swap3A_408 = arith.index_cast %add3A_388 : i32 to index
        %swap3A_409 = arith.constant 32 : index
        %swap3A_410 = tpu.vector_load %arg15[%swap3A_408, %swap3A_409] {strides = array<i32>} : memref<128x64xf32, #tpu.memory_space<vmem>>, vector<16xf32>,
        tpu.vector_store %arg15[%swap3A_408, %swap3A_409], %mul3A_407 {strides = array<i32>} : memref<128x64xf32, #tpu.memory_space<vmem>>, vector<16xf32>,
        %mul3A_411 = arith.mulf %unpack3A_406, %broadcast_in_dim3A_384 : vector<16xf32>
        %swap3A_412 = arith.index_cast %add3A_388 : i32 to index
        %swap3A_413 = arith.constant 48 : index
        %swap3A_414 = tpu.vector_load %arg15[%swap3A_412, %swap3A_413] {strides = array<i32>} : memref<128x64xf32, #tpu.memory_space<vmem>>, vector<16xf32>,
        tpu.vector_store %arg15[%swap3A_412, %swap3A_413], %mul3A_411 {strides = array<i32>} : memref<128x64xf32, #tpu.memory_space<vmem>>, vector<16xf32>,
        %slice3A_415 = vector.extract_strided_slice %get3A_155 {offsets = [8], sizes = [1], strides = [1]} : vector<16xf32> to vector<1xf32>
        %squeeze3A_416 = vector.extract %slice3A_415[0] : f32 from vector<1xf32>
        %broadcast_in_dim3A_417 = vector.broadcast %squeeze3A_416 : f32 to vector<16xf32>
        %mul3A_418 = arith.constant 16 : i32
        %mul3A_419 = arith.muli %add3A_151, %mul3A_418 : i32
        %add3A_420 = arith.constant 8 : i32
        %add3A_421 = arith.addi %mul3A_419, %add3A_420 : i32
        %get3A_422 = arith.index_cast %add3A_421 : i32 to index
        %get3A_423 = arith.constant 0 : index
        %get3A_424 = tpu.vector_load %arg11[%get3A_422, %get3A_423] {strides = array<i32>} : memref<128x64xbf16, #tpu.memory_space<vmem>>, vector<32xbf16>,
        %unpack3A_425 = tpu.unpack_subelements %get3A_424, 0 {pack_format = #tpu.pack_format<interleaved>} : vector<32xbf16> -> vector<16xf32>
        %unpack3A_426 = tpu.unpack_subelements %get3A_424, 1 {pack_format = #tpu.pack_format<interleaved>} : vector<32xbf16> -> vector<16xf32>
        %mul3A_427 = arith.mulf %unpack3A_425, %broadcast_in_dim3A_417 : vector<16xf32>
        %swap3A_428 = arith.index_cast %add3A_421 : i32 to index
        %swap3A_429 = arith.constant 0 : index
        %swap3A_430 = tpu.vector_load %arg15[%swap3A_428, %swap3A_429] {strides = array<i32>} : memref<128x64xf32, #tpu.memory_space<vmem>>, vector<16xf32>,
        tpu.vector_store %arg15[%swap3A_428, %swap3A_429], %mul3A_427 {strides = array<i32>} : memref<128x64xf32, #tpu.memory_space<vmem>>, vector<16xf32>,
        %mul3A_431 = arith.mulf %unpack3A_426, %broadcast_in_dim3A_417 : vector<16xf32>
        %swap3A_432 = arith.index_cast %add3A_421 : i32 to index
        %swap3A_433 = arith.constant 16 : index
        %swap3A_434 = tpu.vector_load %arg15[%swap3A_432, %swap3A_433] {strides = array<i32>} : memref<128x64xf32, #tpu.memory_space<vmem>>, vector<16xf32>,
        tpu.vector_store %arg15[%swap3A_432, %swap3A_433], %mul3A_431 {strides = array<i32>} : memref<128x64xf32, #tpu.memory_space<vmem>>, vector<16xf32>,
        %get3A_435 = arith.index_cast %add3A_421 : i32 to index
        %get3A_436 = arith.constant 32 : index
        %get3A_437 = tpu.vector_load %arg11[%get3A_435, %get3A_436] {strides = array<i32>} : memref<128x64xbf16, #tpu.memory_space<vmem>>, vector<32xbf16>,
        %unpack3A_438 = tpu.unpack_subelements %get3A_437, 0 {pack_format = #tpu.pack_format<interleaved>} : vector<32xbf16> -> vector<16xf32>
        %unpack3A_439 = tpu.unpack_subelements %get3A_437, 1 {pack_format = #tpu.pack_format<interleaved>} : vector<32xbf16> -> vector<16xf32>
        %mul3A_440 = arith.mulf %unpack3A_438, %broadcast_in_dim3A_417 : vector<16xf32>
        %swap3A_441 = arith.index_cast %add3A_421 : i32 to index
        %swap3A_442 = arith.constant 32 : index
        %swap3A_443 = tpu.vector_load %arg15[%swap3A_441, %swap3A_442] {strides = array<i32>} : memref<128x64xf32, #tpu.memory_space<vmem>>, vector<16xf32>,
        tpu.vector_store %arg15[%swap3A_441, %swap3A_442], %mul3A_440 {strides = array<i32>} : memref<128x64xf32, #tpu.memory_space<vmem>>, vector<16xf32>,
        %mul3A_444 = arith.mulf %unpack3A_439, %broadcast_in_dim3A_417 : vector<16xf32>
        %swap3A_445 = arith.index_cast %add3A_421 : i32 to index
        %swap3A_446 = arith.constant 48 : index
        %swap3A_447 = tpu.vector_load %arg15[%swap3A_445, %swap3A_446] {strides = array<i32>} : memref<128x64xf32, #tpu.memory_space<vmem>>, vector<16xf32>,
        tpu.vector_store %arg15[%swap3A_445, %swap3A_446], %mul3A_444 {strides = array<i32>} : memref<128x64xf32, #tpu.memory_space<vmem>>, vector<16xf32>,
        %slice3A_448 = vector.extract_strided_slice %get3A_155 {offsets = [9], sizes = [1], strides = [1]} : vector<16xf32> to vector<1xf32>
        %squeeze3A_449 = vector.extract %slice3A_448[0] : f32 from vector<1xf32>
        %broadcast_in_dim3A_450 = vector.broadcast %squeeze3A_449 : f32 to vector<16xf32>
        %mul3A_451 = arith.constant 16 : i32
        %mul3A_452 = arith.muli %add3A_151, %mul3A_451 : i32
        %add3A_453 = arith.constant 9 : i32
        %add3A_454 = arith.addi %mul3A_452, %add3A_453 : i32
        %get3A_455 = arith.index_cast %add3A_454 : i32 to index
        %get3A_456 = arith.constant 0 : index
        %get3A_457 = tpu.vector_load %arg11[%get3A_455, %get3A_456] {strides = array<i32>} : memref<128x64xbf16, #tpu.memory_space<vmem>>, vector<32xbf16>,
        %unpack3A_458 = tpu.unpack_subelements %get3A_457, 0 {pack_format = #tpu.pack_format<interleaved>} : vector<32xbf16> -> vector<16xf32>
        %unpack3A_459 = tpu.unpack_subelements %get3A_457, 1 {pack_format = #tpu.pack_format<interleaved>} : vector<32xbf16> -> vector<16xf32>
        %mul3A_460 = arith.mulf %unpack3A_458, %broadcast_in_dim3A_450 : vector<16xf32>
        %swap3A_461 = arith.index_cast %add3A_454 : i32 to index
        %swap3A_462 = arith.constant 0 : index
        %swap3A_463 = tpu.vector_load %arg15[%swap3A_461, %swap3A_462] {strides = array<i32>} : memref<128x64xf32, #tpu.memory_space<vmem>>, vector<16xf32>,
        tpu.vector_store %arg15[%swap3A_461, %swap3A_462], %mul3A_460 {strides = array<i32>} : memref<128x64xf32, #tpu.memory_space<vmem>>, vector<16xf32>,
        %mul3A_464 = arith.mulf %unpack3A_459, %broadcast_in_dim3A_450 : vector<16xf32>
        %swap3A_465 = arith.index_cast %add3A_454 : i32 to index
        %swap3A_466 = arith.constant 16 : index
        %swap3A_467 = tpu.vector_load %arg15[%swap3A_465, %swap3A_466] {strides = array<i32>} : memref<128x64xf32, #tpu.memory_space<vmem>>, vector<16xf32>,
        tpu.vector_store %arg15[%swap3A_465, %swap3A_466], %mul3A_464 {strides = array<i32>} : memref<128x64xf32, #tpu.memory_space<vmem>>, vector<16xf32>,
        %get3A_468 = arith.index_cast %add3A_454 : i32 to index
        %get3A_469 = arith.constant 32 : index
        %get3A_470 = tpu.vector_load %arg11[%get3A_468, %get3A_469] {strides = array<i32>} : memref<128x64xbf16, #tpu.memory_space<vmem>>, vector<32xbf16>,
        %unpack3A_471 = tpu.unpack_subelements %get3A_470, 0 {pack_format = #tpu.pack_format<interleaved>} : vector<32xbf16> -> vector<16xf32>
        %unpack3A_472 = tpu.unpack_subelements %get3A_470, 1 {pack_format = #tpu.pack_format<interleaved>} : vector<32xbf16> -> vector<16xf32>
        %mul3A_473 = arith.mulf %unpack3A_471, %broadcast_in_dim3A_450 : vector<16xf32>
        %swap3A_474 = arith.index_cast %add3A_454 : i32 to index
        %swap3A_475 = arith.constant 32 : index
        %swap3A_476 = tpu.vector_load %arg15[%swap3A_474, %swap3A_475] {strides = array<i32>} : memref<128x64xf32, #tpu.memory_space<vmem>>, vector<16xf32>,
        tpu.vector_store %arg15[%swap3A_474, %swap3A_475], %mul3A_473 {strides = array<i32>} : memref<128x64xf32, #tpu.memory_space<vmem>>, vector<16xf32>,
        %mul3A_477 = arith.mulf %unpack3A_472, %broadcast_in_dim3A_450 : vector<16xf32>
        %swap3A_478 = arith.index_cast %add3A_454 : i32 to index
        %swap3A_479 = arith.constant 48 : index
        %swap3A_480 = tpu.vector_load %arg15[%swap3A_478, %swap3A_479] {strides = array<i32>} : memref<128x64xf32, #tpu.memory_space<vmem>>, vector<16xf32>,
        tpu.vector_store %arg15[%swap3A_478, %swap3A_479], %mul3A_477 {strides = array<i32>} : memref<128x64xf32, #tpu.memory_space<vmem>>, vector<16xf32>,
        %slice3A_481 = vector.extract_strided_slice %get3A_155 {offsets = [10], sizes = [1], strides = [1]} : vector<16xf32> to vector<1xf32>
        %squeeze3A_482 = vector.extract %slice3A_481[0] : f32 from vector<1xf32>
        %broadcast_in_dim3A_483 = vector.broadcast %squeeze3A_482 : f32 to vector<16xf32>
        %mul3A_484 = arith.constant 16 : i32
        %mul3A_485 = arith.muli %add3A_151, %mul3A_484 : i32
        %add3A_486 = arith.constant 10 : i32
        %add3A_487 = arith.addi %mul3A_485, %add3A_486 : i32
        %get3A_488 = arith.index_cast %add3A_487 : i32 to index
        %get3A_489 = arith.constant 0 : index
        %get3A_490 = tpu.vector_load %arg11[%get3A_488, %get3A_489] {strides = array<i32>} : memref<128x64xbf16, #tpu.memory_space<vmem>>, vector<32xbf16>,
        %unpack3A_491 = tpu.unpack_subelements %get3A_490, 0 {pack_format = #tpu.pack_format<interleaved>} : vector<32xbf16> -> vector<16xf32>
        %unpack3A_492 = tpu.unpack_subelements %get3A_490, 1 {pack_format = #tpu.pack_format<interleaved>} : vector<32xbf16> -> vector<16xf32>
        %mul3A_493 = arith.mulf %unpack3A_491, %broadcast_in_dim3A_483 : vector<16xf32>
        %swap3A_494 = arith.index_cast %add3A_487 : i32 to index
        %swap3A_495 = arith.constant 0 : index
        %swap3A_496 = tpu.vector_load %arg15[%swap3A_494, %swap3A_495] {strides = array<i32>} : memref<128x64xf32, #tpu.memory_space<vmem>>, vector<16xf32>,
        tpu.vector_store %arg15[%swap3A_494, %swap3A_495], %mul3A_493 {strides = array<i32>} : memref<128x64xf32, #tpu.memory_space<vmem>>, vector<16xf32>,
        %mul3A_497 = arith.mulf %unpack3A_492, %broadcast_in_dim3A_483 : vector<16xf32>
        %swap3A_498 = arith.index_cast %add3A_487 : i32 to index
        %swap3A_499 = arith.constant 16 : index
        %swap3A_500 = tpu.vector_load %arg15[%swap3A_498, %swap3A_499] {strides = array<i32>} : memref<128x64xf32, #tpu.memory_space<vmem>>, vector<16xf32>,
        tpu.vector_store %arg15[%swap3A_498, %swap3A_499], %mul3A_497 {strides = array<i32>} : memref<128x64xf32, #tpu.memory_space<vmem>>, vector<16xf32>,
        %get3A_501 = arith.index_cast %add3A_487 : i32 to index
        %get3A_502 = arith.constant 32 : index
        %get3A_503 = tpu.vector_load %arg11[%get3A_501, %get3A_502] {strides = array<i32>} : memref<128x64xbf16, #tpu.memory_space<vmem>>, vector<32xbf16>,
        %unpack3A_504 = tpu.unpack_subelements %get3A_503, 0 {pack_format = #tpu.pack_format<interleaved>} : vector<32xbf16> -> vector<16xf32>
        %unpack3A_505 = tpu.unpack_subelements %get3A_503, 1 {pack_format = #tpu.pack_format<interleaved>} : vector<32xbf16> -> vector<16xf32>
        %mul3A_506 = arith.mulf %unpack3A_504, %broadcast_in_dim3A_483 : vector<16xf32>
        %swap3A_507 = arith.index_cast %add3A_487 : i32 to index
        %swap3A_508 = arith.constant 32 : index
        %swap3A_509 = tpu.vector_load %arg15[%swap3A_507, %swap3A_508] {strides = array<i32>} : memref<128x64xf32, #tpu.memory_space<vmem>>, vector<16xf32>,
        tpu.vector_store %arg15[%swap3A_507, %swap3A_508], %mul3A_506 {strides = array<i32>} : memref<128x64xf32, #tpu.memory_space<vmem>>, vector<16xf32>,
        %mul3A_510 = arith.mulf %unpack3A_505, %broadcast_in_dim3A_483 : vector<16xf32>
        %swap3A_511 = arith.index_cast %add3A_487 : i32 to index
        %swap3A_512 = arith.constant 48 : index
        %swap3A_513 = tpu.vector_load %arg15[%swap3A_511, %swap3A_512] {strides = array<i32>} : memref<128x64xf32, #tpu.memory_space<vmem>>, vector<16xf32>,
        tpu.vector_store %arg15[%swap3A_511, %swap3A_512], %mul3A_510 {strides = array<i32>} : memref<128x64xf32, #tpu.memory_space<vmem>>, vector<16xf32>,
        %slice3A_514 = vector.extract_strided_slice %get3A_155 {offsets = [11], sizes = [1], strides = [1]} : vector<16xf32> to vector<1xf32>
        %squeeze3A_515 = vector.extract %slice3A_514[0] : f32 from vector<1xf32>
        %broadcast_in_dim3A_516 = vector.broadcast %squeeze3A_515 : f32 to vector<16xf32>
        %mul3A_517 = arith.constant 16 : i32
        %mul3A_518 = arith.muli %add3A_151, %mul3A_517 : i32
        %add3A_519 = arith.constant 11 : i32
        %add3A_520 = arith.addi %mul3A_518, %add3A_519 : i32
        %get3A_521 = arith.index_cast %add3A_520 : i32 to index
        %get3A_522 = arith.constant 0 : index
        %get3A_523 = tpu.vector_load %arg11[%get3A_521, %get3A_522] {strides = array<i32>} : memref<128x64xbf16, #tpu.memory_space<vmem>>, vector<32xbf16>,
        %unpack3A_524 = tpu.unpack_subelements %get3A_523, 0 {pack_format = #tpu.pack_format<interleaved>} : vector<32xbf16> -> vector<16xf32>
        %unpack3A_525 = tpu.unpack_subelements %get3A_523, 1 {pack_format = #tpu.pack_format<interleaved>} : vector<32xbf16> -> vector<16xf32>
        %mul3A_526 = arith.mulf %unpack3A_524, %broadcast_in_dim3A_516 : vector<16xf32>
        %swap3A_527 = arith.index_cast %add3A_520 : i32 to index
        %swap3A_528 = arith.constant 0 : index
        %swap3A_529 = tpu.vector_load %arg15[%swap3A_527, %swap3A_528] {strides = array<i32>} : memref<128x64xf32, #tpu.memory_space<vmem>>, vector<16xf32>,
        tpu.vector_store %arg15[%swap3A_527, %swap3A_528], %mul3A_526 {strides = array<i32>} : memref<128x64xf32, #tpu.memory_space<vmem>>, vector<16xf32>,
        %mul3A_530 = arith.mulf %unpack3A_525, %broadcast_in_dim3A_516 : vector<16xf32>
        %swap3A_531 = arith.index_cast %add3A_520 : i32 to index
        %swap3A_532 = arith.constant 16 : index
        %swap3A_533 = tpu.vector_load %arg15[%swap3A_531, %swap3A_532] {strides = array<i32>} : memref<128x64xf32, #tpu.memory_space<vmem>>, vector<16xf32>,
        tpu.vector_store %arg15[%swap3A_531, %swap3A_532], %mul3A_530 {strides = array<i32>} : memref<128x64xf32, #tpu.memory_space<vmem>>, vector<16xf32>,
        %get3A_534 = arith.index_cast %add3A_520 : i32 to index
        %get3A_535 = arith.constant 32 : index
        %get3A_536 = tpu.vector_load %arg11[%get3A_534, %get3A_535] {strides = array<i32>} : memref<128x64xbf16, #tpu.memory_space<vmem>>, vector<32xbf16>,
        %unpack3A_537 = tpu.unpack_subelements %get3A_536, 0 {pack_format = #tpu.pack_format<interleaved>} : vector<32xbf16> -> vector<16xf32>
        %unpack3A_538 = tpu.unpack_subelements %get3A_536, 1 {pack_format = #tpu.pack_format<interleaved>} : vector<32xbf16> -> vector<16xf32>
        %mul3A_539 = arith.mulf %unpack3A_537, %broadcast_in_dim3A_516 : vector<16xf32>
        %swap3A_540 = arith.index_cast %add3A_520 : i32 to index
        %swap3A_541 = arith.constant 32 : index
        %swap3A_542 = tpu.vector_load %arg15[%swap3A_540, %swap3A_541] {strides = array<i32>} : memref<128x64xf32, #tpu.memory_space<vmem>>, vector<16xf32>,
        tpu.vector_store %arg15[%swap3A_540, %swap3A_541], %mul3A_539 {strides = array<i32>} : memref<128x64xf32, #tpu.memory_space<vmem>>, vector<16xf32>,
        %mul3A_543 = arith.mulf %unpack3A_538, %broadcast_in_dim3A_516 : vector<16xf32>
        %swap3A_544 = arith.index_cast %add3A_520 : i32 to index
        %swap3A_545 = arith.constant 48 : index
        %swap3A_546 = tpu.vector_load %arg15[%swap3A_544, %swap3A_545] {strides = array<i32>} : memref<128x64xf32, #tpu.memory_space<vmem>>, vector<16xf32>,
        tpu.vector_store %arg15[%swap3A_544, %swap3A_545], %mul3A_543 {strides = array<i32>} : memref<128x64xf32, #tpu.memory_space<vmem>>, vector<16xf32>,
        %slice3A_547 = vector.extract_strided_slice %get3A_155 {offsets = [12], sizes = [1], strides = [1]} : vector<16xf32> to vector<1xf32>
        %squeeze3A_548 = vector.extract %slice3A_547[0] : f32 from vector<1xf32>
        %broadcast_in_dim3A_549 = vector.broadcast %squeeze3A_548 : f32 to vector<16xf32>
        %mul3A_550 = arith.constant 16 : i32
        %mul3A_551 = arith.muli %add3A_151, %mul3A_550 : i32
        %add3A_552 = arith.constant 12 : i32
        %add3A_553 = arith.addi %mul3A_551, %add3A_552 : i32
        %get3A_554 = arith.index_cast %add3A_553 : i32 to index
        %get3A_555 = arith.constant 0 : index
        %get3A_556 = tpu.vector_load %arg11[%get3A_554, %get3A_555] {strides = array<i32>} : memref<128x64xbf16, #tpu.memory_space<vmem>>, vector<32xbf16>,
        %unpack3A_557 = tpu.unpack_subelements %get3A_556, 0 {pack_format = #tpu.pack_format<interleaved>} : vector<32xbf16> -> vector<16xf32>
        %unpack3A_558 = tpu.unpack_subelements %get3A_556, 1 {pack_format = #tpu.pack_format<interleaved>} : vector<32xbf16> -> vector<16xf32>
        %mul3A_559 = arith.mulf %unpack3A_557, %broadcast_in_dim3A_549 : vector<16xf32>
        %swap3A_560 = arith.index_cast %add3A_553 : i32 to index
        %swap3A_561 = arith.constant 0 : index
        %swap3A_562 = tpu.vector_load %arg15[%swap3A_560, %swap3A_561] {strides = array<i32>} : memref<128x64xf32, #tpu.memory_space<vmem>>, vector<16xf32>,
        tpu.vector_store %arg15[%swap3A_560, %swap3A_561], %mul3A_559 {strides = array<i32>} : memref<128x64xf32, #tpu.memory_space<vmem>>, vector<16xf32>,
        %mul3A_563 = arith.mulf %unpack3A_558, %broadcast_in_dim3A_549 : vector<16xf32>
        %swap3A_564 = arith.index_cast %add3A_553 : i32 to index
        %swap3A_565 = arith.constant 16 : index
        %swap3A_566 = tpu.vector_load %arg15[%swap3A_564, %swap3A_565] {strides = array<i32>} : memref<128x64xf32, #tpu.memory_space<vmem>>, vector<16xf32>,
        tpu.vector_store %arg15[%swap3A_564, %swap3A_565], %mul3A_563 {strides = array<i32>} : memref<128x64xf32, #tpu.memory_space<vmem>>, vector<16xf32>,
        %get3A_567 = arith.index_cast %add3A_553 : i32 to index
        %get3A_568 = arith.constant 32 : index
        %get3A_569 = tpu.vector_load %arg11[%get3A_567, %get3A_568] {strides = array<i32>} : memref<128x64xbf16, #tpu.memory_space<vmem>>, vector<32xbf16>,
        %unpack3A_570 = tpu.unpack_subelements %get3A_569, 0 {pack_format = #tpu.pack_format<interleaved>} : vector<32xbf16> -> vector<16xf32>
        %unpack3A_571 = tpu.unpack_subelements %get3A_569, 1 {pack_format = #tpu.pack_format<interleaved>} : vector<32xbf16> -> vector<16xf32>
        %mul3A_572 = arith.mulf %unpack3A_570, %broadcast_in_dim3A_549 : vector<16xf32>
        %swap3A_573 = arith.index_cast %add3A_553 : i32 to index
        %swap3A_574 = arith.constant 32 : index
        %swap3A_575 = tpu.vector_load %arg15[%swap3A_573, %swap3A_574] {strides = array<i32>} : memref<128x64xf32, #tpu.memory_space<vmem>>, vector<16xf32>,
        tpu.vector_store %arg15[%swap3A_573, %swap3A_574], %mul3A_572 {strides = array<i32>} : memref<128x64xf32, #tpu.memory_space<vmem>>, vector<16xf32>,
        %mul3A_576 = arith.mulf %unpack3A_571, %broadcast_in_dim3A_549 : vector<16xf32>
        %swap3A_577 = arith.index_cast %add3A_553 : i32 to index
        %swap3A_578 = arith.constant 48 : index
        %swap3A_579 = tpu.vector_load %arg15[%swap3A_577, %swap3A_578] {strides = array<i32>} : memref<128x64xf32, #tpu.memory_space<vmem>>, vector<16xf32>,
        tpu.vector_store %arg15[%swap3A_577, %swap3A_578], %mul3A_576 {strides = array<i32>} : memref<128x64xf32, #tpu.memory_space<vmem>>, vector<16xf32>,
        %slice3A_580 = vector.extract_strided_slice %get3A_155 {offsets = [13], sizes = [1], strides = [1]} : vector<16xf32> to vector<1xf32>
        %squeeze3A_581 = vector.extract %slice3A_580[0] : f32 from vector<1xf32>
        %broadcast_in_dim3A_582 = vector.broadcast %squeeze3A_581 : f32 to vector<16xf32>
        %mul3A_583 = arith.constant 16 : i32
        %mul3A_584 = arith.muli %add3A_151, %mul3A_583 : i32
        %add3A_585 = arith.constant 13 : i32
        %add3A_586 = arith.addi %mul3A_584, %add3A_585 : i32
        %get3A_587 = arith.index_cast %add3A_586 : i32 to index
        %get3A_588 = arith.constant 0 : index
        %get3A_589 = tpu.vector_load %arg11[%get3A_587, %get3A_588] {strides = array<i32>} : memref<128x64xbf16, #tpu.memory_space<vmem>>, vector<32xbf16>,
        %unpack3A_590 = tpu.unpack_subelements %get3A_589, 0 {pack_format = #tpu.pack_format<interleaved>} : vector<32xbf16> -> vector<16xf32>
        %unpack3A_591 = tpu.unpack_subelements %get3A_589, 1 {pack_format = #tpu.pack_format<interleaved>} : vector<32xbf16> -> vector<16xf32>
        %mul3A_592 = arith.mulf %unpack3A_590, %broadcast_in_dim3A_582 : vector<16xf32>
        %swap3A_593 = arith.index_cast %add3A_586 : i32 to index
        %swap3A_594 = arith.constant 0 : index
        %swap3A_595 = tpu.vector_load %arg15[%swap3A_593, %swap3A_594] {strides = array<i32>} : memref<128x64xf32, #tpu.memory_space<vmem>>, vector<16xf32>,
        tpu.vector_store %arg15[%swap3A_593, %swap3A_594], %mul3A_592 {strides = array<i32>} : memref<128x64xf32, #tpu.memory_space<vmem>>, vector<16xf32>,
        %mul3A_596 = arith.mulf %unpack3A_591, %broadcast_in_dim3A_582 : vector<16xf32>
        %swap3A_597 = arith.index_cast %add3A_586 : i32 to index
        %swap3A_598 = arith.constant 16 : index
        %swap3A_599 = tpu.vector_load %arg15[%swap3A_597, %swap3A_598] {strides = array<i32>} : memref<128x64xf32, #tpu.memory_space<vmem>>, vector<16xf32>,
        tpu.vector_store %arg15[%swap3A_597, %swap3A_598], %mul3A_596 {strides = array<i32>} : memref<128x64xf32, #tpu.memory_space<vmem>>, vector<16xf32>,
        %get3A_600 = arith.index_cast %add3A_586 : i32 to index
        %get3A_601 = arith.constant 32 : index
        %get3A_602 = tpu.vector_load %arg11[%get3A_600, %get3A_601] {strides = array<i32>} : memref<128x64xbf16, #tpu.memory_space<vmem>>, vector<32xbf16>,
        %unpack3A_603 = tpu.unpack_subelements %get3A_602, 0 {pack_format = #tpu.pack_format<interleaved>} : vector<32xbf16> -> vector<16xf32>
        %unpack3A_604 = tpu.unpack_subelements %get3A_602, 1 {pack_format = #tpu.pack_format<interleaved>} : vector<32xbf16> -> vector<16xf32>
        %mul3A_605 = arith.mulf %unpack3A_603, %broadcast_in_dim3A_582 : vector<16xf32>
        %swap3A_606 = arith.index_cast %add3A_586 : i32 to index
        %swap3A_607 = arith.constant 32 : index
        %swap3A_608 = tpu.vector_load %arg15[%swap3A_606, %swap3A_607] {strides = array<i32>} : memref<128x64xf32, #tpu.memory_space<vmem>>, vector<16xf32>,
        tpu.vector_store %arg15[%swap3A_606, %swap3A_607], %mul3A_605 {strides = array<i32>} : memref<128x64xf32, #tpu.memory_space<vmem>>, vector<16xf32>,
        %mul3A_609 = arith.mulf %unpack3A_604, %broadcast_in_dim3A_582 : vector<16xf32>
        %swap3A_610 = arith.index_cast %add3A_586 : i32 to index
        %swap3A_611 = arith.constant 48 : index
        %swap3A_612 = tpu.vector_load %arg15[%swap3A_610, %swap3A_611] {strides = array<i32>} : memref<128x64xf32, #tpu.memory_space<vmem>>, vector<16xf32>,
        tpu.vector_store %arg15[%swap3A_610, %swap3A_611], %mul3A_609 {strides = array<i32>} : memref<128x64xf32, #tpu.memory_space<vmem>>, vector<16xf32>,
        %slice3A_613 = vector.extract_strided_slice %get3A_155 {offsets = [14], sizes = [1], strides = [1]} : vector<16xf32> to vector<1xf32>
        %squeeze3A_614 = vector.extract %slice3A_613[0] : f32 from vector<1xf32>
        %broadcast_in_dim3A_615 = vector.broadcast %squeeze3A_614 : f32 to vector<16xf32>
        %mul3A_616 = arith.constant 16 : i32
        %mul3A_617 = arith.muli %add3A_151, %mul3A_616 : i32
        %add3A_618 = arith.constant 14 : i32
        %add3A_619 = arith.addi %mul3A_617, %add3A_618 : i32
        %get3A_620 = arith.index_cast %add3A_619 : i32 to index
        %get3A_621 = arith.constant 0 : index
        %get3A_622 = tpu.vector_load %arg11[%get3A_620, %get3A_621] {strides = array<i32>} : memref<128x64xbf16, #tpu.memory_space<vmem>>, vector<32xbf16>,
        %unpack3A_623 = tpu.unpack_subelements %get3A_622, 0 {pack_format = #tpu.pack_format<interleaved>} : vector<32xbf16> -> vector<16xf32>
        %unpack3A_624 = tpu.unpack_subelements %get3A_622, 1 {pack_format = #tpu.pack_format<interleaved>} : vector<32xbf16> -> vector<16xf32>
        %mul3A_625 = arith.mulf %unpack3A_623, %broadcast_in_dim3A_615 : vector<16xf32>
        %swap3A_626 = arith.index_cast %add3A_619 : i32 to index
        %swap3A_627 = arith.constant 0 : index
        %swap3A_628 = tpu.vector_load %arg15[%swap3A_626, %swap3A_627] {strides = array<i32>} : memref<128x64xf32, #tpu.memory_space<vmem>>, vector<16xf32>,
        tpu.vector_store %arg15[%swap3A_626, %swap3A_627], %mul3A_625 {strides = array<i32>} : memref<128x64xf32, #tpu.memory_space<vmem>>, vector<16xf32>,
        %mul3A_629 = arith.mulf %unpack3A_624, %broadcast_in_dim3A_615 : vector<16xf32>
        %swap3A_630 = arith.index_cast %add3A_619 : i32 to index
        %swap3A_631 = arith.constant 16 : index
        %swap3A_632 = tpu.vector_load %arg15[%swap3A_630, %swap3A_631] {strides = array<i32>} : memref<128x64xf32, #tpu.memory_space<vmem>>, vector<16xf32>,
        tpu.vector_store %arg15[%swap3A_630, %swap3A_631], %mul3A_629 {strides = array<i32>} : memref<128x64xf32, #tpu.memory_space<vmem>>, vector<16xf32>,
        %get3A_633 = arith.index_cast %add3A_619 : i32 to index
        %get3A_634 = arith.constant 32 : index
        %get3A_635 = tpu.vector_load %arg11[%get3A_633, %get3A_634] {strides = array<i32>} : memref<128x64xbf16, #tpu.memory_space<vmem>>, vector<32xbf16>,
        %unpack3A_636 = tpu.unpack_subelements %get3A_635, 0 {pack_format = #tpu.pack_format<interleaved>} : vector<32xbf16> -> vector<16xf32>
        %unpack3A_637 = tpu.unpack_subelements %get3A_635, 1 {pack_format = #tpu.pack_format<interleaved>} : vector<32xbf16> -> vector<16xf32>
        %mul3A_638 = arith.mulf %unpack3A_636, %broadcast_in_dim3A_615 : vector<16xf32>
        %swap3A_639 = arith.index_cast %add3A_619 : i32 to index
        %swap3A_640 = arith.constant 32 : index
        %swap3A_641 = tpu.vector_load %arg15[%swap3A_639, %swap3A_640] {strides = array<i32>} : memref<128x64xf32, #tpu.memory_space<vmem>>, vector<16xf32>,
        tpu.vector_store %arg15[%swap3A_639, %swap3A_640], %mul3A_638 {strides = array<i32>} : memref<128x64xf32, #tpu.memory_space<vmem>>, vector<16xf32>,
        %mul3A_642 = arith.mulf %unpack3A_637, %broadcast_in_dim3A_615 : vector<16xf32>
        %swap3A_643 = arith.index_cast %add3A_619 : i32 to index
        %swap3A_644 = arith.constant 48 : index
        %swap3A_645 = tpu.vector_load %arg15[%swap3A_643, %swap3A_644] {strides = array<i32>} : memref<128x64xf32, #tpu.memory_space<vmem>>, vector<16xf32>,
        tpu.vector_store %arg15[%swap3A_643, %swap3A_644], %mul3A_642 {strides = array<i32>} : memref<128x64xf32, #tpu.memory_space<vmem>>, vector<16xf32>,
        %slice3A_646 = vector.extract_strided_slice %get3A_155 {offsets = [15], sizes = [1], strides = [1]} : vector<16xf32> to vector<1xf32>
        %squeeze3A_647 = vector.extract %slice3A_646[0] : f32 from vector<1xf32>
        %broadcast_in_dim3A_648 = vector.broadcast %squeeze3A_647 : f32 to vector<16xf32>
        %mul3A_649 = arith.constant 16 : i32
        %mul3A_650 = arith.muli %add3A_151, %mul3A_649 : i32
        %add3A_651 = arith.constant 15 : i32
        %add3A_652 = arith.addi %mul3A_650, %add3A_651 : i32
        %get3A_653 = arith.index_cast %add3A_652 : i32 to index
        %get3A_654 = arith.constant 0 : index
        %get3A_655 = tpu.vector_load %arg11[%get3A_653, %get3A_654] {strides = array<i32>} : memref<128x64xbf16, #tpu.memory_space<vmem>>, vector<32xbf16>,
        %unpack3A_656 = tpu.unpack_subelements %get3A_655, 0 {pack_format = #tpu.pack_format<interleaved>} : vector<32xbf16> -> vector<16xf32>
        %unpack3A_657 = tpu.unpack_subelements %get3A_655, 1 {pack_format = #tpu.pack_format<interleaved>} : vector<32xbf16> -> vector<16xf32>
        %mul3A_658 = arith.mulf %unpack3A_656, %broadcast_in_dim3A_648 : vector<16xf32>
        %swap3A_659 = arith.index_cast %add3A_652 : i32 to index
        %swap3A_660 = arith.constant 0 : index
        %swap3A_661 = tpu.vector_load %arg15[%swap3A_659, %swap3A_660] {strides = array<i32>} : memref<128x64xf32, #tpu.memory_space<vmem>>, vector<16xf32>,
        tpu.vector_store %arg15[%swap3A_659, %swap3A_660], %mul3A_658 {strides = array<i32>} : memref<128x64xf32, #tpu.memory_space<vmem>>, vector<16xf32>,
        %mul3A_662 = arith.mulf %unpack3A_657, %broadcast_in_dim3A_648 : vector<16xf32>
        %swap3A_663 = arith.index_cast %add3A_652 : i32 to index
        %swap3A_664 = arith.constant 16 : index
        %swap3A_665 = tpu.vector_load %arg15[%swap3A_663, %swap3A_664] {strides = array<i32>} : memref<128x64xf32, #tpu.memory_space<vmem>>, vector<16xf32>,
        tpu.vector_store %arg15[%swap3A_663, %swap3A_664], %mul3A_662 {strides = array<i32>} : memref<128x64xf32, #tpu.memory_space<vmem>>, vector<16xf32>,
        %get3A_666 = arith.index_cast %add3A_652 : i32 to index
        %get3A_667 = arith.constant 32 : index
        %get3A_668 = tpu.vector_load %arg11[%get3A_666, %get3A_667] {strides = array<i32>} : memref<128x64xbf16, #tpu.memory_space<vmem>>, vector<32xbf16>,
        %unpack3A_669 = tpu.unpack_subelements %get3A_668, 0 {pack_format = #tpu.pack_format<interleaved>} : vector<32xbf16> -> vector<16xf32>
        %unpack3A_670 = tpu.unpack_subelements %get3A_668, 1 {pack_format = #tpu.pack_format<interleaved>} : vector<32xbf16> -> vector<16xf32>
        %mul3A_671 = arith.mulf %unpack3A_669, %broadcast_in_dim3A_648 : vector<16xf32>
        %swap3A_672 = arith.index_cast %add3A_652 : i32 to index
        %swap3A_673 = arith.constant 32 : index
        %swap3A_674 = tpu.vector_load %arg15[%swap3A_672, %swap3A_673] {strides = array<i32>} : memref<128x64xf32, #tpu.memory_space<vmem>>, vector<16xf32>,
        tpu.vector_store %arg15[%swap3A_672, %swap3A_673], %mul3A_671 {strides = array<i32>} : memref<128x64xf32, #tpu.memory_space<vmem>>, vector<16xf32>,
        %mul3A_675 = arith.mulf %unpack3A_670, %broadcast_in_dim3A_648 : vector<16xf32>
        %swap3A_676 = arith.index_cast %add3A_652 : i32 to index
        %swap3A_677 = arith.constant 48 : index
        %swap3A_678 = tpu.vector_load %arg15[%swap3A_676, %swap3A_677] {strides = array<i32>} : memref<128x64xf32, #tpu.memory_space<vmem>>, vector<16xf32>,
        tpu.vector_store %arg15[%swap3A_676, %swap3A_677], %mul3A_675 {strides = array<i32>} : memref<128x64xf32, #tpu.memory_space<vmem>>, vector<16xf32>,
      }
      %scan3A_96 = arith.constant 8 : i32
      "tpu.region"() ({
        %run_scoped3A = tpu.sem_alloc : memref<!tpu.dma_semaphore, #tpu.memory_space<semaphore_mem>>
        %dma_start3A_147 = arith.constant 0 : i32
        %dma_start3A_148 = tpu.memref_slice %arg8[%add3A_75, %dma_start3A_147] : memref<80x128xi32, #tpu.memory_space<vmem>> -> memref<1x128xi32, #tpu.memory_space<vmem>>
        %dma_start3A_149 = tpu.memref_squeeze %dma_start3A_148 : memref<1x128xi32, #tpu.memory_space<vmem>> -> memref<128xi32, #tpu.memory_space<vmem>>
        %dma_start3A_150 = arith.constant 0 : i32
        %dma_start3A_151 = arith.constant 0 : i32
        %dma_start3A_152 = tpu.memref_slice %arg18[%dma_start3A_150, %dma_start3A_151] : memref<10112x64xf32, #tpu.memory_space<vmem_shared>> -> memref<10112x64xf32, #tpu.memory_space<vmem_shared>>
        tpu.enqueue_indirect_dma source(%arg15 : memref<128x64xf32, #tpu.memory_space<vmem>>) target(%dma_start3A_152 : memref<10112x64xf32, #tpu.memory_space<vmem_shared>>) offsets(%dma_start3A_149 : memref<128xi32, #tpu.memory_space<vmem>>) semaphore(%run_scoped3A : memref<!tpu.dma_semaphore, #tpu.memory_space<semaphore_mem>>) {add = true}
        %dma_wait3A_153 = arith.constant 0 : i32
        %dma_wait3A_154 = tpu.memref_slice %arg8[%add3A_75, %dma_wait3A_153] : memref<80x128xi32, #tpu.memory_space<vmem>> -> memref<1x128xi32, #tpu.memory_space<vmem>>
        %dma_wait3A_155 = tpu.memref_squeeze %dma_wait3A_154 : memref<1x128xi32, #tpu.memory_space<vmem>> -> memref<128xi32, #tpu.memory_space<vmem>>
        %dma_wait3A_156 = arith.constant 0 : i32
        %dma_wait3A_157 = arith.constant 0 : i32
        %dma_wait3A_158 = tpu.memref_slice %arg18[%dma_wait3A_156, %dma_wait3A_157] : memref<10112x64xf32, #tpu.memory_space<vmem_shared>> -> memref<10112x64xf32, #tpu.memory_space<vmem_shared>>
        tpu.wait_indirect_dma semaphore(%run_scoped3A : memref<!tpu.dma_semaphore, #tpu.memory_space<semaphore_mem>>) src(%arg15 : memref<128x64xf32, #tpu.memory_space<vmem>>) dst(%dma_wait3A_158 : memref<10112x64xf32, #tpu.memory_space<vmem_shared>>)
        tpu.yield
      }) : () -> ()
      %mul3A_97 = arith.constant 4 : i32
      %mul3A_98 = arith.muli %add3A_52, %mul3A_97 : i32
      %add3A_99 = arith.constant 2 : i32
      %add3A_100 = arith.addi %mul3A_98, %add3A_99 : i32
      %ge3A_101 = arith.constant 2 : i32
      %ge3A_102 = arith.cmpi sge, %add3A_100, %ge3A_101 : i32
      %add3A_103 = arith.constant 2 : i32
      %add3A_104 = arith.addi %add3A_100, %add3A_103 : i32
      %lt3A_105 = arith.constant 80 : i32
      %lt3A_106 = arith.cmpi slt, %add3A_104, %lt3A_105 : i32
      %and3A_107 = arith.andi %ge3A_102, %lt3A_106 : i1
      %convert_element_type3A_108 = arith.extui %and3A_107 : i1 to i32
      %cond3A_109 = arith.constant 0 : i32
      %cond3A_110 = arith.cmpi ne, %convert_element_type3A_108, %cond3A_109 : i32
      scf.if %cond3A_110 {
        %add3A_147 = arith.constant 2 : i32
        %add3A_148 = arith.addi %add3A_100, %add3A_147 : i32
        %dma_start3A_149 = arith.constant 0 : i32
        %dma_start3A_150 = tpu.memref_slice %arg7[%add3A_148, %dma_start3A_149] : memref<80x128xi32, #tpu.memory_space<vmem>> -> memref<1x128xi32, #tpu.memory_space<vmem>>
        %dma_start3A_151 = tpu.memref_squeeze %dma_start3A_150 : memref<1x128xi32, #tpu.memory_space<vmem>> -> memref<128xi32, #tpu.memory_space<vmem>>
        %dma_start3A_152 = arith.constant 0 : i32
        %dma_start3A_153 = arith.constant 0 : i32
        %dma_start3A_154 = tpu.memref_slice %arg2[%dma_start3A_152, %dma_start3A_153] : memref<10112x64xbf16, #tpu.memory_space<hbm>> -> memref<10112x64xbf16, #tpu.memory_space<hbm>>
        tpu.enqueue_indirect_dma source(%dma_start3A_154 : memref<10112x64xbf16, #tpu.memory_space<hbm>>) target(%arg10 : memref<128x64xbf16, #tpu.memory_space<vmem>>) offsets(%dma_start3A_151 : memref<128xi32, #tpu.memory_space<vmem>>) semaphore(%arg19 : memref<!tpu.dma_semaphore, #tpu.memory_space<semaphore_mem>>)
      } else {
      }
      %dma_wait3A_111 = arith.constant 0 : i32
      %dma_wait3A_112 = tpu.memref_slice %arg7[%add3A_100, %dma_wait3A_111] : memref<80x128xi32, #tpu.memory_space<vmem>> -> memref<1x128xi32, #tpu.memory_space<vmem>>
      %dma_wait3A_113 = tpu.memref_squeeze %dma_wait3A_112 : memref<1x128xi32, #tpu.memory_space<vmem>> -> memref<128xi32, #tpu.memory_space<vmem>>
      %dma_wait3A_114 = arith.constant 0 : i32
      %dma_wait3A_115 = arith.constant 0 : i32
      %dma_wait3A_116 = tpu.memref_slice %arg2[%dma_wait3A_114, %dma_wait3A_115] : memref<10112x64xbf16, #tpu.memory_space<hbm>> -> memref<10112x64xbf16, #tpu.memory_space<hbm>>
      tpu.wait_indirect_dma semaphore(%arg21 : memref<!tpu.dma_semaphore, #tpu.memory_space<semaphore_mem>>) src(%dma_wait3A_116 : memref<10112x64xbf16, #tpu.memory_space<hbm>>) dst(%arg12 : memref<128x64xbf16, #tpu.memory_space<vmem>>)
      %scan3A_117 = arith.constant 0 : i32
      %scan3A_118 = arith.constant 8 : i32
      %scan3A_119 = arith.addi %scan3A_117, %scan3A_118 : i32
      %scan3A_120 = arith.constant 1 : i32
      scf.for %scan3A_147 = %scan3A_117 to %scan3A_119 step %scan3A_120  : i32 {
        %mul3A_148 = arith.constant 1 : i32
        %mul3A_149 = arith.muli %scan3A_147, %mul3A_148 : i32
        %add3A_150 = arith.constant 0 : i32
        %add3A_151 = arith.addi %add3A_150, %mul3A_149 : i32
        %mul3A_152 = arith.constant 16 : i32
        %mul3A_153 = arith.muli %add3A_151, %mul3A_152 : i32
        %get3A = arith.index_cast %add3A_100 : i32 to index
        %get3A_154 = arith.index_cast %mul3A_153 : i32 to index
        %get3A_155 = tpu.vector_load %arg9[%get3A, %get3A_154] {strides = array<i32>} : memref<80x128xf32, #tpu.memory_space<vmem>>, vector<16xf32>,
        %slice3A = vector.extract_strided_slice %get3A_155 {offsets = [0], sizes = [1], strides = [1]} : vector<16xf32> to vector<1xf32>
        %squeeze3A = vector.extract %slice3A[0] : f32 from vector<1xf32>
        %broadcast_in_dim3A = vector.broadcast %squeeze3A : f32 to vector<16xf32>
        %mul3A_156 = arith.constant 16 : i32
        %mul3A_157 = arith.muli %add3A_151, %mul3A_156 : i32
        %add3A_158 = arith.constant 0 : i32
        %add3A_159 = arith.addi %mul3A_157, %add3A_158 : i32
        %get3A_160 = arith.index_cast %add3A_159 : i32 to index
        %get3A_161 = arith.constant 0 : index
        %get3A_162 = tpu.vector_load %arg12[%get3A_160, %get3A_161] {strides = array<i32>} : memref<128x64xbf16, #tpu.memory_space<vmem>>, vector<32xbf16>,
        %unpack3A = tpu.unpack_subelements %get3A_162, 0 {pack_format = #tpu.pack_format<interleaved>} : vector<32xbf16> -> vector<16xf32>
        %unpack3A_163 = tpu.unpack_subelements %get3A_162, 1 {pack_format = #tpu.pack_format<interleaved>} : vector<32xbf16> -> vector<16xf32>
        %mul3A_164 = arith.mulf %unpack3A, %broadcast_in_dim3A : vector<16xf32>
        %swap3A = arith.index_cast %add3A_159 : i32 to index
        %swap3A_165 = arith.constant 0 : index
        %swap3A_166 = tpu.vector_load %arg16[%swap3A, %swap3A_165] {strides = array<i32>} : memref<128x64xf32, #tpu.memory_space<vmem>>, vector<16xf32>,
        tpu.vector_store %arg16[%swap3A, %swap3A_165], %mul3A_164 {strides = array<i32>} : memref<128x64xf32, #tpu.memory_space<vmem>>, vector<16xf32>,
        %mul3A_167 = arith.mulf %unpack3A_163, %broadcast_in_dim3A : vector<16xf32>
        %swap3A_168 = arith.index_cast %add3A_159 : i32 to index
        %swap3A_169 = arith.constant 16 : index
        %swap3A_170 = tpu.vector_load %arg16[%swap3A_168, %swap3A_169] {strides = array<i32>} : memref<128x64xf32, #tpu.memory_space<vmem>>, vector<16xf32>,
        tpu.vector_store %arg16[%swap3A_168, %swap3A_169], %mul3A_167 {strides = array<i32>} : memref<128x64xf32, #tpu.memory_space<vmem>>, vector<16xf32>,
        %get3A_171 = arith.index_cast %add3A_159 : i32 to index
        %get3A_172 = arith.constant 32 : index
        %get3A_173 = tpu.vector_load %arg12[%get3A_171, %get3A_172] {strides = array<i32>} : memref<128x64xbf16, #tpu.memory_space<vmem>>, vector<32xbf16>,
        %unpack3A_174 = tpu.unpack_subelements %get3A_173, 0 {pack_format = #tpu.pack_format<interleaved>} : vector<32xbf16> -> vector<16xf32>
        %unpack3A_175 = tpu.unpack_subelements %get3A_173, 1 {pack_format = #tpu.pack_format<interleaved>} : vector<32xbf16> -> vector<16xf32>
        %mul3A_176 = arith.mulf %unpack3A_174, %broadcast_in_dim3A : vector<16xf32>
        %swap3A_177 = arith.index_cast %add3A_159 : i32 to index
        %swap3A_178 = arith.constant 32 : index
        %swap3A_179 = tpu.vector_load %arg16[%swap3A_177, %swap3A_178] {strides = array<i32>} : memref<128x64xf32, #tpu.memory_space<vmem>>, vector<16xf32>,
        tpu.vector_store %arg16[%swap3A_177, %swap3A_178], %mul3A_176 {strides = array<i32>} : memref<128x64xf32, #tpu.memory_space<vmem>>, vector<16xf32>,
        %mul3A_180 = arith.mulf %unpack3A_175, %broadcast_in_dim3A : vector<16xf32>
        %swap3A_181 = arith.index_cast %add3A_159 : i32 to index
        %swap3A_182 = arith.constant 48 : index
        %swap3A_183 = tpu.vector_load %arg16[%swap3A_181, %swap3A_182] {strides = array<i32>} : memref<128x64xf32, #tpu.memory_space<vmem>>, vector<16xf32>,
        tpu.vector_store %arg16[%swap3A_181, %swap3A_182], %mul3A_180 {strides = array<i32>} : memref<128x64xf32, #tpu.memory_space<vmem>>, vector<16xf32>,
        %slice3A_184 = vector.extract_strided_slice %get3A_155 {offsets = [1], sizes = [1], strides = [1]} : vector<16xf32> to vector<1xf32>
        %squeeze3A_185 = vector.extract %slice3A_184[0] : f32 from vector<1xf32>
        %broadcast_in_dim3A_186 = vector.broadcast %squeeze3A_185 : f32 to vector<16xf32>
        %mul3A_187 = arith.constant 16 : i32
        %mul3A_188 = arith.muli %add3A_151, %mul3A_187 : i32
        %add3A_189 = arith.constant 1 : i32
        %add3A_190 = arith.addi %mul3A_188, %add3A_189 : i32
        %get3A_191 = arith.index_cast %add3A_190 : i32 to index
        %get3A_192 = arith.constant 0 : index
        %get3A_193 = tpu.vector_load %arg12[%get3A_191, %get3A_192] {strides = array<i32>} : memref<128x64xbf16, #tpu.memory_space<vmem>>, vector<32xbf16>,
        %unpack3A_194 = tpu.unpack_subelements %get3A_193, 0 {pack_format = #tpu.pack_format<interleaved>} : vector<32xbf16> -> vector<16xf32>
        %unpack3A_195 = tpu.unpack_subelements %get3A_193, 1 {pack_format = #tpu.pack_format<interleaved>} : vector<32xbf16> -> vector<16xf32>
        %mul3A_196 = arith.mulf %unpack3A_194, %broadcast_in_dim3A_186 : vector<16xf32>
        %swap3A_197 = arith.index_cast %add3A_190 : i32 to index
        %swap3A_198 = arith.constant 0 : index
        %swap3A_199 = tpu.vector_load %arg16[%swap3A_197, %swap3A_198] {strides = array<i32>} : memref<128x64xf32, #tpu.memory_space<vmem>>, vector<16xf32>,
        tpu.vector_store %arg16[%swap3A_197, %swap3A_198], %mul3A_196 {strides = array<i32>} : memref<128x64xf32, #tpu.memory_space<vmem>>, vector<16xf32>,
        %mul3A_200 = arith.mulf %unpack3A_195, %broadcast_in_dim3A_186 : vector<16xf32>
        %swap3A_201 = arith.index_cast %add3A_190 : i32 to index
        %swap3A_202 = arith.constant 16 : index
        %swap3A_203 = tpu.vector_load %arg16[%swap3A_201, %swap3A_202] {strides = array<i32>} : memref<128x64xf32, #tpu.memory_space<vmem>>, vector<16xf32>,
        tpu.vector_store %arg16[%swap3A_201, %swap3A_202], %mul3A_200 {strides = array<i32>} : memref<128x64xf32, #tpu.memory_space<vmem>>, vector<16xf32>,
        %get3A_204 = arith.index_cast %add3A_190 : i32 to index
        %get3A_205 = arith.constant 32 : index
        %get3A_206 = tpu.vector_load %arg12[%get3A_204, %get3A_205] {strides = array<i32>} : memref<128x64xbf16, #tpu.memory_space<vmem>>, vector<32xbf16>,
        %unpack3A_207 = tpu.unpack_subelements %get3A_206, 0 {pack_format = #tpu.pack_format<interleaved>} : vector<32xbf16> -> vector<16xf32>
        %unpack3A_208 = tpu.unpack_subelements %get3A_206, 1 {pack_format = #tpu.pack_format<interleaved>} : vector<32xbf16> -> vector<16xf32>
        %mul3A_209 = arith.mulf %unpack3A_207, %broadcast_in_dim3A_186 : vector<16xf32>
        %swap3A_210 = arith.index_cast %add3A_190 : i32 to index
        %swap3A_211 = arith.constant 32 : index
        %swap3A_212 = tpu.vector_load %arg16[%swap3A_210, %swap3A_211] {strides = array<i32>} : memref<128x64xf32, #tpu.memory_space<vmem>>, vector<16xf32>,
        tpu.vector_store %arg16[%swap3A_210, %swap3A_211], %mul3A_209 {strides = array<i32>} : memref<128x64xf32, #tpu.memory_space<vmem>>, vector<16xf32>,
        %mul3A_213 = arith.mulf %unpack3A_208, %broadcast_in_dim3A_186 : vector<16xf32>
        %swap3A_214 = arith.index_cast %add3A_190 : i32 to index
        %swap3A_215 = arith.constant 48 : index
        %swap3A_216 = tpu.vector_load %arg16[%swap3A_214, %swap3A_215] {strides = array<i32>} : memref<128x64xf32, #tpu.memory_space<vmem>>, vector<16xf32>,
        tpu.vector_store %arg16[%swap3A_214, %swap3A_215], %mul3A_213 {strides = array<i32>} : memref<128x64xf32, #tpu.memory_space<vmem>>, vector<16xf32>,
        %slice3A_217 = vector.extract_strided_slice %get3A_155 {offsets = [2], sizes = [1], strides = [1]} : vector<16xf32> to vector<1xf32>
        %squeeze3A_218 = vector.extract %slice3A_217[0] : f32 from vector<1xf32>
        %broadcast_in_dim3A_219 = vector.broadcast %squeeze3A_218 : f32 to vector<16xf32>
        %mul3A_220 = arith.constant 16 : i32
        %mul3A_221 = arith.muli %add3A_151, %mul3A_220 : i32
        %add3A_222 = arith.constant 2 : i32
        %add3A_223 = arith.addi %mul3A_221, %add3A_222 : i32
        %get3A_224 = arith.index_cast %add3A_223 : i32 to index
        %get3A_225 = arith.constant 0 : index
        %get3A_226 = tpu.vector_load %arg12[%get3A_224, %get3A_225] {strides = array<i32>} : memref<128x64xbf16, #tpu.memory_space<vmem>>, vector<32xbf16>,
        %unpack3A_227 = tpu.unpack_subelements %get3A_226, 0 {pack_format = #tpu.pack_format<interleaved>} : vector<32xbf16> -> vector<16xf32>
        %unpack3A_228 = tpu.unpack_subelements %get3A_226, 1 {pack_format = #tpu.pack_format<interleaved>} : vector<32xbf16> -> vector<16xf32>
        %mul3A_229 = arith.mulf %unpack3A_227, %broadcast_in_dim3A_219 : vector<16xf32>
        %swap3A_230 = arith.index_cast %add3A_223 : i32 to index
        %swap3A_231 = arith.constant 0 : index
        %swap3A_232 = tpu.vector_load %arg16[%swap3A_230, %swap3A_231] {strides = array<i32>} : memref<128x64xf32, #tpu.memory_space<vmem>>, vector<16xf32>,
        tpu.vector_store %arg16[%swap3A_230, %swap3A_231], %mul3A_229 {strides = array<i32>} : memref<128x64xf32, #tpu.memory_space<vmem>>, vector<16xf32>,
        %mul3A_233 = arith.mulf %unpack3A_228, %broadcast_in_dim3A_219 : vector<16xf32>
        %swap3A_234 = arith.index_cast %add3A_223 : i32 to index
        %swap3A_235 = arith.constant 16 : index
        %swap3A_236 = tpu.vector_load %arg16[%swap3A_234, %swap3A_235] {strides = array<i32>} : memref<128x64xf32, #tpu.memory_space<vmem>>, vector<16xf32>,
        tpu.vector_store %arg16[%swap3A_234, %swap3A_235], %mul3A_233 {strides = array<i32>} : memref<128x64xf32, #tpu.memory_space<vmem>>, vector<16xf32>,
        %get3A_237 = arith.index_cast %add3A_223 : i32 to index
        %get3A_238 = arith.constant 32 : index
        %get3A_239 = tpu.vector_load %arg12[%get3A_237, %get3A_238] {strides = array<i32>} : memref<128x64xbf16, #tpu.memory_space<vmem>>, vector<32xbf16>,
        %unpack3A_240 = tpu.unpack_subelements %get3A_239, 0 {pack_format = #tpu.pack_format<interleaved>} : vector<32xbf16> -> vector<16xf32>
        %unpack3A_241 = tpu.unpack_subelements %get3A_239, 1 {pack_format = #tpu.pack_format<interleaved>} : vector<32xbf16> -> vector<16xf32>
        %mul3A_242 = arith.mulf %unpack3A_240, %broadcast_in_dim3A_219 : vector<16xf32>
        %swap3A_243 = arith.index_cast %add3A_223 : i32 to index
        %swap3A_244 = arith.constant 32 : index
        %swap3A_245 = tpu.vector_load %arg16[%swap3A_243, %swap3A_244] {strides = array<i32>} : memref<128x64xf32, #tpu.memory_space<vmem>>, vector<16xf32>,
        tpu.vector_store %arg16[%swap3A_243, %swap3A_244], %mul3A_242 {strides = array<i32>} : memref<128x64xf32, #tpu.memory_space<vmem>>, vector<16xf32>,
        %mul3A_246 = arith.mulf %unpack3A_241, %broadcast_in_dim3A_219 : vector<16xf32>
        %swap3A_247 = arith.index_cast %add3A_223 : i32 to index
        %swap3A_248 = arith.constant 48 : index
        %swap3A_249 = tpu.vector_load %arg16[%swap3A_247, %swap3A_248] {strides = array<i32>} : memref<128x64xf32, #tpu.memory_space<vmem>>, vector<16xf32>,
        tpu.vector_store %arg16[%swap3A_247, %swap3A_248], %mul3A_246 {strides = array<i32>} : memref<128x64xf32, #tpu.memory_space<vmem>>, vector<16xf32>,
        %slice3A_250 = vector.extract_strided_slice %get3A_155 {offsets = [3], sizes = [1], strides = [1]} : vector<16xf32> to vector<1xf32>
        %squeeze3A_251 = vector.extract %slice3A_250[0] : f32 from vector<1xf32>
        %broadcast_in_dim3A_252 = vector.broadcast %squeeze3A_251 : f32 to vector<16xf32>
        %mul3A_253 = arith.constant 16 : i32
        %mul3A_254 = arith.muli %add3A_151, %mul3A_253 : i32
        %add3A_255 = arith.constant 3 : i32
        %add3A_256 = arith.addi %mul3A_254, %add3A_255 : i32
        %get3A_257 = arith.index_cast %add3A_256 : i32 to index
        %get3A_258 = arith.constant 0 : index
        %get3A_259 = tpu.vector_load %arg12[%get3A_257, %get3A_258] {strides = array<i32>} : memref<128x64xbf16, #tpu.memory_space<vmem>>, vector<32xbf16>,
        %unpack3A_260 = tpu.unpack_subelements %get3A_259, 0 {pack_format = #tpu.pack_format<interleaved>} : vector<32xbf16> -> vector<16xf32>
        %unpack3A_261 = tpu.unpack_subelements %get3A_259, 1 {pack_format = #tpu.pack_format<interleaved>} : vector<32xbf16> -> vector<16xf32>
        %mul3A_262 = arith.mulf %unpack3A_260, %broadcast_in_dim3A_252 : vector<16xf32>
        %swap3A_263 = arith.index_cast %add3A_256 : i32 to index
        %swap3A_264 = arith.constant 0 : index
        %swap3A_265 = tpu.vector_load %arg16[%swap3A_263, %swap3A_264] {strides = array<i32>} : memref<128x64xf32, #tpu.memory_space<vmem>>, vector<16xf32>,
        tpu.vector_store %arg16[%swap3A_263, %swap3A_264], %mul3A_262 {strides = array<i32>} : memref<128x64xf32, #tpu.memory_space<vmem>>, vector<16xf32>,
        %mul3A_266 = arith.mulf %unpack3A_261, %broadcast_in_dim3A_252 : vector<16xf32>
        %swap3A_267 = arith.index_cast %add3A_256 : i32 to index
        %swap3A_268 = arith.constant 16 : index
        %swap3A_269 = tpu.vector_load %arg16[%swap3A_267, %swap3A_268] {strides = array<i32>} : memref<128x64xf32, #tpu.memory_space<vmem>>, vector<16xf32>,
        tpu.vector_store %arg16[%swap3A_267, %swap3A_268], %mul3A_266 {strides = array<i32>} : memref<128x64xf32, #tpu.memory_space<vmem>>, vector<16xf32>,
        %get3A_270 = arith.index_cast %add3A_256 : i32 to index
        %get3A_271 = arith.constant 32 : index
        %get3A_272 = tpu.vector_load %arg12[%get3A_270, %get3A_271] {strides = array<i32>} : memref<128x64xbf16, #tpu.memory_space<vmem>>, vector<32xbf16>,
        %unpack3A_273 = tpu.unpack_subelements %get3A_272, 0 {pack_format = #tpu.pack_format<interleaved>} : vector<32xbf16> -> vector<16xf32>
        %unpack3A_274 = tpu.unpack_subelements %get3A_272, 1 {pack_format = #tpu.pack_format<interleaved>} : vector<32xbf16> -> vector<16xf32>
        %mul3A_275 = arith.mulf %unpack3A_273, %broadcast_in_dim3A_252 : vector<16xf32>
        %swap3A_276 = arith.index_cast %add3A_256 : i32 to index
        %swap3A_277 = arith.constant 32 : index
        %swap3A_278 = tpu.vector_load %arg16[%swap3A_276, %swap3A_277] {strides = array<i32>} : memref<128x64xf32, #tpu.memory_space<vmem>>, vector<16xf32>,
        tpu.vector_store %arg16[%swap3A_276, %swap3A_277], %mul3A_275 {strides = array<i32>} : memref<128x64xf32, #tpu.memory_space<vmem>>, vector<16xf32>,
        %mul3A_279 = arith.mulf %unpack3A_274, %broadcast_in_dim3A_252 : vector<16xf32>
        %swap3A_280 = arith.index_cast %add3A_256 : i32 to index
        %swap3A_281 = arith.constant 48 : index
        %swap3A_282 = tpu.vector_load %arg16[%swap3A_280, %swap3A_281] {strides = array<i32>} : memref<128x64xf32, #tpu.memory_space<vmem>>, vector<16xf32>,
        tpu.vector_store %arg16[%swap3A_280, %swap3A_281], %mul3A_279 {strides = array<i32>} : memref<128x64xf32, #tpu.memory_space<vmem>>, vector<16xf32>,
        %slice3A_283 = vector.extract_strided_slice %get3A_155 {offsets = [4], sizes = [1], strides = [1]} : vector<16xf32> to vector<1xf32>
        %squeeze3A_284 = vector.extract %slice3A_283[0] : f32 from vector<1xf32>
        %broadcast_in_dim3A_285 = vector.broadcast %squeeze3A_284 : f32 to vector<16xf32>
        %mul3A_286 = arith.constant 16 : i32
        %mul3A_287 = arith.muli %add3A_151, %mul3A_286 : i32
        %add3A_288 = arith.constant 4 : i32
        %add3A_289 = arith.addi %mul3A_287, %add3A_288 : i32
        %get3A_290 = arith.index_cast %add3A_289 : i32 to index
        %get3A_291 = arith.constant 0 : index
        %get3A_292 = tpu.vector_load %arg12[%get3A_290, %get3A_291] {strides = array<i32>} : memref<128x64xbf16, #tpu.memory_space<vmem>>, vector<32xbf16>,
        %unpack3A_293 = tpu.unpack_subelements %get3A_292, 0 {pack_format = #tpu.pack_format<interleaved>} : vector<32xbf16> -> vector<16xf32>
        %unpack3A_294 = tpu.unpack_subelements %get3A_292, 1 {pack_format = #tpu.pack_format<interleaved>} : vector<32xbf16> -> vector<16xf32>
        %mul3A_295 = arith.mulf %unpack3A_293, %broadcast_in_dim3A_285 : vector<16xf32>
        %swap3A_296 = arith.index_cast %add3A_289 : i32 to index
        %swap3A_297 = arith.constant 0 : index
        %swap3A_298 = tpu.vector_load %arg16[%swap3A_296, %swap3A_297] {strides = array<i32>} : memref<128x64xf32, #tpu.memory_space<vmem>>, vector<16xf32>,
        tpu.vector_store %arg16[%swap3A_296, %swap3A_297], %mul3A_295 {strides = array<i32>} : memref<128x64xf32, #tpu.memory_space<vmem>>, vector<16xf32>,
        %mul3A_299 = arith.mulf %unpack3A_294, %broadcast_in_dim3A_285 : vector<16xf32>
        %swap3A_300 = arith.index_cast %add3A_289 : i32 to index
        %swap3A_301 = arith.constant 16 : index
        %swap3A_302 = tpu.vector_load %arg16[%swap3A_300, %swap3A_301] {strides = array<i32>} : memref<128x64xf32, #tpu.memory_space<vmem>>, vector<16xf32>,
        tpu.vector_store %arg16[%swap3A_300, %swap3A_301], %mul3A_299 {strides = array<i32>} : memref<128x64xf32, #tpu.memory_space<vmem>>, vector<16xf32>,
        %get3A_303 = arith.index_cast %add3A_289 : i32 to index
        %get3A_304 = arith.constant 32 : index
        %get3A_305 = tpu.vector_load %arg12[%get3A_303, %get3A_304] {strides = array<i32>} : memref<128x64xbf16, #tpu.memory_space<vmem>>, vector<32xbf16>,
        %unpack3A_306 = tpu.unpack_subelements %get3A_305, 0 {pack_format = #tpu.pack_format<interleaved>} : vector<32xbf16> -> vector<16xf32>
        %unpack3A_307 = tpu.unpack_subelements %get3A_305, 1 {pack_format = #tpu.pack_format<interleaved>} : vector<32xbf16> -> vector<16xf32>
        %mul3A_308 = arith.mulf %unpack3A_306, %broadcast_in_dim3A_285 : vector<16xf32>
        %swap3A_309 = arith.index_cast %add3A_289 : i32 to index
        %swap3A_310 = arith.constant 32 : index
        %swap3A_311 = tpu.vector_load %arg16[%swap3A_309, %swap3A_310] {strides = array<i32>} : memref<128x64xf32, #tpu.memory_space<vmem>>, vector<16xf32>,
        tpu.vector_store %arg16[%swap3A_309, %swap3A_310], %mul3A_308 {strides = array<i32>} : memref<128x64xf32, #tpu.memory_space<vmem>>, vector<16xf32>,
        %mul3A_312 = arith.mulf %unpack3A_307, %broadcast_in_dim3A_285 : vector<16xf32>
        %swap3A_313 = arith.index_cast %add3A_289 : i32 to index
        %swap3A_314 = arith.constant 48 : index
        %swap3A_315 = tpu.vector_load %arg16[%swap3A_313, %swap3A_314] {strides = array<i32>} : memref<128x64xf32, #tpu.memory_space<vmem>>, vector<16xf32>,
        tpu.vector_store %arg16[%swap3A_313, %swap3A_314], %mul3A_312 {strides = array<i32>} : memref<128x64xf32, #tpu.memory_space<vmem>>, vector<16xf32>,
        %slice3A_316 = vector.extract_strided_slice %get3A_155 {offsets = [5], sizes = [1], strides = [1]} : vector<16xf32> to vector<1xf32>
        %squeeze3A_317 = vector.extract %slice3A_316[0] : f32 from vector<1xf32>
        %broadcast_in_dim3A_318 = vector.broadcast %squeeze3A_317 : f32 to vector<16xf32>
        %mul3A_319 = arith.constant 16 : i32
        %mul3A_320 = arith.muli %add3A_151, %mul3A_319 : i32
        %add3A_321 = arith.constant 5 : i32
        %add3A_322 = arith.addi %mul3A_320, %add3A_321 : i32
        %get3A_323 = arith.index_cast %add3A_322 : i32 to index
        %get3A_324 = arith.constant 0 : index
        %get3A_325 = tpu.vector_load %arg12[%get3A_323, %get3A_324] {strides = array<i32>} : memref<128x64xbf16, #tpu.memory_space<vmem>>, vector<32xbf16>,
        %unpack3A_326 = tpu.unpack_subelements %get3A_325, 0 {pack_format = #tpu.pack_format<interleaved>} : vector<32xbf16> -> vector<16xf32>
        %unpack3A_327 = tpu.unpack_subelements %get3A_325, 1 {pack_format = #tpu.pack_format<interleaved>} : vector<32xbf16> -> vector<16xf32>
        %mul3A_328 = arith.mulf %unpack3A_326, %broadcast_in_dim3A_318 : vector<16xf32>
        %swap3A_329 = arith.index_cast %add3A_322 : i32 to index
        %swap3A_330 = arith.constant 0 : index
        %swap3A_331 = tpu.vector_load %arg16[%swap3A_329, %swap3A_330] {strides = array<i32>} : memref<128x64xf32, #tpu.memory_space<vmem>>, vector<16xf32>,
        tpu.vector_store %arg16[%swap3A_329, %swap3A_330], %mul3A_328 {strides = array<i32>} : memref<128x64xf32, #tpu.memory_space<vmem>>, vector<16xf32>,
        %mul3A_332 = arith.mulf %unpack3A_327, %broadcast_in_dim3A_318 : vector<16xf32>
        %swap3A_333 = arith.index_cast %add3A_322 : i32 to index
        %swap3A_334 = arith.constant 16 : index
        %swap3A_335 = tpu.vector_load %arg16[%swap3A_333, %swap3A_334] {strides = array<i32>} : memref<128x64xf32, #tpu.memory_space<vmem>>, vector<16xf32>,
        tpu.vector_store %arg16[%swap3A_333, %swap3A_334], %mul3A_332 {strides = array<i32>} : memref<128x64xf32, #tpu.memory_space<vmem>>, vector<16xf32>,
        %get3A_336 = arith.index_cast %add3A_322 : i32 to index
        %get3A_337 = arith.constant 32 : index
        %get3A_338 = tpu.vector_load %arg12[%get3A_336, %get3A_337] {strides = array<i32>} : memref<128x64xbf16, #tpu.memory_space<vmem>>, vector<32xbf16>,
        %unpack3A_339 = tpu.unpack_subelements %get3A_338, 0 {pack_format = #tpu.pack_format<interleaved>} : vector<32xbf16> -> vector<16xf32>
        %unpack3A_340 = tpu.unpack_subelements %get3A_338, 1 {pack_format = #tpu.pack_format<interleaved>} : vector<32xbf16> -> vector<16xf32>
        %mul3A_341 = arith.mulf %unpack3A_339, %broadcast_in_dim3A_318 : vector<16xf32>
        %swap3A_342 = arith.index_cast %add3A_322 : i32 to index
        %swap3A_343 = arith.constant 32 : index
        %swap3A_344 = tpu.vector_load %arg16[%swap3A_342, %swap3A_343] {strides = array<i32>} : memref<128x64xf32, #tpu.memory_space<vmem>>, vector<16xf32>,
        tpu.vector_store %arg16[%swap3A_342, %swap3A_343], %mul3A_341 {strides = array<i32>} : memref<128x64xf32, #tpu.memory_space<vmem>>, vector<16xf32>,
        %mul3A_345 = arith.mulf %unpack3A_340, %broadcast_in_dim3A_318 : vector<16xf32>
        %swap3A_346 = arith.index_cast %add3A_322 : i32 to index
        %swap3A_347 = arith.constant 48 : index
        %swap3A_348 = tpu.vector_load %arg16[%swap3A_346, %swap3A_347] {strides = array<i32>} : memref<128x64xf32, #tpu.memory_space<vmem>>, vector<16xf32>,
        tpu.vector_store %arg16[%swap3A_346, %swap3A_347], %mul3A_345 {strides = array<i32>} : memref<128x64xf32, #tpu.memory_space<vmem>>, vector<16xf32>,
        %slice3A_349 = vector.extract_strided_slice %get3A_155 {offsets = [6], sizes = [1], strides = [1]} : vector<16xf32> to vector<1xf32>
        %squeeze3A_350 = vector.extract %slice3A_349[0] : f32 from vector<1xf32>
        %broadcast_in_dim3A_351 = vector.broadcast %squeeze3A_350 : f32 to vector<16xf32>
        %mul3A_352 = arith.constant 16 : i32
        %mul3A_353 = arith.muli %add3A_151, %mul3A_352 : i32
        %add3A_354 = arith.constant 6 : i32
        %add3A_355 = arith.addi %mul3A_353, %add3A_354 : i32
        %get3A_356 = arith.index_cast %add3A_355 : i32 to index
        %get3A_357 = arith.constant 0 : index
        %get3A_358 = tpu.vector_load %arg12[%get3A_356, %get3A_357] {strides = array<i32>} : memref<128x64xbf16, #tpu.memory_space<vmem>>, vector<32xbf16>,
        %unpack3A_359 = tpu.unpack_subelements %get3A_358, 0 {pack_format = #tpu.pack_format<interleaved>} : vector<32xbf16> -> vector<16xf32>
        %unpack3A_360 = tpu.unpack_subelements %get3A_358, 1 {pack_format = #tpu.pack_format<interleaved>} : vector<32xbf16> -> vector<16xf32>
        %mul3A_361 = arith.mulf %unpack3A_359, %broadcast_in_dim3A_351 : vector<16xf32>
        %swap3A_362 = arith.index_cast %add3A_355 : i32 to index
        %swap3A_363 = arith.constant 0 : index
        %swap3A_364 = tpu.vector_load %arg16[%swap3A_362, %swap3A_363] {strides = array<i32>} : memref<128x64xf32, #tpu.memory_space<vmem>>, vector<16xf32>,
        tpu.vector_store %arg16[%swap3A_362, %swap3A_363], %mul3A_361 {strides = array<i32>} : memref<128x64xf32, #tpu.memory_space<vmem>>, vector<16xf32>,
        %mul3A_365 = arith.mulf %unpack3A_360, %broadcast_in_dim3A_351 : vector<16xf32>
        %swap3A_366 = arith.index_cast %add3A_355 : i32 to index
        %swap3A_367 = arith.constant 16 : index
        %swap3A_368 = tpu.vector_load %arg16[%swap3A_366, %swap3A_367] {strides = array<i32>} : memref<128x64xf32, #tpu.memory_space<vmem>>, vector<16xf32>,
        tpu.vector_store %arg16[%swap3A_366, %swap3A_367], %mul3A_365 {strides = array<i32>} : memref<128x64xf32, #tpu.memory_space<vmem>>, vector<16xf32>,
        %get3A_369 = arith.index_cast %add3A_355 : i32 to index
        %get3A_370 = arith.constant 32 : index
        %get3A_371 = tpu.vector_load %arg12[%get3A_369, %get3A_370] {strides = array<i32>} : memref<128x64xbf16, #tpu.memory_space<vmem>>, vector<32xbf16>,
        %unpack3A_372 = tpu.unpack_subelements %get3A_371, 0 {pack_format = #tpu.pack_format<interleaved>} : vector<32xbf16> -> vector<16xf32>
        %unpack3A_373 = tpu.unpack_subelements %get3A_371, 1 {pack_format = #tpu.pack_format<interleaved>} : vector<32xbf16> -> vector<16xf32>
        %mul3A_374 = arith.mulf %unpack3A_372, %broadcast_in_dim3A_351 : vector<16xf32>
        %swap3A_375 = arith.index_cast %add3A_355 : i32 to index
        %swap3A_376 = arith.constant 32 : index
        %swap3A_377 = tpu.vector_load %arg16[%swap3A_375, %swap3A_376] {strides = array<i32>} : memref<128x64xf32, #tpu.memory_space<vmem>>, vector<16xf32>,
        tpu.vector_store %arg16[%swap3A_375, %swap3A_376], %mul3A_374 {strides = array<i32>} : memref<128x64xf32, #tpu.memory_space<vmem>>, vector<16xf32>,
        %mul3A_378 = arith.mulf %unpack3A_373, %broadcast_in_dim3A_351 : vector<16xf32>
        %swap3A_379 = arith.index_cast %add3A_355 : i32 to index
        %swap3A_380 = arith.constant 48 : index
        %swap3A_381 = tpu.vector_load %arg16[%swap3A_379, %swap3A_380] {strides = array<i32>} : memref<128x64xf32, #tpu.memory_space<vmem>>, vector<16xf32>,
        tpu.vector_store %arg16[%swap3A_379, %swap3A_380], %mul3A_378 {strides = array<i32>} : memref<128x64xf32, #tpu.memory_space<vmem>>, vector<16xf32>,
        %slice3A_382 = vector.extract_strided_slice %get3A_155 {offsets = [7], sizes = [1], strides = [1]} : vector<16xf32> to vector<1xf32>
        %squeeze3A_383 = vector.extract %slice3A_382[0] : f32 from vector<1xf32>
        %broadcast_in_dim3A_384 = vector.broadcast %squeeze3A_383 : f32 to vector<16xf32>
        %mul3A_385 = arith.constant 16 : i32
        %mul3A_386 = arith.muli %add3A_151, %mul3A_385 : i32
        %add3A_387 = arith.constant 7 : i32
        %add3A_388 = arith.addi %mul3A_386, %add3A_387 : i32
        %get3A_389 = arith.index_cast %add3A_388 : i32 to index
        %get3A_390 = arith.constant 0 : index
        %get3A_391 = tpu.vector_load %arg12[%get3A_389, %get3A_390] {strides = array<i32>} : memref<128x64xbf16, #tpu.memory_space<vmem>>, vector<32xbf16>,
        %unpack3A_392 = tpu.unpack_subelements %get3A_391, 0 {pack_format = #tpu.pack_format<interleaved>} : vector<32xbf16> -> vector<16xf32>
        %unpack3A_393 = tpu.unpack_subelements %get3A_391, 1 {pack_format = #tpu.pack_format<interleaved>} : vector<32xbf16> -> vector<16xf32>
        %mul3A_394 = arith.mulf %unpack3A_392, %broadcast_in_dim3A_384 : vector<16xf32>
        %swap3A_395 = arith.index_cast %add3A_388 : i32 to index
        %swap3A_396 = arith.constant 0 : index
        %swap3A_397 = tpu.vector_load %arg16[%swap3A_395, %swap3A_396] {strides = array<i32>} : memref<128x64xf32, #tpu.memory_space<vmem>>, vector<16xf32>,
        tpu.vector_store %arg16[%swap3A_395, %swap3A_396], %mul3A_394 {strides = array<i32>} : memref<128x64xf32, #tpu.memory_space<vmem>>, vector<16xf32>,
        %mul3A_398 = arith.mulf %unpack3A_393, %broadcast_in_dim3A_384 : vector<16xf32>
        %swap3A_399 = arith.index_cast %add3A_388 : i32 to index
        %swap3A_400 = arith.constant 16 : index
        %swap3A_401 = tpu.vector_load %arg16[%swap3A_399, %swap3A_400] {strides = array<i32>} : memref<128x64xf32, #tpu.memory_space<vmem>>, vector<16xf32>,
        tpu.vector_store %arg16[%swap3A_399, %swap3A_400], %mul3A_398 {strides = array<i32>} : memref<128x64xf32, #tpu.memory_space<vmem>>, vector<16xf32>,
        %get3A_402 = arith.index_cast %add3A_388 : i32 to index
        %get3A_403 = arith.constant 32 : index
        %get3A_404 = tpu.vector_load %arg12[%get3A_402, %get3A_403] {strides = array<i32>} : memref<128x64xbf16, #tpu.memory_space<vmem>>, vector<32xbf16>,
        %unpack3A_405 = tpu.unpack_subelements %get3A_404, 0 {pack_format = #tpu.pack_format<interleaved>} : vector<32xbf16> -> vector<16xf32>
        %unpack3A_406 = tpu.unpack_subelements %get3A_404, 1 {pack_format = #tpu.pack_format<interleaved>} : vector<32xbf16> -> vector<16xf32>
        %mul3A_407 = arith.mulf %unpack3A_405, %broadcast_in_dim3A_384 : vector<16xf32>
        %swap3A_408 = arith.index_cast %add3A_388 : i32 to index
        %swap3A_409 = arith.constant 32 : index
        %swap3A_410 = tpu.vector_load %arg16[%swap3A_408, %swap3A_409] {strides = array<i32>} : memref<128x64xf32, #tpu.memory_space<vmem>>, vector<16xf32>,
        tpu.vector_store %arg16[%swap3A_408, %swap3A_409], %mul3A_407 {strides = array<i32>} : memref<128x64xf32, #tpu.memory_space<vmem>>, vector<16xf32>,
        %mul3A_411 = arith.mulf %unpack3A_406, %broadcast_in_dim3A_384 : vector<16xf32>
        %swap3A_412 = arith.index_cast %add3A_388 : i32 to index
        %swap3A_413 = arith.constant 48 : index
        %swap3A_414 = tpu.vector_load %arg16[%swap3A_412, %swap3A_413] {strides = array<i32>} : memref<128x64xf32, #tpu.memory_space<vmem>>, vector<16xf32>,
        tpu.vector_store %arg16[%swap3A_412, %swap3A_413], %mul3A_411 {strides = array<i32>} : memref<128x64xf32, #tpu.memory_space<vmem>>, vector<16xf32>,
        %slice3A_415 = vector.extract_strided_slice %get3A_155 {offsets = [8], sizes = [1], strides = [1]} : vector<16xf32> to vector<1xf32>
        %squeeze3A_416 = vector.extract %slice3A_415[0] : f32 from vector<1xf32>
        %broadcast_in_dim3A_417 = vector.broadcast %squeeze3A_416 : f32 to vector<16xf32>
        %mul3A_418 = arith.constant 16 : i32
        %mul3A_419 = arith.muli %add3A_151, %mul3A_418 : i32
        %add3A_420 = arith.constant 8 : i32
        %add3A_421 = arith.addi %mul3A_419, %add3A_420 : i32
        %get3A_422 = arith.index_cast %add3A_421 : i32 to index
        %get3A_423 = arith.constant 0 : index
        %get3A_424 = tpu.vector_load %arg12[%get3A_422, %get3A_423] {strides = array<i32>} : memref<128x64xbf16, #tpu.memory_space<vmem>>, vector<32xbf16>,
        %unpack3A_425 = tpu.unpack_subelements %get3A_424, 0 {pack_format = #tpu.pack_format<interleaved>} : vector<32xbf16> -> vector<16xf32>
        %unpack3A_426 = tpu.unpack_subelements %get3A_424, 1 {pack_format = #tpu.pack_format<interleaved>} : vector<32xbf16> -> vector<16xf32>
        %mul3A_427 = arith.mulf %unpack3A_425, %broadcast_in_dim3A_417 : vector<16xf32>
        %swap3A_428 = arith.index_cast %add3A_421 : i32 to index
        %swap3A_429 = arith.constant 0 : index
        %swap3A_430 = tpu.vector_load %arg16[%swap3A_428, %swap3A_429] {strides = array<i32>} : memref<128x64xf32, #tpu.memory_space<vmem>>, vector<16xf32>,
        tpu.vector_store %arg16[%swap3A_428, %swap3A_429], %mul3A_427 {strides = array<i32>} : memref<128x64xf32, #tpu.memory_space<vmem>>, vector<16xf32>,
        %mul3A_431 = arith.mulf %unpack3A_426, %broadcast_in_dim3A_417 : vector<16xf32>
        %swap3A_432 = arith.index_cast %add3A_421 : i32 to index
        %swap3A_433 = arith.constant 16 : index
        %swap3A_434 = tpu.vector_load %arg16[%swap3A_432, %swap3A_433] {strides = array<i32>} : memref<128x64xf32, #tpu.memory_space<vmem>>, vector<16xf32>,
        tpu.vector_store %arg16[%swap3A_432, %swap3A_433], %mul3A_431 {strides = array<i32>} : memref<128x64xf32, #tpu.memory_space<vmem>>, vector<16xf32>,
        %get3A_435 = arith.index_cast %add3A_421 : i32 to index
        %get3A_436 = arith.constant 32 : index
        %get3A_437 = tpu.vector_load %arg12[%get3A_435, %get3A_436] {strides = array<i32>} : memref<128x64xbf16, #tpu.memory_space<vmem>>, vector<32xbf16>,
        %unpack3A_438 = tpu.unpack_subelements %get3A_437, 0 {pack_format = #tpu.pack_format<interleaved>} : vector<32xbf16> -> vector<16xf32>
        %unpack3A_439 = tpu.unpack_subelements %get3A_437, 1 {pack_format = #tpu.pack_format<interleaved>} : vector<32xbf16> -> vector<16xf32>
        %mul3A_440 = arith.mulf %unpack3A_438, %broadcast_in_dim3A_417 : vector<16xf32>
        %swap3A_441 = arith.index_cast %add3A_421 : i32 to index
        %swap3A_442 = arith.constant 32 : index
        %swap3A_443 = tpu.vector_load %arg16[%swap3A_441, %swap3A_442] {strides = array<i32>} : memref<128x64xf32, #tpu.memory_space<vmem>>, vector<16xf32>,
        tpu.vector_store %arg16[%swap3A_441, %swap3A_442], %mul3A_440 {strides = array<i32>} : memref<128x64xf32, #tpu.memory_space<vmem>>, vector<16xf32>,
        %mul3A_444 = arith.mulf %unpack3A_439, %broadcast_in_dim3A_417 : vector<16xf32>
        %swap3A_445 = arith.index_cast %add3A_421 : i32 to index
        %swap3A_446 = arith.constant 48 : index
        %swap3A_447 = tpu.vector_load %arg16[%swap3A_445, %swap3A_446] {strides = array<i32>} : memref<128x64xf32, #tpu.memory_space<vmem>>, vector<16xf32>,
        tpu.vector_store %arg16[%swap3A_445, %swap3A_446], %mul3A_444 {strides = array<i32>} : memref<128x64xf32, #tpu.memory_space<vmem>>, vector<16xf32>,
        %slice3A_448 = vector.extract_strided_slice %get3A_155 {offsets = [9], sizes = [1], strides = [1]} : vector<16xf32> to vector<1xf32>
        %squeeze3A_449 = vector.extract %slice3A_448[0] : f32 from vector<1xf32>
        %broadcast_in_dim3A_450 = vector.broadcast %squeeze3A_449 : f32 to vector<16xf32>
        %mul3A_451 = arith.constant 16 : i32
        %mul3A_452 = arith.muli %add3A_151, %mul3A_451 : i32
        %add3A_453 = arith.constant 9 : i32
        %add3A_454 = arith.addi %mul3A_452, %add3A_453 : i32
        %get3A_455 = arith.index_cast %add3A_454 : i32 to index
        %get3A_456 = arith.constant 0 : index
        %get3A_457 = tpu.vector_load %arg12[%get3A_455, %get3A_456] {strides = array<i32>} : memref<128x64xbf16, #tpu.memory_space<vmem>>, vector<32xbf16>,
        %unpack3A_458 = tpu.unpack_subelements %get3A_457, 0 {pack_format = #tpu.pack_format<interleaved>} : vector<32xbf16> -> vector<16xf32>
        %unpack3A_459 = tpu.unpack_subelements %get3A_457, 1 {pack_format = #tpu.pack_format<interleaved>} : vector<32xbf16> -> vector<16xf32>
        %mul3A_460 = arith.mulf %unpack3A_458, %broadcast_in_dim3A_450 : vector<16xf32>
        %swap3A_461 = arith.index_cast %add3A_454 : i32 to index
        %swap3A_462 = arith.constant 0 : index
        %swap3A_463 = tpu.vector_load %arg16[%swap3A_461, %swap3A_462] {strides = array<i32>} : memref<128x64xf32, #tpu.memory_space<vmem>>, vector<16xf32>,
        tpu.vector_store %arg16[%swap3A_461, %swap3A_462], %mul3A_460 {strides = array<i32>} : memref<128x64xf32, #tpu.memory_space<vmem>>, vector<16xf32>,
        %mul3A_464 = arith.mulf %unpack3A_459, %broadcast_in_dim3A_450 : vector<16xf32>
        %swap3A_465 = arith.index_cast %add3A_454 : i32 to index
        %swap3A_466 = arith.constant 16 : index
        %swap3A_467 = tpu.vector_load %arg16[%swap3A_465, %swap3A_466] {strides = array<i32>} : memref<128x64xf32, #tpu.memory_space<vmem>>, vector<16xf32>,
        tpu.vector_store %arg16[%swap3A_465, %swap3A_466], %mul3A_464 {strides = array<i32>} : memref<128x64xf32, #tpu.memory_space<vmem>>, vector<16xf32>,
        %get3A_468 = arith.index_cast %add3A_454 : i32 to index
        %get3A_469 = arith.constant 32 : index
        %get3A_470 = tpu.vector_load %arg12[%get3A_468, %get3A_469] {strides = array<i32>} : memref<128x64xbf16, #tpu.memory_space<vmem>>, vector<32xbf16>,
        %unpack3A_471 = tpu.unpack_subelements %get3A_470, 0 {pack_format = #tpu.pack_format<interleaved>} : vector<32xbf16> -> vector<16xf32>
        %unpack3A_472 = tpu.unpack_subelements %get3A_470, 1 {pack_format = #tpu.pack_format<interleaved>} : vector<32xbf16> -> vector<16xf32>
        %mul3A_473 = arith.mulf %unpack3A_471, %broadcast_in_dim3A_450 : vector<16xf32>
        %swap3A_474 = arith.index_cast %add3A_454 : i32 to index
        %swap3A_475 = arith.constant 32 : index
        %swap3A_476 = tpu.vector_load %arg16[%swap3A_474, %swap3A_475] {strides = array<i32>} : memref<128x64xf32, #tpu.memory_space<vmem>>, vector<16xf32>,
        tpu.vector_store %arg16[%swap3A_474, %swap3A_475], %mul3A_473 {strides = array<i32>} : memref<128x64xf32, #tpu.memory_space<vmem>>, vector<16xf32>,
        %mul3A_477 = arith.mulf %unpack3A_472, %broadcast_in_dim3A_450 : vector<16xf32>
        %swap3A_478 = arith.index_cast %add3A_454 : i32 to index
        %swap3A_479 = arith.constant 48 : index
        %swap3A_480 = tpu.vector_load %arg16[%swap3A_478, %swap3A_479] {strides = array<i32>} : memref<128x64xf32, #tpu.memory_space<vmem>>, vector<16xf32>,
        tpu.vector_store %arg16[%swap3A_478, %swap3A_479], %mul3A_477 {strides = array<i32>} : memref<128x64xf32, #tpu.memory_space<vmem>>, vector<16xf32>,
        %slice3A_481 = vector.extract_strided_slice %get3A_155 {offsets = [10], sizes = [1], strides = [1]} : vector<16xf32> to vector<1xf32>
        %squeeze3A_482 = vector.extract %slice3A_481[0] : f32 from vector<1xf32>
        %broadcast_in_dim3A_483 = vector.broadcast %squeeze3A_482 : f32 to vector<16xf32>
        %mul3A_484 = arith.constant 16 : i32
        %mul3A_485 = arith.muli %add3A_151, %mul3A_484 : i32
        %add3A_486 = arith.constant 10 : i32
        %add3A_487 = arith.addi %mul3A_485, %add3A_486 : i32
        %get3A_488 = arith.index_cast %add3A_487 : i32 to index
        %get3A_489 = arith.constant 0 : index
        %get3A_490 = tpu.vector_load %arg12[%get3A_488, %get3A_489] {strides = array<i32>} : memref<128x64xbf16, #tpu.memory_space<vmem>>, vector<32xbf16>,
        %unpack3A_491 = tpu.unpack_subelements %get3A_490, 0 {pack_format = #tpu.pack_format<interleaved>} : vector<32xbf16> -> vector<16xf32>
        %unpack3A_492 = tpu.unpack_subelements %get3A_490, 1 {pack_format = #tpu.pack_format<interleaved>} : vector<32xbf16> -> vector<16xf32>
        %mul3A_493 = arith.mulf %unpack3A_491, %broadcast_in_dim3A_483 : vector<16xf32>
        %swap3A_494 = arith.index_cast %add3A_487 : i32 to index
        %swap3A_495 = arith.constant 0 : index
        %swap3A_496 = tpu.vector_load %arg16[%swap3A_494, %swap3A_495] {strides = array<i32>} : memref<128x64xf32, #tpu.memory_space<vmem>>, vector<16xf32>,
        tpu.vector_store %arg16[%swap3A_494, %swap3A_495], %mul3A_493 {strides = array<i32>} : memref<128x64xf32, #tpu.memory_space<vmem>>, vector<16xf32>,
        %mul3A_497 = arith.mulf %unpack3A_492, %broadcast_in_dim3A_483 : vector<16xf32>
        %swap3A_498 = arith.index_cast %add3A_487 : i32 to index
        %swap3A_499 = arith.constant 16 : index
        %swap3A_500 = tpu.vector_load %arg16[%swap3A_498, %swap3A_499] {strides = array<i32>} : memref<128x64xf32, #tpu.memory_space<vmem>>, vector<16xf32>,
        tpu.vector_store %arg16[%swap3A_498, %swap3A_499], %mul3A_497 {strides = array<i32>} : memref<128x64xf32, #tpu.memory_space<vmem>>, vector<16xf32>,
        %get3A_501 = arith.index_cast %add3A_487 : i32 to index
        %get3A_502 = arith.constant 32 : index
        %get3A_503 = tpu.vector_load %arg12[%get3A_501, %get3A_502] {strides = array<i32>} : memref<128x64xbf16, #tpu.memory_space<vmem>>, vector<32xbf16>,
        %unpack3A_504 = tpu.unpack_subelements %get3A_503, 0 {pack_format = #tpu.pack_format<interleaved>} : vector<32xbf16> -> vector<16xf32>
        %unpack3A_505 = tpu.unpack_subelements %get3A_503, 1 {pack_format = #tpu.pack_format<interleaved>} : vector<32xbf16> -> vector<16xf32>
        %mul3A_506 = arith.mulf %unpack3A_504, %broadcast_in_dim3A_483 : vector<16xf32>
        %swap3A_507 = arith.index_cast %add3A_487 : i32 to index
        %swap3A_508 = arith.constant 32 : index
        %swap3A_509 = tpu.vector_load %arg16[%swap3A_507, %swap3A_508] {strides = array<i32>} : memref<128x64xf32, #tpu.memory_space<vmem>>, vector<16xf32>,
        tpu.vector_store %arg16[%swap3A_507, %swap3A_508], %mul3A_506 {strides = array<i32>} : memref<128x64xf32, #tpu.memory_space<vmem>>, vector<16xf32>,
        %mul3A_510 = arith.mulf %unpack3A_505, %broadcast_in_dim3A_483 : vector<16xf32>
        %swap3A_511 = arith.index_cast %add3A_487 : i32 to index
        %swap3A_512 = arith.constant 48 : index
        %swap3A_513 = tpu.vector_load %arg16[%swap3A_511, %swap3A_512] {strides = array<i32>} : memref<128x64xf32, #tpu.memory_space<vmem>>, vector<16xf32>,
        tpu.vector_store %arg16[%swap3A_511, %swap3A_512], %mul3A_510 {strides = array<i32>} : memref<128x64xf32, #tpu.memory_space<vmem>>, vector<16xf32>,
        %slice3A_514 = vector.extract_strided_slice %get3A_155 {offsets = [11], sizes = [1], strides = [1]} : vector<16xf32> to vector<1xf32>
        %squeeze3A_515 = vector.extract %slice3A_514[0] : f32 from vector<1xf32>
        %broadcast_in_dim3A_516 = vector.broadcast %squeeze3A_515 : f32 to vector<16xf32>
        %mul3A_517 = arith.constant 16 : i32
        %mul3A_518 = arith.muli %add3A_151, %mul3A_517 : i32
        %add3A_519 = arith.constant 11 : i32
        %add3A_520 = arith.addi %mul3A_518, %add3A_519 : i32
        %get3A_521 = arith.index_cast %add3A_520 : i32 to index
        %get3A_522 = arith.constant 0 : index
        %get3A_523 = tpu.vector_load %arg12[%get3A_521, %get3A_522] {strides = array<i32>} : memref<128x64xbf16, #tpu.memory_space<vmem>>, vector<32xbf16>,
        %unpack3A_524 = tpu.unpack_subelements %get3A_523, 0 {pack_format = #tpu.pack_format<interleaved>} : vector<32xbf16> -> vector<16xf32>
        %unpack3A_525 = tpu.unpack_subelements %get3A_523, 1 {pack_format = #tpu.pack_format<interleaved>} : vector<32xbf16> -> vector<16xf32>
        %mul3A_526 = arith.mulf %unpack3A_524, %broadcast_in_dim3A_516 : vector<16xf32>
        %swap3A_527 = arith.index_cast %add3A_520 : i32 to index
        %swap3A_528 = arith.constant 0 : index
        %swap3A_529 = tpu.vector_load %arg16[%swap3A_527, %swap3A_528] {strides = array<i32>} : memref<128x64xf32, #tpu.memory_space<vmem>>, vector<16xf32>,
        tpu.vector_store %arg16[%swap3A_527, %swap3A_528], %mul3A_526 {strides = array<i32>} : memref<128x64xf32, #tpu.memory_space<vmem>>, vector<16xf32>,
        %mul3A_530 = arith.mulf %unpack3A_525, %broadcast_in_dim3A_516 : vector<16xf32>
        %swap3A_531 = arith.index_cast %add3A_520 : i32 to index
        %swap3A_532 = arith.constant 16 : index
        %swap3A_533 = tpu.vector_load %arg16[%swap3A_531, %swap3A_532] {strides = array<i32>} : memref<128x64xf32, #tpu.memory_space<vmem>>, vector<16xf32>,
        tpu.vector_store %arg16[%swap3A_531, %swap3A_532], %mul3A_530 {strides = array<i32>} : memref<128x64xf32, #tpu.memory_space<vmem>>, vector<16xf32>,
        %get3A_534 = arith.index_cast %add3A_520 : i32 to index
        %get3A_535 = arith.constant 32 : index
        %get3A_536 = tpu.vector_load %arg12[%get3A_534, %get3A_535] {strides = array<i32>} : memref<128x64xbf16, #tpu.memory_space<vmem>>, vector<32xbf16>,
        %unpack3A_537 = tpu.unpack_subelements %get3A_536, 0 {pack_format = #tpu.pack_format<interleaved>} : vector<32xbf16> -> vector<16xf32>
        %unpack3A_538 = tpu.unpack_subelements %get3A_536, 1 {pack_format = #tpu.pack_format<interleaved>} : vector<32xbf16> -> vector<16xf32>
        %mul3A_539 = arith.mulf %unpack3A_537, %broadcast_in_dim3A_516 : vector<16xf32>
        %swap3A_540 = arith.index_cast %add3A_520 : i32 to index
        %swap3A_541 = arith.constant 32 : index
        %swap3A_542 = tpu.vector_load %arg16[%swap3A_540, %swap3A_541] {strides = array<i32>} : memref<128x64xf32, #tpu.memory_space<vmem>>, vector<16xf32>,
        tpu.vector_store %arg16[%swap3A_540, %swap3A_541], %mul3A_539 {strides = array<i32>} : memref<128x64xf32, #tpu.memory_space<vmem>>, vector<16xf32>,
        %mul3A_543 = arith.mulf %unpack3A_538, %broadcast_in_dim3A_516 : vector<16xf32>
        %swap3A_544 = arith.index_cast %add3A_520 : i32 to index
        %swap3A_545 = arith.constant 48 : index
        %swap3A_546 = tpu.vector_load %arg16[%swap3A_544, %swap3A_545] {strides = array<i32>} : memref<128x64xf32, #tpu.memory_space<vmem>>, vector<16xf32>,
        tpu.vector_store %arg16[%swap3A_544, %swap3A_545], %mul3A_543 {strides = array<i32>} : memref<128x64xf32, #tpu.memory_space<vmem>>, vector<16xf32>,
        %slice3A_547 = vector.extract_strided_slice %get3A_155 {offsets = [12], sizes = [1], strides = [1]} : vector<16xf32> to vector<1xf32>
        %squeeze3A_548 = vector.extract %slice3A_547[0] : f32 from vector<1xf32>
        %broadcast_in_dim3A_549 = vector.broadcast %squeeze3A_548 : f32 to vector<16xf32>
        %mul3A_550 = arith.constant 16 : i32
        %mul3A_551 = arith.muli %add3A_151, %mul3A_550 : i32
        %add3A_552 = arith.constant 12 : i32
        %add3A_553 = arith.addi %mul3A_551, %add3A_552 : i32
        %get3A_554 = arith.index_cast %add3A_553 : i32 to index
        %get3A_555 = arith.constant 0 : index
        %get3A_556 = tpu.vector_load %arg12[%get3A_554, %get3A_555] {strides = array<i32>} : memref<128x64xbf16, #tpu.memory_space<vmem>>, vector<32xbf16>,
        %unpack3A_557 = tpu.unpack_subelements %get3A_556, 0 {pack_format = #tpu.pack_format<interleaved>} : vector<32xbf16> -> vector<16xf32>
        %unpack3A_558 = tpu.unpack_subelements %get3A_556, 1 {pack_format = #tpu.pack_format<interleaved>} : vector<32xbf16> -> vector<16xf32>
        %mul3A_559 = arith.mulf %unpack3A_557, %broadcast_in_dim3A_549 : vector<16xf32>
        %swap3A_560 = arith.index_cast %add3A_553 : i32 to index
        %swap3A_561 = arith.constant 0 : index
        %swap3A_562 = tpu.vector_load %arg16[%swap3A_560, %swap3A_561] {strides = array<i32>} : memref<128x64xf32, #tpu.memory_space<vmem>>, vector<16xf32>,
        tpu.vector_store %arg16[%swap3A_560, %swap3A_561], %mul3A_559 {strides = array<i32>} : memref<128x64xf32, #tpu.memory_space<vmem>>, vector<16xf32>,
        %mul3A_563 = arith.mulf %unpack3A_558, %broadcast_in_dim3A_549 : vector<16xf32>
        %swap3A_564 = arith.index_cast %add3A_553 : i32 to index
        %swap3A_565 = arith.constant 16 : index
        %swap3A_566 = tpu.vector_load %arg16[%swap3A_564, %swap3A_565] {strides = array<i32>} : memref<128x64xf32, #tpu.memory_space<vmem>>, vector<16xf32>,
        tpu.vector_store %arg16[%swap3A_564, %swap3A_565], %mul3A_563 {strides = array<i32>} : memref<128x64xf32, #tpu.memory_space<vmem>>, vector<16xf32>,
        %get3A_567 = arith.index_cast %add3A_553 : i32 to index
        %get3A_568 = arith.constant 32 : index
        %get3A_569 = tpu.vector_load %arg12[%get3A_567, %get3A_568] {strides = array<i32>} : memref<128x64xbf16, #tpu.memory_space<vmem>>, vector<32xbf16>,
        %unpack3A_570 = tpu.unpack_subelements %get3A_569, 0 {pack_format = #tpu.pack_format<interleaved>} : vector<32xbf16> -> vector<16xf32>
        %unpack3A_571 = tpu.unpack_subelements %get3A_569, 1 {pack_format = #tpu.pack_format<interleaved>} : vector<32xbf16> -> vector<16xf32>
        %mul3A_572 = arith.mulf %unpack3A_570, %broadcast_in_dim3A_549 : vector<16xf32>
        %swap3A_573 = arith.index_cast %add3A_553 : i32 to index
        %swap3A_574 = arith.constant 32 : index
        %swap3A_575 = tpu.vector_load %arg16[%swap3A_573, %swap3A_574] {strides = array<i32>} : memref<128x64xf32, #tpu.memory_space<vmem>>, vector<16xf32>,
        tpu.vector_store %arg16[%swap3A_573, %swap3A_574], %mul3A_572 {strides = array<i32>} : memref<128x64xf32, #tpu.memory_space<vmem>>, vector<16xf32>,
        %mul3A_576 = arith.mulf %unpack3A_571, %broadcast_in_dim3A_549 : vector<16xf32>
        %swap3A_577 = arith.index_cast %add3A_553 : i32 to index
        %swap3A_578 = arith.constant 48 : index
        %swap3A_579 = tpu.vector_load %arg16[%swap3A_577, %swap3A_578] {strides = array<i32>} : memref<128x64xf32, #tpu.memory_space<vmem>>, vector<16xf32>,
        tpu.vector_store %arg16[%swap3A_577, %swap3A_578], %mul3A_576 {strides = array<i32>} : memref<128x64xf32, #tpu.memory_space<vmem>>, vector<16xf32>,
        %slice3A_580 = vector.extract_strided_slice %get3A_155 {offsets = [13], sizes = [1], strides = [1]} : vector<16xf32> to vector<1xf32>
        %squeeze3A_581 = vector.extract %slice3A_580[0] : f32 from vector<1xf32>
        %broadcast_in_dim3A_582 = vector.broadcast %squeeze3A_581 : f32 to vector<16xf32>
        %mul3A_583 = arith.constant 16 : i32
        %mul3A_584 = arith.muli %add3A_151, %mul3A_583 : i32
        %add3A_585 = arith.constant 13 : i32
        %add3A_586 = arith.addi %mul3A_584, %add3A_585 : i32
        %get3A_587 = arith.index_cast %add3A_586 : i32 to index
        %get3A_588 = arith.constant 0 : index
        %get3A_589 = tpu.vector_load %arg12[%get3A_587, %get3A_588] {strides = array<i32>} : memref<128x64xbf16, #tpu.memory_space<vmem>>, vector<32xbf16>,
        %unpack3A_590 = tpu.unpack_subelements %get3A_589, 0 {pack_format = #tpu.pack_format<interleaved>} : vector<32xbf16> -> vector<16xf32>
        %unpack3A_591 = tpu.unpack_subelements %get3A_589, 1 {pack_format = #tpu.pack_format<interleaved>} : vector<32xbf16> -> vector<16xf32>
        %mul3A_592 = arith.mulf %unpack3A_590, %broadcast_in_dim3A_582 : vector<16xf32>
        %swap3A_593 = arith.index_cast %add3A_586 : i32 to index
        %swap3A_594 = arith.constant 0 : index
        %swap3A_595 = tpu.vector_load %arg16[%swap3A_593, %swap3A_594] {strides = array<i32>} : memref<128x64xf32, #tpu.memory_space<vmem>>, vector<16xf32>,
        tpu.vector_store %arg16[%swap3A_593, %swap3A_594], %mul3A_592 {strides = array<i32>} : memref<128x64xf32, #tpu.memory_space<vmem>>, vector<16xf32>,
        %mul3A_596 = arith.mulf %unpack3A_591, %broadcast_in_dim3A_582 : vector<16xf32>
        %swap3A_597 = arith.index_cast %add3A_586 : i32 to index
        %swap3A_598 = arith.constant 16 : index
        %swap3A_599 = tpu.vector_load %arg16[%swap3A_597, %swap3A_598] {strides = array<i32>} : memref<128x64xf32, #tpu.memory_space<vmem>>, vector<16xf32>,
        tpu.vector_store %arg16[%swap3A_597, %swap3A_598], %mul3A_596 {strides = array<i32>} : memref<128x64xf32, #tpu.memory_space<vmem>>, vector<16xf32>,
        %get3A_600 = arith.index_cast %add3A_586 : i32 to index
        %get3A_601 = arith.constant 32 : index
        %get3A_602 = tpu.vector_load %arg12[%get3A_600, %get3A_601] {strides = array<i32>} : memref<128x64xbf16, #tpu.memory_space<vmem>>, vector<32xbf16>,
        %unpack3A_603 = tpu.unpack_subelements %get3A_602, 0 {pack_format = #tpu.pack_format<interleaved>} : vector<32xbf16> -> vector<16xf32>
        %unpack3A_604 = tpu.unpack_subelements %get3A_602, 1 {pack_format = #tpu.pack_format<interleaved>} : vector<32xbf16> -> vector<16xf32>
        %mul3A_605 = arith.mulf %unpack3A_603, %broadcast_in_dim3A_582 : vector<16xf32>
        %swap3A_606 = arith.index_cast %add3A_586 : i32 to index
        %swap3A_607 = arith.constant 32 : index
        %swap3A_608 = tpu.vector_load %arg16[%swap3A_606, %swap3A_607] {strides = array<i32>} : memref<128x64xf32, #tpu.memory_space<vmem>>, vector<16xf32>,
        tpu.vector_store %arg16[%swap3A_606, %swap3A_607], %mul3A_605 {strides = array<i32>} : memref<128x64xf32, #tpu.memory_space<vmem>>, vector<16xf32>,
        %mul3A_609 = arith.mulf %unpack3A_604, %broadcast_in_dim3A_582 : vector<16xf32>
        %swap3A_610 = arith.index_cast %add3A_586 : i32 to index
        %swap3A_611 = arith.constant 48 : index
        %swap3A_612 = tpu.vector_load %arg16[%swap3A_610, %swap3A_611] {strides = array<i32>} : memref<128x64xf32, #tpu.memory_space<vmem>>, vector<16xf32>,
        tpu.vector_store %arg16[%swap3A_610, %swap3A_611], %mul3A_609 {strides = array<i32>} : memref<128x64xf32, #tpu.memory_space<vmem>>, vector<16xf32>,
        %slice3A_613 = vector.extract_strided_slice %get3A_155 {offsets = [14], sizes = [1], strides = [1]} : vector<16xf32> to vector<1xf32>
        %squeeze3A_614 = vector.extract %slice3A_613[0] : f32 from vector<1xf32>
        %broadcast_in_dim3A_615 = vector.broadcast %squeeze3A_614 : f32 to vector<16xf32>
        %mul3A_616 = arith.constant 16 : i32
        %mul3A_617 = arith.muli %add3A_151, %mul3A_616 : i32
        %add3A_618 = arith.constant 14 : i32
        %add3A_619 = arith.addi %mul3A_617, %add3A_618 : i32
        %get3A_620 = arith.index_cast %add3A_619 : i32 to index
        %get3A_621 = arith.constant 0 : index
        %get3A_622 = tpu.vector_load %arg12[%get3A_620, %get3A_621] {strides = array<i32>} : memref<128x64xbf16, #tpu.memory_space<vmem>>, vector<32xbf16>,
        %unpack3A_623 = tpu.unpack_subelements %get3A_622, 0 {pack_format = #tpu.pack_format<interleaved>} : vector<32xbf16> -> vector<16xf32>
        %unpack3A_624 = tpu.unpack_subelements %get3A_622, 1 {pack_format = #tpu.pack_format<interleaved>} : vector<32xbf16> -> vector<16xf32>
        %mul3A_625 = arith.mulf %unpack3A_623, %broadcast_in_dim3A_615 : vector<16xf32>
        %swap3A_626 = arith.index_cast %add3A_619 : i32 to index
        %swap3A_627 = arith.constant 0 : index
        %swap3A_628 = tpu.vector_load %arg16[%swap3A_626, %swap3A_627] {strides = array<i32>} : memref<128x64xf32, #tpu.memory_space<vmem>>, vector<16xf32>,
        tpu.vector_store %arg16[%swap3A_626, %swap3A_627], %mul3A_625 {strides = array<i32>} : memref<128x64xf32, #tpu.memory_space<vmem>>, vector<16xf32>,
        %mul3A_629 = arith.mulf %unpack3A_624, %broadcast_in_dim3A_615 : vector<16xf32>
        %swap3A_630 = arith.index_cast %add3A_619 : i32 to index
        %swap3A_631 = arith.constant 16 : index
        %swap3A_632 = tpu.vector_load %arg16[%swap3A_630, %swap3A_631] {strides = array<i32>} : memref<128x64xf32, #tpu.memory_space<vmem>>, vector<16xf32>,
        tpu.vector_store %arg16[%swap3A_630, %swap3A_631], %mul3A_629 {strides = array<i32>} : memref<128x64xf32, #tpu.memory_space<vmem>>, vector<16xf32>,
        %get3A_633 = arith.index_cast %add3A_619 : i32 to index
        %get3A_634 = arith.constant 32 : index
        %get3A_635 = tpu.vector_load %arg12[%get3A_633, %get3A_634] {strides = array<i32>} : memref<128x64xbf16, #tpu.memory_space<vmem>>, vector<32xbf16>,
        %unpack3A_636 = tpu.unpack_subelements %get3A_635, 0 {pack_format = #tpu.pack_format<interleaved>} : vector<32xbf16> -> vector<16xf32>
        %unpack3A_637 = tpu.unpack_subelements %get3A_635, 1 {pack_format = #tpu.pack_format<interleaved>} : vector<32xbf16> -> vector<16xf32>
        %mul3A_638 = arith.mulf %unpack3A_636, %broadcast_in_dim3A_615 : vector<16xf32>
        %swap3A_639 = arith.index_cast %add3A_619 : i32 to index
        %swap3A_640 = arith.constant 32 : index
        %swap3A_641 = tpu.vector_load %arg16[%swap3A_639, %swap3A_640] {strides = array<i32>} : memref<128x64xf32, #tpu.memory_space<vmem>>, vector<16xf32>,
        tpu.vector_store %arg16[%swap3A_639, %swap3A_640], %mul3A_638 {strides = array<i32>} : memref<128x64xf32, #tpu.memory_space<vmem>>, vector<16xf32>,
        %mul3A_642 = arith.mulf %unpack3A_637, %broadcast_in_dim3A_615 : vector<16xf32>
        %swap3A_643 = arith.index_cast %add3A_619 : i32 to index
        %swap3A_644 = arith.constant 48 : index
        %swap3A_645 = tpu.vector_load %arg16[%swap3A_643, %swap3A_644] {strides = array<i32>} : memref<128x64xf32, #tpu.memory_space<vmem>>, vector<16xf32>,
        tpu.vector_store %arg16[%swap3A_643, %swap3A_644], %mul3A_642 {strides = array<i32>} : memref<128x64xf32, #tpu.memory_space<vmem>>, vector<16xf32>,
        %slice3A_646 = vector.extract_strided_slice %get3A_155 {offsets = [15], sizes = [1], strides = [1]} : vector<16xf32> to vector<1xf32>
        %squeeze3A_647 = vector.extract %slice3A_646[0] : f32 from vector<1xf32>
        %broadcast_in_dim3A_648 = vector.broadcast %squeeze3A_647 : f32 to vector<16xf32>
        %mul3A_649 = arith.constant 16 : i32
        %mul3A_650 = arith.muli %add3A_151, %mul3A_649 : i32
        %add3A_651 = arith.constant 15 : i32
        %add3A_652 = arith.addi %mul3A_650, %add3A_651 : i32
        %get3A_653 = arith.index_cast %add3A_652 : i32 to index
        %get3A_654 = arith.constant 0 : index
        %get3A_655 = tpu.vector_load %arg12[%get3A_653, %get3A_654] {strides = array<i32>} : memref<128x64xbf16, #tpu.memory_space<vmem>>, vector<32xbf16>,
        %unpack3A_656 = tpu.unpack_subelements %get3A_655, 0 {pack_format = #tpu.pack_format<interleaved>} : vector<32xbf16> -> vector<16xf32>
        %unpack3A_657 = tpu.unpack_subelements %get3A_655, 1 {pack_format = #tpu.pack_format<interleaved>} : vector<32xbf16> -> vector<16xf32>
        %mul3A_658 = arith.mulf %unpack3A_656, %broadcast_in_dim3A_648 : vector<16xf32>
        %swap3A_659 = arith.index_cast %add3A_652 : i32 to index
        %swap3A_660 = arith.constant 0 : index
        %swap3A_661 = tpu.vector_load %arg16[%swap3A_659, %swap3A_660] {strides = array<i32>} : memref<128x64xf32, #tpu.memory_space<vmem>>, vector<16xf32>,
        tpu.vector_store %arg16[%swap3A_659, %swap3A_660], %mul3A_658 {strides = array<i32>} : memref<128x64xf32, #tpu.memory_space<vmem>>, vector<16xf32>,
        %mul3A_662 = arith.mulf %unpack3A_657, %broadcast_in_dim3A_648 : vector<16xf32>
        %swap3A_663 = arith.index_cast %add3A_652 : i32 to index
        %swap3A_664 = arith.constant 16 : index
        %swap3A_665 = tpu.vector_load %arg16[%swap3A_663, %swap3A_664] {strides = array<i32>} : memref<128x64xf32, #tpu.memory_space<vmem>>, vector<16xf32>,
        tpu.vector_store %arg16[%swap3A_663, %swap3A_664], %mul3A_662 {strides = array<i32>} : memref<128x64xf32, #tpu.memory_space<vmem>>, vector<16xf32>,
        %get3A_666 = arith.index_cast %add3A_652 : i32 to index
        %get3A_667 = arith.constant 32 : index
        %get3A_668 = tpu.vector_load %arg12[%get3A_666, %get3A_667] {strides = array<i32>} : memref<128x64xbf16, #tpu.memory_space<vmem>>, vector<32xbf16>,
        %unpack3A_669 = tpu.unpack_subelements %get3A_668, 0 {pack_format = #tpu.pack_format<interleaved>} : vector<32xbf16> -> vector<16xf32>
        %unpack3A_670 = tpu.unpack_subelements %get3A_668, 1 {pack_format = #tpu.pack_format<interleaved>} : vector<32xbf16> -> vector<16xf32>
        %mul3A_671 = arith.mulf %unpack3A_669, %broadcast_in_dim3A_648 : vector<16xf32>
        %swap3A_672 = arith.index_cast %add3A_652 : i32 to index
        %swap3A_673 = arith.constant 32 : index
        %swap3A_674 = tpu.vector_load %arg16[%swap3A_672, %swap3A_673] {strides = array<i32>} : memref<128x64xf32, #tpu.memory_space<vmem>>, vector<16xf32>,
        tpu.vector_store %arg16[%swap3A_672, %swap3A_673], %mul3A_671 {strides = array<i32>} : memref<128x64xf32, #tpu.memory_space<vmem>>, vector<16xf32>,
        %mul3A_675 = arith.mulf %unpack3A_670, %broadcast_in_dim3A_648 : vector<16xf32>
        %swap3A_676 = arith.index_cast %add3A_652 : i32 to index
        %swap3A_677 = arith.constant 48 : index
        %swap3A_678 = tpu.vector_load %arg16[%swap3A_676, %swap3A_677] {strides = array<i32>} : memref<128x64xf32, #tpu.memory_space<vmem>>, vector<16xf32>,
        tpu.vector_store %arg16[%swap3A_676, %swap3A_677], %mul3A_675 {strides = array<i32>} : memref<128x64xf32, #tpu.memory_space<vmem>>, vector<16xf32>,
      }
      %scan3A_121 = arith.constant 8 : i32
      "tpu.region"() ({
        %run_scoped3A = tpu.sem_alloc : memref<!tpu.dma_semaphore, #tpu.memory_space<semaphore_mem>>
        %dma_start3A_147 = arith.constant 0 : i32
        %dma_start3A_148 = tpu.memref_slice %arg8[%add3A_100, %dma_start3A_147] : memref<80x128xi32, #tpu.memory_space<vmem>> -> memref<1x128xi32, #tpu.memory_space<vmem>>
        %dma_start3A_149 = tpu.memref_squeeze %dma_start3A_148 : memref<1x128xi32, #tpu.memory_space<vmem>> -> memref<128xi32, #tpu.memory_space<vmem>>
        %dma_start3A_150 = arith.constant 0 : i32
        %dma_start3A_151 = arith.constant 0 : i32
        %dma_start3A_152 = tpu.memref_slice %arg18[%dma_start3A_150, %dma_start3A_151] : memref<10112x64xf32, #tpu.memory_space<vmem_shared>> -> memref<10112x64xf32, #tpu.memory_space<vmem_shared>>
        tpu.enqueue_indirect_dma source(%arg16 : memref<128x64xf32, #tpu.memory_space<vmem>>) target(%dma_start3A_152 : memref<10112x64xf32, #tpu.memory_space<vmem_shared>>) offsets(%dma_start3A_149 : memref<128xi32, #tpu.memory_space<vmem>>) semaphore(%run_scoped3A : memref<!tpu.dma_semaphore, #tpu.memory_space<semaphore_mem>>) {add = true}
        %dma_wait3A_153 = arith.constant 0 : i32
        %dma_wait3A_154 = tpu.memref_slice %arg8[%add3A_100, %dma_wait3A_153] : memref<80x128xi32, #tpu.memory_space<vmem>> -> memref<1x128xi32, #tpu.memory_space<vmem>>
        %dma_wait3A_155 = tpu.memref_squeeze %dma_wait3A_154 : memref<1x128xi32, #tpu.memory_space<vmem>> -> memref<128xi32, #tpu.memory_space<vmem>>
        %dma_wait3A_156 = arith.constant 0 : i32
        %dma_wait3A_157 = arith.constant 0 : i32
        %dma_wait3A_158 = tpu.memref_slice %arg18[%dma_wait3A_156, %dma_wait3A_157] : memref<10112x64xf32, #tpu.memory_space<vmem_shared>> -> memref<10112x64xf32, #tpu.memory_space<vmem_shared>>
        tpu.wait_indirect_dma semaphore(%run_scoped3A : memref<!tpu.dma_semaphore, #tpu.memory_space<semaphore_mem>>) src(%arg16 : memref<128x64xf32, #tpu.memory_space<vmem>>) dst(%dma_wait3A_158 : memref<10112x64xf32, #tpu.memory_space<vmem_shared>>)
        tpu.yield
      }) : () -> ()
      %mul3A_122 = arith.constant 4 : i32
      %mul3A_123 = arith.muli %add3A_52, %mul3A_122 : i32
      %add3A_124 = arith.constant 3 : i32
      %add3A_125 = arith.addi %mul3A_123, %add3A_124 : i32
      %ge3A_126 = arith.constant 2 : i32
      %ge3A_127 = arith.cmpi sge, %add3A_125, %ge3A_126 : i32
      %add3A_128 = arith.constant 2 : i32
      %add3A_129 = arith.addi %add3A_125, %add3A_128 : i32
      %lt3A_130 = arith.constant 80 : i32
      %lt3A_131 = arith.cmpi slt, %add3A_129, %lt3A_130 : i32
      %and3A_132 = arith.andi %ge3A_127, %lt3A_131 : i1
      %convert_element_type3A_133 = arith.extui %and3A_132 : i1 to i32
      %cond3A_134 = arith.constant 0 : i32
      %cond3A_135 = arith.cmpi ne, %convert_element_type3A_133, %cond3A_134 : i32
      scf.if %cond3A_135 {
        %add3A_147 = arith.constant 2 : i32
        %add3A_148 = arith.addi %add3A_125, %add3A_147 : i32
        %dma_start3A_149 = arith.constant 0 : i32
        %dma_start3A_150 = tpu.memref_slice %arg7[%add3A_148, %dma_start3A_149] : memref<80x128xi32, #tpu.memory_space<vmem>> -> memref<1x128xi32, #tpu.memory_space<vmem>>
        %dma_start3A_151 = tpu.memref_squeeze %dma_start3A_150 : memref<1x128xi32, #tpu.memory_space<vmem>> -> memref<128xi32, #tpu.memory_space<vmem>>
        %dma_start3A_152 = arith.constant 0 : i32
        %dma_start3A_153 = arith.constant 0 : i32
        %dma_start3A_154 = tpu.memref_slice %arg2[%dma_start3A_152, %dma_start3A_153] : memref<10112x64xbf16, #tpu.memory_space<hbm>> -> memref<10112x64xbf16, #tpu.memory_space<hbm>>
        tpu.enqueue_indirect_dma source(%dma_start3A_154 : memref<10112x64xbf16, #tpu.memory_space<hbm>>) target(%arg11 : memref<128x64xbf16, #tpu.memory_space<vmem>>) offsets(%dma_start3A_151 : memref<128xi32, #tpu.memory_space<vmem>>) semaphore(%arg20 : memref<!tpu.dma_semaphore, #tpu.memory_space<semaphore_mem>>)
      } else {
      }
      %dma_wait3A_136 = arith.constant 0 : i32
      %dma_wait3A_137 = tpu.memref_slice %arg7[%add3A_125, %dma_wait3A_136] : memref<80x128xi32, #tpu.memory_space<vmem>> -> memref<1x128xi32, #tpu.memory_space<vmem>>
      %dma_wait3A_138 = tpu.memref_squeeze %dma_wait3A_137 : memref<1x128xi32, #tpu.memory_space<vmem>> -> memref<128xi32, #tpu.memory_space<vmem>>
      %dma_wait3A_139 = arith.constant 0 : i32
      %dma_wait3A_140 = arith.constant 0 : i32
      %dma_wait3A_141 = tpu.memref_slice %arg2[%dma_wait3A_139, %dma_wait3A_140] : memref<10112x64xbf16, #tpu.memory_space<hbm>> -> memref<10112x64xbf16, #tpu.memory_space<hbm>>
      tpu.wait_indirect_dma semaphore(%arg22 : memref<!tpu.dma_semaphore, #tpu.memory_space<semaphore_mem>>) src(%dma_wait3A_141 : memref<10112x64xbf16, #tpu.memory_space<hbm>>) dst(%arg13 : memref<128x64xbf16, #tpu.memory_space<vmem>>)
      %scan3A_142 = arith.constant 0 : i32
      %scan3A_143 = arith.constant 8 : i32
      %scan3A_144 = arith.addi %scan3A_142, %scan3A_143 : i32
      %scan3A_145 = arith.constant 1 : i32
      scf.for %scan3A_147 = %scan3A_142 to %scan3A_144 step %scan3A_145  : i32 {
        %mul3A_148 = arith.constant 1 : i32
        %mul3A_149 = arith.muli %scan3A_147, %mul3A_148 : i32
        %add3A_150 = arith.constant 0 : i32
        %add3A_151 = arith.addi %add3A_150, %mul3A_149 : i32
        %mul3A_152 = arith.constant 16 : i32
        %mul3A_153 = arith.muli %add3A_151, %mul3A_152 : i32
        %get3A = arith.index_cast %add3A_125 : i32 to index
        %get3A_154 = arith.index_cast %mul3A_153 : i32 to index
        %get3A_155 = tpu.vector_load %arg9[%get3A, %get3A_154] {strides = array<i32>} : memref<80x128xf32, #tpu.memory_space<vmem>>, vector<16xf32>,
        %slice3A = vector.extract_strided_slice %get3A_155 {offsets = [0], sizes = [1], strides = [1]} : vector<16xf32> to vector<1xf32>
        %squeeze3A = vector.extract %slice3A[0] : f32 from vector<1xf32>
        %broadcast_in_dim3A = vector.broadcast %squeeze3A : f32 to vector<16xf32>
        %mul3A_156 = arith.constant 16 : i32
        %mul3A_157 = arith.muli %add3A_151, %mul3A_156 : i32
        %add3A_158 = arith.constant 0 : i32
        %add3A_159 = arith.addi %mul3A_157, %add3A_158 : i32
        %get3A_160 = arith.index_cast %add3A_159 : i32 to index
        %get3A_161 = arith.constant 0 : index
        %get3A_162 = tpu.vector_load %arg13[%get3A_160, %get3A_161] {strides = array<i32>} : memref<128x64xbf16, #tpu.memory_space<vmem>>, vector<32xbf16>,
        %unpack3A = tpu.unpack_subelements %get3A_162, 0 {pack_format = #tpu.pack_format<interleaved>} : vector<32xbf16> -> vector<16xf32>
        %unpack3A_163 = tpu.unpack_subelements %get3A_162, 1 {pack_format = #tpu.pack_format<interleaved>} : vector<32xbf16> -> vector<16xf32>
        %mul3A_164 = arith.mulf %unpack3A, %broadcast_in_dim3A : vector<16xf32>
        %swap3A = arith.index_cast %add3A_159 : i32 to index
        %swap3A_165 = arith.constant 0 : index
        %swap3A_166 = tpu.vector_load %arg17[%swap3A, %swap3A_165] {strides = array<i32>} : memref<128x64xf32, #tpu.memory_space<vmem>>, vector<16xf32>,
        tpu.vector_store %arg17[%swap3A, %swap3A_165], %mul3A_164 {strides = array<i32>} : memref<128x64xf32, #tpu.memory_space<vmem>>, vector<16xf32>,
        %mul3A_167 = arith.mulf %unpack3A_163, %broadcast_in_dim3A : vector<16xf32>
        %swap3A_168 = arith.index_cast %add3A_159 : i32 to index
        %swap3A_169 = arith.constant 16 : index
        %swap3A_170 = tpu.vector_load %arg17[%swap3A_168, %swap3A_169] {strides = array<i32>} : memref<128x64xf32, #tpu.memory_space<vmem>>, vector<16xf32>,
        tpu.vector_store %arg17[%swap3A_168, %swap3A_169], %mul3A_167 {strides = array<i32>} : memref<128x64xf32, #tpu.memory_space<vmem>>, vector<16xf32>,
        %get3A_171 = arith.index_cast %add3A_159 : i32 to index
        %get3A_172 = arith.constant 32 : index
        %get3A_173 = tpu.vector_load %arg13[%get3A_171, %get3A_172] {strides = array<i32>} : memref<128x64xbf16, #tpu.memory_space<vmem>>, vector<32xbf16>,
        %unpack3A_174 = tpu.unpack_subelements %get3A_173, 0 {pack_format = #tpu.pack_format<interleaved>} : vector<32xbf16> -> vector<16xf32>
        %unpack3A_175 = tpu.unpack_subelements %get3A_173, 1 {pack_format = #tpu.pack_format<interleaved>} : vector<32xbf16> -> vector<16xf32>
        %mul3A_176 = arith.mulf %unpack3A_174, %broadcast_in_dim3A : vector<16xf32>
        %swap3A_177 = arith.index_cast %add3A_159 : i32 to index
        %swap3A_178 = arith.constant 32 : index
        %swap3A_179 = tpu.vector_load %arg17[%swap3A_177, %swap3A_178] {strides = array<i32>} : memref<128x64xf32, #tpu.memory_space<vmem>>, vector<16xf32>,
        tpu.vector_store %arg17[%swap3A_177, %swap3A_178], %mul3A_176 {strides = array<i32>} : memref<128x64xf32, #tpu.memory_space<vmem>>, vector<16xf32>,
        %mul3A_180 = arith.mulf %unpack3A_175, %broadcast_in_dim3A : vector<16xf32>
        %swap3A_181 = arith.index_cast %add3A_159 : i32 to index
        %swap3A_182 = arith.constant 48 : index
        %swap3A_183 = tpu.vector_load %arg17[%swap3A_181, %swap3A_182] {strides = array<i32>} : memref<128x64xf32, #tpu.memory_space<vmem>>, vector<16xf32>,
        tpu.vector_store %arg17[%swap3A_181, %swap3A_182], %mul3A_180 {strides = array<i32>} : memref<128x64xf32, #tpu.memory_space<vmem>>, vector<16xf32>,
        %slice3A_184 = vector.extract_strided_slice %get3A_155 {offsets = [1], sizes = [1], strides = [1]} : vector<16xf32> to vector<1xf32>
        %squeeze3A_185 = vector.extract %slice3A_184[0] : f32 from vector<1xf32>
        %broadcast_in_dim3A_186 = vector.broadcast %squeeze3A_185 : f32 to vector<16xf32>
        %mul3A_187 = arith.constant 16 : i32
        %mul3A_188 = arith.muli %add3A_151, %mul3A_187 : i32
        %add3A_189 = arith.constant 1 : i32
        %add3A_190 = arith.addi %mul3A_188, %add3A_189 : i32
        %get3A_191 = arith.index_cast %add3A_190 : i32 to index
        %get3A_192 = arith.constant 0 : index
        %get3A_193 = tpu.vector_load %arg13[%get3A_191, %get3A_192] {strides = array<i32>} : memref<128x64xbf16, #tpu.memory_space<vmem>>, vector<32xbf16>,
        %unpack3A_194 = tpu.unpack_subelements %get3A_193, 0 {pack_format = #tpu.pack_format<interleaved>} : vector<32xbf16> -> vector<16xf32>
        %unpack3A_195 = tpu.unpack_subelements %get3A_193, 1 {pack_format = #tpu.pack_format<interleaved>} : vector<32xbf16> -> vector<16xf32>
        %mul3A_196 = arith.mulf %unpack3A_194, %broadcast_in_dim3A_186 : vector<16xf32>
        %swap3A_197 = arith.index_cast %add3A_190 : i32 to index
        %swap3A_198 = arith.constant 0 : index
        %swap3A_199 = tpu.vector_load %arg17[%swap3A_197, %swap3A_198] {strides = array<i32>} : memref<128x64xf32, #tpu.memory_space<vmem>>, vector<16xf32>,
        tpu.vector_store %arg17[%swap3A_197, %swap3A_198], %mul3A_196 {strides = array<i32>} : memref<128x64xf32, #tpu.memory_space<vmem>>, vector<16xf32>,
        %mul3A_200 = arith.mulf %unpack3A_195, %broadcast_in_dim3A_186 : vector<16xf32>
        %swap3A_201 = arith.index_cast %add3A_190 : i32 to index
        %swap3A_202 = arith.constant 16 : index
        %swap3A_203 = tpu.vector_load %arg17[%swap3A_201, %swap3A_202] {strides = array<i32>} : memref<128x64xf32, #tpu.memory_space<vmem>>, vector<16xf32>,
        tpu.vector_store %arg17[%swap3A_201, %swap3A_202], %mul3A_200 {strides = array<i32>} : memref<128x64xf32, #tpu.memory_space<vmem>>, vector<16xf32>,
        %get3A_204 = arith.index_cast %add3A_190 : i32 to index
        %get3A_205 = arith.constant 32 : index
        %get3A_206 = tpu.vector_load %arg13[%get3A_204, %get3A_205] {strides = array<i32>} : memref<128x64xbf16, #tpu.memory_space<vmem>>, vector<32xbf16>,
        %unpack3A_207 = tpu.unpack_subelements %get3A_206, 0 {pack_format = #tpu.pack_format<interleaved>} : vector<32xbf16> -> vector<16xf32>
        %unpack3A_208 = tpu.unpack_subelements %get3A_206, 1 {pack_format = #tpu.pack_format<interleaved>} : vector<32xbf16> -> vector<16xf32>
        %mul3A_209 = arith.mulf %unpack3A_207, %broadcast_in_dim3A_186 : vector<16xf32>
        %swap3A_210 = arith.index_cast %add3A_190 : i32 to index
        %swap3A_211 = arith.constant 32 : index
        %swap3A_212 = tpu.vector_load %arg17[%swap3A_210, %swap3A_211] {strides = array<i32>} : memref<128x64xf32, #tpu.memory_space<vmem>>, vector<16xf32>,
        tpu.vector_store %arg17[%swap3A_210, %swap3A_211], %mul3A_209 {strides = array<i32>} : memref<128x64xf32, #tpu.memory_space<vmem>>, vector<16xf32>,
        %mul3A_213 = arith.mulf %unpack3A_208, %broadcast_in_dim3A_186 : vector<16xf32>
        %swap3A_214 = arith.index_cast %add3A_190 : i32 to index
        %swap3A_215 = arith.constant 48 : index
        %swap3A_216 = tpu.vector_load %arg17[%swap3A_214, %swap3A_215] {strides = array<i32>} : memref<128x64xf32, #tpu.memory_space<vmem>>, vector<16xf32>,
        tpu.vector_store %arg17[%swap3A_214, %swap3A_215], %mul3A_213 {strides = array<i32>} : memref<128x64xf32, #tpu.memory_space<vmem>>, vector<16xf32>,
        %slice3A_217 = vector.extract_strided_slice %get3A_155 {offsets = [2], sizes = [1], strides = [1]} : vector<16xf32> to vector<1xf32>
        %squeeze3A_218 = vector.extract %slice3A_217[0] : f32 from vector<1xf32>
        %broadcast_in_dim3A_219 = vector.broadcast %squeeze3A_218 : f32 to vector<16xf32>
        %mul3A_220 = arith.constant 16 : i32
        %mul3A_221 = arith.muli %add3A_151, %mul3A_220 : i32
        %add3A_222 = arith.constant 2 : i32
        %add3A_223 = arith.addi %mul3A_221, %add3A_222 : i32
        %get3A_224 = arith.index_cast %add3A_223 : i32 to index
        %get3A_225 = arith.constant 0 : index
        %get3A_226 = tpu.vector_load %arg13[%get3A_224, %get3A_225] {strides = array<i32>} : memref<128x64xbf16, #tpu.memory_space<vmem>>, vector<32xbf16>,
        %unpack3A_227 = tpu.unpack_subelements %get3A_226, 0 {pack_format = #tpu.pack_format<interleaved>} : vector<32xbf16> -> vector<16xf32>
        %unpack3A_228 = tpu.unpack_subelements %get3A_226, 1 {pack_format = #tpu.pack_format<interleaved>} : vector<32xbf16> -> vector<16xf32>
        %mul3A_229 = arith.mulf %unpack3A_227, %broadcast_in_dim3A_219 : vector<16xf32>
        %swap3A_230 = arith.index_cast %add3A_223 : i32 to index
        %swap3A_231 = arith.constant 0 : index
        %swap3A_232 = tpu.vector_load %arg17[%swap3A_230, %swap3A_231] {strides = array<i32>} : memref<128x64xf32, #tpu.memory_space<vmem>>, vector<16xf32>,
        tpu.vector_store %arg17[%swap3A_230, %swap3A_231], %mul3A_229 {strides = array<i32>} : memref<128x64xf32, #tpu.memory_space<vmem>>, vector<16xf32>,
        %mul3A_233 = arith.mulf %unpack3A_228, %broadcast_in_dim3A_219 : vector<16xf32>
        %swap3A_234 = arith.index_cast %add3A_223 : i32 to index
        %swap3A_235 = arith.constant 16 : index
        %swap3A_236 = tpu.vector_load %arg17[%swap3A_234, %swap3A_235] {strides = array<i32>} : memref<128x64xf32, #tpu.memory_space<vmem>>, vector<16xf32>,
        tpu.vector_store %arg17[%swap3A_234, %swap3A_235], %mul3A_233 {strides = array<i32>} : memref<128x64xf32, #tpu.memory_space<vmem>>, vector<16xf32>,
        %get3A_237 = arith.index_cast %add3A_223 : i32 to index
        %get3A_238 = arith.constant 32 : index
        %get3A_239 = tpu.vector_load %arg13[%get3A_237, %get3A_238] {strides = array<i32>} : memref<128x64xbf16, #tpu.memory_space<vmem>>, vector<32xbf16>,
        %unpack3A_240 = tpu.unpack_subelements %get3A_239, 0 {pack_format = #tpu.pack_format<interleaved>} : vector<32xbf16> -> vector<16xf32>
        %unpack3A_241 = tpu.unpack_subelements %get3A_239, 1 {pack_format = #tpu.pack_format<interleaved>} : vector<32xbf16> -> vector<16xf32>
        %mul3A_242 = arith.mulf %unpack3A_240, %broadcast_in_dim3A_219 : vector<16xf32>
        %swap3A_243 = arith.index_cast %add3A_223 : i32 to index
        %swap3A_244 = arith.constant 32 : index
        %swap3A_245 = tpu.vector_load %arg17[%swap3A_243, %swap3A_244] {strides = array<i32>} : memref<128x64xf32, #tpu.memory_space<vmem>>, vector<16xf32>,
        tpu.vector_store %arg17[%swap3A_243, %swap3A_244], %mul3A_242 {strides = array<i32>} : memref<128x64xf32, #tpu.memory_space<vmem>>, vector<16xf32>,
        %mul3A_246 = arith.mulf %unpack3A_241, %broadcast_in_dim3A_219 : vector<16xf32>
        %swap3A_247 = arith.index_cast %add3A_223 : i32 to index
        %swap3A_248 = arith.constant 48 : index
        %swap3A_249 = tpu.vector_load %arg17[%swap3A_247, %swap3A_248] {strides = array<i32>} : memref<128x64xf32, #tpu.memory_space<vmem>>, vector<16xf32>,
        tpu.vector_store %arg17[%swap3A_247, %swap3A_248], %mul3A_246 {strides = array<i32>} : memref<128x64xf32, #tpu.memory_space<vmem>>, vector<16xf32>,
        %slice3A_250 = vector.extract_strided_slice %get3A_155 {offsets = [3], sizes = [1], strides = [1]} : vector<16xf32> to vector<1xf32>
        %squeeze3A_251 = vector.extract %slice3A_250[0] : f32 from vector<1xf32>
        %broadcast_in_dim3A_252 = vector.broadcast %squeeze3A_251 : f32 to vector<16xf32>
        %mul3A_253 = arith.constant 16 : i32
        %mul3A_254 = arith.muli %add3A_151, %mul3A_253 : i32
        %add3A_255 = arith.constant 3 : i32
        %add3A_256 = arith.addi %mul3A_254, %add3A_255 : i32
        %get3A_257 = arith.index_cast %add3A_256 : i32 to index
        %get3A_258 = arith.constant 0 : index
        %get3A_259 = tpu.vector_load %arg13[%get3A_257, %get3A_258] {strides = array<i32>} : memref<128x64xbf16, #tpu.memory_space<vmem>>, vector<32xbf16>,
        %unpack3A_260 = tpu.unpack_subelements %get3A_259, 0 {pack_format = #tpu.pack_format<interleaved>} : vector<32xbf16> -> vector<16xf32>
        %unpack3A_261 = tpu.unpack_subelements %get3A_259, 1 {pack_format = #tpu.pack_format<interleaved>} : vector<32xbf16> -> vector<16xf32>
        %mul3A_262 = arith.mulf %unpack3A_260, %broadcast_in_dim3A_252 : vector<16xf32>
        %swap3A_263 = arith.index_cast %add3A_256 : i32 to index
        %swap3A_264 = arith.constant 0 : index
        %swap3A_265 = tpu.vector_load %arg17[%swap3A_263, %swap3A_264] {strides = array<i32>} : memref<128x64xf32, #tpu.memory_space<vmem>>, vector<16xf32>,
        tpu.vector_store %arg17[%swap3A_263, %swap3A_264], %mul3A_262 {strides = array<i32>} : memref<128x64xf32, #tpu.memory_space<vmem>>, vector<16xf32>,
        %mul3A_266 = arith.mulf %unpack3A_261, %broadcast_in_dim3A_252 : vector<16xf32>
        %swap3A_267 = arith.index_cast %add3A_256 : i32 to index
        %swap3A_268 = arith.constant 16 : index
        %swap3A_269 = tpu.vector_load %arg17[%swap3A_267, %swap3A_268] {strides = array<i32>} : memref<128x64xf32, #tpu.memory_space<vmem>>, vector<16xf32>,
        tpu.vector_store %arg17[%swap3A_267, %swap3A_268], %mul3A_266 {strides = array<i32>} : memref<128x64xf32, #tpu.memory_space<vmem>>, vector<16xf32>,
        %get3A_270 = arith.index_cast %add3A_256 : i32 to index
        %get3A_271 = arith.constant 32 : index
        %get3A_272 = tpu.vector_load %arg13[%get3A_270, %get3A_271] {strides = array<i32>} : memref<128x64xbf16, #tpu.memory_space<vmem>>, vector<32xbf16>,
        %unpack3A_273 = tpu.unpack_subelements %get3A_272, 0 {pack_format = #tpu.pack_format<interleaved>} : vector<32xbf16> -> vector<16xf32>
        %unpack3A_274 = tpu.unpack_subelements %get3A_272, 1 {pack_format = #tpu.pack_format<interleaved>} : vector<32xbf16> -> vector<16xf32>
        %mul3A_275 = arith.mulf %unpack3A_273, %broadcast_in_dim3A_252 : vector<16xf32>
        %swap3A_276 = arith.index_cast %add3A_256 : i32 to index
        %swap3A_277 = arith.constant 32 : index
        %swap3A_278 = tpu.vector_load %arg17[%swap3A_276, %swap3A_277] {strides = array<i32>} : memref<128x64xf32, #tpu.memory_space<vmem>>, vector<16xf32>,
        tpu.vector_store %arg17[%swap3A_276, %swap3A_277], %mul3A_275 {strides = array<i32>} : memref<128x64xf32, #tpu.memory_space<vmem>>, vector<16xf32>,
        %mul3A_279 = arith.mulf %unpack3A_274, %broadcast_in_dim3A_252 : vector<16xf32>
        %swap3A_280 = arith.index_cast %add3A_256 : i32 to index
        %swap3A_281 = arith.constant 48 : index
        %swap3A_282 = tpu.vector_load %arg17[%swap3A_280, %swap3A_281] {strides = array<i32>} : memref<128x64xf32, #tpu.memory_space<vmem>>, vector<16xf32>,
        tpu.vector_store %arg17[%swap3A_280, %swap3A_281], %mul3A_279 {strides = array<i32>} : memref<128x64xf32, #tpu.memory_space<vmem>>, vector<16xf32>,
        %slice3A_283 = vector.extract_strided_slice %get3A_155 {offsets = [4], sizes = [1], strides = [1]} : vector<16xf32> to vector<1xf32>
        %squeeze3A_284 = vector.extract %slice3A_283[0] : f32 from vector<1xf32>
        %broadcast_in_dim3A_285 = vector.broadcast %squeeze3A_284 : f32 to vector<16xf32>
        %mul3A_286 = arith.constant 16 : i32
        %mul3A_287 = arith.muli %add3A_151, %mul3A_286 : i32
        %add3A_288 = arith.constant 4 : i32
        %add3A_289 = arith.addi %mul3A_287, %add3A_288 : i32
        %get3A_290 = arith.index_cast %add3A_289 : i32 to index
        %get3A_291 = arith.constant 0 : index
        %get3A_292 = tpu.vector_load %arg13[%get3A_290, %get3A_291] {strides = array<i32>} : memref<128x64xbf16, #tpu.memory_space<vmem>>, vector<32xbf16>,
        %unpack3A_293 = tpu.unpack_subelements %get3A_292, 0 {pack_format = #tpu.pack_format<interleaved>} : vector<32xbf16> -> vector<16xf32>
        %unpack3A_294 = tpu.unpack_subelements %get3A_292, 1 {pack_format = #tpu.pack_format<interleaved>} : vector<32xbf16> -> vector<16xf32>
        %mul3A_295 = arith.mulf %unpack3A_293, %broadcast_in_dim3A_285 : vector<16xf32>
        %swap3A_296 = arith.index_cast %add3A_289 : i32 to index
        %swap3A_297 = arith.constant 0 : index
        %swap3A_298 = tpu.vector_load %arg17[%swap3A_296, %swap3A_297] {strides = array<i32>} : memref<128x64xf32, #tpu.memory_space<vmem>>, vector<16xf32>,
        tpu.vector_store %arg17[%swap3A_296, %swap3A_297], %mul3A_295 {strides = array<i32>} : memref<128x64xf32, #tpu.memory_space<vmem>>, vector<16xf32>,
        %mul3A_299 = arith.mulf %unpack3A_294, %broadcast_in_dim3A_285 : vector<16xf32>
        %swap3A_300 = arith.index_cast %add3A_289 : i32 to index
        %swap3A_301 = arith.constant 16 : index
        %swap3A_302 = tpu.vector_load %arg17[%swap3A_300, %swap3A_301] {strides = array<i32>} : memref<128x64xf32, #tpu.memory_space<vmem>>, vector<16xf32>,
        tpu.vector_store %arg17[%swap3A_300, %swap3A_301], %mul3A_299 {strides = array<i32>} : memref<128x64xf32, #tpu.memory_space<vmem>>, vector<16xf32>,
        %get3A_303 = arith.index_cast %add3A_289 : i32 to index
        %get3A_304 = arith.constant 32 : index
        %get3A_305 = tpu.vector_load %arg13[%get3A_303, %get3A_304] {strides = array<i32>} : memref<128x64xbf16, #tpu.memory_space<vmem>>, vector<32xbf16>,
        %unpack3A_306 = tpu.unpack_subelements %get3A_305, 0 {pack_format = #tpu.pack_format<interleaved>} : vector<32xbf16> -> vector<16xf32>
        %unpack3A_307 = tpu.unpack_subelements %get3A_305, 1 {pack_format = #tpu.pack_format<interleaved>} : vector<32xbf16> -> vector<16xf32>
        %mul3A_308 = arith.mulf %unpack3A_306, %broadcast_in_dim3A_285 : vector<16xf32>
        %swap3A_309 = arith.index_cast %add3A_289 : i32 to index
        %swap3A_310 = arith.constant 32 : index
        %swap3A_311 = tpu.vector_load %arg17[%swap3A_309, %swap3A_310] {strides = array<i32>} : memref<128x64xf32, #tpu.memory_space<vmem>>, vector<16xf32>,
        tpu.vector_store %arg17[%swap3A_309, %swap3A_310], %mul3A_308 {strides = array<i32>} : memref<128x64xf32, #tpu.memory_space<vmem>>, vector<16xf32>,
        %mul3A_312 = arith.mulf %unpack3A_307, %broadcast_in_dim3A_285 : vector<16xf32>
        %swap3A_313 = arith.index_cast %add3A_289 : i32 to index
        %swap3A_314 = arith.constant 48 : index
        %swap3A_315 = tpu.vector_load %arg17[%swap3A_313, %swap3A_314] {strides = array<i32>} : memref<128x64xf32, #tpu.memory_space<vmem>>, vector<16xf32>,
        tpu.vector_store %arg17[%swap3A_313, %swap3A_314], %mul3A_312 {strides = array<i32>} : memref<128x64xf32, #tpu.memory_space<vmem>>, vector<16xf32>,
        %slice3A_316 = vector.extract_strided_slice %get3A_155 {offsets = [5], sizes = [1], strides = [1]} : vector<16xf32> to vector<1xf32>
        %squeeze3A_317 = vector.extract %slice3A_316[0] : f32 from vector<1xf32>
        %broadcast_in_dim3A_318 = vector.broadcast %squeeze3A_317 : f32 to vector<16xf32>
        %mul3A_319 = arith.constant 16 : i32
        %mul3A_320 = arith.muli %add3A_151, %mul3A_319 : i32
        %add3A_321 = arith.constant 5 : i32
        %add3A_322 = arith.addi %mul3A_320, %add3A_321 : i32
        %get3A_323 = arith.index_cast %add3A_322 : i32 to index
        %get3A_324 = arith.constant 0 : index
        %get3A_325 = tpu.vector_load %arg13[%get3A_323, %get3A_324] {strides = array<i32>} : memref<128x64xbf16, #tpu.memory_space<vmem>>, vector<32xbf16>,
        %unpack3A_326 = tpu.unpack_subelements %get3A_325, 0 {pack_format = #tpu.pack_format<interleaved>} : vector<32xbf16> -> vector<16xf32>
        %unpack3A_327 = tpu.unpack_subelements %get3A_325, 1 {pack_format = #tpu.pack_format<interleaved>} : vector<32xbf16> -> vector<16xf32>
        %mul3A_328 = arith.mulf %unpack3A_326, %broadcast_in_dim3A_318 : vector<16xf32>
        %swap3A_329 = arith.index_cast %add3A_322 : i32 to index
        %swap3A_330 = arith.constant 0 : index
        %swap3A_331 = tpu.vector_load %arg17[%swap3A_329, %swap3A_330] {strides = array<i32>} : memref<128x64xf32, #tpu.memory_space<vmem>>, vector<16xf32>,
        tpu.vector_store %arg17[%swap3A_329, %swap3A_330], %mul3A_328 {strides = array<i32>} : memref<128x64xf32, #tpu.memory_space<vmem>>, vector<16xf32>,
        %mul3A_332 = arith.mulf %unpack3A_327, %broadcast_in_dim3A_318 : vector<16xf32>
        %swap3A_333 = arith.index_cast %add3A_322 : i32 to index
        %swap3A_334 = arith.constant 16 : index
        %swap3A_335 = tpu.vector_load %arg17[%swap3A_333, %swap3A_334] {strides = array<i32>} : memref<128x64xf32, #tpu.memory_space<vmem>>, vector<16xf32>,
        tpu.vector_store %arg17[%swap3A_333, %swap3A_334], %mul3A_332 {strides = array<i32>} : memref<128x64xf32, #tpu.memory_space<vmem>>, vector<16xf32>,
        %get3A_336 = arith.index_cast %add3A_322 : i32 to index
        %get3A_337 = arith.constant 32 : index
        %get3A_338 = tpu.vector_load %arg13[%get3A_336, %get3A_337] {strides = array<i32>} : memref<128x64xbf16, #tpu.memory_space<vmem>>, vector<32xbf16>,
        %unpack3A_339 = tpu.unpack_subelements %get3A_338, 0 {pack_format = #tpu.pack_format<interleaved>} : vector<32xbf16> -> vector<16xf32>
        %unpack3A_340 = tpu.unpack_subelements %get3A_338, 1 {pack_format = #tpu.pack_format<interleaved>} : vector<32xbf16> -> vector<16xf32>
        %mul3A_341 = arith.mulf %unpack3A_339, %broadcast_in_dim3A_318 : vector<16xf32>
        %swap3A_342 = arith.index_cast %add3A_322 : i32 to index
        %swap3A_343 = arith.constant 32 : index
        %swap3A_344 = tpu.vector_load %arg17[%swap3A_342, %swap3A_343] {strides = array<i32>} : memref<128x64xf32, #tpu.memory_space<vmem>>, vector<16xf32>,
        tpu.vector_store %arg17[%swap3A_342, %swap3A_343], %mul3A_341 {strides = array<i32>} : memref<128x64xf32, #tpu.memory_space<vmem>>, vector<16xf32>,
        %mul3A_345 = arith.mulf %unpack3A_340, %broadcast_in_dim3A_318 : vector<16xf32>
        %swap3A_346 = arith.index_cast %add3A_322 : i32 to index
        %swap3A_347 = arith.constant 48 : index
        %swap3A_348 = tpu.vector_load %arg17[%swap3A_346, %swap3A_347] {strides = array<i32>} : memref<128x64xf32, #tpu.memory_space<vmem>>, vector<16xf32>,
        tpu.vector_store %arg17[%swap3A_346, %swap3A_347], %mul3A_345 {strides = array<i32>} : memref<128x64xf32, #tpu.memory_space<vmem>>, vector<16xf32>,
        %slice3A_349 = vector.extract_strided_slice %get3A_155 {offsets = [6], sizes = [1], strides = [1]} : vector<16xf32> to vector<1xf32>
        %squeeze3A_350 = vector.extract %slice3A_349[0] : f32 from vector<1xf32>
        %broadcast_in_dim3A_351 = vector.broadcast %squeeze3A_350 : f32 to vector<16xf32>
        %mul3A_352 = arith.constant 16 : i32
        %mul3A_353 = arith.muli %add3A_151, %mul3A_352 : i32
        %add3A_354 = arith.constant 6 : i32
        %add3A_355 = arith.addi %mul3A_353, %add3A_354 : i32
        %get3A_356 = arith.index_cast %add3A_355 : i32 to index
        %get3A_357 = arith.constant 0 : index
        %get3A_358 = tpu.vector_load %arg13[%get3A_356, %get3A_357] {strides = array<i32>} : memref<128x64xbf16, #tpu.memory_space<vmem>>, vector<32xbf16>,
        %unpack3A_359 = tpu.unpack_subelements %get3A_358, 0 {pack_format = #tpu.pack_format<interleaved>} : vector<32xbf16> -> vector<16xf32>
        %unpack3A_360 = tpu.unpack_subelements %get3A_358, 1 {pack_format = #tpu.pack_format<interleaved>} : vector<32xbf16> -> vector<16xf32>
        %mul3A_361 = arith.mulf %unpack3A_359, %broadcast_in_dim3A_351 : vector<16xf32>
        %swap3A_362 = arith.index_cast %add3A_355 : i32 to index
        %swap3A_363 = arith.constant 0 : index
        %swap3A_364 = tpu.vector_load %arg17[%swap3A_362, %swap3A_363] {strides = array<i32>} : memref<128x64xf32, #tpu.memory_space<vmem>>, vector<16xf32>,
        tpu.vector_store %arg17[%swap3A_362, %swap3A_363], %mul3A_361 {strides = array<i32>} : memref<128x64xf32, #tpu.memory_space<vmem>>, vector<16xf32>,
        %mul3A_365 = arith.mulf %unpack3A_360, %broadcast_in_dim3A_351 : vector<16xf32>
        %swap3A_366 = arith.index_cast %add3A_355 : i32 to index
        %swap3A_367 = arith.constant 16 : index
        %swap3A_368 = tpu.vector_load %arg17[%swap3A_366, %swap3A_367] {strides = array<i32>} : memref<128x64xf32, #tpu.memory_space<vmem>>, vector<16xf32>,
        tpu.vector_store %arg17[%swap3A_366, %swap3A_367], %mul3A_365 {strides = array<i32>} : memref<128x64xf32, #tpu.memory_space<vmem>>, vector<16xf32>,
        %get3A_369 = arith.index_cast %add3A_355 : i32 to index
        %get3A_370 = arith.constant 32 : index
        %get3A_371 = tpu.vector_load %arg13[%get3A_369, %get3A_370] {strides = array<i32>} : memref<128x64xbf16, #tpu.memory_space<vmem>>, vector<32xbf16>,
        %unpack3A_372 = tpu.unpack_subelements %get3A_371, 0 {pack_format = #tpu.pack_format<interleaved>} : vector<32xbf16> -> vector<16xf32>
        %unpack3A_373 = tpu.unpack_subelements %get3A_371, 1 {pack_format = #tpu.pack_format<interleaved>} : vector<32xbf16> -> vector<16xf32>
        %mul3A_374 = arith.mulf %unpack3A_372, %broadcast_in_dim3A_351 : vector<16xf32>
        %swap3A_375 = arith.index_cast %add3A_355 : i32 to index
        %swap3A_376 = arith.constant 32 : index
        %swap3A_377 = tpu.vector_load %arg17[%swap3A_375, %swap3A_376] {strides = array<i32>} : memref<128x64xf32, #tpu.memory_space<vmem>>, vector<16xf32>,
        tpu.vector_store %arg17[%swap3A_375, %swap3A_376], %mul3A_374 {strides = array<i32>} : memref<128x64xf32, #tpu.memory_space<vmem>>, vector<16xf32>,
        %mul3A_378 = arith.mulf %unpack3A_373, %broadcast_in_dim3A_351 : vector<16xf32>
        %swap3A_379 = arith.index_cast %add3A_355 : i32 to index
        %swap3A_380 = arith.constant 48 : index
        %swap3A_381 = tpu.vector_load %arg17[%swap3A_379, %swap3A_380] {strides = array<i32>} : memref<128x64xf32, #tpu.memory_space<vmem>>, vector<16xf32>,
        tpu.vector_store %arg17[%swap3A_379, %swap3A_380], %mul3A_378 {strides = array<i32>} : memref<128x64xf32, #tpu.memory_space<vmem>>, vector<16xf32>,
        %slice3A_382 = vector.extract_strided_slice %get3A_155 {offsets = [7], sizes = [1], strides = [1]} : vector<16xf32> to vector<1xf32>
        %squeeze3A_383 = vector.extract %slice3A_382[0] : f32 from vector<1xf32>
        %broadcast_in_dim3A_384 = vector.broadcast %squeeze3A_383 : f32 to vector<16xf32>
        %mul3A_385 = arith.constant 16 : i32
        %mul3A_386 = arith.muli %add3A_151, %mul3A_385 : i32
        %add3A_387 = arith.constant 7 : i32
        %add3A_388 = arith.addi %mul3A_386, %add3A_387 : i32
        %get3A_389 = arith.index_cast %add3A_388 : i32 to index
        %get3A_390 = arith.constant 0 : index
        %get3A_391 = tpu.vector_load %arg13[%get3A_389, %get3A_390] {strides = array<i32>} : memref<128x64xbf16, #tpu.memory_space<vmem>>, vector<32xbf16>,
        %unpack3A_392 = tpu.unpack_subelements %get3A_391, 0 {pack_format = #tpu.pack_format<interleaved>} : vector<32xbf16> -> vector<16xf32>
        %unpack3A_393 = tpu.unpack_subelements %get3A_391, 1 {pack_format = #tpu.pack_format<interleaved>} : vector<32xbf16> -> vector<16xf32>
        %mul3A_394 = arith.mulf %unpack3A_392, %broadcast_in_dim3A_384 : vector<16xf32>
        %swap3A_395 = arith.index_cast %add3A_388 : i32 to index
        %swap3A_396 = arith.constant 0 : index
        %swap3A_397 = tpu.vector_load %arg17[%swap3A_395, %swap3A_396] {strides = array<i32>} : memref<128x64xf32, #tpu.memory_space<vmem>>, vector<16xf32>,
        tpu.vector_store %arg17[%swap3A_395, %swap3A_396], %mul3A_394 {strides = array<i32>} : memref<128x64xf32, #tpu.memory_space<vmem>>, vector<16xf32>,
        %mul3A_398 = arith.mulf %unpack3A_393, %broadcast_in_dim3A_384 : vector<16xf32>
        %swap3A_399 = arith.index_cast %add3A_388 : i32 to index
        %swap3A_400 = arith.constant 16 : index
        %swap3A_401 = tpu.vector_load %arg17[%swap3A_399, %swap3A_400] {strides = array<i32>} : memref<128x64xf32, #tpu.memory_space<vmem>>, vector<16xf32>,
        tpu.vector_store %arg17[%swap3A_399, %swap3A_400], %mul3A_398 {strides = array<i32>} : memref<128x64xf32, #tpu.memory_space<vmem>>, vector<16xf32>,
        %get3A_402 = arith.index_cast %add3A_388 : i32 to index
        %get3A_403 = arith.constant 32 : index
        %get3A_404 = tpu.vector_load %arg13[%get3A_402, %get3A_403] {strides = array<i32>} : memref<128x64xbf16, #tpu.memory_space<vmem>>, vector<32xbf16>,
        %unpack3A_405 = tpu.unpack_subelements %get3A_404, 0 {pack_format = #tpu.pack_format<interleaved>} : vector<32xbf16> -> vector<16xf32>
        %unpack3A_406 = tpu.unpack_subelements %get3A_404, 1 {pack_format = #tpu.pack_format<interleaved>} : vector<32xbf16> -> vector<16xf32>
        %mul3A_407 = arith.mulf %unpack3A_405, %broadcast_in_dim3A_384 : vector<16xf32>
        %swap3A_408 = arith.index_cast %add3A_388 : i32 to index
        %swap3A_409 = arith.constant 32 : index
        %swap3A_410 = tpu.vector_load %arg17[%swap3A_408, %swap3A_409] {strides = array<i32>} : memref<128x64xf32, #tpu.memory_space<vmem>>, vector<16xf32>,
        tpu.vector_store %arg17[%swap3A_408, %swap3A_409], %mul3A_407 {strides = array<i32>} : memref<128x64xf32, #tpu.memory_space<vmem>>, vector<16xf32>,
        %mul3A_411 = arith.mulf %unpack3A_406, %broadcast_in_dim3A_384 : vector<16xf32>
        %swap3A_412 = arith.index_cast %add3A_388 : i32 to index
        %swap3A_413 = arith.constant 48 : index
        %swap3A_414 = tpu.vector_load %arg17[%swap3A_412, %swap3A_413] {strides = array<i32>} : memref<128x64xf32, #tpu.memory_space<vmem>>, vector<16xf32>,
        tpu.vector_store %arg17[%swap3A_412, %swap3A_413], %mul3A_411 {strides = array<i32>} : memref<128x64xf32, #tpu.memory_space<vmem>>, vector<16xf32>,
        %slice3A_415 = vector.extract_strided_slice %get3A_155 {offsets = [8], sizes = [1], strides = [1]} : vector<16xf32> to vector<1xf32>
        %squeeze3A_416 = vector.extract %slice3A_415[0] : f32 from vector<1xf32>
        %broadcast_in_dim3A_417 = vector.broadcast %squeeze3A_416 : f32 to vector<16xf32>
        %mul3A_418 = arith.constant 16 : i32
        %mul3A_419 = arith.muli %add3A_151, %mul3A_418 : i32
        %add3A_420 = arith.constant 8 : i32
        %add3A_421 = arith.addi %mul3A_419, %add3A_420 : i32
        %get3A_422 = arith.index_cast %add3A_421 : i32 to index
        %get3A_423 = arith.constant 0 : index
        %get3A_424 = tpu.vector_load %arg13[%get3A_422, %get3A_423] {strides = array<i32>} : memref<128x64xbf16, #tpu.memory_space<vmem>>, vector<32xbf16>,
        %unpack3A_425 = tpu.unpack_subelements %get3A_424, 0 {pack_format = #tpu.pack_format<interleaved>} : vector<32xbf16> -> vector<16xf32>
        %unpack3A_426 = tpu.unpack_subelements %get3A_424, 1 {pack_format = #tpu.pack_format<interleaved>} : vector<32xbf16> -> vector<16xf32>
        %mul3A_427 = arith.mulf %unpack3A_425, %broadcast_in_dim3A_417 : vector<16xf32>
        %swap3A_428 = arith.index_cast %add3A_421 : i32 to index
        %swap3A_429 = arith.constant 0 : index
        %swap3A_430 = tpu.vector_load %arg17[%swap3A_428, %swap3A_429] {strides = array<i32>} : memref<128x64xf32, #tpu.memory_space<vmem>>, vector<16xf32>,
        tpu.vector_store %arg17[%swap3A_428, %swap3A_429], %mul3A_427 {strides = array<i32>} : memref<128x64xf32, #tpu.memory_space<vmem>>, vector<16xf32>,
        %mul3A_431 = arith.mulf %unpack3A_426, %broadcast_in_dim3A_417 : vector<16xf32>
        %swap3A_432 = arith.index_cast %add3A_421 : i32 to index
        %swap3A_433 = arith.constant 16 : index
        %swap3A_434 = tpu.vector_load %arg17[%swap3A_432, %swap3A_433] {strides = array<i32>} : memref<128x64xf32, #tpu.memory_space<vmem>>, vector<16xf32>,
        tpu.vector_store %arg17[%swap3A_432, %swap3A_433], %mul3A_431 {strides = array<i32>} : memref<128x64xf32, #tpu.memory_space<vmem>>, vector<16xf32>,
        %get3A_435 = arith.index_cast %add3A_421 : i32 to index
        %get3A_436 = arith.constant 32 : index
        %get3A_437 = tpu.vector_load %arg13[%get3A_435, %get3A_436] {strides = array<i32>} : memref<128x64xbf16, #tpu.memory_space<vmem>>, vector<32xbf16>,
        %unpack3A_438 = tpu.unpack_subelements %get3A_437, 0 {pack_format = #tpu.pack_format<interleaved>} : vector<32xbf16> -> vector<16xf32>
        %unpack3A_439 = tpu.unpack_subelements %get3A_437, 1 {pack_format = #tpu.pack_format<interleaved>} : vector<32xbf16> -> vector<16xf32>
        %mul3A_440 = arith.mulf %unpack3A_438, %broadcast_in_dim3A_417 : vector<16xf32>
        %swap3A_441 = arith.index_cast %add3A_421 : i32 to index
        %swap3A_442 = arith.constant 32 : index
        %swap3A_443 = tpu.vector_load %arg17[%swap3A_441, %swap3A_442] {strides = array<i32>} : memref<128x64xf32, #tpu.memory_space<vmem>>, vector<16xf32>,
        tpu.vector_store %arg17[%swap3A_441, %swap3A_442], %mul3A_440 {strides = array<i32>} : memref<128x64xf32, #tpu.memory_space<vmem>>, vector<16xf32>,
        %mul3A_444 = arith.mulf %unpack3A_439, %broadcast_in_dim3A_417 : vector<16xf32>
        %swap3A_445 = arith.index_cast %add3A_421 : i32 to index
        %swap3A_446 = arith.constant 48 : index
        %swap3A_447 = tpu.vector_load %arg17[%swap3A_445, %swap3A_446] {strides = array<i32>} : memref<128x64xf32, #tpu.memory_space<vmem>>, vector<16xf32>,
        tpu.vector_store %arg17[%swap3A_445, %swap3A_446], %mul3A_444 {strides = array<i32>} : memref<128x64xf32, #tpu.memory_space<vmem>>, vector<16xf32>,
        %slice3A_448 = vector.extract_strided_slice %get3A_155 {offsets = [9], sizes = [1], strides = [1]} : vector<16xf32> to vector<1xf32>
        %squeeze3A_449 = vector.extract %slice3A_448[0] : f32 from vector<1xf32>
        %broadcast_in_dim3A_450 = vector.broadcast %squeeze3A_449 : f32 to vector<16xf32>
        %mul3A_451 = arith.constant 16 : i32
        %mul3A_452 = arith.muli %add3A_151, %mul3A_451 : i32
        %add3A_453 = arith.constant 9 : i32
        %add3A_454 = arith.addi %mul3A_452, %add3A_453 : i32
        %get3A_455 = arith.index_cast %add3A_454 : i32 to index
        %get3A_456 = arith.constant 0 : index
        %get3A_457 = tpu.vector_load %arg13[%get3A_455, %get3A_456] {strides = array<i32>} : memref<128x64xbf16, #tpu.memory_space<vmem>>, vector<32xbf16>,
        %unpack3A_458 = tpu.unpack_subelements %get3A_457, 0 {pack_format = #tpu.pack_format<interleaved>} : vector<32xbf16> -> vector<16xf32>
        %unpack3A_459 = tpu.unpack_subelements %get3A_457, 1 {pack_format = #tpu.pack_format<interleaved>} : vector<32xbf16> -> vector<16xf32>
        %mul3A_460 = arith.mulf %unpack3A_458, %broadcast_in_dim3A_450 : vector<16xf32>
        %swap3A_461 = arith.index_cast %add3A_454 : i32 to index
        %swap3A_462 = arith.constant 0 : index
        %swap3A_463 = tpu.vector_load %arg17[%swap3A_461, %swap3A_462] {strides = array<i32>} : memref<128x64xf32, #tpu.memory_space<vmem>>, vector<16xf32>,
        tpu.vector_store %arg17[%swap3A_461, %swap3A_462], %mul3A_460 {strides = array<i32>} : memref<128x64xf32, #tpu.memory_space<vmem>>, vector<16xf32>,
        %mul3A_464 = arith.mulf %unpack3A_459, %broadcast_in_dim3A_450 : vector<16xf32>
        %swap3A_465 = arith.index_cast %add3A_454 : i32 to index
        %swap3A_466 = arith.constant 16 : index
        %swap3A_467 = tpu.vector_load %arg17[%swap3A_465, %swap3A_466] {strides = array<i32>} : memref<128x64xf32, #tpu.memory_space<vmem>>, vector<16xf32>,
        tpu.vector_store %arg17[%swap3A_465, %swap3A_466], %mul3A_464 {strides = array<i32>} : memref<128x64xf32, #tpu.memory_space<vmem>>, vector<16xf32>,
        %get3A_468 = arith.index_cast %add3A_454 : i32 to index
        %get3A_469 = arith.constant 32 : index
        %get3A_470 = tpu.vector_load %arg13[%get3A_468, %get3A_469] {strides = array<i32>} : memref<128x64xbf16, #tpu.memory_space<vmem>>, vector<32xbf16>,
        %unpack3A_471 = tpu.unpack_subelements %get3A_470, 0 {pack_format = #tpu.pack_format<interleaved>} : vector<32xbf16> -> vector<16xf32>
        %unpack3A_472 = tpu.unpack_subelements %get3A_470, 1 {pack_format = #tpu.pack_format<interleaved>} : vector<32xbf16> -> vector<16xf32>
        %mul3A_473 = arith.mulf %unpack3A_471, %broadcast_in_dim3A_450 : vector<16xf32>
        %swap3A_474 = arith.index_cast %add3A_454 : i32 to index
        %swap3A_475 = arith.constant 32 : index
        %swap3A_476 = tpu.vector_load %arg17[%swap3A_474, %swap3A_475] {strides = array<i32>} : memref<128x64xf32, #tpu.memory_space<vmem>>, vector<16xf32>,
        tpu.vector_store %arg17[%swap3A_474, %swap3A_475], %mul3A_473 {strides = array<i32>} : memref<128x64xf32, #tpu.memory_space<vmem>>, vector<16xf32>,
        %mul3A_477 = arith.mulf %unpack3A_472, %broadcast_in_dim3A_450 : vector<16xf32>
        %swap3A_478 = arith.index_cast %add3A_454 : i32 to index
        %swap3A_479 = arith.constant 48 : index
        %swap3A_480 = tpu.vector_load %arg17[%swap3A_478, %swap3A_479] {strides = array<i32>} : memref<128x64xf32, #tpu.memory_space<vmem>>, vector<16xf32>,
        tpu.vector_store %arg17[%swap3A_478, %swap3A_479], %mul3A_477 {strides = array<i32>} : memref<128x64xf32, #tpu.memory_space<vmem>>, vector<16xf32>,
        %slice3A_481 = vector.extract_strided_slice %get3A_155 {offsets = [10], sizes = [1], strides = [1]} : vector<16xf32> to vector<1xf32>
        %squeeze3A_482 = vector.extract %slice3A_481[0] : f32 from vector<1xf32>
        %broadcast_in_dim3A_483 = vector.broadcast %squeeze3A_482 : f32 to vector<16xf32>
        %mul3A_484 = arith.constant 16 : i32
        %mul3A_485 = arith.muli %add3A_151, %mul3A_484 : i32
        %add3A_486 = arith.constant 10 : i32
        %add3A_487 = arith.addi %mul3A_485, %add3A_486 : i32
        %get3A_488 = arith.index_cast %add3A_487 : i32 to index
        %get3A_489 = arith.constant 0 : index
        %get3A_490 = tpu.vector_load %arg13[%get3A_488, %get3A_489] {strides = array<i32>} : memref<128x64xbf16, #tpu.memory_space<vmem>>, vector<32xbf16>,
        %unpack3A_491 = tpu.unpack_subelements %get3A_490, 0 {pack_format = #tpu.pack_format<interleaved>} : vector<32xbf16> -> vector<16xf32>
        %unpack3A_492 = tpu.unpack_subelements %get3A_490, 1 {pack_format = #tpu.pack_format<interleaved>} : vector<32xbf16> -> vector<16xf32>
        %mul3A_493 = arith.mulf %unpack3A_491, %broadcast_in_dim3A_483 : vector<16xf32>
        %swap3A_494 = arith.index_cast %add3A_487 : i32 to index
        %swap3A_495 = arith.constant 0 : index
        %swap3A_496 = tpu.vector_load %arg17[%swap3A_494, %swap3A_495] {strides = array<i32>} : memref<128x64xf32, #tpu.memory_space<vmem>>, vector<16xf32>,
        tpu.vector_store %arg17[%swap3A_494, %swap3A_495], %mul3A_493 {strides = array<i32>} : memref<128x64xf32, #tpu.memory_space<vmem>>, vector<16xf32>,
        %mul3A_497 = arith.mulf %unpack3A_492, %broadcast_in_dim3A_483 : vector<16xf32>
        %swap3A_498 = arith.index_cast %add3A_487 : i32 to index
        %swap3A_499 = arith.constant 16 : index
        %swap3A_500 = tpu.vector_load %arg17[%swap3A_498, %swap3A_499] {strides = array<i32>} : memref<128x64xf32, #tpu.memory_space<vmem>>, vector<16xf32>,
        tpu.vector_store %arg17[%swap3A_498, %swap3A_499], %mul3A_497 {strides = array<i32>} : memref<128x64xf32, #tpu.memory_space<vmem>>, vector<16xf32>,
        %get3A_501 = arith.index_cast %add3A_487 : i32 to index
        %get3A_502 = arith.constant 32 : index
        %get3A_503 = tpu.vector_load %arg13[%get3A_501, %get3A_502] {strides = array<i32>} : memref<128x64xbf16, #tpu.memory_space<vmem>>, vector<32xbf16>,
        %unpack3A_504 = tpu.unpack_subelements %get3A_503, 0 {pack_format = #tpu.pack_format<interleaved>} : vector<32xbf16> -> vector<16xf32>
        %unpack3A_505 = tpu.unpack_subelements %get3A_503, 1 {pack_format = #tpu.pack_format<interleaved>} : vector<32xbf16> -> vector<16xf32>
        %mul3A_506 = arith.mulf %unpack3A_504, %broadcast_in_dim3A_483 : vector<16xf32>
        %swap3A_507 = arith.index_cast %add3A_487 : i32 to index
        %swap3A_508 = arith.constant 32 : index
        %swap3A_509 = tpu.vector_load %arg17[%swap3A_507, %swap3A_508] {strides = array<i32>} : memref<128x64xf32, #tpu.memory_space<vmem>>, vector<16xf32>,
        tpu.vector_store %arg17[%swap3A_507, %swap3A_508], %mul3A_506 {strides = array<i32>} : memref<128x64xf32, #tpu.memory_space<vmem>>, vector<16xf32>,
        %mul3A_510 = arith.mulf %unpack3A_505, %broadcast_in_dim3A_483 : vector<16xf32>
        %swap3A_511 = arith.index_cast %add3A_487 : i32 to index
        %swap3A_512 = arith.constant 48 : index
        %swap3A_513 = tpu.vector_load %arg17[%swap3A_511, %swap3A_512] {strides = array<i32>} : memref<128x64xf32, #tpu.memory_space<vmem>>, vector<16xf32>,
        tpu.vector_store %arg17[%swap3A_511, %swap3A_512], %mul3A_510 {strides = array<i32>} : memref<128x64xf32, #tpu.memory_space<vmem>>, vector<16xf32>,
        %slice3A_514 = vector.extract_strided_slice %get3A_155 {offsets = [11], sizes = [1], strides = [1]} : vector<16xf32> to vector<1xf32>
        %squeeze3A_515 = vector.extract %slice3A_514[0] : f32 from vector<1xf32>
        %broadcast_in_dim3A_516 = vector.broadcast %squeeze3A_515 : f32 to vector<16xf32>
        %mul3A_517 = arith.constant 16 : i32
        %mul3A_518 = arith.muli %add3A_151, %mul3A_517 : i32
        %add3A_519 = arith.constant 11 : i32
        %add3A_520 = arith.addi %mul3A_518, %add3A_519 : i32
        %get3A_521 = arith.index_cast %add3A_520 : i32 to index
        %get3A_522 = arith.constant 0 : index
        %get3A_523 = tpu.vector_load %arg13[%get3A_521, %get3A_522] {strides = array<i32>} : memref<128x64xbf16, #tpu.memory_space<vmem>>, vector<32xbf16>,
        %unpack3A_524 = tpu.unpack_subelements %get3A_523, 0 {pack_format = #tpu.pack_format<interleaved>} : vector<32xbf16> -> vector<16xf32>
        %unpack3A_525 = tpu.unpack_subelements %get3A_523, 1 {pack_format = #tpu.pack_format<interleaved>} : vector<32xbf16> -> vector<16xf32>
        %mul3A_526 = arith.mulf %unpack3A_524, %broadcast_in_dim3A_516 : vector<16xf32>
        %swap3A_527 = arith.index_cast %add3A_520 : i32 to index
        %swap3A_528 = arith.constant 0 : index
        %swap3A_529 = tpu.vector_load %arg17[%swap3A_527, %swap3A_528] {strides = array<i32>} : memref<128x64xf32, #tpu.memory_space<vmem>>, vector<16xf32>,
        tpu.vector_store %arg17[%swap3A_527, %swap3A_528], %mul3A_526 {strides = array<i32>} : memref<128x64xf32, #tpu.memory_space<vmem>>, vector<16xf32>,
        %mul3A_530 = arith.mulf %unpack3A_525, %broadcast_in_dim3A_516 : vector<16xf32>
        %swap3A_531 = arith.index_cast %add3A_520 : i32 to index
        %swap3A_532 = arith.constant 16 : index
        %swap3A_533 = tpu.vector_load %arg17[%swap3A_531, %swap3A_532] {strides = array<i32>} : memref<128x64xf32, #tpu.memory_space<vmem>>, vector<16xf32>,
        tpu.vector_store %arg17[%swap3A_531, %swap3A_532], %mul3A_530 {strides = array<i32>} : memref<128x64xf32, #tpu.memory_space<vmem>>, vector<16xf32>,
        %get3A_534 = arith.index_cast %add3A_520 : i32 to index
        %get3A_535 = arith.constant 32 : index
        %get3A_536 = tpu.vector_load %arg13[%get3A_534, %get3A_535] {strides = array<i32>} : memref<128x64xbf16, #tpu.memory_space<vmem>>, vector<32xbf16>,
        %unpack3A_537 = tpu.unpack_subelements %get3A_536, 0 {pack_format = #tpu.pack_format<interleaved>} : vector<32xbf16> -> vector<16xf32>
        %unpack3A_538 = tpu.unpack_subelements %get3A_536, 1 {pack_format = #tpu.pack_format<interleaved>} : vector<32xbf16> -> vector<16xf32>
        %mul3A_539 = arith.mulf %unpack3A_537, %broadcast_in_dim3A_516 : vector<16xf32>
        %swap3A_540 = arith.index_cast %add3A_520 : i32 to index
        %swap3A_541 = arith.constant 32 : index
        %swap3A_542 = tpu.vector_load %arg17[%swap3A_540, %swap3A_541] {strides = array<i32>} : memref<128x64xf32, #tpu.memory_space<vmem>>, vector<16xf32>,
        tpu.vector_store %arg17[%swap3A_540, %swap3A_541], %mul3A_539 {strides = array<i32>} : memref<128x64xf32, #tpu.memory_space<vmem>>, vector<16xf32>,
        %mul3A_543 = arith.mulf %unpack3A_538, %broadcast_in_dim3A_516 : vector<16xf32>
        %swap3A_544 = arith.index_cast %add3A_520 : i32 to index
        %swap3A_545 = arith.constant 48 : index
        %swap3A_546 = tpu.vector_load %arg17[%swap3A_544, %swap3A_545] {strides = array<i32>} : memref<128x64xf32, #tpu.memory_space<vmem>>, vector<16xf32>,
        tpu.vector_store %arg17[%swap3A_544, %swap3A_545], %mul3A_543 {strides = array<i32>} : memref<128x64xf32, #tpu.memory_space<vmem>>, vector<16xf32>,
        %slice3A_547 = vector.extract_strided_slice %get3A_155 {offsets = [12], sizes = [1], strides = [1]} : vector<16xf32> to vector<1xf32>
        %squeeze3A_548 = vector.extract %slice3A_547[0] : f32 from vector<1xf32>
        %broadcast_in_dim3A_549 = vector.broadcast %squeeze3A_548 : f32 to vector<16xf32>
        %mul3A_550 = arith.constant 16 : i32
        %mul3A_551 = arith.muli %add3A_151, %mul3A_550 : i32
        %add3A_552 = arith.constant 12 : i32
        %add3A_553 = arith.addi %mul3A_551, %add3A_552 : i32
        %get3A_554 = arith.index_cast %add3A_553 : i32 to index
        %get3A_555 = arith.constant 0 : index
        %get3A_556 = tpu.vector_load %arg13[%get3A_554, %get3A_555] {strides = array<i32>} : memref<128x64xbf16, #tpu.memory_space<vmem>>, vector<32xbf16>,
        %unpack3A_557 = tpu.unpack_subelements %get3A_556, 0 {pack_format = #tpu.pack_format<interleaved>} : vector<32xbf16> -> vector<16xf32>
        %unpack3A_558 = tpu.unpack_subelements %get3A_556, 1 {pack_format = #tpu.pack_format<interleaved>} : vector<32xbf16> -> vector<16xf32>
        %mul3A_559 = arith.mulf %unpack3A_557, %broadcast_in_dim3A_549 : vector<16xf32>
        %swap3A_560 = arith.index_cast %add3A_553 : i32 to index
        %swap3A_561 = arith.constant 0 : index
        %swap3A_562 = tpu.vector_load %arg17[%swap3A_560, %swap3A_561] {strides = array<i32>} : memref<128x64xf32, #tpu.memory_space<vmem>>, vector<16xf32>,
        tpu.vector_store %arg17[%swap3A_560, %swap3A_561], %mul3A_559 {strides = array<i32>} : memref<128x64xf32, #tpu.memory_space<vmem>>, vector<16xf32>,
        %mul3A_563 = arith.mulf %unpack3A_558, %broadcast_in_dim3A_549 : vector<16xf32>
        %swap3A_564 = arith.index_cast %add3A_553 : i32 to index
        %swap3A_565 = arith.constant 16 : index
        %swap3A_566 = tpu.vector_load %arg17[%swap3A_564, %swap3A_565] {strides = array<i32>} : memref<128x64xf32, #tpu.memory_space<vmem>>, vector<16xf32>,
        tpu.vector_store %arg17[%swap3A_564, %swap3A_565], %mul3A_563 {strides = array<i32>} : memref<128x64xf32, #tpu.memory_space<vmem>>, vector<16xf32>,
        %get3A_567 = arith.index_cast %add3A_553 : i32 to index
        %get3A_568 = arith.constant 32 : index
        %get3A_569 = tpu.vector_load %arg13[%get3A_567, %get3A_568] {strides = array<i32>} : memref<128x64xbf16, #tpu.memory_space<vmem>>, vector<32xbf16>,
        %unpack3A_570 = tpu.unpack_subelements %get3A_569, 0 {pack_format = #tpu.pack_format<interleaved>} : vector<32xbf16> -> vector<16xf32>
        %unpack3A_571 = tpu.unpack_subelements %get3A_569, 1 {pack_format = #tpu.pack_format<interleaved>} : vector<32xbf16> -> vector<16xf32>
        %mul3A_572 = arith.mulf %unpack3A_570, %broadcast_in_dim3A_549 : vector<16xf32>
        %swap3A_573 = arith.index_cast %add3A_553 : i32 to index
        %swap3A_574 = arith.constant 32 : index
        %swap3A_575 = tpu.vector_load %arg17[%swap3A_573, %swap3A_574] {strides = array<i32>} : memref<128x64xf32, #tpu.memory_space<vmem>>, vector<16xf32>,
        tpu.vector_store %arg17[%swap3A_573, %swap3A_574], %mul3A_572 {strides = array<i32>} : memref<128x64xf32, #tpu.memory_space<vmem>>, vector<16xf32>,
        %mul3A_576 = arith.mulf %unpack3A_571, %broadcast_in_dim3A_549 : vector<16xf32>
        %swap3A_577 = arith.index_cast %add3A_553 : i32 to index
        %swap3A_578 = arith.constant 48 : index
        %swap3A_579 = tpu.vector_load %arg17[%swap3A_577, %swap3A_578] {strides = array<i32>} : memref<128x64xf32, #tpu.memory_space<vmem>>, vector<16xf32>,
        tpu.vector_store %arg17[%swap3A_577, %swap3A_578], %mul3A_576 {strides = array<i32>} : memref<128x64xf32, #tpu.memory_space<vmem>>, vector<16xf32>,
        %slice3A_580 = vector.extract_strided_slice %get3A_155 {offsets = [13], sizes = [1], strides = [1]} : vector<16xf32> to vector<1xf32>
        %squeeze3A_581 = vector.extract %slice3A_580[0] : f32 from vector<1xf32>
        %broadcast_in_dim3A_582 = vector.broadcast %squeeze3A_581 : f32 to vector<16xf32>
        %mul3A_583 = arith.constant 16 : i32
        %mul3A_584 = arith.muli %add3A_151, %mul3A_583 : i32
        %add3A_585 = arith.constant 13 : i32
        %add3A_586 = arith.addi %mul3A_584, %add3A_585 : i32
        %get3A_587 = arith.index_cast %add3A_586 : i32 to index
        %get3A_588 = arith.constant 0 : index
        %get3A_589 = tpu.vector_load %arg13[%get3A_587, %get3A_588] {strides = array<i32>} : memref<128x64xbf16, #tpu.memory_space<vmem>>, vector<32xbf16>,
        %unpack3A_590 = tpu.unpack_subelements %get3A_589, 0 {pack_format = #tpu.pack_format<interleaved>} : vector<32xbf16> -> vector<16xf32>
        %unpack3A_591 = tpu.unpack_subelements %get3A_589, 1 {pack_format = #tpu.pack_format<interleaved>} : vector<32xbf16> -> vector<16xf32>
        %mul3A_592 = arith.mulf %unpack3A_590, %broadcast_in_dim3A_582 : vector<16xf32>
        %swap3A_593 = arith.index_cast %add3A_586 : i32 to index
        %swap3A_594 = arith.constant 0 : index
        %swap3A_595 = tpu.vector_load %arg17[%swap3A_593, %swap3A_594] {strides = array<i32>} : memref<128x64xf32, #tpu.memory_space<vmem>>, vector<16xf32>,
        tpu.vector_store %arg17[%swap3A_593, %swap3A_594], %mul3A_592 {strides = array<i32>} : memref<128x64xf32, #tpu.memory_space<vmem>>, vector<16xf32>,
        %mul3A_596 = arith.mulf %unpack3A_591, %broadcast_in_dim3A_582 : vector<16xf32>
        %swap3A_597 = arith.index_cast %add3A_586 : i32 to index
        %swap3A_598 = arith.constant 16 : index
        %swap3A_599 = tpu.vector_load %arg17[%swap3A_597, %swap3A_598] {strides = array<i32>} : memref<128x64xf32, #tpu.memory_space<vmem>>, vector<16xf32>,
        tpu.vector_store %arg17[%swap3A_597, %swap3A_598], %mul3A_596 {strides = array<i32>} : memref<128x64xf32, #tpu.memory_space<vmem>>, vector<16xf32>,
        %get3A_600 = arith.index_cast %add3A_586 : i32 to index
        %get3A_601 = arith.constant 32 : index
        %get3A_602 = tpu.vector_load %arg13[%get3A_600, %get3A_601] {strides = array<i32>} : memref<128x64xbf16, #tpu.memory_space<vmem>>, vector<32xbf16>,
        %unpack3A_603 = tpu.unpack_subelements %get3A_602, 0 {pack_format = #tpu.pack_format<interleaved>} : vector<32xbf16> -> vector<16xf32>
        %unpack3A_604 = tpu.unpack_subelements %get3A_602, 1 {pack_format = #tpu.pack_format<interleaved>} : vector<32xbf16> -> vector<16xf32>
        %mul3A_605 = arith.mulf %unpack3A_603, %broadcast_in_dim3A_582 : vector<16xf32>
        %swap3A_606 = arith.index_cast %add3A_586 : i32 to index
        %swap3A_607 = arith.constant 32 : index
        %swap3A_608 = tpu.vector_load %arg17[%swap3A_606, %swap3A_607] {strides = array<i32>} : memref<128x64xf32, #tpu.memory_space<vmem>>, vector<16xf32>,
        tpu.vector_store %arg17[%swap3A_606, %swap3A_607], %mul3A_605 {strides = array<i32>} : memref<128x64xf32, #tpu.memory_space<vmem>>, vector<16xf32>,
        %mul3A_609 = arith.mulf %unpack3A_604, %broadcast_in_dim3A_582 : vector<16xf32>
        %swap3A_610 = arith.index_cast %add3A_586 : i32 to index
        %swap3A_611 = arith.constant 48 : index
        %swap3A_612 = tpu.vector_load %arg17[%swap3A_610, %swap3A_611] {strides = array<i32>} : memref<128x64xf32, #tpu.memory_space<vmem>>, vector<16xf32>,
        tpu.vector_store %arg17[%swap3A_610, %swap3A_611], %mul3A_609 {strides = array<i32>} : memref<128x64xf32, #tpu.memory_space<vmem>>, vector<16xf32>,
        %slice3A_613 = vector.extract_strided_slice %get3A_155 {offsets = [14], sizes = [1], strides = [1]} : vector<16xf32> to vector<1xf32>
        %squeeze3A_614 = vector.extract %slice3A_613[0] : f32 from vector<1xf32>
        %broadcast_in_dim3A_615 = vector.broadcast %squeeze3A_614 : f32 to vector<16xf32>
        %mul3A_616 = arith.constant 16 : i32
        %mul3A_617 = arith.muli %add3A_151, %mul3A_616 : i32
        %add3A_618 = arith.constant 14 : i32
        %add3A_619 = arith.addi %mul3A_617, %add3A_618 : i32
        %get3A_620 = arith.index_cast %add3A_619 : i32 to index
        %get3A_621 = arith.constant 0 : index
        %get3A_622 = tpu.vector_load %arg13[%get3A_620, %get3A_621] {strides = array<i32>} : memref<128x64xbf16, #tpu.memory_space<vmem>>, vector<32xbf16>,
        %unpack3A_623 = tpu.unpack_subelements %get3A_622, 0 {pack_format = #tpu.pack_format<interleaved>} : vector<32xbf16> -> vector<16xf32>
        %unpack3A_624 = tpu.unpack_subelements %get3A_622, 1 {pack_format = #tpu.pack_format<interleaved>} : vector<32xbf16> -> vector<16xf32>
        %mul3A_625 = arith.mulf %unpack3A_623, %broadcast_in_dim3A_615 : vector<16xf32>
        %swap3A_626 = arith.index_cast %add3A_619 : i32 to index
        %swap3A_627 = arith.constant 0 : index
        %swap3A_628 = tpu.vector_load %arg17[%swap3A_626, %swap3A_627] {strides = array<i32>} : memref<128x64xf32, #tpu.memory_space<vmem>>, vector<16xf32>,
        tpu.vector_store %arg17[%swap3A_626, %swap3A_627], %mul3A_625 {strides = array<i32>} : memref<128x64xf32, #tpu.memory_space<vmem>>, vector<16xf32>,
        %mul3A_629 = arith.mulf %unpack3A_624, %broadcast_in_dim3A_615 : vector<16xf32>
        %swap3A_630 = arith.index_cast %add3A_619 : i32 to index
        %swap3A_631 = arith.constant 16 : index
        %swap3A_632 = tpu.vector_load %arg17[%swap3A_630, %swap3A_631] {strides = array<i32>} : memref<128x64xf32, #tpu.memory_space<vmem>>, vector<16xf32>,
        tpu.vector_store %arg17[%swap3A_630, %swap3A_631], %mul3A_629 {strides = array<i32>} : memref<128x64xf32, #tpu.memory_space<vmem>>, vector<16xf32>,
        %get3A_633 = arith.index_cast %add3A_619 : i32 to index
        %get3A_634 = arith.constant 32 : index
        %get3A_635 = tpu.vector_load %arg13[%get3A_633, %get3A_634] {strides = array<i32>} : memref<128x64xbf16, #tpu.memory_space<vmem>>, vector<32xbf16>,
        %unpack3A_636 = tpu.unpack_subelements %get3A_635, 0 {pack_format = #tpu.pack_format<interleaved>} : vector<32xbf16> -> vector<16xf32>
        %unpack3A_637 = tpu.unpack_subelements %get3A_635, 1 {pack_format = #tpu.pack_format<interleaved>} : vector<32xbf16> -> vector<16xf32>
        %mul3A_638 = arith.mulf %unpack3A_636, %broadcast_in_dim3A_615 : vector<16xf32>
        %swap3A_639 = arith.index_cast %add3A_619 : i32 to index
        %swap3A_640 = arith.constant 32 : index
        %swap3A_641 = tpu.vector_load %arg17[%swap3A_639, %swap3A_640] {strides = array<i32>} : memref<128x64xf32, #tpu.memory_space<vmem>>, vector<16xf32>,
        tpu.vector_store %arg17[%swap3A_639, %swap3A_640], %mul3A_638 {strides = array<i32>} : memref<128x64xf32, #tpu.memory_space<vmem>>, vector<16xf32>,
        %mul3A_642 = arith.mulf %unpack3A_637, %broadcast_in_dim3A_615 : vector<16xf32>
        %swap3A_643 = arith.index_cast %add3A_619 : i32 to index
        %swap3A_644 = arith.constant 48 : index
        %swap3A_645 = tpu.vector_load %arg17[%swap3A_643, %swap3A_644] {strides = array<i32>} : memref<128x64xf32, #tpu.memory_space<vmem>>, vector<16xf32>,
        tpu.vector_store %arg17[%swap3A_643, %swap3A_644], %mul3A_642 {strides = array<i32>} : memref<128x64xf32, #tpu.memory_space<vmem>>, vector<16xf32>,
        %slice3A_646 = vector.extract_strided_slice %get3A_155 {offsets = [15], sizes = [1], strides = [1]} : vector<16xf32> to vector<1xf32>
        %squeeze3A_647 = vector.extract %slice3A_646[0] : f32 from vector<1xf32>
        %broadcast_in_dim3A_648 = vector.broadcast %squeeze3A_647 : f32 to vector<16xf32>
        %mul3A_649 = arith.constant 16 : i32
        %mul3A_650 = arith.muli %add3A_151, %mul3A_649 : i32
        %add3A_651 = arith.constant 15 : i32
        %add3A_652 = arith.addi %mul3A_650, %add3A_651 : i32
        %get3A_653 = arith.index_cast %add3A_652 : i32 to index
        %get3A_654 = arith.constant 0 : index
        %get3A_655 = tpu.vector_load %arg13[%get3A_653, %get3A_654] {strides = array<i32>} : memref<128x64xbf16, #tpu.memory_space<vmem>>, vector<32xbf16>,
        %unpack3A_656 = tpu.unpack_subelements %get3A_655, 0 {pack_format = #tpu.pack_format<interleaved>} : vector<32xbf16> -> vector<16xf32>
        %unpack3A_657 = tpu.unpack_subelements %get3A_655, 1 {pack_format = #tpu.pack_format<interleaved>} : vector<32xbf16> -> vector<16xf32>
        %mul3A_658 = arith.mulf %unpack3A_656, %broadcast_in_dim3A_648 : vector<16xf32>
        %swap3A_659 = arith.index_cast %add3A_652 : i32 to index
        %swap3A_660 = arith.constant 0 : index
        %swap3A_661 = tpu.vector_load %arg17[%swap3A_659, %swap3A_660] {strides = array<i32>} : memref<128x64xf32, #tpu.memory_space<vmem>>, vector<16xf32>,
        tpu.vector_store %arg17[%swap3A_659, %swap3A_660], %mul3A_658 {strides = array<i32>} : memref<128x64xf32, #tpu.memory_space<vmem>>, vector<16xf32>,
        %mul3A_662 = arith.mulf %unpack3A_657, %broadcast_in_dim3A_648 : vector<16xf32>
        %swap3A_663 = arith.index_cast %add3A_652 : i32 to index
        %swap3A_664 = arith.constant 16 : index
        %swap3A_665 = tpu.vector_load %arg17[%swap3A_663, %swap3A_664] {strides = array<i32>} : memref<128x64xf32, #tpu.memory_space<vmem>>, vector<16xf32>,
        tpu.vector_store %arg17[%swap3A_663, %swap3A_664], %mul3A_662 {strides = array<i32>} : memref<128x64xf32, #tpu.memory_space<vmem>>, vector<16xf32>,
        %get3A_666 = arith.index_cast %add3A_652 : i32 to index
        %get3A_667 = arith.constant 32 : index
        %get3A_668 = tpu.vector_load %arg13[%get3A_666, %get3A_667] {strides = array<i32>} : memref<128x64xbf16, #tpu.memory_space<vmem>>, vector<32xbf16>,
        %unpack3A_669 = tpu.unpack_subelements %get3A_668, 0 {pack_format = #tpu.pack_format<interleaved>} : vector<32xbf16> -> vector<16xf32>
        %unpack3A_670 = tpu.unpack_subelements %get3A_668, 1 {pack_format = #tpu.pack_format<interleaved>} : vector<32xbf16> -> vector<16xf32>
        %mul3A_671 = arith.mulf %unpack3A_669, %broadcast_in_dim3A_648 : vector<16xf32>
        %swap3A_672 = arith.index_cast %add3A_652 : i32 to index
        %swap3A_673 = arith.constant 32 : index
        %swap3A_674 = tpu.vector_load %arg17[%swap3A_672, %swap3A_673] {strides = array<i32>} : memref<128x64xf32, #tpu.memory_space<vmem>>, vector<16xf32>,
        tpu.vector_store %arg17[%swap3A_672, %swap3A_673], %mul3A_671 {strides = array<i32>} : memref<128x64xf32, #tpu.memory_space<vmem>>, vector<16xf32>,
        %mul3A_675 = arith.mulf %unpack3A_670, %broadcast_in_dim3A_648 : vector<16xf32>
        %swap3A_676 = arith.index_cast %add3A_652 : i32 to index
        %swap3A_677 = arith.constant 48 : index
        %swap3A_678 = tpu.vector_load %arg17[%swap3A_676, %swap3A_677] {strides = array<i32>} : memref<128x64xf32, #tpu.memory_space<vmem>>, vector<16xf32>,
        tpu.vector_store %arg17[%swap3A_676, %swap3A_677], %mul3A_675 {strides = array<i32>} : memref<128x64xf32, #tpu.memory_space<vmem>>, vector<16xf32>,
      }
      %scan3A_146 = arith.constant 8 : i32
      "tpu.region"() ({
        %run_scoped3A = tpu.sem_alloc : memref<!tpu.dma_semaphore, #tpu.memory_space<semaphore_mem>>
        %dma_start3A_147 = arith.constant 0 : i32
        %dma_start3A_148 = tpu.memref_slice %arg8[%add3A_125, %dma_start3A_147] : memref<80x128xi32, #tpu.memory_space<vmem>> -> memref<1x128xi32, #tpu.memory_space<vmem>>
        %dma_start3A_149 = tpu.memref_squeeze %dma_start3A_148 : memref<1x128xi32, #tpu.memory_space<vmem>> -> memref<128xi32, #tpu.memory_space<vmem>>
        %dma_start3A_150 = arith.constant 0 : i32
        %dma_start3A_151 = arith.constant 0 : i32
        %dma_start3A_152 = tpu.memref_slice %arg18[%dma_start3A_150, %dma_start3A_151] : memref<10112x64xf32, #tpu.memory_space<vmem_shared>> -> memref<10112x64xf32, #tpu.memory_space<vmem_shared>>
        tpu.enqueue_indirect_dma source(%arg17 : memref<128x64xf32, #tpu.memory_space<vmem>>) target(%dma_start3A_152 : memref<10112x64xf32, #tpu.memory_space<vmem_shared>>) offsets(%dma_start3A_149 : memref<128xi32, #tpu.memory_space<vmem>>) semaphore(%run_scoped3A : memref<!tpu.dma_semaphore, #tpu.memory_space<semaphore_mem>>) {add = true}
        %dma_wait3A_153 = arith.constant 0 : i32
        %dma_wait3A_154 = tpu.memref_slice %arg8[%add3A_125, %dma_wait3A_153] : memref<80x128xi32, #tpu.memory_space<vmem>> -> memref<1x128xi32, #tpu.memory_space<vmem>>
        %dma_wait3A_155 = tpu.memref_squeeze %dma_wait3A_154 : memref<1x128xi32, #tpu.memory_space<vmem>> -> memref<128xi32, #tpu.memory_space<vmem>>
        %dma_wait3A_156 = arith.constant 0 : i32
        %dma_wait3A_157 = arith.constant 0 : i32
        %dma_wait3A_158 = tpu.memref_slice %arg18[%dma_wait3A_156, %dma_wait3A_157] : memref<10112x64xf32, #tpu.memory_space<vmem_shared>> -> memref<10112x64xf32, #tpu.memory_space<vmem_shared>>
        tpu.wait_indirect_dma semaphore(%run_scoped3A : memref<!tpu.dma_semaphore, #tpu.memory_space<semaphore_mem>>) src(%arg17 : memref<128x64xf32, #tpu.memory_space<vmem>>) dst(%dma_wait3A_158 : memref<10112x64xf32, #tpu.memory_space<vmem_shared>>)
        tpu.yield
      }) : () -> ()
    }
    %scan3A_43 = arith.constant 20 : i32
    %barrier3A_44 = arith.constant 0 : index
    tpu.barrier barrier_id(%barrier3A_44)
    %mul3A_45 = arith.constant 10112 : i32
    %mul3A_46 = arith.muli %arg0, %mul3A_45 : i32
    %add3A_47 = arith.addi %mul3A_46, %mul3A_2 : i32
    "tpu.region"() ({
      %run_scoped3A = tpu.sem_alloc : memref<!tpu.dma_semaphore, #tpu.memory_space<semaphore_mem>>
      %dma_start3A_48 = arith.constant 0 : i32
      %dma_start3A_49 = tpu.memref_slice %arg6[%add3A_47, %dma_start3A_48] : memref<20224x64xf32, #tpu.memory_space<hbm>> -> memref<632x64xf32, #tpu.memory_space<hbm>>
      %dma_start3A_50 = arith.constant 0 : i32
      %dma_start3A_51 = tpu.memref_slice %arg18[%mul3A_2, %dma_start3A_50] : memref<10112x64xf32, #tpu.memory_space<vmem_shared>> -> memref<632x64xf32, #tpu.memory_space<vmem_shared>>
      tpu.enqueue_dma source(%dma_start3A_51 : memref<632x64xf32, #tpu.memory_space<vmem_shared>>) target(%dma_start3A_49 : memref<632x64xf32, #tpu.memory_space<hbm>>) target_semaphore(%run_scoped3A : memref<!tpu.dma_semaphore, #tpu.memory_space<semaphore_mem>>)
      %dma_wait3A = arith.constant 0 : i32
      %dma_wait3A_52 = tpu.memref_slice %arg6[%add3A_47, %dma_wait3A] : memref<20224x64xf32, #tpu.memory_space<hbm>> -> memref<632x64xf32, #tpu.memory_space<hbm>>
      %dma_wait3A_53 = arith.constant 0 : i32
      %dma_wait3A_54 = tpu.memref_slice %arg18[%mul3A_2, %dma_wait3A_53] : memref<10112x64xf32, #tpu.memory_space<vmem_shared>> -> memref<632x64xf32, #tpu.memory_space<vmem_shared>>
      tpu.wait_dma2 semaphore(%run_scoped3A : memref<!tpu.dma_semaphore, #tpu.memory_space<semaphore_mem>>) src(%dma_wait3A_54 : memref<632x64xf32, #tpu.memory_space<vmem_shared>>) dst(%dma_wait3A_52 : memref<632x64xf32, #tpu.memory_space<hbm>>)
      tpu.yield
    }) : () -> ()
    return
  }
}

module attributes {stable_mosaic.version = 14 : i64} {
  func.func @_tc_pre_body(%arg0: memref<10000x128xf32, #tpu.memory_space<vmem>>, %arg1: memref<64x128xf32, #tpu.memory_space<vmem>>, %arg2: memref<10112x64xf32, #tpu.memory_space<vmem>>) attributes {dimension_semantics = [], scalar_prefetch = 0 : i64, scratch_operands = 0 : i64, tpu.core_type = #tpu.core_type<tc>} {
    %get3A = arith.constant 0 : index
    %get3A_0 = arith.constant 0 : index
    %get3A_1 = vector.load %arg0[%get3A, %get3A_0] : memref<10000x128xf32, #tpu.memory_space<vmem>>, vector<10000x128xf32>
    %get3A_2 = arith.constant 0 : index
    %get3A_3 = arith.constant 0 : index
    %get3A_4 = vector.load %arg1[%get3A_2, %get3A_3] : memref<64x128xf32, #tpu.memory_space<vmem>>, vector<64x128xf32>
    %transpose3A = tpu.transpose %get3A_4, [1, 0] : vector<64x128xf32> -> vector<128x64xf32>
    %dot_general3A = arith.constant dense<0.000000e+00> : vector<10000x64xf32>
    %dot_general3A_5 = tpu.matmul %get3A_1, %transpose3A, %dot_general3A {dimension_numbers = #tpu.dot_dimension_numbers<[1], [0], [0], [1], [0, 0, 1, 1], [], []>, transpose_lhs_hint = false} : vector<10000x128xf32>, vector<128x64xf32>, vector<10000x64xf32> -> vector<10000x64xf32>
    %swap3A = arith.constant 0 : index
    %swap3A_6 = arith.constant 0 : index
    %swap3A_7 = vector.load %arg2[%swap3A, %swap3A_6] : memref<10112x64xf32, #tpu.memory_space<vmem>>, vector<10000x64xf32>
    tpu.vector_store %arg2[%swap3A, %swap3A_6], %dot_general3A_5 {strides = array<i32>} : memref<10112x64xf32, #tpu.memory_space<vmem>>, vector<10000x64xf32>,
    %broadcast_in_dim3A = arith.constant 0.000000e+00 : f32
    %broadcast_in_dim3A_8 = vector.broadcast %broadcast_in_dim3A : f32 to vector<112x64xf32>
    %swap3A_9 = arith.constant 10000 : index
    %swap3A_10 = arith.constant 0 : index
    %swap3A_11 = vector.load %arg2[%swap3A_9, %swap3A_10] : memref<10112x64xf32, #tpu.memory_space<vmem>>, vector<112x64xf32>
    tpu.vector_store %arg2[%swap3A_9, %swap3A_10], %broadcast_in_dim3A_8 {strides = array<i32>} : memref<10112x64xf32, #tpu.memory_space<vmem>>, vector<112x64xf32>,
    return
  }
}

module attributes {stable_mosaic.version = 14 : i64} {
  func.func @_tc_post_body(%arg0: memref<10000x128xf32, #tpu.memory_space<vmem>>, %arg1: memref<2x10112x64xf32, #tpu.memory_space<vmem>>, %arg2: memref<64x128xf32, #tpu.memory_space<vmem>>, %arg3: memref<1x64xf32, #tpu.memory_space<vmem>>, %arg4: memref<128x64xf32, #tpu.memory_space<vmem>>, %arg5: memref<1x128xf32, #tpu.memory_space<vmem>>, %arg6: memref<10000x128xf32, #tpu.memory_space<vmem>>) attributes {dimension_semantics = [], scalar_prefetch = 0 : i64, scratch_operands = 0 : i64, tpu.core_type = #tpu.core_type<tc>} {
    %get3A = arith.constant 0 : index
    %get3A_0 = arith.constant 0 : index
    %get3A_1 = vector.load %arg0[%get3A, %get3A_0] : memref<10000x128xf32, #tpu.memory_space<vmem>>, vector<10000x128xf32>
    %get3A_2 = arith.constant 0 : index
    %get3A_3 = arith.constant 0 : index
    %get3A_4 = vector.load %arg2[%get3A_2, %get3A_3] : memref<64x128xf32, #tpu.memory_space<vmem>>, vector<64x128xf32>
    %transpose3A = tpu.transpose %get3A_4, [1, 0] : vector<64x128xf32> -> vector<128x64xf32>
    %dot_general3A = arith.constant dense<0.000000e+00> : vector<10000x64xf32>
    %dot_general3A_5 = tpu.matmul %get3A_1, %transpose3A, %dot_general3A {dimension_numbers = #tpu.dot_dimension_numbers<[1], [0], [0], [1], [0, 0, 1, 1], [], []>, transpose_lhs_hint = false} : vector<10000x128xf32>, vector<128x64xf32>, vector<10000x64xf32> -> vector<10000x64xf32>
    %get3A_6 = arith.constant 0 : index
    %get3A_7 = arith.constant 0 : index
    %get3A_8 = vector.load %arg3[%get3A_6, %get3A_7] : memref<1x64xf32, #tpu.memory_space<vmem>>, vector<1x64xf32>
    %add3A = vector.broadcast %get3A_8 : vector<1x64xf32> to vector<10000x64xf32>
    %add3A_9 = arith.addf %dot_general3A_5, %add3A : vector<10000x64xf32>
    %get3A_10 = arith.constant 0 : index
    %get3A_11 = arith.constant 0 : index
    %get3A_12 = arith.constant 0 : index
    %get3A_13 = vector.load %arg1[%get3A_10, %get3A_11, %get3A_12] : memref<2x10112x64xf32, #tpu.memory_space<vmem>>, vector<1x10000x64xf32>
    %get3A_14 = vector.shape_cast %get3A_13 : vector<1x10000x64xf32> to vector<10000x64xf32>
    %add3A_15 = arith.addf %add3A_9, %get3A_14 : vector<10000x64xf32>
    %get3A_16 = arith.constant 1 : index
    %get3A_17 = arith.constant 0 : index
    %get3A_18 = arith.constant 0 : index
    %get3A_19 = vector.load %arg1[%get3A_16, %get3A_17, %get3A_18] : memref<2x10112x64xf32, #tpu.memory_space<vmem>>, vector<1x10000x64xf32>
    %get3A_20 = vector.shape_cast %get3A_19 : vector<1x10000x64xf32> to vector<10000x64xf32>
    %add3A_21 = arith.addf %add3A_15, %get3A_20 : vector<10000x64xf32>
    %get3A_22 = arith.constant 0 : index
    %get3A_23 = arith.constant 0 : index
    %get3A_24 = vector.load %arg4[%get3A_22, %get3A_23] : memref<128x64xf32, #tpu.memory_space<vmem>>, vector<128x64xf32>
    %transpose3A_25 = tpu.transpose %get3A_24, [1, 0] : vector<128x64xf32> -> vector<64x128xf32>
    %dot_general3A_26 = arith.constant dense<0.000000e+00> : vector<10000x128xf32>
    %dot_general3A_27 = tpu.matmul %add3A_21, %transpose3A_25, %dot_general3A_26 {dimension_numbers = #tpu.dot_dimension_numbers<[1], [0], [0], [1], [0, 0, 1, 1], [], []>, transpose_lhs_hint = false} : vector<10000x64xf32>, vector<64x128xf32>, vector<10000x128xf32> -> vector<10000x128xf32>
    %get3A_28 = arith.constant 0 : index
    %get3A_29 = arith.constant 0 : index
    %get3A_30 = vector.load %arg5[%get3A_28, %get3A_29] : memref<1x128xf32, #tpu.memory_space<vmem>>, vector<1x128xf32>
    %add3A_31 = vector.broadcast %get3A_30 : vector<1x128xf32> to vector<10000x128xf32>
    %add3A_32 = arith.addf %dot_general3A_27, %add3A_31 : vector<10000x128xf32>
    %swap3A = arith.constant 0 : index
    %swap3A_33 = arith.constant 0 : index
    %swap3A_34 = vector.load %arg6[%swap3A, %swap3A_33] : memref<10000x128xf32, #tpu.memory_space<vmem>>, vector<10000x128xf32>
    tpu.vector_store %arg6[%swap3A, %swap3A_33], %add3A_32 {strides = array<i32>} : memref<10000x128xf32, #tpu.memory_space<vmem>>, vector<10000x128xf32>,
    return
  }
}

</mosaic_0001>

<sc_bundles>
// kernel: kernel.5.cloned.1.call-start
scs
__scs_entry_jumppad:
0x0: {  	(pc) =	sbr.rel $0x88, $3  }
0x1: {  	(tag) =	ssettag $0x0;
	lr =	simm.s32 $0x1  }
0x2: {  	[smem:$0x3F98] =	sst lr;
	_ =	strace $0xD0000000  }
0x3: {  	_ = 	snop  }
0x4: {  	_ = 	snop  }
0x5: {  	_ = 	snop  }
0x6: {  	_ = 	snop  }
0x7: {  	_ = 	snop  }
__scs_overlays_trampoline_lowered:
0x8: {  	[smem:$0x3FA7] =	sst s0  }
0x9: {  	[smem:$0x3FA8] =	sst s1  }
0xa: {  	[smem:$0x3FA9] =	sst s2  }
0xb: {  	[smem:$0x3FAA] =	sst s3  }
0xc: {  	[smem:$0x3FAB] =	sst s4  }
0xd: {  	[smem:$0x3FAC] =	sst s5  }
0xe: {  	[smem:$0x3FAD] =	sst s6  }
0xf: {  	[smem:$0x3FAE] =	sst s7  }
0x10: {  	[smem:$0x3FAF] =	sst s8  }
0x11: {  	[smem:$0x3FB0] =	sst s9;
	s0 =	simm.s32 @!p0 $0x0  }
0x12: {  	s1 =	sld [smem:$0x3F96];
	s0 =	simm.s32 @p0 $0x1  }
0x13: {  	[smem:$0x3FB1] =	sst s0;
	s0 =	simm.s32 @!p1 $0x0  }
0x14: {  	s2 =	sld [smem:$0x3F95];
	s0 =	simm.s32 @p1 $0x1  }
0x15: {  	[smem:$0x3FB2] =	sst s0;
	s0 =	simm.s32 @!p2 $0x0  }
0x16: {  	s3 =	sld [smem:$0x3FDB];
	s0 =	simm.s32 @p2 $0x1  }
0x17: {  	s4 =	simm.s32 $0x1BF5;
	[smem:$0x3FB4] =	sst s0  }
0x18: {  	s0 =	sld [smem:$0x3F97];
	_ =	swait.ge [sflag:s4], $0x0  }
0x19: {  	s7 =	sld [smem:$0x3F98]  }
0x1a: {  	s8 =	sadd.s32 $0xFFFFE003, lr  }
0x1b: {  	s9 =	sadd.s32 $0xFFFFFEF7, lr;
	s5 =	simm.s32 $0xFFFFFFFF;
	p2 =	slt.u32 s8, $0xFFFFF086  }
0x1c: {  	p1 =	slt.u32 s9, $0xF7A;
	s5 =	simm.s32 @!p2 $0x0  }
0x1d: {  	s5 =	simm.s32 @p1 $0x1;
	p0 =	seq.s32 s7, s2  }
0x1e: {  	s7 =	smul.u32 @!p0 $0xF7A, s2;
	p2 =	seq.s32 @!p0 s5, $0x0  }
0x1f: {  	s9 =	smul.u32 $0xF7A, s1;
	s8 =	simm.s32 @!p0 $0x1BF5;
	p2 =	por !p2, p0  }
0x20: {  	[sflag:s8] =	ssyncset.s32 @!p0 $0xFFFFF086;
	s6 =	sadd.s32 @!p0 s3, s7;
	s7 =	simm.s32 @!p0 $0x108  }
0x21: {  	s3 =	sadd.s32 s3, s9;
	s6 =	sadd.s32 @!p0 $0x88, s6;
	s7 =	simm.s32 @p2 $0x1082  }
0x22: {  	[simem:s7], [sflag:s8] =	dma.local @!p0 [hbm:s6], $0xF7A  }
0x23: {  	s9 =	sor.u32 $0xD0000000, s2;
	s6 =	simm.s32 $0x108;
	_ =	swait.ge @!p0 [sflag:s8], $0x0  }
0x24: {  	s3 =	sadd.s32 $0x88, s3;
	s6 =	simm.s32 @!p1 $0x1082;
	[sflag:s4] =	ssyncset.s32 $0xFFFFF086  }
0x25: {  	[simem:s6], [sflag:s4] =	dma.local [hbm:s3], $0xF7A  }
0x26: {  	[smem:$0x3F98] =	sst s1;
	(tag) =	ssettag s2;
	_ =	strace s9  }
0x27: {  	s1 =	sld [smem:$0x3FA8]  }
0x28: {  	s2 =	sld [smem:$0x3FA9]  }
0x29: {  	s4 =	sld [smem:$0x3FAB]  }
0x2a: {  	p0 =	seq.s32 s5, $0x0;
	s5 =	sld [smem:$0x3FAC]  }
0x2b: {  	s6 =	sld [smem:$0x3FAD]  }
0x2c: {  	s7 =	sld [smem:$0x3FAE]  }
0x2d: {  	s3 =	simm.s32 $0x108;
	s8 =	sld [smem:$0x3FAF]  }
0x2e: {  	s3 =	simm.s32 @!p0 $0x1082;
	s9 =	sld [smem:$0x3FB0]  }
0x2f: {  	lr =	sadd.s32 s0, s3;
	s0 =	sld [smem:$0x3FA7]  }
0x30: {  	s3 =	sld [smem:$0x3FAA]  }
0x31: {  	[smem:$0x3FB3] =	sst s10  }
0x32: {  	s10 =	sld [smem:$0x3FB1];
	_ =	sdelay $0x3  }
0x33: {  	p0 =	seq.s32 s10, $0x1;
	s10 =	sld [smem:$0x3FB3];
	_ =	sdelay $0x3  }
0x34: {  	[smem:$0x3FB3] =	sst s10  }
0x35: {  	s10 =	sld [smem:$0x3FB2];
	_ =	sdelay $0x3  }
0x36: {  	p1 =	seq.s32 s10, $0x1;
	s10 =	sld [smem:$0x3FB3];
	_ =	sdelay $0x3  }
0x37: {  	[smem:$0x3FB3] =	sst s10  }
0x38: {  	s10 =	sld [smem:$0x3FB4]  }
0x39: {  	_ = 	snop;
	(pc) =	sbr.ind lr, $3  }
0x3a: {  	_ = 	snop  }
0x3b: {  	_ = 	snop  }
0x3c: {  	p2 =	seq.s32 s10, $0x1;
	s10 =	sld [smem:$0x3FB3]  }
0x3d: {  	_ =	shalt  }
0x3e: {  	_ =	shalt  }
0x3f: {  	_ =	shalt  }
0x40: {  	_ =	shalt  }
0x41: {  	_ =	shalt  }
0x42: {  	_ =	shalt  }
0x43: {  	_ =	shalt  }
0x44: {  	_ =	shalt  }
0x45: {  	_ =	shalt  }
0x46: {  	_ =	shalt  }
0x47: {  	_ =	shalt  }
0x48: {  	_ =	shalt  }
0x49: {  	_ =	shalt  }
0x4a: {  	_ =	shalt  }
0x4b: {  	_ =	shalt  }
0x4c: {  	_ =	shalt  }
0x4d: {  	_ =	shalt  }
0x4e: {  	_ =	shalt  }
0x4f: {  	_ =	shalt  }
0x50: {  	_ =	shalt  }
0x51: {  	_ =	shalt  }
0x52: {  	_ =	shalt  }
0x53: {  	_ =	shalt  }
0x54: {  	_ =	shalt  }
0x55: {  	_ =	shalt  }
0x56: {  	_ =	shalt  }
0x57: {  	_ =	shalt  }
0x58: {  	_ =	shalt  }
0x59: {  	_ =	shalt  }
0x5a: {  	_ =	shalt  }
0x5b: {  	_ =	shalt  }
0x5c: {  	_ =	shalt  }
0x5d: {  	_ =	shalt  }
0x5e: {  	_ =	shalt  }
0x5f: {  	_ =	shalt  }
0x60: {  	_ =	shalt  }
0x61: {  	_ =	shalt  }
0x62: {  	_ =	shalt  }
0x63: {  	_ =	shalt  }
0x64: {  	_ =	shalt  }
0x65: {  	_ =	shalt  }
0x66: {  	_ =	shalt  }
0x67: {  	_ =	shalt  }
0x68: {  	_ =	shalt  }
0x69: {  	_ =	shalt  }
0x6a: {  	_ =	shalt  }
0x6b: {  	_ =	shalt  }
0x6c: {  	_ =	shalt  }
0x6d: {  	_ =	shalt  }
0x6e: {  	_ =	shalt  }
0x6f: {  	_ =	shalt  }
0x70: {  	_ =	shalt  }
0x71: {  	_ =	shalt  }
0x72: {  	_ =	shalt  }
0x73: {  	_ =	shalt  }
0x74: {  	_ =	shalt  }
0x75: {  	_ =	shalt  }
0x76: {  	_ =	shalt  }
0x77: {  	_ =	shalt  }
0x78: {  	_ =	shalt  }
0x79: {  	_ =	shalt  }
0x7a: {  	_ =	shalt  }
0x7b: {  	_ =	shalt  }
0x7c: {  	_ =	shalt  }
0x7d: {  	_ =	shalt  }
0x7e: {  	_ =	shalt  }
0x7f: {  	_ =	shalt  }
0x80: {  	_ =	shalt  }
0x81: {  	_ =	shalt  }
0x82: {  	_ =	shalt  }
0x83: {  	_ =	shalt  }
0x84: {  	_ =	shalt  }
0x85: {  	_ =	shalt  }
0x86: {  	_ =	shalt  }
0x87: {  	_ =	shalt  }
.Lfunc_end0:
.L_simem_size_0:
called_computation_lowered:
.L_overlay_start_0:
0x88: {  	s2 =	sld [smem:$0x3FD9]  }
0x89: {  	s3 =	sld [smem:$0x3FFE];
	_ =	sdelay $0x1  }
0x8a: {  	s1 =	srdreg.scid  }
0x8b: {  	s0 =	sand.u32 $0x1, s1  }
0x8c: {  	s17 =	sshll.u32 s0, $0xA;
	s2 =	sadd.s32 s3, s2  }
0x8d: {  	s2 =	sadd.s32 s2, s17  }
0x8e: {  	[smem:$0x3FBF] =	sst s2  }
0x8f: {  	_ = 	snop  }
0x90: {  	s2 =	sld [smem:$0x3FD0];
	(tm) =	ssettm $0x1  }
0x91: {  	s18 =	sld [smem:$0x3FFB];
	_ =	sdelay $0x3  }
0x92: {  	_ =	strace s18  }
0x93: {  	s3 =	sld [smem:$0x3FFC];
	_ =	sdelay $0x3  }
0x94: {  	_ =	strace s3  }
0x95: {  	s3 =	sld [smem:$0x3FFD];
	_ =	sdelay $0x3  }
0x96: {  	_ =	strace s3  }
0x97: {  	_ =	strace $0x8FFFFFFF  }
0x98: {  	s19 =	sld [smem:$0x3FDB];
	_ =	sdelay $0x1  }
0x99: {  	s4 =	simm.s32 $_scs_section_size  }
0x9a: {  	s5 =	simm.s32 $_size__tile_overlayer_lowered;
	s6 =	simm.s32 $_tile_overlayer_lowered  }
0x9b: {  	s22 =	simm.s32 $0x1BFF;
	s21 =	sshll.u32 s6, $0x1;
	s3 =	sadd.s32 s4, s19  }
0x9c: {  	s7 =	simm.s32 $0x0;
	s20 =	sshll.u32 s5, $0x1;
	s5 =	sadd.s32 s21, s3  }
0x9d: {  	[timem:s7], [sflag:s22] =	dma.local [hbm:s5], s20  }
0x9e: {  	_ =	swait.ge [sflag:s22], s20  }
0x9f: {  	s4 =	ssub.s32 $0x0, s20;
	[sflag:s22] =	ssyncset.done $0x0  }
0xa0: {  	[sflag:s22] =	ssyncadd.s32 s4;
	_ =	sdelay $0x1  }
0xa1: {  	s23 =	simm.s32 $0x1B8B  }
0xa2: {  	_ =	swait.ge [sflag:s23], $0x1  }
0xa3: {  	[sflag:s23] =	ssyncset.done $0x0  }
0xa4: {  	s25 =	simm.s32 $0x1B8E;
	s24 =	sld [smem:$0x3FFE];
	[sflag:s23] =	ssyncadd.s32 $0xFFFFFFFF  }
0xa5: {  	s26 =	simm.s32 $execute0_lowered;
	[smem:$0x3FD2] =	sst s25  }
0xa6: {  	s5 =	sshll.u32 s26, $0x1;
	_ =	strace $0x80000046;
	[dreg:$0x1] =	wrdreg $0xFFFFFFFF  }
0xa7: {  	s28 =	simm.s32 $_size_execute0_lowered;
	s3 =	sadd.s32 s3, s5;
	[dreg:$0x0] =	wrdreg $0x0  }
0xa8: {  	s5 =	sshll.u32 s28, $0x1;
	[dreg:$0x2] =	wrdreg s3  }
0xa9: {  	[dreg:$0x3] =	wrdreg s5  }
0xaa: {  	[dreg:$0x4] =	wrdreg $0xC0  }
0xab: {  	_ =	task [dreg:s7], $0x5FFFF  }
0xac: {  	[dreg:$0x1] =	wrdreg $0xFFFFFFFF  }
0xad: {  	[dreg:$0x0] =	wrdreg $0x60  }
0xae: {  	[dreg:$0x2] =	wrdreg s24  }
0xaf: {  	[dreg:$0x3] =	wrdreg s2  }
0xb0: {  	[dreg:$0x4] =	wrdreg $0x138000  }
0xb1: {  	[dreg:$0x5] =	wrdreg $0x9  }
0xb2: {  	_ =	task.clear_ibuf [dreg:s7], $0x6FFFF;
	_ =	strace $0x90000046  }
0xb3: {  	s29 =	simm.s32 $0x9;
	_ =	strace $0x80000048  }
0xb4: {  	_ =	swait.ge [sflag:s29], $0x1  }
0xb5: {  	[sflag:s29] =	ssyncadd.s32 $0xFFFFFFFF  }
0xb6: {  	_ =	strace $0x90000048  }
0xb7: {  	_ =	sfence  }
0xb8: {  	s30 =	sld [smem:$0x0];
	_ =	sdelay $0x2  }
0xb9: {  	s31 =	sshll.u32 s1, $0xD;
	s1 =	sshrl.u32 s1, $0x2  }
0xba: {  	s3 =	sand.u32 $0x4000, s31;
	s1 =	sadd.s32 s1, s30  }
0xbb: {  	s0 =	sor.u32 s3, s0;
	s1 =	sshll.u32 s1, $0x11  }
0xbc: {  	s0 =	sor.u32 s1, s0  }
0xbd: {  	s0 =	sadd.s32 $0x8F2B, s0  }
0xbe: {  	[sflag:s0] =	ssyncadd.remote.s32 $0x1  }
0xbf: {  	_ =	sfence.sel $0xFFFF  }
0xc0: {  	[dreg:$0x0] =	wrdreg $0xFFFFFFFF;
	(pc) =	sbr.abs _section_cstart, $3  }
0xc1: {  	[dreg:$0x1] =	wrdreg $0xFFFFFFFF  }
0xc2: {  	_ =	task.clear_ibuf [dreg:s7], $0x2FFFF;
	_ =	strace $0x9FFFFFFF  }
0xc3: {  	(tm) =	ssettm $0x7FFFFFFF  }
tec
execute0_lowered:
.L_overlay_start_1:
0x0: {  	(tag) =	ssettag $0x1  }
0x1: {  	s0 =	srdreg.scid;
	s1 =	rddreg [dreg:$0x0]  }
0x2: {  	s9 =	stileid.u32;
	s6 =	rddreg [dreg:$0x1]  }
0x3: {  	s14 =	simm.s32 $0xB800;
	s15 =	simm.s32 $0x5;
	s17 =	simm.s32 $0x80  }
0x4: {  	s28 =	simm.s32 $0x3;
	s29 =	simm.s32 $0xF800;
	s30 =	simm.s32 $0x4  }
0x5: {  	s31 =	simm.s32 $0x11800;
	s0 =	sand.u32 $0x1, s0;
	s5 =	smul.u32 $0x13C0, s9  }
0x6: {  	s4 =	sadd.s32 $0xAE00, s1;
	s2 =	sshll.u32 s0, $0x4;
	s8 =	smul.u32 $0x13C00, s0  }
0x7: {  	s0 =	ssub.s32 $0x2, s0;
	s3 =	sor.u32 s9, s2;
	s9 =	smul.u32 $0x27800, s9  }
0x8: {  	s2 =	rddreg [dreg:$0x2];
	s7 =	smul.u32 $0x500, s3;
	s3 =	simm.s32 $0x0  }
0x9: {  	s23 =	sshrl.u32 s0, $0x1;
	s5 =	sadd.s32 s5, s8;
	[smem:$0x7FF] =	sst s3  }
0xa: {  	s0 =	ssub.s32 s0, s23;
	s24 =	sshrl.u32 s9, $0x2;
	_ =	strace $0x80000047  }
0xb: {  	s10 =	sadd.s32 s7, s1;
	s1 =	sadd.s32 s5, s1;
	s6 =	sadd.s32 s6, s7  }
0xc: {  	s5 =	sadd.s32 s24, s2;
	s24 =	simm.s32 $0x1;
	[dreg:$0x4] =	wrdreg s6  }
0xd: {  	s25 =	sadd.s32 $0xE00, s10;
	s26 =	sadd.s32 $0x14C00, s10;
	s1 =	sadd.s32 $0x1EC00, s1  }
0xe: {  	s10 =	smax.u32 s0, $0x1;
	s11 =	sadd.s32 $0x2000, s5;
	[dreg:$0x5] =	wrdreg s25  }
0xf: {  	s12 =	sadd.s32 $0x4000, s5;
	s13 =	sadd.s32 $0x6000, s5;
	[dreg:$0x6] =	wrdreg s26  }
0x10: {  	v0 =	vimm.f32 $0.0e+00;
	[dreg:$0x7] =	wrdreg s1;
	s25 =	simm.s32 $0x2;
	s26 =	simm.s32 $0xD800  }
.LBB2_1:
0x11: {  	s1 =	simm.s32 $0x100;
	s0 =	simm.s32 $0x0  }
.LBB2_2:
0x12: {  	p0 =	sne.s32 s1, $0x7F00;
	[tilespmem:s0+$0xB830] =	vst v0;
	s6 =	smov.u32 s1;
	s1 =	sadd.s32 $0x100, s1  }
.Ltmp0:
0x13: {  	[tilespmem:s0+$0xB820] =	vst v0;
	(pc) =	sbr.rel @p0 .LBB2_2-.Ltmp0, $3  }
0x14: {  	[tilespmem:s0+$0xB800] =	vst v0  }
0x15: {  	[tilespmem:s0+$0xB810] =	vst v0;
	_ =	sdelay $0x1  }
0x16: {  	s0 =	sshra.s32 s6, $0x2  }
0x17: {  	[tilespmem:s0+$0xB830] =	vst v0  }
0x18: {  	[tilespmem:s0+$0xB820] =	vst v0  }
0x19: {  	[tilespmem:s0+$0xB800] =	vst v0  }
0x1a: {  	[tilespmem:s0+$0xB810] =	vst v0  }
0x1b: {  	[spmem:s5] =	stream.linear.scatter [tilespmem:s14], [sflag:$0x5], $0x2000, $0x38;
	[tilespmem:$0x1D600] =	vst v63  }
0x1c: {  	_ =	swait.ge [sflag:s15], $0x2000  }
0x1d: {  	[sflag:s15] =	ssyncset.done $0x0  }
0x1e: {  	[sflag:s15] =	ssyncadd.s32 $0xFFFFE000  }
0x1f: {  	[spmem:s11] =	stream.linear.scatter [tilespmem:s14], [sflag:$0x5], $0x2000, $0x38;
	[tilespmem:$0x1D600] =	vst v63  }
0x20: {  	_ =	swait.ge [sflag:s15], $0x2000  }
0x21: {  	[sflag:s15] =	ssyncset.done $0x0  }
0x22: {  	[sflag:s15] =	ssyncadd.s32 $0xFFFFE000  }
0x23: {  	[spmem:s12] =	stream.linear.scatter [tilespmem:s14], [sflag:$0x5], $0x2000, $0x38;
	[tilespmem:$0x1D600] =	vst v63  }
0x24: {  	_ =	swait.ge [sflag:s15], $0x2000  }
0x25: {  	[sflag:s15] =	ssyncset.done $0x0  }
0x26: {  	[sflag:s15] =	ssyncadd.s32 $0xFFFFE000  }
0x27: {  	[spmem:s13] =	stream.linear.scatter [tilespmem:s14], [sflag:$0x5], $0x2000, $0x38;
	[tilespmem:$0x1D600] =	vst v63  }
0x28: {  	_ =	swait.ge [sflag:s15], $0x2000  }
0x29: {  	[sflag:s15] =	ssyncset.done $0x0  }
0x2a: {  	s1 =	simm.s32 $0x0;
	s7 =	rddreg [dreg:$0x4];
	[sflag:s15] =	ssyncadd.s32 $0xFFFFE000  }
0x2b: {  	[tilespmem:s1], [sflag:$0x5] =	stream.linear.gather [hbm4b:s7+s1], $0x2800, $0x38;
	[tilespmem:$0x1D600] =	vst v63  }
0x2c: {  	_ =	swait.ge [sflag:s15], $0x2800  }
0x2d: {  	[sflag:s15] =	ssyncset.done $0x0  }
0x2e: {  	s6 =	simm.s32 $0x2800;
	s8 =	rddreg [dreg:$0x5];
	[sflag:s15] =	ssyncadd.s32 $0xFFFFD800  }
0x2f: {  	[tilespmem:s6], [sflag:$0x5] =	stream.linear.gather [hbm4b:s8+s1], $0x2800, $0x38;
	[tilespmem:$0x1D600] =	vst v63  }
0x30: {  	_ =	swait.ge [sflag:s15], $0x2800  }
0x31: {  	[sflag:s15] =	ssyncset.done $0x0  }
0x32: {  	s16 =	simm.s32 $0x5000;
	s9 =	rddreg [dreg:$0x6];
	[sflag:s15] =	ssyncadd.s32 $0xFFFFD800  }
0x33: {  	[tilespmem:s16], [sflag:$0x5] =	stream.linear.gather [hbm4b:s9+s1], $0x2800, $0x38;
	[tilespmem:$0x1D600] =	vst v63  }
0x34: {  	_ =	swait.ge [sflag:s15], $0x2800  }
0x35: {  	[sflag:s15] =	ssyncset.done $0x0  }
0x36: {  	[sflag:s15] =	ssyncadd.s32 $0xFFFFD800  }
0x37: {  	s18 =	simm.s32 $0x7800;
	[bflag:$0x0] =	sbarrier.arrive $0xFFFF  }
0x38: {  	[tilespmem:s18], [sflag:$0x1] =	stream.indirect.gather [hbm4b:s4+s17], $0x20, s1, s17, $0xb8;
	[tilespmem:$0x1D600] =	vst v63  }
0x39: {  	s19 =	simm.s32 $0x8800;
	s20 =	simm.s32 $0x100  }
0x3a: {  	[tilespmem:s19], [sflag:$0x2] =	stream.indirect.gather [hbm4b:s4+s17], $0x20, s17, s17, $0xb8;
	[tilespmem:$0x1D600] =	vst v63  }
0x3b: {  	s21 =	simm.s32 $0x9800;
	s22 =	simm.s32 $0x180;
	s23 =	simm.s32 $0xA800  }
0x3c: {  	[tilespmem:s21], [sflag:$0x3] =	stream.indirect.gather [hbm4b:s4+s17], $0x20, s20, s17, $0xb8;
	[tilespmem:$0x1D600] =	vst v63  }
0x3d: {  	s18 =	simm.s32 $0x5080;
	s19 =	simm.s32 $0x5100;
	s20 =	simm.s32 $0x5180  }
0x3e: {  	[tilespmem:s23], [sflag:$0x4] =	stream.indirect.gather [hbm4b:s4+s17], $0x20, s22, s17, $0xb8;
	[tilespmem:$0x1D600] =	vst v63  }
.LBB2_4:
0x3f: {  	s22 =	sshll.u32 s1, $0x2  }
0x40: {  	p0 =	seq.s32 s1, $0x0;
	s21 =	sor.u32 $0x2, s22  }
0x41: {  	s0 =	sshll.u32 @!p0 s21, $0x7  }
0x42: {  	s6 =	simm.s32 @!p0 $0x80;
	s7 =	simm.s32 @!p0 $0x9800;
	s0 =	sand.u32 @!p0 $0x3FFFFF80, s0  }
0x43: {  	v1 =	vmov s16;
	[tilespmem:s7], [sflag:$0x3] =	stream.indirect.gather @!p0 [hbm4b:s4+s6], $0x20, s0, s6, $0xb8;
	[tilespmem:$0x1D600] =	vst v63  }
0x44: {  	_ =	swait.ge [sflag:s24], $0x1000  }
0x45: {  	s23 =	sshll.u32 s1, $0xB;
	s0 =	simm.s32 $0xBA00;
	[sflag:s24] =	ssyncset.done $0x0  }
0x46: {  	s6 =	simm.s32 $0x7900;
	s7 =	simm.s32 $0x0;
	[sflag:s24] =	ssyncadd.s32 $0xFFFFF000  }
.LBB2_5:
0x47: {  	s8 =	sshra.s32 s7, $0x2  }
0x48: {  	v2 =	vld.idx.msk [tilespmem:v1+s8+$0x0 ss:$0x1], $0xffff  }
0x49: {  	v3 =	vld [tilespmem:s6+$0xFFFFFF00];
	_ =	sdelay $0x3  }
0x4a: {  	v4 =	vbroadcast v2, $0x0  }
0x4b: {  	v5 =	vunpack.i.l.bf16.f32 v3  }
0x4c: {  	v3 =	vunpack.i.u.bf16.f32 v3;
	v5 =	vmul.f32 v5, v4  }
0x4d: {  	v3 =	vmul.f32 v3, v4  }
0x4e: {  	[tilespmem:s0+$0xFFFFFE00] =	vst v5  }
0x4f: {  	[tilespmem:s0+$0xFFFFFE10] =	vst v3  }
0x50: {  	v3 =	vld [tilespmem:s6+$0xFFFFFF10];
	_ =	sdelay $0x4  }
0x51: {  	v19 =	vunpack.i.l.bf16.f32 v3  }
0x52: {  	v3 =	vunpack.i.u.bf16.f32 v3;
	v5 =	vmul.f32 v19, v4  }
0x53: {  	v3 =	vmul.f32 v3, v4  }
0x54: {  	[tilespmem:s0+$0xFFFFFE20] =	vst v5  }
0x55: {  	[tilespmem:s0+$0xFFFFFE30] =	vst v3  }
0x56: {  	v3 =	vld [tilespmem:s6+$0xFFFFFF20];
	_ =	sdelay $0x3  }
0x57: {  	v20 =	vbroadcast v2, $0x1  }
0x58: {  	v21 =	vunpack.i.l.bf16.f32 v3  }
0x59: {  	v3 =	vunpack.i.u.bf16.f32 v3;
	v5 =	vmul.f32 v21, v20  }
0x5a: {  	v3 =	vmul.f32 v3, v20  }
0x5b: {  	[tilespmem:s0+$0xFFFFFE40] =	vst v5  }
0x5c: {  	[tilespmem:s0+$0xFFFFFE50] =	vst v3  }
0x5d: {  	v3 =	vld [tilespmem:s6+$0xFFFFFF30];
	_ =	sdelay $0x4  }
0x5e: {  	v22 =	vunpack.i.l.bf16.f32 v3  }
0x5f: {  	v3 =	vunpack.i.u.bf16.f32 v3;
	v5 =	vmul.f32 v22, v20  }
0x60: {  	v3 =	vmul.f32 v3, v20  }
0x61: {  	[tilespmem:s0+$0xFFFFFE60] =	vst v5  }
0x62: {  	[tilespmem:s0+$0xFFFFFE70] =	vst v3  }
0x63: {  	v3 =	vld [tilespmem:s6+$0xFFFFFF40];
	_ =	sdelay $0x3  }
0x64: {  	v23 =	vbroadcast v2, $0x2  }
0x65: {  	v24 =	vunpack.i.l.bf16.f32 v3  }
0x66: {  	v3 =	vunpack.i.u.bf16.f32 v3;
	v5 =	vmul.f32 v24, v23  }
0x67: {  	v3 =	vmul.f32 v3, v23  }
0x68: {  	[tilespmem:s0+$0xFFFFFE80] =	vst v5  }
0x69: {  	[tilespmem:s0+$0xFFFFFE90] =	vst v3  }
0x6a: {  	v3 =	vld [tilespmem:s6+$0xFFFFFF50];
	_ =	sdelay $0x4  }
0x6b: {  	v25 =	vunpack.i.l.bf16.f32 v3  }
0x6c: {  	v3 =	vunpack.i.u.bf16.f32 v3;
	v5 =	vmul.f32 v25, v23  }
0x6d: {  	v3 =	vmul.f32 v3, v23  }
0x6e: {  	[tilespmem:s0+$0xFFFFFEA0] =	vst v5  }
0x6f: {  	[tilespmem:s0+$0xFFFFFEB0] =	vst v3  }
0x70: {  	v3 =	vld [tilespmem:s6+$0xFFFFFF60];
	_ =	sdelay $0x3  }
0x71: {  	v26 =	vbroadcast v2, $0x3  }
0x72: {  	v27 =	vunpack.i.l.bf16.f32 v3  }
0x73: {  	v3 =	vunpack.i.u.bf16.f32 v3;
	v5 =	vmul.f32 v27, v26  }
0x74: {  	v3 =	vmul.f32 v3, v26  }
0x75: {  	[tilespmem:s0+$0xFFFFFEC0] =	vst v5  }
0x76: {  	[tilespmem:s0+$0xFFFFFED0] =	vst v3  }
0x77: {  	v3 =	vld [tilespmem:s6+$0xFFFFFF70];
	_ =	sdelay $0x4  }
0x78: {  	v28 =	vunpack.i.l.bf16.f32 v3  }
0x79: {  	v3 =	vunpack.i.u.bf16.f32 v3;
	v5 =	vmul.f32 v28, v26  }
0x7a: {  	v3 =	vmul.f32 v3, v26  }
0x7b: {  	[tilespmem:s0+$0xFFFFFEE0] =	vst v5  }
0x7c: {  	[tilespmem:s0+$0xFFFFFEF0] =	vst v3  }
0x7d: {  	v3 =	vld [tilespmem:s6+$0xFFFFFF80];
	_ =	sdelay $0x3  }
0x7e: {  	v29 =	vbroadcast v2, $0x4  }
0x7f: {  	v30 =	vunpack.i.l.bf16.f32 v3  }
0x80: {  	v3 =	vunpack.i.u.bf16.f32 v3;
	v5 =	vmul.f32 v30, v29  }
0x81: {  	v3 =	vmul.f32 v3, v29  }
0x82: {  	[tilespmem:s0+$0xFFFFFF00] =	vst v5  }
0x83: {  	[tilespmem:s0+$0xFFFFFF10] =	vst v3  }
0x84: {  	v3 =	vld [tilespmem:s6+$0xFFFFFF90];
	_ =	sdelay $0x4  }
0x85: {  	v31 =	vunpack.i.l.bf16.f32 v3  }
0x86: {  	v3 =	vunpack.i.u.bf16.f32 v3;
	v5 =	vmul.f32 v31, v29  }
0x87: {  	v3 =	vmul.f32 v3, v29  }
0x88: {  	[tilespmem:s0+$0xFFFFFF20] =	vst v5  }
0x89: {  	[tilespmem:s0+$0xFFFFFF30] =	vst v3  }
0x8a: {  	v3 =	vld [tilespmem:s6+$0xFFFFFFA0];
	_ =	sdelay $0x3  }
0x8b: {  	v32 =	vbroadcast v2, $0x5  }
0x8c: {  	v33 =	vunpack.i.l.bf16.f32 v3  }
0x8d: {  	v3 =	vunpack.i.u.bf16.f32 v3;
	v5 =	vmul.f32 v33, v32  }
0x8e: {  	v3 =	vmul.f32 v3, v32  }
0x8f: {  	[tilespmem:s0+$0xFFFFFF40] =	vst v5  }
0x90: {  	[tilespmem:s0+$0xFFFFFF50] =	vst v3  }
0x91: {  	v3 =	vld [tilespmem:s6+$0xFFFFFFB0];
	_ =	sdelay $0x4  }
0x92: {  	v34 =	vunpack.i.l.bf16.f32 v3  }
0x93: {  	v3 =	vunpack.i.u.bf16.f32 v3;
	v5 =	vmul.f32 v34, v32  }
0x94: {  	v3 =	vmul.f32 v3, v32  }
0x95: {  	[tilespmem:s0+$0xFFFFFF60] =	vst v5  }
0x96: {  	[tilespmem:s0+$0xFFFFFF70] =	vst v3  }
0x97: {  	v3 =	vld [tilespmem:s6+$0xFFFFFFC0];
	_ =	sdelay $0x3  }
0x98: {  	v35 =	vbroadcast v2, $0x6  }
0x99: {  	v36 =	vunpack.i.l.bf16.f32 v3  }
0x9a: {  	v3 =	vunpack.i.u.bf16.f32 v3;
	v5 =	vmul.f32 v36, v35  }
0x9b: {  	v3 =	vmul.f32 v3, v35  }
0x9c: {  	[tilespmem:s0+$0xFFFFFF80] =	vst v5  }
0x9d: {  	[tilespmem:s0+$0xFFFFFF90] =	vst v3  }
0x9e: {  	v3 =	vld [tilespmem:s6+$0xFFFFFFD0];
	_ =	sdelay $0x4  }
0x9f: {  	v37 =	vunpack.i.l.bf16.f32 v3  }
0xa0: {  	v3 =	vunpack.i.u.bf16.f32 v3;
	v5 =	vmul.f32 v37, v35  }
0xa1: {  	v3 =	vmul.f32 v3, v35  }
0xa2: {  	[tilespmem:s0+$0xFFFFFFA0] =	vst v5  }
0xa3: {  	[tilespmem:s0+$0xFFFFFFB0] =	vst v3  }
0xa4: {  	v3 =	vld [tilespmem:s6+$0xFFFFFFE0];
	_ =	sdelay $0x3  }
0xa5: {  	v38 =	vbroadcast v2, $0x7  }
0xa6: {  	v39 =	vunpack.i.l.bf16.f32 v3  }
0xa7: {  	v3 =	vunpack.i.u.bf16.f32 v3;
	v5 =	vmul.f32 v39, v38  }
0xa8: {  	v3 =	vmul.f32 v3, v38  }
0xa9: {  	[tilespmem:s0+$0xFFFFFFC0] =	vst v5  }
0xaa: {  	[tilespmem:s0+$0xFFFFFFD0] =	vst v3  }
0xab: {  	v3 =	vld [tilespmem:s6+$0xFFFFFFF0];
	_ =	sdelay $0x4  }
0xac: {  	v40 =	vunpack.i.l.bf16.f32 v3  }
0xad: {  	v3 =	vunpack.i.u.bf16.f32 v3;
	v5 =	vmul.f32 v40, v38  }
0xae: {  	v3 =	vmul.f32 v3, v38  }
0xaf: {  	[tilespmem:s0+$0xFFFFFFE0] =	vst v5  }
0xb0: {  	[tilespmem:s0+$0xFFFFFFF0] =	vst v3  }
0xb1: {  	v3 =	vld [tilespmem:s6+$0x0];
	_ =	sdelay $0x3  }
0xb2: {  	v41 =	vbroadcast v2, $0x8  }
0xb3: {  	v42 =	vunpack.i.l.bf16.f32 v3  }
0xb4: {  	v3 =	vunpack.i.u.bf16.f32 v3;
	v5 =	vmul.f32 v42, v41  }
0xb5: {  	v3 =	vmul.f32 v3, v41  }
0xb6: {  	[tilespmem:s0+$0x0] =	vst v5  }
0xb7: {  	[tilespmem:s0+$0x10] =	vst v3  }
0xb8: {  	v3 =	vld [tilespmem:s6+$0x10];
	_ =	sdelay $0x4  }
0xb9: {  	v43 =	vunpack.i.l.bf16.f32 v3  }
0xba: {  	v3 =	vunpack.i.u.bf16.f32 v3;
	v5 =	vmul.f32 v43, v41  }
0xbb: {  	v3 =	vmul.f32 v3, v41  }
0xbc: {  	[tilespmem:s0+$0x20] =	vst v5  }
0xbd: {  	[tilespmem:s0+$0x30] =	vst v3  }
0xbe: {  	v3 =	vld [tilespmem:s6+$0x20];
	_ =	sdelay $0x3  }
0xbf: {  	v44 =	vbroadcast v2, $0x9  }
0xc0: {  	v45 =	vunpack.i.l.bf16.f32 v3  }
0xc1: {  	v3 =	vunpack.i.u.bf16.f32 v3;
	v5 =	vmul.f32 v45, v44  }
0xc2: {  	v3 =	vmul.f32 v3, v44  }
0xc3: {  	[tilespmem:s0+$0x40] =	vst v5  }
0xc4: {  	[tilespmem:s0+$0x50] =	vst v3  }
0xc5: {  	v3 =	vld [tilespmem:s6+$0x30];
	_ =	sdelay $0x4  }
0xc6: {  	v46 =	vunpack.i.l.bf16.f32 v3  }
0xc7: {  	v3 =	vunpack.i.u.bf16.f32 v3;
	v5 =	vmul.f32 v46, v44  }
0xc8: {  	v3 =	vmul.f32 v3, v44  }
0xc9: {  	[tilespmem:s0+$0x60] =	vst v5  }
0xca: {  	[tilespmem:s0+$0x70] =	vst v3  }
0xcb: {  	v3 =	vld [tilespmem:s6+$0x40];
	_ =	sdelay $0x3  }
0xcc: {  	v47 =	vbroadcast v2, $0xA  }
0xcd: {  	v48 =	vunpack.i.l.bf16.f32 v3  }
0xce: {  	v3 =	vunpack.i.u.bf16.f32 v3;
	v5 =	vmul.f32 v48, v47  }
0xcf: {  	v3 =	vmul.f32 v3, v47  }
0xd0: {  	[tilespmem:s0+$0x80] =	vst v5  }
0xd1: {  	[tilespmem:s0+$0x90] =	vst v3  }
0xd2: {  	v3 =	vld [tilespmem:s6+$0x50];
	_ =	sdelay $0x4  }
0xd3: {  	v49 =	vunpack.i.l.bf16.f32 v3  }
0xd4: {  	v3 =	vunpack.i.u.bf16.f32 v3;
	v5 =	vmul.f32 v49, v47  }
0xd5: {  	v3 =	vmul.f32 v3, v47  }
0xd6: {  	[tilespmem:s0+$0xA0] =	vst v5  }
0xd7: {  	[tilespmem:s0+$0xB0] =	vst v3  }
0xd8: {  	v3 =	vld [tilespmem:s6+$0x60];
	_ =	sdelay $0x3  }
0xd9: {  	v50 =	vbroadcast v2, $0xB  }
0xda: {  	v51 =	vunpack.i.l.bf16.f32 v3  }
0xdb: {  	v3 =	vunpack.i.u.bf16.f32 v3;
	v5 =	vmul.f32 v51, v50  }
0xdc: {  	v3 =	vmul.f32 v3, v50  }
0xdd: {  	[tilespmem:s0+$0xC0] =	vst v5  }
0xde: {  	[tilespmem:s0+$0xD0] =	vst v3  }
0xdf: {  	v3 =	vld [tilespmem:s6+$0x70];
	_ =	sdelay $0x4  }
0xe0: {  	v52 =	vunpack.i.l.bf16.f32 v3  }
0xe1: {  	v3 =	vunpack.i.u.bf16.f32 v3;
	v5 =	vmul.f32 v52, v50  }
0xe2: {  	v3 =	vmul.f32 v3, v50  }
0xe3: {  	[tilespmem:s0+$0xE0] =	vst v5  }
0xe4: {  	[tilespmem:s0+$0xF0] =	vst v3  }
0xe5: {  	v3 =	vld [tilespmem:s6+$0x80];
	_ =	sdelay $0x3  }
0xe6: {  	v53 =	vbroadcast v2, $0xC  }
0xe7: {  	v54 =	vunpack.i.l.bf16.f32 v3  }
0xe8: {  	v3 =	vunpack.i.u.bf16.f32 v3;
	v5 =	vmul.f32 v54, v53  }
0xe9: {  	v3 =	vmul.f32 v3, v53  }
0xea: {  	[tilespmem:s0+$0x100] =	vst v5  }
0xeb: {  	[tilespmem:s0+$0x110] =	vst v3  }
0xec: {  	v3 =	vld [tilespmem:s6+$0x90];
	_ =	sdelay $0x4  }
0xed: {  	v55 =	vunpack.i.l.bf16.f32 v3  }
0xee: {  	v3 =	vunpack.i.u.bf16.f32 v3;
	v5 =	vmul.f32 v55, v53  }
0xef: {  	v3 =	vmul.f32 v3, v53  }
0xf0: {  	[tilespmem:s0+$0x120] =	vst v5  }
0xf1: {  	[tilespmem:s0+$0x130] =	vst v3  }
0xf2: {  	v3 =	vld [tilespmem:s6+$0xA0];
	_ =	sdelay $0x3  }
0xf3: {  	v56 =	vbroadcast v2, $0xD  }
0xf4: {  	v57 =	vunpack.i.l.bf16.f32 v3  }
0xf5: {  	v3 =	vunpack.i.u.bf16.f32 v3;
	v5 =	vmul.f32 v57, v56  }
0xf6: {  	v3 =	vmul.f32 v3, v56  }
0xf7: {  	[tilespmem:s0+$0x140] =	vst v5  }
0xf8: {  	[tilespmem:s0+$0x150] =	vst v3  }
0xf9: {  	v3 =	vld [tilespmem:s6+$0xB0];
	_ =	sdelay $0x4  }
0xfa: {  	v58 =	vunpack.i.l.bf16.f32 v3  }
0xfb: {  	v3 =	vunpack.i.u.bf16.f32 v3;
	v5 =	vmul.f32 v58, v56  }
0xfc: {  	v3 =	vmul.f32 v3, v56  }
0xfd: {  	[tilespmem:s0+$0x160] =	vst v5  }
0xfe: {  	[tilespmem:s0+$0x170] =	vst v3  }
0xff: {  	v3 =	vld [tilespmem:s6+$0xC0];
	_ =	sdelay $0x3  }
0x100: {  	v59 =	vbroadcast v2, $0xE  }
0x101: {  	v60 =	vunpack.i.l.bf16.f32 v3  }
0x102: {  	v3 =	vunpack.i.u.bf16.f32 v3;
	v5 =	vmul.f32 v60, v59  }
0x103: {  	v3 =	vmul.f32 v3, v59  }
0x104: {  	[tilespmem:s0+$0x180] =	vst v5  }
0x105: {  	[tilespmem:s0+$0x190] =	vst v3  }
0x106: {  	v3 =	vld [tilespmem:s6+$0xD0];
	_ =	sdelay $0x4  }
0x107: {  	v61 =	vunpack.i.l.bf16.f32 v3  }
0x108: {  	v3 =	vunpack.i.u.bf16.f32 v3;
	v5 =	vmul.f32 v61, v59  }
0x109: {  	v3 =	vmul.f32 v3, v59  }
0x10a: {  	[tilespmem:s0+$0x1A0] =	vst v5  }
0x10b: {  	[tilespmem:s0+$0x1B0] =	vst v3  }
0x10c: {  	v3 =	vld [tilespmem:s6+$0xE0];
	_ =	sdelay $0x3  }
0x10d: {  	v2 =	vbroadcast v2, $0xF  }
0x10e: {  	v62 =	vunpack.i.l.bf16.f32 v3  }
0x10f: {  	v3 =	vunpack.i.u.bf16.f32 v3;
	v4 =	vmul.f32 v62, v2  }
0x110: {  	v3 =	vmul.f32 v3, v2  }
0x111: {  	[tilespmem:s0+$0x1C0] =	vst v4  }
0x112: {  	[tilespmem:s0+$0x1D0] =	vst v3  }
0x113: {  	v3 =	vld [tilespmem:s6+$0xF0];
	_ =	sdelay $0x3  }
0x114: {  	p1 =	sne.s32 s7, $0x1C0  }
.Ltmp1:
0x115: {  	v63 =	vunpack.i.l.bf16.f32 v3;
	(pc) =	sbr.rel @p1 .LBB2_5-.Ltmp1, $4  }
0x116: {  	v3 =	vunpack.i.u.bf16.f32 v3;
	v4 =	vmul.f32 v63, v2  }
0x117: {  	v2 =	vmul.f32 v3, v2  }
0x118: {  	[tilespmem:s0+$0x1E0] =	vst v4  }
0x119: {  	s7 =	sadd.s32 $0x40, s7;
	s6 =	sadd.s32 $0x200, s6;
	[tilespmem:s0+$0x1F0] =	vst v2;
	s0 =	sadd.s32 $0x400, s0  }
0x11a: {  	s0 =	sshrl.u32 s23, $0x2  }
0x11b: {  	s0 =	sadd.s32 $0x2800, s0  }
0x11c: {  	[spmem:s2] =	stream.indirect.scatter.add.f32 [tilespmem:s14], [sflag:$0x5], $0x40, s0, s17, $0xb8;
	[tilespmem:$0x1D600] =	vst v63  }
0x11d: {  	s22 =	sor.u32 $0x3, s22;
	_ =	swait.ge [sflag:s15], $0x2000  }
0x11e: {  	s6 =	simm.s32 @!p0 $0x80;
	s0 =	sshll.u32 @!p0 s22, $0x7;
	[sflag:s15] =	ssyncset.done $0x0  }
0x11f: {  	s7 =	simm.s32 @!p0 $0xA800;
	s0 =	sand.u32 @!p0 $0x3FFFFF80, s0;
	[sflag:s15] =	ssyncadd.s32 $0xFFFFE000  }
0x120: {  	v1 =	vmov s18;
	[tilespmem:s7], [sflag:$0x4] =	stream.indirect.gather @!p0 [hbm4b:s4+s6], $0x20, s0, s6, $0xb8;
	[tilespmem:$0x1D600] =	vst v63  }
0x121: {  	_ =	swait.ge [sflag:s25], $0x1000  }
0x122: {  	s8 =	simm.s32 $0x8900;
	s0 =	sor.u32 $0x200, s23;
	[sflag:s25] =	ssyncset.done $0x0  }
0x123: {  	s6 =	simm.s32 $0x0;
	s7 =	simm.s32 $0xDA00;
	[sflag:s25] =	ssyncadd.s32 $0xFFFFF000  }
.LBB2_7:
0x124: {  	s9 =	sshra.s32 s6, $0x2  }
0x125: {  	v2 =	vld.idx.msk [tilespmem:v1+s9+$0x0 ss:$0x1], $0xffff  }
0x126: {  	v3 =	vld [tilespmem:s8+$0xFFFFFF00];
	_ =	sdelay $0x3  }
0x127: {  	v4 =	vbroadcast v2, $0x0  }
0x128: {  	v5 =	vunpack.i.l.bf16.f32 v3  }
0x129: {  	v3 =	vunpack.i.u.bf16.f32 v3;
	v5 =	vmul.f32 v5, v4  }
0x12a: {  	v3 =	vmul.f32 v3, v4  }
0x12b: {  	[tilespmem:s7+$0xFFFFFE00] =	vst v5  }
0x12c: {  	[tilespmem:s7+$0xFFFFFE10] =	vst v3  }
0x12d: {  	v3 =	vld [tilespmem:s8+$0xFFFFFF10];
	_ =	sdelay $0x4  }
0x12e: {  	v19 =	vunpack.i.l.bf16.f32 v3  }
0x12f: {  	v3 =	vunpack.i.u.bf16.f32 v3;
	v5 =	vmul.f32 v19, v4  }
0x130: {  	v3 =	vmul.f32 v3, v4  }
0x131: {  	[tilespmem:s7+$0xFFFFFE20] =	vst v5  }
0x132: {  	[tilespmem:s7+$0xFFFFFE30] =	vst v3  }
0x133: {  	v3 =	vld [tilespmem:s8+$0xFFFFFF20];
	_ =	sdelay $0x3  }
0x134: {  	v20 =	vbroadcast v2, $0x1  }
0x135: {  	v21 =	vunpack.i.l.bf16.f32 v3  }
0x136: {  	v3 =	vunpack.i.u.bf16.f32 v3;
	v5 =	vmul.f32 v21, v20  }
0x137: {  	v3 =	vmul.f32 v3, v20  }
0x138: {  	[tilespmem:s7+$0xFFFFFE40] =	vst v5  }
0x139: {  	[tilespmem:s7+$0xFFFFFE50] =	vst v3  }
0x13a: {  	v3 =	vld [tilespmem:s8+$0xFFFFFF30];
	_ =	sdelay $0x4  }
0x13b: {  	v22 =	vunpack.i.l.bf16.f32 v3  }
0x13c: {  	v3 =	vunpack.i.u.bf16.f32 v3;
	v5 =	vmul.f32 v22, v20  }
0x13d: {  	v3 =	vmul.f32 v3, v20  }
0x13e: {  	[tilespmem:s7+$0xFFFFFE60] =	vst v5  }
0x13f: {  	[tilespmem:s7+$0xFFFFFE70] =	vst v3  }
0x140: {  	v3 =	vld [tilespmem:s8+$0xFFFFFF40];
	_ =	sdelay $0x3  }
0x141: {  	v23 =	vbroadcast v2, $0x2  }
0x142: {  	v24 =	vunpack.i.l.bf16.f32 v3  }
0x143: {  	v3 =	vunpack.i.u.bf16.f32 v3;
	v5 =	vmul.f32 v24, v23  }
0x144: {  	v3 =	vmul.f32 v3, v23  }
0x145: {  	[tilespmem:s7+$0xFFFFFE80] =	vst v5  }
0x146: {  	[tilespmem:s7+$0xFFFFFE90] =	vst v3  }
0x147: {  	v3 =	vld [tilespmem:s8+$0xFFFFFF50];
	_ =	sdelay $0x4  }
0x148: {  	v25 =	vunpack.i.l.bf16.f32 v3  }
0x149: {  	v3 =	vunpack.i.u.bf16.f32 v3;
	v5 =	vmul.f32 v25, v23  }
0x14a: {  	v3 =	vmul.f32 v3, v23  }
0x14b: {  	[tilespmem:s7+$0xFFFFFEA0] =	vst v5  }
0x14c: {  	[tilespmem:s7+$0xFFFFFEB0] =	vst v3  }
0x14d: {  	v3 =	vld [tilespmem:s8+$0xFFFFFF60];
	_ =	sdelay $0x3  }
0x14e: {  	v26 =	vbroadcast v2, $0x3  }
0x14f: {  	v27 =	vunpack.i.l.bf16.f32 v3  }
0x150: {  	v3 =	vunpack.i.u.bf16.f32 v3;
	v5 =	vmul.f32 v27, v26  }
0x151: {  	v3 =	vmul.f32 v3, v26  }
0x152: {  	[tilespmem:s7+$0xFFFFFEC0] =	vst v5  }
0x153: {  	[tilespmem:s7+$0xFFFFFED0] =	vst v3  }
0x154: {  	v3 =	vld [tilespmem:s8+$0xFFFFFF70];
	_ =	sdelay $0x4  }
0x155: {  	v28 =	vunpack.i.l.bf16.f32 v3  }
0x156: {  	v3 =	vunpack.i.u.bf16.f32 v3;
	v5 =	vmul.f32 v28, v26  }
0x157: {  	v3 =	vmul.f32 v3, v26  }
0x158: {  	[tilespmem:s7+$0xFFFFFEE0] =	vst v5  }
0x159: {  	[tilespmem:s7+$0xFFFFFEF0] =	vst v3  }
0x15a: {  	v3 =	vld [tilespmem:s8+$0xFFFFFF80];
	_ =	sdelay $0x3  }
0x15b: {  	v29 =	vbroadcast v2, $0x4  }
0x15c: {  	v30 =	vunpack.i.l.bf16.f32 v3  }
0x15d: {  	v3 =	vunpack.i.u.bf16.f32 v3;
	v5 =	vmul.f32 v30, v29  }
0x15e: {  	v3 =	vmul.f32 v3, v29  }
0x15f: {  	[tilespmem:s7+$0xFFFFFF00] =	vst v5  }
0x160: {  	[tilespmem:s7+$0xFFFFFF10] =	vst v3  }
0x161: {  	v3 =	vld [tilespmem:s8+$0xFFFFFF90];
	_ =	sdelay $0x4  }
0x162: {  	v31 =	vunpack.i.l.bf16.f32 v3  }
0x163: {  	v3 =	vunpack.i.u.bf16.f32 v3;
	v5 =	vmul.f32 v31, v29  }
0x164: {  	v3 =	vmul.f32 v3, v29  }
0x165: {  	[tilespmem:s7+$0xFFFFFF20] =	vst v5  }
0x166: {  	[tilespmem:s7+$0xFFFFFF30] =	vst v3  }
0x167: {  	v3 =	vld [tilespmem:s8+$0xFFFFFFA0];
	_ =	sdelay $0x3  }
0x168: {  	v32 =	vbroadcast v2, $0x5  }
0x169: {  	v33 =	vunpack.i.l.bf16.f32 v3  }
0x16a: {  	v3 =	vunpack.i.u.bf16.f32 v3;
	v5 =	vmul.f32 v33, v32  }
0x16b: {  	v3 =	vmul.f32 v3, v32  }
0x16c: {  	[tilespmem:s7+$0xFFFFFF40] =	vst v5  }
0x16d: {  	[tilespmem:s7+$0xFFFFFF50] =	vst v3  }
0x16e: {  	v3 =	vld [tilespmem:s8+$0xFFFFFFB0];
	_ =	sdelay $0x4  }
0x16f: {  	v34 =	vunpack.i.l.bf16.f32 v3  }
0x170: {  	v3 =	vunpack.i.u.bf16.f32 v3;
	v5 =	vmul.f32 v34, v32  }
0x171: {  	v3 =	vmul.f32 v3, v32  }
0x172: {  	[tilespmem:s7+$0xFFFFFF60] =	vst v5  }
0x173: {  	[tilespmem:s7+$0xFFFFFF70] =	vst v3  }
0x174: {  	v3 =	vld [tilespmem:s8+$0xFFFFFFC0];
	_ =	sdelay $0x3  }
0x175: {  	v35 =	vbroadcast v2, $0x6  }
0x176: {  	v36 =	vunpack.i.l.bf16.f32 v3  }
0x177: {  	v3 =	vunpack.i.u.bf16.f32 v3;
	v5 =	vmul.f32 v36, v35  }
0x178: {  	v3 =	vmul.f32 v3, v35  }
0x179: {  	[tilespmem:s7+$0xFFFFFF80] =	vst v5  }
0x17a: {  	[tilespmem:s7+$0xFFFFFF90] =	vst v3  }
0x17b: {  	v3 =	vld [tilespmem:s8+$0xFFFFFFD0];
	_ =	sdelay $0x4  }
0x17c: {  	v37 =	vunpack.i.l.bf16.f32 v3  }
0x17d: {  	v3 =	vunpack.i.u.bf16.f32 v3;
	v5 =	vmul.f32 v37, v35  }
0x17e: {  	v3 =	vmul.f32 v3, v35  }
0x17f: {  	[tilespmem:s7+$0xFFFFFFA0] =	vst v5  }
0x180: {  	[tilespmem:s7+$0xFFFFFFB0] =	vst v3  }
0x181: {  	v3 =	vld [tilespmem:s8+$0xFFFFFFE0];
	_ =	sdelay $0x3  }
0x182: {  	v38 =	vbroadcast v2, $0x7  }
0x183: {  	v39 =	vunpack.i.l.bf16.f32 v3  }
0x184: {  	v3 =	vunpack.i.u.bf16.f32 v3;
	v5 =	vmul.f32 v39, v38  }
0x185: {  	v3 =	vmul.f32 v3, v38  }
0x186: {  	[tilespmem:s7+$0xFFFFFFC0] =	vst v5  }
0x187: {  	[tilespmem:s7+$0xFFFFFFD0] =	vst v3  }
0x188: {  	v3 =	vld [tilespmem:s8+$0xFFFFFFF0];
	_ =	sdelay $0x4  }
0x189: {  	v40 =	vunpack.i.l.bf16.f32 v3  }
0x18a: {  	v3 =	vunpack.i.u.bf16.f32 v3;
	v5 =	vmul.f32 v40, v38  }
0x18b: {  	v3 =	vmul.f32 v3, v38  }
0x18c: {  	[tilespmem:s7+$0xFFFFFFE0] =	vst v5  }
0x18d: {  	[tilespmem:s7+$0xFFFFFFF0] =	vst v3  }
0x18e: {  	v3 =	vld [tilespmem:s8+$0x0];
	_ =	sdelay $0x3  }
0x18f: {  	v41 =	vbroadcast v2, $0x8  }
0x190: {  	v42 =	vunpack.i.l.bf16.f32 v3  }
0x191: {  	v3 =	vunpack.i.u.bf16.f32 v3;
	v5 =	vmul.f32 v42, v41  }
0x192: {  	v3 =	vmul.f32 v3, v41  }
0x193: {  	[tilespmem:s7+$0x0] =	vst v5  }
0x194: {  	[tilespmem:s7+$0x10] =	vst v3  }
0x195: {  	v3 =	vld [tilespmem:s8+$0x10];
	_ =	sdelay $0x4  }
0x196: {  	v43 =	vunpack.i.l.bf16.f32 v3  }
0x197: {  	v3 =	vunpack.i.u.bf16.f32 v3;
	v5 =	vmul.f32 v43, v41  }
0x198: {  	v3 =	vmul.f32 v3, v41  }
0x199: {  	[tilespmem:s7+$0x20] =	vst v5  }
0x19a: {  	[tilespmem:s7+$0x30] =	vst v3  }
0x19b: {  	v3 =	vld [tilespmem:s8+$0x20];
	_ =	sdelay $0x3  }
0x19c: {  	v44 =	vbroadcast v2, $0x9  }
0x19d: {  	v45 =	vunpack.i.l.bf16.f32 v3  }
0x19e: {  	v3 =	vunpack.i.u.bf16.f32 v3;
	v5 =	vmul.f32 v45, v44  }
0x19f: {  	v3 =	vmul.f32 v3, v44  }
0x1a0: {  	[tilespmem:s7+$0x40] =	vst v5  }
0x1a1: {  	[tilespmem:s7+$0x50] =	vst v3  }
0x1a2: {  	v3 =	vld [tilespmem:s8+$0x30];
	_ =	sdelay $0x4  }
0x1a3: {  	v46 =	vunpack.i.l.bf16.f32 v3  }
0x1a4: {  	v3 =	vunpack.i.u.bf16.f32 v3;
	v5 =	vmul.f32 v46, v44  }
0x1a5: {  	v3 =	vmul.f32 v3, v44  }
0x1a6: {  	[tilespmem:s7+$0x60] =	vst v5  }
0x1a7: {  	[tilespmem:s7+$0x70] =	vst v3  }
0x1a8: {  	v3 =	vld [tilespmem:s8+$0x40];
	_ =	sdelay $0x3  }
0x1a9: {  	v47 =	vbroadcast v2, $0xA  }
0x1aa: {  	v48 =	vunpack.i.l.bf16.f32 v3  }
0x1ab: {  	v3 =	vunpack.i.u.bf16.f32 v3;
	v5 =	vmul.f32 v48, v47  }
0x1ac: {  	v3 =	vmul.f32 v3, v47  }
0x1ad: {  	[tilespmem:s7+$0x80] =	vst v5  }
0x1ae: {  	[tilespmem:s7+$0x90] =	vst v3  }
0x1af: {  	v3 =	vld [tilespmem:s8+$0x50];
	_ =	sdelay $0x4  }
0x1b0: {  	v49 =	vunpack.i.l.bf16.f32 v3  }
0x1b1: {  	v3 =	vunpack.i.u.bf16.f32 v3;
	v5 =	vmul.f32 v49, v47  }
0x1b2: {  	v3 =	vmul.f32 v3, v47  }
0x1b3: {  	[tilespmem:s7+$0xA0] =	vst v5  }
0x1b4: {  	[tilespmem:s7+$0xB0] =	vst v3  }
0x1b5: {  	v3 =	vld [tilespmem:s8+$0x60];
	_ =	sdelay $0x3  }
0x1b6: {  	v50 =	vbroadcast v2, $0xB  }
0x1b7: {  	v51 =	vunpack.i.l.bf16.f32 v3  }
0x1b8: {  	v3 =	vunpack.i.u.bf16.f32 v3;
	v5 =	vmul.f32 v51, v50  }
0x1b9: {  	v3 =	vmul.f32 v3, v50  }
0x1ba: {  	[tilespmem:s7+$0xC0] =	vst v5  }
0x1bb: {  	[tilespmem:s7+$0xD0] =	vst v3  }
0x1bc: {  	v3 =	vld [tilespmem:s8+$0x70];
	_ =	sdelay $0x4  }
0x1bd: {  	v52 =	vunpack.i.l.bf16.f32 v3  }
0x1be: {  	v3 =	vunpack.i.u.bf16.f32 v3;
	v5 =	vmul.f32 v52, v50  }
0x1bf: {  	v3 =	vmul.f32 v3, v50  }
0x1c0: {  	[tilespmem:s7+$0xE0] =	vst v5  }
0x1c1: {  	[tilespmem:s7+$0xF0] =	vst v3  }
0x1c2: {  	v3 =	vld [tilespmem:s8+$0x80];
	_ =	sdelay $0x3  }
0x1c3: {  	v53 =	vbroadcast v2, $0xC  }
0x1c4: {  	v54 =	vunpack.i.l.bf16.f32 v3  }
0x1c5: {  	v3 =	vunpack.i.u.bf16.f32 v3;
	v5 =	vmul.f32 v54, v53  }
0x1c6: {  	v3 =	vmul.f32 v3, v53  }
0x1c7: {  	[tilespmem:s7+$0x100] =	vst v5  }
0x1c8: {  	[tilespmem:s7+$0x110] =	vst v3  }
0x1c9: {  	v3 =	vld [tilespmem:s8+$0x90];
	_ =	sdelay $0x4  }
0x1ca: {  	v55 =	vunpack.i.l.bf16.f32 v3  }
0x1cb: {  	v3 =	vunpack.i.u.bf16.f32 v3;
	v5 =	vmul.f32 v55, v53  }
0x1cc: {  	v3 =	vmul.f32 v3, v53  }
0x1cd: {  	[tilespmem:s7+$0x120] =	vst v5  }
0x1ce: {  	[tilespmem:s7+$0x130] =	vst v3  }
0x1cf: {  	v3 =	vld [tilespmem:s8+$0xA0];
	_ =	sdelay $0x3  }
0x1d0: {  	v56 =	vbroadcast v2, $0xD  }
0x1d1: {  	v57 =	vunpack.i.l.bf16.f32 v3  }
0x1d2: {  	v3 =	vunpack.i.u.bf16.f32 v3;
	v5 =	vmul.f32 v57, v56  }
0x1d3: {  	v3 =	vmul.f32 v3, v56  }
0x1d4: {  	[tilespmem:s7+$0x140] =	vst v5  }
0x1d5: {  	[tilespmem:s7+$0x150] =	vst v3  }
0x1d6: {  	v3 =	vld [tilespmem:s8+$0xB0];
	_ =	sdelay $0x4  }
0x1d7: {  	v58 =	vunpack.i.l.bf16.f32 v3  }
0x1d8: {  	v3 =	vunpack.i.u.bf16.f32 v3;
	v5 =	vmul.f32 v58, v56  }
0x1d9: {  	v3 =	vmul.f32 v3, v56  }
0x1da: {  	[tilespmem:s7+$0x160] =	vst v5  }
0x1db: {  	[tilespmem:s7+$0x170] =	vst v3  }
0x1dc: {  	v3 =	vld [tilespmem:s8+$0xC0];
	_ =	sdelay $0x3  }
0x1dd: {  	v59 =	vbroadcast v2, $0xE  }
0x1de: {  	v60 =	vunpack.i.l.bf16.f32 v3  }
0x1df: {  	v3 =	vunpack.i.u.bf16.f32 v3;
	v5 =	vmul.f32 v60, v59  }
0x1e0: {  	v3 =	vmul.f32 v3, v59  }
0x1e1: {  	[tilespmem:s7+$0x180] =	vst v5  }
0x1e2: {  	[tilespmem:s7+$0x190] =	vst v3  }
0x1e3: {  	v3 =	vld [tilespmem:s8+$0xD0];
	_ =	sdelay $0x4  }
0x1e4: {  	v61 =	vunpack.i.l.bf16.f32 v3  }
0x1e5: {  	v3 =	vunpack.i.u.bf16.f32 v3;
	v5 =	vmul.f32 v61, v59  }
0x1e6: {  	v3 =	vmul.f32 v3, v59  }
0x1e7: {  	[tilespmem:s7+$0x1A0] =	vst v5  }
0x1e8: {  	[tilespmem:s7+$0x1B0] =	vst v3  }
0x1e9: {  	v3 =	vld [tilespmem:s8+$0xE0];
	_ =	sdelay $0x3  }
0x1ea: {  	v2 =	vbroadcast v2, $0xF  }
0x1eb: {  	v62 =	vunpack.i.l.bf16.f32 v3  }
0x1ec: {  	v3 =	vunpack.i.u.bf16.f32 v3;
	v4 =	vmul.f32 v62, v2  }
0x1ed: {  	v3 =	vmul.f32 v3, v2  }
0x1ee: {  	[tilespmem:s7+$0x1C0] =	vst v4  }
0x1ef: {  	[tilespmem:s7+$0x1D0] =	vst v3  }
0x1f0: {  	v3 =	vld [tilespmem:s8+$0xF0];
	_ =	sdelay $0x3  }
0x1f1: {  	p0 =	sne.s32 s6, $0x1C0  }
.Ltmp2:
0x1f2: {  	v63 =	vunpack.i.l.bf16.f32 v3;
	(pc) =	sbr.rel @p0 .LBB2_7-.Ltmp2, $4  }
0x1f3: {  	v3 =	vunpack.i.u.bf16.f32 v3;
	v4 =	vmul.f32 v63, v2  }
0x1f4: {  	v2 =	vmul.f32 v3, v2  }
0x1f5: {  	[tilespmem:s7+$0x1E0] =	vst v4  }
0x1f6: {  	s6 =	sadd.s32 $0x40, s6;
	s8 =	sadd.s32 $0x200, s8;
	[tilespmem:s7+$0x1F0] =	vst v2;
	s7 =	sadd.s32 $0x400, s7  }
0x1f7: {  	s0 =	sshrl.u32 s0, $0x2  }
0x1f8: {  	s0 =	sadd.s32 $0x2800, s0  }
0x1f9: {  	[spmem:s2] =	stream.indirect.scatter.add.f32 [tilespmem:s26], [sflag:$0x5], $0x40, s0, s17, $0xb8;
	[tilespmem:$0x1D600] =	vst v63  }
0x1fa: {  	p0 =	seq.s32 s1, $0x13;
	_ =	swait.ge [sflag:s15], $0x2000  }
0x1fb: {  	s23 =	sshrl.u32 @!p0 s23, $0x2;
	s6 =	simm.s32 @!p0 $0x80;
	[sflag:s15] =	ssyncset.done $0x0  }
0x1fc: {  	s7 =	simm.s32 @!p0 $0x7800;
	s0 =	sadd.s32 @!p0 $0x200, s23;
	[sflag:s15] =	ssyncadd.s32 $0xFFFFE000  }
0x1fd: {  	v1 =	vmov s19;
	[tilespmem:s7], [sflag:$0x1] =	stream.indirect.gather @!p0 [hbm4b:s4+s6], $0x20, s0, s6, $0xb8;
	[tilespmem:$0x1D600] =	vst v63  }
0x1fe: {  	_ =	swait.ge [sflag:s28], $0x1000  }
0x1ff: {  	s8 =	simm.s32 $0x9900;
	s0 =	sshll.u32 s21, $0x9;
	[sflag:s28] =	ssyncset.done $0x0  }
0x200: {  	s6 =	simm.s32 $0x0;
	s7 =	simm.s32 $0xFA00;
	[sflag:s28] =	ssyncadd.s32 $0xFFFFF000  }
.LBB2_9:
0x201: {  	s9 =	sshra.s32 s6, $0x2  }
0x202: {  	v2 =	vld.idx.msk [tilespmem:v1+s9+$0x0 ss:$0x1], $0xffff  }
0x203: {  	v3 =	vld [tilespmem:s8+$0xFFFFFF00];
	_ =	sdelay $0x3  }
0x204: {  	v4 =	vbroadcast v2, $0x0  }
0x205: {  	v5 =	vunpack.i.l.bf16.f32 v3  }
0x206: {  	v3 =	vunpack.i.u.bf16.f32 v3;
	v5 =	vmul.f32 v5, v4  }
0x207: {  	v3 =	vmul.f32 v3, v4  }
0x208: {  	[tilespmem:s7+$0xFFFFFE00] =	vst v5  }
0x209: {  	[tilespmem:s7+$0xFFFFFE10] =	vst v3  }
0x20a: {  	v3 =	vld [tilespmem:s8+$0xFFFFFF10];
	_ =	sdelay $0x4  }
0x20b: {  	v19 =	vunpack.i.l.bf16.f32 v3  }
0x20c: {  	v3 =	vunpack.i.u.bf16.f32 v3;
	v5 =	vmul.f32 v19, v4  }
0x20d: {  	v3 =	vmul.f32 v3, v4  }
0x20e: {  	[tilespmem:s7+$0xFFFFFE20] =	vst v5  }
0x20f: {  	[tilespmem:s7+$0xFFFFFE30] =	vst v3  }
0x210: {  	v3 =	vld [tilespmem:s8+$0xFFFFFF20];
	_ =	sdelay $0x3  }
0x211: {  	v20 =	vbroadcast v2, $0x1  }
0x212: {  	v21 =	vunpack.i.l.bf16.f32 v3  }
0x213: {  	v3 =	vunpack.i.u.bf16.f32 v3;
	v5 =	vmul.f32 v21, v20  }
0x214: {  	v3 =	vmul.f32 v3, v20  }
0x215: {  	[tilespmem:s7+$0xFFFFFE40] =	vst v5  }
0x216: {  	[tilespmem:s7+$0xFFFFFE50] =	vst v3  }
0x217: {  	v3 =	vld [tilespmem:s8+$0xFFFFFF30];
	_ =	sdelay $0x4  }
0x218: {  	v22 =	vunpack.i.l.bf16.f32 v3  }
0x219: {  	v3 =	vunpack.i.u.bf16.f32 v3;
	v5 =	vmul.f32 v22, v20  }
0x21a: {  	v3 =	vmul.f32 v3, v20  }
0x21b: {  	[tilespmem:s7+$0xFFFFFE60] =	vst v5  }
0x21c: {  	[tilespmem:s7+$0xFFFFFE70] =	vst v3  }
0x21d: {  	v3 =	vld [tilespmem:s8+$0xFFFFFF40];
	_ =	sdelay $0x3  }
0x21e: {  	v23 =	vbroadcast v2, $0x2  }
0x21f: {  	v24 =	vunpack.i.l.bf16.f32 v3  }
0x220: {  	v3 =	vunpack.i.u.bf16.f32 v3;
	v5 =	vmul.f32 v24, v23  }
0x221: {  	v3 =	vmul.f32 v3, v23  }
0x222: {  	[tilespmem:s7+$0xFFFFFE80] =	vst v5  }
0x223: {  	[tilespmem:s7+$0xFFFFFE90] =	vst v3  }
0x224: {  	v3 =	vld [tilespmem:s8+$0xFFFFFF50];
	_ =	sdelay $0x4  }
0x225: {  	v25 =	vunpack.i.l.bf16.f32 v3  }
0x226: {  	v3 =	vunpack.i.u.bf16.f32 v3;
	v5 =	vmul.f32 v25, v23  }
0x227: {  	v3 =	vmul.f32 v3, v23  }
0x228: {  	[tilespmem:s7+$0xFFFFFEA0] =	vst v5  }
0x229: {  	[tilespmem:s7+$0xFFFFFEB0] =	vst v3  }
0x22a: {  	v3 =	vld [tilespmem:s8+$0xFFFFFF60];
	_ =	sdelay $0x3  }
0x22b: {  	v26 =	vbroadcast v2, $0x3  }
0x22c: {  	v27 =	vunpack.i.l.bf16.f32 v3  }
0x22d: {  	v3 =	vunpack.i.u.bf16.f32 v3;
	v5 =	vmul.f32 v27, v26  }
0x22e: {  	v3 =	vmul.f32 v3, v26  }
0x22f: {  	[tilespmem:s7+$0xFFFFFEC0] =	vst v5  }
0x230: {  	[tilespmem:s7+$0xFFFFFED0] =	vst v3  }
0x231: {  	v3 =	vld [tilespmem:s8+$0xFFFFFF70];
	_ =	sdelay $0x4  }
0x232: {  	v28 =	vunpack.i.l.bf16.f32 v3  }
0x233: {  	v3 =	vunpack.i.u.bf16.f32 v3;
	v5 =	vmul.f32 v28, v26  }
0x234: {  	v3 =	vmul.f32 v3, v26  }
0x235: {  	[tilespmem:s7+$0xFFFFFEE0] =	vst v5  }
0x236: {  	[tilespmem:s7+$0xFFFFFEF0] =	vst v3  }
0x237: {  	v3 =	vld [tilespmem:s8+$0xFFFFFF80];
	_ =	sdelay $0x3  }
0x238: {  	v29 =	vbroadcast v2, $0x4  }
0x239: {  	v30 =	vunpack.i.l.bf16.f32 v3  }
0x23a: {  	v3 =	vunpack.i.u.bf16.f32 v3;
	v5 =	vmul.f32 v30, v29  }
0x23b: {  	v3 =	vmul.f32 v3, v29  }
0x23c: {  	[tilespmem:s7+$0xFFFFFF00] =	vst v5  }
0x23d: {  	[tilespmem:s7+$0xFFFFFF10] =	vst v3  }
0x23e: {  	v3 =	vld [tilespmem:s8+$0xFFFFFF90];
	_ =	sdelay $0x4  }
0x23f: {  	v31 =	vunpack.i.l.bf16.f32 v3  }
0x240: {  	v3 =	vunpack.i.u.bf16.f32 v3;
	v5 =	vmul.f32 v31, v29  }
0x241: {  	v3 =	vmul.f32 v3, v29  }
0x242: {  	[tilespmem:s7+$0xFFFFFF20] =	vst v5  }
0x243: {  	[tilespmem:s7+$0xFFFFFF30] =	vst v3  }
0x244: {  	v3 =	vld [tilespmem:s8+$0xFFFFFFA0];
	_ =	sdelay $0x3  }
0x245: {  	v32 =	vbroadcast v2, $0x5  }
0x246: {  	v33 =	vunpack.i.l.bf16.f32 v3  }
0x247: {  	v3 =	vunpack.i.u.bf16.f32 v3;
	v5 =	vmul.f32 v33, v32  }
0x248: {  	v3 =	vmul.f32 v3, v32  }
0x249: {  	[tilespmem:s7+$0xFFFFFF40] =	vst v5  }
0x24a: {  	[tilespmem:s7+$0xFFFFFF50] =	vst v3  }
0x24b: {  	v3 =	vld [tilespmem:s8+$0xFFFFFFB0];
	_ =	sdelay $0x4  }
0x24c: {  	v34 =	vunpack.i.l.bf16.f32 v3  }
0x24d: {  	v3 =	vunpack.i.u.bf16.f32 v3;
	v5 =	vmul.f32 v34, v32  }
0x24e: {  	v3 =	vmul.f32 v3, v32  }
0x24f: {  	[tilespmem:s7+$0xFFFFFF60] =	vst v5  }
0x250: {  	[tilespmem:s7+$0xFFFFFF70] =	vst v3  }
0x251: {  	v3 =	vld [tilespmem:s8+$0xFFFFFFC0];
	_ =	sdelay $0x3  }
0x252: {  	v35 =	vbroadcast v2, $0x6  }
0x253: {  	v36 =	vunpack.i.l.bf16.f32 v3  }
0x254: {  	v3 =	vunpack.i.u.bf16.f32 v3;
	v5 =	vmul.f32 v36, v35  }
0x255: {  	v3 =	vmul.f32 v3, v35  }
0x256: {  	[tilespmem:s7+$0xFFFFFF80] =	vst v5  }
0x257: {  	[tilespmem:s7+$0xFFFFFF90] =	vst v3  }
0x258: {  	v3 =	vld [tilespmem:s8+$0xFFFFFFD0];
	_ =	sdelay $0x4  }
0x259: {  	v37 =	vunpack.i.l.bf16.f32 v3  }
0x25a: {  	v3 =	vunpack.i.u.bf16.f32 v3;
	v5 =	vmul.f32 v37, v35  }
0x25b: {  	v3 =	vmul.f32 v3, v35  }
0x25c: {  	[tilespmem:s7+$0xFFFFFFA0] =	vst v5  }
0x25d: {  	[tilespmem:s7+$0xFFFFFFB0] =	vst v3  }
0x25e: {  	v3 =	vld [tilespmem:s8+$0xFFFFFFE0];
	_ =	sdelay $0x3  }
0x25f: {  	v38 =	vbroadcast v2, $0x7  }
0x260: {  	v39 =	vunpack.i.l.bf16.f32 v3  }
0x261: {  	v3 =	vunpack.i.u.bf16.f32 v3;
	v5 =	vmul.f32 v39, v38  }
0x262: {  	v3 =	vmul.f32 v3, v38  }
0x263: {  	[tilespmem:s7+$0xFFFFFFC0] =	vst v5  }
0x264: {  	[tilespmem:s7+$0xFFFFFFD0] =	vst v3  }
0x265: {  	v3 =	vld [tilespmem:s8+$0xFFFFFFF0];
	_ =	sdelay $0x4  }
0x266: {  	v40 =	vunpack.i.l.bf16.f32 v3  }
0x267: {  	v3 =	vunpack.i.u.bf16.f32 v3;
	v5 =	vmul.f32 v40, v38  }
0x268: {  	v3 =	vmul.f32 v3, v38  }
0x269: {  	[tilespmem:s7+$0xFFFFFFE0] =	vst v5  }
0x26a: {  	[tilespmem:s7+$0xFFFFFFF0] =	vst v3  }
0x26b: {  	v3 =	vld [tilespmem:s8+$0x0];
	_ =	sdelay $0x3  }
0x26c: {  	v41 =	vbroadcast v2, $0x8  }
0x26d: {  	v42 =	vunpack.i.l.bf16.f32 v3  }
0x26e: {  	v3 =	vunpack.i.u.bf16.f32 v3;
	v5 =	vmul.f32 v42, v41  }
0x26f: {  	v3 =	vmul.f32 v3, v41  }
0x270: {  	[tilespmem:s7+$0x0] =	vst v5  }
0x271: {  	[tilespmem:s7+$0x10] =	vst v3  }
0x272: {  	v3 =	vld [tilespmem:s8+$0x10];
	_ =	sdelay $0x4  }
0x273: {  	v43 =	vunpack.i.l.bf16.f32 v3  }
0x274: {  	v3 =	vunpack.i.u.bf16.f32 v3;
	v5 =	vmul.f32 v43, v41  }
0x275: {  	v3 =	vmul.f32 v3, v41  }
0x276: {  	[tilespmem:s7+$0x20] =	vst v5  }
0x277: {  	[tilespmem:s7+$0x30] =	vst v3  }
0x278: {  	v3 =	vld [tilespmem:s8+$0x20];
	_ =	sdelay $0x3  }
0x279: {  	v44 =	vbroadcast v2, $0x9  }
0x27a: {  	v45 =	vunpack.i.l.bf16.f32 v3  }
0x27b: {  	v3 =	vunpack.i.u.bf16.f32 v3;
	v5 =	vmul.f32 v45, v44  }
0x27c: {  	v3 =	vmul.f32 v3, v44  }
0x27d: {  	[tilespmem:s7+$0x40] =	vst v5  }
0x27e: {  	[tilespmem:s7+$0x50] =	vst v3  }
0x27f: {  	v3 =	vld [tilespmem:s8+$0x30];
	_ =	sdelay $0x4  }
0x280: {  	v46 =	vunpack.i.l.bf16.f32 v3  }
0x281: {  	v3 =	vunpack.i.u.bf16.f32 v3;
	v5 =	vmul.f32 v46, v44  }
0x282: {  	v3 =	vmul.f32 v3, v44  }
0x283: {  	[tilespmem:s7+$0x60] =	vst v5  }
0x284: {  	[tilespmem:s7+$0x70] =	vst v3  }
0x285: {  	v3 =	vld [tilespmem:s8+$0x40];
	_ =	sdelay $0x3  }
0x286: {  	v47 =	vbroadcast v2, $0xA  }
0x287: {  	v48 =	vunpack.i.l.bf16.f32 v3  }
0x288: {  	v3 =	vunpack.i.u.bf16.f32 v3;
	v5 =	vmul.f32 v48, v47  }
0x289: {  	v3 =	vmul.f32 v3, v47  }
0x28a: {  	[tilespmem:s7+$0x80] =	vst v5  }
0x28b: {  	[tilespmem:s7+$0x90] =	vst v3  }
0x28c: {  	v3 =	vld [tilespmem:s8+$0x50];
	_ =	sdelay $0x4  }
0x28d: {  	v49 =	vunpack.i.l.bf16.f32 v3  }
0x28e: {  	v3 =	vunpack.i.u.bf16.f32 v3;
	v5 =	vmul.f32 v49, v47  }
0x28f: {  	v3 =	vmul.f32 v3, v47  }
0x290: {  	[tilespmem:s7+$0xA0] =	vst v5  }
0x291: {  	[tilespmem:s7+$0xB0] =	vst v3  }
0x292: {  	v3 =	vld [tilespmem:s8+$0x60];
	_ =	sdelay $0x3  }
0x293: {  	v50 =	vbroadcast v2, $0xB  }
0x294: {  	v51 =	vunpack.i.l.bf16.f32 v3  }
0x295: {  	v3 =	vunpack.i.u.bf16.f32 v3;
	v5 =	vmul.f32 v51, v50  }
0x296: {  	v3 =	vmul.f32 v3, v50  }
0x297: {  	[tilespmem:s7+$0xC0] =	vst v5  }
0x298: {  	[tilespmem:s7+$0xD0] =	vst v3  }
0x299: {  	v3 =	vld [tilespmem:s8+$0x70];
	_ =	sdelay $0x4  }
0x29a: {  	v52 =	vunpack.i.l.bf16.f32 v3  }
0x29b: {  	v3 =	vunpack.i.u.bf16.f32 v3;
	v5 =	vmul.f32 v52, v50  }
0x29c: {  	v3 =	vmul.f32 v3, v50  }
0x29d: {  	[tilespmem:s7+$0xE0] =	vst v5  }
0x29e: {  	[tilespmem:s7+$0xF0] =	vst v3  }
0x29f: {  	v3 =	vld [tilespmem:s8+$0x80];
	_ =	sdelay $0x3  }
0x2a0: {  	v53 =	vbroadcast v2, $0xC  }
0x2a1: {  	v54 =	vunpack.i.l.bf16.f32 v3  }
0x2a2: {  	v3 =	vunpack.i.u.bf16.f32 v3;
	v5 =	vmul.f32 v54, v53  }
0x2a3: {  	v3 =	vmul.f32 v3, v53  }
0x2a4: {  	[tilespmem:s7+$0x100] =	vst v5  }
0x2a5: {  	[tilespmem:s7+$0x110] =	vst v3  }
0x2a6: {  	v3 =	vld [tilespmem:s8+$0x90];
	_ =	sdelay $0x4  }
0x2a7: {  	v55 =	vunpack.i.l.bf16.f32 v3  }
0x2a8: {  	v3 =	vunpack.i.u.bf16.f32 v3;
	v5 =	vmul.f32 v55, v53  }
0x2a9: {  	v3 =	vmul.f32 v3, v53  }
0x2aa: {  	[tilespmem:s7+$0x120] =	vst v5  }
0x2ab: {  	[tilespmem:s7+$0x130] =	vst v3  }
0x2ac: {  	v3 =	vld [tilespmem:s8+$0xA0];
	_ =	sdelay $0x3  }
0x2ad: {  	v56 =	vbroadcast v2, $0xD  }
0x2ae: {  	v57 =	vunpack.i.l.bf16.f32 v3  }
0x2af: {  	v3 =	vunpack.i.u.bf16.f32 v3;
	v5 =	vmul.f32 v57, v56  }
0x2b0: {  	v3 =	vmul.f32 v3, v56  }
0x2b1: {  	[tilespmem:s7+$0x140] =	vst v5  }
0x2b2: {  	[tilespmem:s7+$0x150] =	vst v3  }
0x2b3: {  	v3 =	vld [tilespmem:s8+$0xB0];
	_ =	sdelay $0x4  }
0x2b4: {  	v58 =	vunpack.i.l.bf16.f32 v3  }
0x2b5: {  	v3 =	vunpack.i.u.bf16.f32 v3;
	v5 =	vmul.f32 v58, v56  }
0x2b6: {  	v3 =	vmul.f32 v3, v56  }
0x2b7: {  	[tilespmem:s7+$0x160] =	vst v5  }
0x2b8: {  	[tilespmem:s7+$0x170] =	vst v3  }
0x2b9: {  	v3 =	vld [tilespmem:s8+$0xC0];
	_ =	sdelay $0x3  }
0x2ba: {  	v59 =	vbroadcast v2, $0xE  }
0x2bb: {  	v60 =	vunpack.i.l.bf16.f32 v3  }
0x2bc: {  	v3 =	vunpack.i.u.bf16.f32 v3;
	v5 =	vmul.f32 v60, v59  }
0x2bd: {  	v3 =	vmul.f32 v3, v59  }
0x2be: {  	[tilespmem:s7+$0x180] =	vst v5  }
0x2bf: {  	[tilespmem:s7+$0x190] =	vst v3  }
0x2c0: {  	v3 =	vld [tilespmem:s8+$0xD0];
	_ =	sdelay $0x4  }
0x2c1: {  	v61 =	vunpack.i.l.bf16.f32 v3  }
0x2c2: {  	v3 =	vunpack.i.u.bf16.f32 v3;
	v5 =	vmul.f32 v61, v59  }
0x2c3: {  	v3 =	vmul.f32 v3, v59  }
0x2c4: {  	[tilespmem:s7+$0x1A0] =	vst v5  }
0x2c5: {  	[tilespmem:s7+$0x1B0] =	vst v3  }
0x2c6: {  	v3 =	vld [tilespmem:s8+$0xE0];
	_ =	sdelay $0x3  }
0x2c7: {  	v2 =	vbroadcast v2, $0xF  }
0x2c8: {  	v62 =	vunpack.i.l.bf16.f32 v3  }
0x2c9: {  	v3 =	vunpack.i.u.bf16.f32 v3;
	v4 =	vmul.f32 v62, v2  }
0x2ca: {  	v3 =	vmul.f32 v3, v2  }
0x2cb: {  	[tilespmem:s7+$0x1C0] =	vst v4  }
0x2cc: {  	[tilespmem:s7+$0x1D0] =	vst v3  }
0x2cd: {  	v3 =	vld [tilespmem:s8+$0xF0];
	_ =	sdelay $0x3  }
0x2ce: {  	p1 =	sne.s32 s6, $0x1C0  }
.Ltmp3:
0x2cf: {  	v63 =	vunpack.i.l.bf16.f32 v3;
	(pc) =	sbr.rel @p1 .LBB2_9-.Ltmp3, $4  }
0x2d0: {  	v3 =	vunpack.i.u.bf16.f32 v3;
	v4 =	vmul.f32 v63, v2  }
0x2d1: {  	v2 =	vmul.f32 v3, v2  }
0x2d2: {  	[tilespmem:s7+$0x1E0] =	vst v4  }
0x2d3: {  	s6 =	sadd.s32 $0x40, s6;
	s8 =	sadd.s32 $0x200, s8;
	[tilespmem:s7+$0x1F0] =	vst v2;
	s7 =	sadd.s32 $0x400, s7  }
0x2d4: {  	s0 =	sshrl.u32 s0, $0x2  }
0x2d5: {  	s0 =	sadd.s32 $0x2800, s0  }
0x2d6: {  	[spmem:s2] =	stream.indirect.scatter.add.f32 [tilespmem:s29], [sflag:$0x5], $0x40, s0, s17, $0xb8;
	[tilespmem:$0x1D600] =	vst v63  }
0x2d7: {  	_ =	swait.ge [sflag:s15], $0x2000  }
0x2d8: {  	s6 =	simm.s32 @!p0 $0x80;
	[sflag:s15] =	ssyncset.done $0x0  }
0x2d9: {  	s7 =	simm.s32 @!p0 $0x8800;
	s0 =	sadd.s32 @!p0 $0x280, s23;
	[sflag:s15] =	ssyncadd.s32 $0xFFFFE000  }
0x2da: {  	v1 =	vmov s20;
	[tilespmem:s7], [sflag:$0x2] =	stream.indirect.gather @!p0 [hbm4b:s4+s6], $0x20, s0, s6, $0xb8;
	[tilespmem:$0x1D600] =	vst v63  }
0x2db: {  	_ =	swait.ge [sflag:s30], $0x1000  }
0x2dc: {  	s8 =	simm.s32 $0xA900;
	s0 =	sshll.u32 s22, $0x9;
	[sflag:s30] =	ssyncset.done $0x0  }
0x2dd: {  	s6 =	simm.s32 $0x0;
	s7 =	simm.s32 $0x11A00;
	[sflag:s30] =	ssyncadd.s32 $0xFFFFF000  }
.LBB2_11:
0x2de: {  	s9 =	sshra.s32 s6, $0x2  }
0x2df: {  	v2 =	vld.idx.msk [tilespmem:v1+s9+$0x0 ss:$0x1], $0xffff  }
0x2e0: {  	v3 =	vld [tilespmem:s8+$0xFFFFFF00];
	_ =	sdelay $0x3  }
0x2e1: {  	v4 =	vbroadcast v2, $0x0  }
0x2e2: {  	v5 =	vunpack.i.l.bf16.f32 v3  }
0x2e3: {  	v3 =	vunpack.i.u.bf16.f32 v3;
	v5 =	vmul.f32 v5, v4  }
0x2e4: {  	v3 =	vmul.f32 v3, v4  }
0x2e5: {  	[tilespmem:s7+$0xFFFFFE00] =	vst v5  }
0x2e6: {  	[tilespmem:s7+$0xFFFFFE10] =	vst v3  }
0x2e7: {  	v3 =	vld [tilespmem:s8+$0xFFFFFF10];
	_ =	sdelay $0x4  }
0x2e8: {  	v19 =	vunpack.i.l.bf16.f32 v3  }
0x2e9: {  	v3 =	vunpack.i.u.bf16.f32 v3;
	v5 =	vmul.f32 v19, v4  }
0x2ea: {  	v3 =	vmul.f32 v3, v4  }
0x2eb: {  	[tilespmem:s7+$0xFFFFFE20] =	vst v5  }
0x2ec: {  	[tilespmem:s7+$0xFFFFFE30] =	vst v3  }
0x2ed: {  	v3 =	vld [tilespmem:s8+$0xFFFFFF20];
	_ =	sdelay $0x3  }
0x2ee: {  	v20 =	vbroadcast v2, $0x1  }
0x2ef: {  	v21 =	vunpack.i.l.bf16.f32 v3  }
0x2f0: {  	v3 =	vunpack.i.u.bf16.f32 v3;
	v5 =	vmul.f32 v21, v20  }
0x2f1: {  	v3 =	vmul.f32 v3, v20  }
0x2f2: {  	[tilespmem:s7+$0xFFFFFE40] =	vst v5  }
0x2f3: {  	[tilespmem:s7+$0xFFFFFE50] =	vst v3  }
0x2f4: {  	v3 =	vld [tilespmem:s8+$0xFFFFFF30];
	_ =	sdelay $0x4  }
0x2f5: {  	v22 =	vunpack.i.l.bf16.f32 v3  }
0x2f6: {  	v3 =	vunpack.i.u.bf16.f32 v3;
	v5 =	vmul.f32 v22, v20  }
0x2f7: {  	v3 =	vmul.f32 v3, v20  }
0x2f8: {  	[tilespmem:s7+$0xFFFFFE60] =	vst v5  }
0x2f9: {  	[tilespmem:s7+$0xFFFFFE70] =	vst v3  }
0x2fa: {  	v3 =	vld [tilespmem:s8+$0xFFFFFF40];
	_ =	sdelay $0x3  }
0x2fb: {  	v23 =	vbroadcast v2, $0x2  }
0x2fc: {  	v24 =	vunpack.i.l.bf16.f32 v3  }
0x2fd: {  	v3 =	vunpack.i.u.bf16.f32 v3;
	v5 =	vmul.f32 v24, v23  }
0x2fe: {  	v3 =	vmul.f32 v3, v23  }
0x2ff: {  	[tilespmem:s7+$0xFFFFFE80] =	vst v5  }
0x300: {  	[tilespmem:s7+$0xFFFFFE90] =	vst v3  }
0x301: {  	v3 =	vld [tilespmem:s8+$0xFFFFFF50];
	_ =	sdelay $0x4  }
0x302: {  	v25 =	vunpack.i.l.bf16.f32 v3  }
0x303: {  	v3 =	vunpack.i.u.bf16.f32 v3;
	v5 =	vmul.f32 v25, v23  }
0x304: {  	v3 =	vmul.f32 v3, v23  }
0x305: {  	[tilespmem:s7+$0xFFFFFEA0] =	vst v5  }
0x306: {  	[tilespmem:s7+$0xFFFFFEB0] =	vst v3  }
0x307: {  	v3 =	vld [tilespmem:s8+$0xFFFFFF60];
	_ =	sdelay $0x3  }
0x308: {  	v26 =	vbroadcast v2, $0x3  }
0x309: {  	v27 =	vunpack.i.l.bf16.f32 v3  }
0x30a: {  	v3 =	vunpack.i.u.bf16.f32 v3;
	v5 =	vmul.f32 v27, v26  }
0x30b: {  	v3 =	vmul.f32 v3, v26  }
0x30c: {  	[tilespmem:s7+$0xFFFFFEC0] =	vst v5  }
0x30d: {  	[tilespmem:s7+$0xFFFFFED0] =	vst v3  }
0x30e: {  	v3 =	vld [tilespmem:s8+$0xFFFFFF70];
	_ =	sdelay $0x4  }
0x30f: {  	v28 =	vunpack.i.l.bf16.f32 v3  }
0x310: {  	v3 =	vunpack.i.u.bf16.f32 v3;
	v5 =	vmul.f32 v28, v26  }
0x311: {  	v3 =	vmul.f32 v3, v26  }
0x312: {  	[tilespmem:s7+$0xFFFFFEE0] =	vst v5  }
0x313: {  	[tilespmem:s7+$0xFFFFFEF0] =	vst v3  }
0x314: {  	v3 =	vld [tilespmem:s8+$0xFFFFFF80];
	_ =	sdelay $0x3  }
0x315: {  	v29 =	vbroadcast v2, $0x4  }
0x316: {  	v30 =	vunpack.i.l.bf16.f32 v3  }
0x317: {  	v3 =	vunpack.i.u.bf16.f32 v3;
	v5 =	vmul.f32 v30, v29  }
0x318: {  	v3 =	vmul.f32 v3, v29  }
0x319: {  	[tilespmem:s7+$0xFFFFFF00] =	vst v5  }
0x31a: {  	[tilespmem:s7+$0xFFFFFF10] =	vst v3  }
0x31b: {  	v3 =	vld [tilespmem:s8+$0xFFFFFF90];
	_ =	sdelay $0x4  }
0x31c: {  	v31 =	vunpack.i.l.bf16.f32 v3  }
0x31d: {  	v3 =	vunpack.i.u.bf16.f32 v3;
	v5 =	vmul.f32 v31, v29  }
0x31e: {  	v3 =	vmul.f32 v3, v29  }
0x31f: {  	[tilespmem:s7+$0xFFFFFF20] =	vst v5  }
0x320: {  	[tilespmem:s7+$0xFFFFFF30] =	vst v3  }
0x321: {  	v3 =	vld [tilespmem:s8+$0xFFFFFFA0];
	_ =	sdelay $0x3  }
0x322: {  	v32 =	vbroadcast v2, $0x5  }
0x323: {  	v33 =	vunpack.i.l.bf16.f32 v3  }
0x324: {  	v3 =	vunpack.i.u.bf16.f32 v3;
	v5 =	vmul.f32 v33, v32  }
0x325: {  	v3 =	vmul.f32 v3, v32  }
0x326: {  	[tilespmem:s7+$0xFFFFFF40] =	vst v5  }
0x327: {  	[tilespmem:s7+$0xFFFFFF50] =	vst v3  }
0x328: {  	v3 =	vld [tilespmem:s8+$0xFFFFFFB0];
	_ =	sdelay $0x4  }
0x329: {  	v34 =	vunpack.i.l.bf16.f32 v3  }
0x32a: {  	v3 =	vunpack.i.u.bf16.f32 v3;
	v5 =	vmul.f32 v34, v32  }
0x32b: {  	v3 =	vmul.f32 v3, v32  }
0x32c: {  	[tilespmem:s7+$0xFFFFFF60] =	vst v5  }
0x32d: {  	[tilespmem:s7+$0xFFFFFF70] =	vst v3  }
0x32e: {  	v3 =	vld [tilespmem:s8+$0xFFFFFFC0];
	_ =	sdelay $0x3  }
0x32f: {  	v35 =	vbroadcast v2, $0x6  }
0x330: {  	v36 =	vunpack.i.l.bf16.f32 v3  }
0x331: {  	v3 =	vunpack.i.u.bf16.f32 v3;
	v5 =	vmul.f32 v36, v35  }
0x332: {  	v3 =	vmul.f32 v3, v35  }
0x333: {  	[tilespmem:s7+$0xFFFFFF80] =	vst v5  }
0x334: {  	[tilespmem:s7+$0xFFFFFF90] =	vst v3  }
0x335: {  	v3 =	vld [tilespmem:s8+$0xFFFFFFD0];
	_ =	sdelay $0x4  }
0x336: {  	v37 =	vunpack.i.l.bf16.f32 v3  }
0x337: {  	v3 =	vunpack.i.u.bf16.f32 v3;
	v5 =	vmul.f32 v37, v35  }
0x338: {  	v3 =	vmul.f32 v3, v35  }
0x339: {  	[tilespmem:s7+$0xFFFFFFA0] =	vst v5  }
0x33a: {  	[tilespmem:s7+$0xFFFFFFB0] =	vst v3  }
0x33b: {  	v3 =	vld [tilespmem:s8+$0xFFFFFFE0];
	_ =	sdelay $0x3  }
0x33c: {  	v38 =	vbroadcast v2, $0x7  }
0x33d: {  	v39 =	vunpack.i.l.bf16.f32 v3  }
0x33e: {  	v3 =	vunpack.i.u.bf16.f32 v3;
	v5 =	vmul.f32 v39, v38  }
0x33f: {  	v3 =	vmul.f32 v3, v38  }
0x340: {  	[tilespmem:s7+$0xFFFFFFC0] =	vst v5  }
0x341: {  	[tilespmem:s7+$0xFFFFFFD0] =	vst v3  }
0x342: {  	v3 =	vld [tilespmem:s8+$0xFFFFFFF0];
	_ =	sdelay $0x4  }
0x343: {  	v40 =	vunpack.i.l.bf16.f32 v3  }
0x344: {  	v3 =	vunpack.i.u.bf16.f32 v3;
	v5 =	vmul.f32 v40, v38  }
0x345: {  	v3 =	vmul.f32 v3, v38  }
0x346: {  	[tilespmem:s7+$0xFFFFFFE0] =	vst v5  }
0x347: {  	[tilespmem:s7+$0xFFFFFFF0] =	vst v3  }
0x348: {  	v3 =	vld [tilespmem:s8+$0x0];
	_ =	sdelay $0x3  }
0x349: {  	v41 =	vbroadcast v2, $0x8  }
0x34a: {  	v42 =	vunpack.i.l.bf16.f32 v3  }
0x34b: {  	v3 =	vunpack.i.u.bf16.f32 v3;
	v5 =	vmul.f32 v42, v41  }
0x34c: {  	v3 =	vmul.f32 v3, v41  }
0x34d: {  	[tilespmem:s7+$0x0] =	vst v5  }
0x34e: {  	[tilespmem:s7+$0x10] =	vst v3  }
0x34f: {  	v3 =	vld [tilespmem:s8+$0x10];
	_ =	sdelay $0x4  }
0x350: {  	v43 =	vunpack.i.l.bf16.f32 v3  }
0x351: {  	v3 =	vunpack.i.u.bf16.f32 v3;
	v5 =	vmul.f32 v43, v41  }
0x352: {  	v3 =	vmul.f32 v3, v41  }
0x353: {  	[tilespmem:s7+$0x20] =	vst v5  }
0x354: {  	[tilespmem:s7+$0x30] =	vst v3  }
0x355: {  	v3 =	vld [tilespmem:s8+$0x20];
	_ =	sdelay $0x3  }
0x356: {  	v44 =	vbroadcast v2, $0x9  }
0x357: {  	v45 =	vunpack.i.l.bf16.f32 v3  }
0x358: {  	v3 =	vunpack.i.u.bf16.f32 v3;
	v5 =	vmul.f32 v45, v44  }
0x359: {  	v3 =	vmul.f32 v3, v44  }
0x35a: {  	[tilespmem:s7+$0x40] =	vst v5  }
0x35b: {  	[tilespmem:s7+$0x50] =	vst v3  }
0x35c: {  	v3 =	vld [tilespmem:s8+$0x30];
	_ =	sdelay $0x4  }
0x35d: {  	v46 =	vunpack.i.l.bf16.f32 v3  }
0x35e: {  	v3 =	vunpack.i.u.bf16.f32 v3;
	v5 =	vmul.f32 v46, v44  }
0x35f: {  	v3 =	vmul.f32 v3, v44  }
0x360: {  	[tilespmem:s7+$0x60] =	vst v5  }
0x361: {  	[tilespmem:s7+$0x70] =	vst v3  }
0x362: {  	v3 =	vld [tilespmem:s8+$0x40];
	_ =	sdelay $0x3  }
0x363: {  	v47 =	vbroadcast v2, $0xA  }
0x364: {  	v48 =	vunpack.i.l.bf16.f32 v3  }
0x365: {  	v3 =	vunpack.i.u.bf16.f32 v3;
	v5 =	vmul.f32 v48, v47  }
0x366: {  	v3 =	vmul.f32 v3, v47  }
0x367: {  	[tilespmem:s7+$0x80] =	vst v5  }
0x368: {  	[tilespmem:s7+$0x90] =	vst v3  }
0x369: {  	v3 =	vld [tilespmem:s8+$0x50];
	_ =	sdelay $0x4  }
0x36a: {  	v49 =	vunpack.i.l.bf16.f32 v3  }
0x36b: {  	v3 =	vunpack.i.u.bf16.f32 v3;
	v5 =	vmul.f32 v49, v47  }
0x36c: {  	v3 =	vmul.f32 v3, v47  }
0x36d: {  	[tilespmem:s7+$0xA0] =	vst v5  }
0x36e: {  	[tilespmem:s7+$0xB0] =	vst v3  }
0x36f: {  	v3 =	vld [tilespmem:s8+$0x60];
	_ =	sdelay $0x3  }
0x370: {  	v50 =	vbroadcast v2, $0xB  }
0x371: {  	v51 =	vunpack.i.l.bf16.f32 v3  }
0x372: {  	v3 =	vunpack.i.u.bf16.f32 v3;
	v5 =	vmul.f32 v51, v50  }
0x373: {  	v3 =	vmul.f32 v3, v50  }
0x374: {  	[tilespmem:s7+$0xC0] =	vst v5  }
0x375: {  	[tilespmem:s7+$0xD0] =	vst v3  }
0x376: {  	v3 =	vld [tilespmem:s8+$0x70];
	_ =	sdelay $0x4  }
0x377: {  	v52 =	vunpack.i.l.bf16.f32 v3  }
0x378: {  	v3 =	vunpack.i.u.bf16.f32 v3;
	v5 =	vmul.f32 v52, v50  }
0x379: {  	v3 =	vmul.f32 v3, v50  }
0x37a: {  	[tilespmem:s7+$0xE0] =	vst v5  }
0x37b: {  	[tilespmem:s7+$0xF0] =	vst v3  }
0x37c: {  	v3 =	vld [tilespmem:s8+$0x80];
	_ =	sdelay $0x3  }
0x37d: {  	v53 =	vbroadcast v2, $0xC  }
0x37e: {  	v54 =	vunpack.i.l.bf16.f32 v3  }
0x37f: {  	v3 =	vunpack.i.u.bf16.f32 v3;
	v5 =	vmul.f32 v54, v53  }
0x380: {  	v3 =	vmul.f32 v3, v53  }
0x381: {  	[tilespmem:s7+$0x100] =	vst v5  }
0x382: {  	[tilespmem:s7+$0x110] =	vst v3  }
0x383: {  	v3 =	vld [tilespmem:s8+$0x90];
	_ =	sdelay $0x4  }
0x384: {  	v55 =	vunpack.i.l.bf16.f32 v3  }
0x385: {  	v3 =	vunpack.i.u.bf16.f32 v3;
	v5 =	vmul.f32 v55, v53  }
0x386: {  	v3 =	vmul.f32 v3, v53  }
0x387: {  	[tilespmem:s7+$0x120] =	vst v5  }
0x388: {  	[tilespmem:s7+$0x130] =	vst v3  }
0x389: {  	v3 =	vld [tilespmem:s8+$0xA0];
	_ =	sdelay $0x3  }
0x38a: {  	v56 =	vbroadcast v2, $0xD  }
0x38b: {  	v57 =	vunpack.i.l.bf16.f32 v3  }
0x38c: {  	v3 =	vunpack.i.u.bf16.f32 v3;
	v5 =	vmul.f32 v57, v56  }
0x38d: {  	v3 =	vmul.f32 v3, v56  }
0x38e: {  	[tilespmem:s7+$0x140] =	vst v5  }
0x38f: {  	[tilespmem:s7+$0x150] =	vst v3  }
0x390: {  	v3 =	vld [tilespmem:s8+$0xB0];
	_ =	sdelay $0x4  }
0x391: {  	v58 =	vunpack.i.l.bf16.f32 v3  }
0x392: {  	v3 =	vunpack.i.u.bf16.f32 v3;
	v5 =	vmul.f32 v58, v56  }
0x393: {  	v3 =	vmul.f32 v3, v56  }
0x394: {  	[tilespmem:s7+$0x160] =	vst v5  }
0x395: {  	[tilespmem:s7+$0x170] =	vst v3  }
0x396: {  	v3 =	vld [tilespmem:s8+$0xC0];
	_ =	sdelay $0x3  }
0x397: {  	v59 =	vbroadcast v2, $0xE  }
0x398: {  	v60 =	vunpack.i.l.bf16.f32 v3  }
0x399: {  	v3 =	vunpack.i.u.bf16.f32 v3;
	v5 =	vmul.f32 v60, v59  }
0x39a: {  	v3 =	vmul.f32 v3, v59  }
0x39b: {  	[tilespmem:s7+$0x180] =	vst v5  }
0x39c: {  	[tilespmem:s7+$0x190] =	vst v3  }
0x39d: {  	v3 =	vld [tilespmem:s8+$0xD0];
	_ =	sdelay $0x4  }
0x39e: {  	v61 =	vunpack.i.l.bf16.f32 v3  }
0x39f: {  	v3 =	vunpack.i.u.bf16.f32 v3;
	v5 =	vmul.f32 v61, v59  }
0x3a0: {  	v3 =	vmul.f32 v3, v59  }
0x3a1: {  	[tilespmem:s7+$0x1A0] =	vst v5  }
0x3a2: {  	[tilespmem:s7+$0x1B0] =	vst v3  }
0x3a3: {  	v3 =	vld [tilespmem:s8+$0xE0];
	_ =	sdelay $0x3  }
0x3a4: {  	v2 =	vbroadcast v2, $0xF  }
0x3a5: {  	v62 =	vunpack.i.l.bf16.f32 v3  }
0x3a6: {  	v3 =	vunpack.i.u.bf16.f32 v3;
	v4 =	vmul.f32 v62, v2  }
0x3a7: {  	v3 =	vmul.f32 v3, v2  }
0x3a8: {  	[tilespmem:s7+$0x1C0] =	vst v4  }
0x3a9: {  	[tilespmem:s7+$0x1D0] =	vst v3  }
0x3aa: {  	v3 =	vld [tilespmem:s8+$0xF0];
	_ =	sdelay $0x3  }
0x3ab: {  	p0 =	sne.s32 s6, $0x1C0  }
.Ltmp4:
0x3ac: {  	v63 =	vunpack.i.l.bf16.f32 v3;
	(pc) =	sbr.rel @p0 .LBB2_11-.Ltmp4, $4  }
0x3ad: {  	v3 =	vunpack.i.u.bf16.f32 v3;
	v4 =	vmul.f32 v63, v2  }
0x3ae: {  	v2 =	vmul.f32 v3, v2  }
0x3af: {  	[tilespmem:s7+$0x1E0] =	vst v4  }
0x3b0: {  	s6 =	sadd.s32 $0x40, s6;
	s8 =	sadd.s32 $0x200, s8;
	[tilespmem:s7+$0x1F0] =	vst v2;
	s7 =	sadd.s32 $0x400, s7  }
0x3b1: {  	s1 =	sadd.s32 $0x1, s1  }
0x3b2: {  	s0 =	sshrl.u32 s0, $0x2;
	p0 =	sne.s32 s1, $0x14  }
.Ltmp5:
0x3b3: {  	s0 =	sadd.s32 $0x2800, s0;
	(pc) =	sbr.rel @p0 .LBB2_4-.Ltmp5, $4  }
0x3b4: {  	[spmem:s2] =	stream.indirect.scatter.add.f32 [tilespmem:s31], [sflag:$0x5], $0x40, s0, s17, $0xb8;
	[tilespmem:$0x1D600] =	vst v63  }
0x3b5: {  	_ =	swait.ge [sflag:s15], $0x2000  }
0x3b6: {  	s16 =	sadd.s32 $0x200, s16;
	s18 =	sadd.s32 $0x200, s18;
	[sflag:s15] =	ssyncset.done $0x0  }
0x3b7: {  	s19 =	sadd.s32 $0x200, s19;
	s20 =	sadd.s32 $0x200, s20;
	[sflag:s15] =	ssyncadd.s32 $0xFFFFE000  }
0x3b8: {  	s0 =	stileid.u32;
	[bflag:$0x0] =	sbarrier.arrive $0xFFFF;
	s3 =	sadd.s32 $0x1, s3  }
0x3b9: {  	s1 =	sshrl.u32 s5, $0x3;
	s0 =	sshll.u32 s0, $0x6;
	p0 =	sne.s32 s3, s10  }
.Ltmp6:
0x3ba: {  	s6 =	rddreg [dreg:$0x7];
	s0 =	sor.u32 $0x1C05, s0;
	(pc) =	sbr.rel @p0 .LBB2_1-.Ltmp6, $4  }
0x3bb: {  	[hbm:s6], [sflag:s0] =	dma.local [spmem:s1], $0x13C0  }
0x3bc: {  	_ =	swait.ge [sflag:s15], $0x13C0  }
0x3bd: {  	[sflag:s15] =	ssyncset.done $0x0  }
0x3be: {  	[sflag:s15] =	ssyncadd.s32 $0xFFFFEC40  }
0x3bf: {  	_ =	sfence.sel $0x180000  }
0x3c0: {  	[bflag:$0x0] =	sbarrier.arrive $0xFFFF  }
0x3c1: {  	_ =	strace $0x90000047  }
0x3c2: {  	s0 =	stileid.u32;
	[bflag:$0x2] =	sbarrier.arrive $0xFFFF  }
0x3c3: {  	p0 =	sne.s32 s0, $0x0;
	s0 =	rddreg [dreg:$0x3]  }
0x3c4: {  	s0 =	sadd.s32 @!p0 $0x100000, s0  }
0x3c5: {  	[sflag:s0] =	ssyncadd.tile.s32 @!p0 $0x1;
	_ =	shalt  }
.Lfunc_end2:
_tile_overlayer_lowered:
.L_overlay_start_2:
0x3c6: {  	(tag) =	ssettag $0x2  }
0x3c7: {  	s0 =	rddreg [dreg:$0x0];
	s2 =	stileid.u32  }
0x3c8: {  	s1 =	rddreg [dreg:$0x1];
	p0 =	sne.s32 s2, $0x0  }
0x3c9: {  	s3 =	rddreg [dreg:$0x2];
	[bflag:$0x3] =	sbarrier.arrive $0xFFFF;
	s2 =	simm.s32 @!p0 $0x1C05  }
0x3ca: {  	[timem:s3], [sflag:s2] =	dma.local @!p0 [hbm:s0], s1  }
0x3cb: {  	s0 =	simm.s32 @!p0 $0x5  }
0x3cc: {  	_ =	swait.ge @!p0 [sflag:s0], s1  }
0x3cd: {  	s1 =	ssub.s32 @!p0 $0x0, s1;
	[sflag:s0] =	ssyncset.done @!p0 $0x0  }
0x3ce: {  	[sflag:s0] =	ssyncadd.s32 @!p0 s1  }
0x3cf: {  	[bflag:$0x3] =	sbarrier.arrive $0xFFFF  }
0x3d0: {  	_ =	shalt  }

</sc_bundles>
